<compile_context>
chip_gen: v7x
topology: tpu7x:2x2x1
jax: 0.10.2.dev20260603
libtpu: 0.0.44.dev20260713+nightly
codegen_flags: <defaults>
</compile_context>

<pallas_src>
import functools

import jax
import jax.numpy as jnp
from jax import lax
from jax.experimental import pallas as pl
from jax.experimental.pallas import tpu as pltpu
from jax.experimental.pallas import tpu_sc as plsc

N_NODES = 10000
N_EDGES = 320000
D_IN = 128
D_H1 = 100
D1P = 112
D_H2 = 20
D2P = 32
N_GRAPHS = 64
D_OUT = 8
EPS = 1e-5

NC, NS = 2, 16
NT = NC * NS
CH = 80
EPT = N_EDGES // NT
EPT_PAD = EPT
NCHUNK = EPT_PAD // CH
N_ACC = 10008
TRASH = 10000
NZT = 10
ROWS_PER_ZT = N_NODES // NZT
ZROWS = 40


@functools.lru_cache(maxsize=None)
def _make_edge_agg(dp, nbuf):
    mesh = plsc.VectorSubcoreMesh(core_axis_name="c", subcore_axis_name="s")

    @functools.partial(
        pl.kernel,
        out_type=jax.ShapeDtypeStruct((NC * N_NODES, dp), jnp.float32),
        mesh=mesh,
        compiler_params=pltpu.CompilerParams(use_tc_tiling_on_sc=False),
        scratch_types=[
            pltpu.VMEM((NCHUNK, CH), jnp.int32),
            pltpu.VMEM((NCHUNK, CH), jnp.int32),
            pltpu.VMEM((nbuf, CH, dp), jnp.float32),
            pltpu.VMEM((ZROWS, dp), jnp.float32),
            pltpu.VMEM_SHARED((N_ACC, dp), jnp.float32),
            pltpu.SemaphoreType.DMA,
        ] + [pltpu.SemaphoreType.DMA] * nbuf,
    )
    def agg_kernel(y_hbm, src_hbm, dst_hbm, out_hbm,
                   src_v, dst_v, rows_v, zbuf, acc_s, zsem, *sems):
        c = lax.axis_index("c")
        s = lax.axis_index("s")
        tid = c * NS + s
        r0 = s * ROWS_PER_ZT
        @pl.when(s < NZT)
        def _zero():
            def zrow(i, carry):
                for j in range(dp // 16):
                    zbuf[i, pl.ds(j * 16, 16)] = jnp.zeros((16,), jnp.float32)
                return carry
            lax.fori_loop(0, ZROWS, zrow, 0)
            for j in range(ROWS_PER_ZT // ZROWS):
                pltpu.make_async_copy(
                    zbuf, acc_s.at[pl.ds(r0 + j * ZROWS, ZROWS)], zsem).start()
            for j in range(ROWS_PER_ZT // ZROWS):
                pltpu.make_async_copy(
                    zbuf, acc_s.at[pl.ds(r0 + j * ZROWS, ZROWS)], zsem).wait()
        pltpu.sync_copy(src_hbm.at[tid], src_v)
        pltpu.sync_copy(dst_hbm.at[tid], dst_v)
        plsc.subcore_barrier()

        for r in range(nbuf):
            pltpu.make_async_copy(y_hbm.at[src_v.at[r]], rows_v.at[r],
                                  sems[r]).start()

        def body(k, carry):
            for r in range(nbuf):
                i = k * nbuf + r
                pltpu.make_async_copy(y_hbm.at[src_v.at[i]], rows_v.at[r],
                                      sems[r]).wait()
                pltpu.sync_copy(rows_v.at[r], acc_s.at[dst_v.at[i]], add=True)

                @pl.when(i + nbuf < NCHUNK)
                def _prefetch():
                    pltpu.make_async_copy(y_hbm.at[src_v.at[i + nbuf]],
                                          rows_v.at[r], sems[r]).start()
            return carry

        lax.fori_loop(0, NCHUNK // nbuf, body, 0)
        for i in range((NCHUNK // nbuf) * nbuf, NCHUNK):
            r = i % nbuf
            pltpu.make_async_copy(y_hbm.at[src_v.at[i]], rows_v.at[r],
                                  sems[r]).wait()
            pltpu.sync_copy(rows_v.at[r], acc_s.at[dst_v.at[i]], add=True)
        plsc.subcore_barrier()

        @pl.when(s < NZT)
        def _flush():
            pltpu.sync_copy(acc_s.at[pl.ds(r0, ROWS_PER_ZT)],
                            out_hbm.at[pl.ds(c * N_NODES + r0, ROWS_PER_ZT)])

    return agg_kernel


def _tc1(x, w1p):
    def body(x_ref, w_ref, o_ref):
        y = jnp.dot(x_ref[...], w_ref[...], preferred_element_type=jnp.float32)
        col = lax.broadcasted_iota(jnp.int32, y.shape, 1)
        o_ref[...] = jnp.where(col == D_H1, 1.0, y)

    return pl.pallas_call(
        body,
        grid=(10,),
        in_specs=[pl.BlockSpec((N_NODES // 10, D_IN), lambda i: (i, 0)),
                  pl.BlockSpec((D_IN, D1P), lambda i: (0, 0))],
        out_specs=pl.BlockSpec((N_NODES // 10, D1P), lambda i: (i, 0)),
        out_shape=jax.ShapeDtypeStruct((N_NODES, D1P), jnp.float32),
    )(x, w1p)


def _tc2(parts, b1p, w2p):
    def body(p0_ref, p1_ref, b_ref, w_ref, o_ref):
        agg = p0_ref[...] + p1_ref[...]
        deg = jnp.maximum(agg[:, D_H1:D_H1 + 1], 1.0)
        h = jnp.maximum(agg / deg + b_ref[...], 0.0)
        col = lax.broadcasted_iota(jnp.int32, h.shape, 1)
        h = jnp.where(col < D_H1, h, 0.0)
        y = jnp.dot(h, w_ref[...], preferred_element_type=jnp.float32)
        col2 = lax.broadcasted_iota(jnp.int32, y.shape, 1)
        o_ref[...] = jnp.where(col2 == D_H2, 1.0, y)

    nb = N_NODES // 10
    return pl.pallas_call(
        body,
        grid=(10,),
        in_specs=[pl.BlockSpec((nb, D1P), lambda i: (i, 0)),
                  pl.BlockSpec((nb, D1P), lambda i: (i + 10, 0)),
                  pl.BlockSpec((1, D1P), lambda i: (0, 0)),
                  pl.BlockSpec((D1P, D2P), lambda i: (0, 0))],
        out_specs=pl.BlockSpec((nb, D2P), lambda i: (i, 0)),
        out_shape=jax.ShapeDtypeStruct((N_NODES, D2P), jnp.float32),
    )(parts, parts, b1p, w2p)


def _tc3(parts2, b2p, gidf, self_feat, fcW1, fcb1, fcW2, fcb2, fcW3, fcb3,
         g1, be1, g2, be2):
    def body(p0_ref, p1_ref, b2_ref, gid_ref, sf_ref, w1_ref, wb1_ref,
             w2_ref, wb2_ref, w3_ref, wb3_ref, g1_ref, be1_ref, g2_ref,
             be2_ref, o_ref):
        agg = p0_ref[...] + p1_ref[...]
        deg = jnp.maximum(agg[:, D_H2:D_H2 + 1], 1.0)
        h = jnp.maximum(agg / deg + b2_ref[...], 0.0)
        col = lax.broadcasted_iota(jnp.int32, h.shape, 1)
        h = jnp.where(col < D_H2, h, 0.0)
        gid = jnp.broadcast_to(gid_ref[...], (N_GRAPHS, N_NODES))
        grow = lax.broadcasted_iota(jnp.int32, (N_GRAPHS, N_NODES), 0)
        gmat = jnp.where(gid == grow, 1.0, 0.0)
        num = jnp.dot(gmat, h, preferred_element_type=jnp.float32)
        cnt = jnp.maximum(jnp.sum(gmat, axis=1, keepdims=True), 1.0)
        hg = num / cnt
        sf = sf_ref[...]
        w1 = w1_ref[...]
        acc = jnp.zeros((N_GRAPHS, 128), jnp.float32)
        for j in range(D_H2):
            acc = acc + hg[:, j:j + 1] * jnp.dot(
                sf, w1[j * 32:(j + 1) * 32, :],
                preferred_element_type=jnp.float32)
        o1 = acc + wb1_ref[...]
        mu = jnp.mean(o1, axis=0, keepdims=True)
        var = jnp.mean((o1 - mu) ** 2, axis=0, keepdims=True)
        a1 = jnp.maximum((o1 - mu) / jnp.sqrt(var + EPS) * g1_ref[...]
                         + be1_ref[...], 0.0)
        o2 = jnp.dot(a1, w2_ref[...], preferred_element_type=jnp.float32) + wb2_ref[...]
        mu2 = jnp.mean(o2, axis=0, keepdims=True)
        var2 = jnp.mean((o2 - mu2) ** 2, axis=0, keepdims=True)
        a2 = jnp.maximum((o2 - mu2) / jnp.sqrt(var2 + EPS) * g2_ref[...]
                         + be2_ref[...], 0.0)
        o_ref[...] = jnp.dot(a2, w3_ref[...], preferred_element_type=jnp.float32) + wb3_ref[...]

    full = lambda shape: pl.BlockSpec(shape, lambda i: (0,) * len(shape))
    return pl.pallas_call(
        body,
        grid=(1,),
        in_specs=[pl.BlockSpec((N_NODES, D2P), lambda i: (0, 0)),
                  pl.BlockSpec((N_NODES, D2P), lambda i: (1, 0)),
                  full((1, D2P)),
                  full((1, N_NODES)),
                  full((N_GRAPHS, 32)),
                  full((D_H2 * 32, 128)),
                  full((1, 128)),
                  full((128, 32)),
                  full((1, 32)),
                  full((32, D_OUT)),
                  full((1, D_OUT)),
                  full((1, 128)),
                  full((1, 128)),
                  full((1, 32)),
                  full((1, 32))],
        out_specs=full((N_GRAPHS, D_OUT)),
        out_shape=jax.ShapeDtypeStruct((N_GRAPHS, D_OUT), jnp.float32),
    )(parts2, parts2, b2p, gidf, self_feat, fcW1, fcb1, fcW2, fcb2, fcW3,
      fcb3, g1, be1, g2, be2)


def kernel(x, self_feat, W1, b1, W2, b2, fcW1, fcb1, fcW2, fcb2, fcW3, fcb3,
           g1, be1, g2, be2, edge_index, graph_ids):
    pad = EPT_PAD - EPT
    src = jnp.pad(edge_index[0].astype(jnp.int32).reshape(NT, EPT),
                  ((0, 0), (0, pad))).reshape(NT, NCHUNK, CH)
    dst = jnp.pad(edge_index[1].astype(jnp.int32).reshape(NT, EPT),
                  ((0, 0), (0, pad)),
                  constant_values=TRASH).reshape(NT, NCHUNK, CH)
    gidf = graph_ids.astype(jnp.int32).reshape(1, N_NODES)
    w1p = jnp.pad(W1, ((0, 0), (0, D1P - D_H1)))
    b1p = jnp.pad(b1, (0, D1P - D_H1)).reshape(1, D1P)
    w2p = jnp.pad(W2, ((0, D1P - D_H1), (0, D2P - D_H2)))
    b2p = jnp.pad(b2, (0, D2P - D_H2)).reshape(1, D2P)
    y1 = _tc1(x, w1p)
    agg1 = _make_edge_agg(D1P, 4)(y1, src, dst)
    y2 = _tc2(agg1, b1p, w2p)
    agg2 = _make_edge_agg(D2P, 8)(y2, src, dst)
    return _tc3(agg2, b2p, gidf, self_feat,
                fcW1, fcb1.reshape(1, 128), fcW2, fcb2.reshape(1, 32),
                fcW3, fcb3.reshape(1, D_OUT),
                g1.reshape(1, 128), be1.reshape(1, 128),
                g2.reshape(1, 32), be2.reshape(1, 32))

# --- scband reference (transcript-rebuilt; emitter-appended) ---
"""Pipeline reference for scband-net-12403865551680 (READ-ONLY COPY).

The authoritative reference and input builder live on the scoring server;
editing this copy changes nothing except your own understanding.
"""

import jax, jax.numpy as jnp
import numpy as np

N_NODES = 10000
N_EDGES = 320000
DIM_IN = 128
DIM_H1 = 100
DIM_H2 = 20
DIM_SELF = 32
DIM_OUT = 8
N_GRAPHS = 64
EPS = 1e-5


def setup_inputs(seed: int = 0) -> dict:
    key = jax.random.key(seed)
    ks = jax.random.split(key, 20)
    x = jax.random.normal(ks[0], (N_NODES, DIM_IN), dtype=jnp.float32)
    edge_index = jax.random.randint(ks[1], (2, N_EDGES), 0, N_NODES, dtype=jnp.int64)
    graph_ids = jnp.sort(jax.random.randint(ks[2], (N_NODES,), 0, N_GRAPHS, dtype=jnp.int64))
    self_feat = jax.random.normal(ks[3], (N_GRAPHS, DIM_SELF), dtype=jnp.float32)
    def lin(k, fi, fo):
        s = 1.0 / np.sqrt(fi)
        kw, kb = jax.random.split(k)
        W = jax.random.uniform(kw, (fi, fo), minval=-s, maxval=s, dtype=jnp.float32)
        b = jax.random.uniform(kb, (fo,), minval=-s, maxval=s, dtype=jnp.float32)
        return W, b
    W1, b1 = lin(ks[4], DIM_IN, DIM_H1)
    W2, b2 = lin(ks[5], DIM_H1, DIM_H2)
    fcW1, fcb1 = lin(ks[6], DIM_H2 * DIM_SELF, 128)
    fcW2, fcb2 = lin(ks[7], 128, 32)
    fcW3, fcb3 = lin(ks[8], 32, DIM_OUT)
    g1 = jnp.ones((128,), dtype=jnp.float32)
    be1 = jnp.zeros((128,), dtype=jnp.float32)
    g2 = jnp.ones((32,), dtype=jnp.float32)
    be2 = jnp.zeros((32,), dtype=jnp.float32)
    return {"x": x, "self_feat": self_feat, "W1": W1, "b1": b1, "W2": W2, "b2": b2,
            "fcW1": fcW1, "fcb1": fcb1, "fcW2": fcW2, "fcb2": fcb2, "fcW3": fcW3, "fcb3": fcb3,
            "g1": g1, "be1": be1, "g2": g2, "be2": be2,
            "edge_index": edge_index, "graph_ids": graph_ids}


def _gcn_layer(h, src, dst, W, b):
    msg = jnp.take(h, src, axis=0)
    agg = jax.ops.segment_sum(msg, dst, num_segments=N_NODES)
    deg = jax.ops.segment_sum(jnp.ones((src.shape[0],), dtype=h.dtype), dst, num_segments=N_NODES)
    mean = agg / jnp.maximum(deg, 1.0)[:, None]
    return mean @ W + b


def _batchnorm(x, gamma, beta):
    mu = jnp.mean(x, axis=0)
    var = jnp.mean((x - mu) ** 2, axis=0)
    return (x - mu) / jnp.sqrt(var + EPS) * gamma + beta


def reference(x, self_feat, W1, b1, W2, b2, fcW1, fcb1, fcW2, fcb2, fcW3, fcb3, g1, be1, g2, be2, edge_index, graph_ids):
    src = edge_index[0]
    dst = edge_index[1]
    h = jax.nn.relu(_gcn_layer(x, src, dst, W1, b1))
    h = jax.nn.relu(_gcn_layer(h, src, dst, W2, b2))
    # dgl.mean_nodes: per-graph mean readout
    num = jax.ops.segment_sum(h, graph_ids, num_segments=N_GRAPHS)
    cnt = jax.ops.segment_sum(jnp.ones((h.shape[0],), dtype=h.dtype), graph_ids, num_segments=N_GRAPHS)
    hg = num / jnp.maximum(cnt, 1.0)[:, None]
    # Kronecker fusion: bmm(hg[B,20,1], self_feat[B,1,dsf]) -> [B, 20*dsf]
    fused = (hg[:, :, None] * self_feat[:, None, :]).reshape(hg.shape[0], -1)
    out = jax.nn.relu(_batchnorm(fused @ fcW1 + fcb1, g1, be1))
    # dropout p=0.3 -> identity at inference
    out = jax.nn.relu(_batchnorm(out @ fcW2 + fcb2, g2, be2))
    out = out @ fcW3 + fcb3
    return out

if __name__ == "__main__":
    import jax
    _d = setup_inputs()
    print(jax.jit(kernel)(*tuple(_d.values())))

</pallas_src>

<mosaic_0001>
#map = affine_map<(d0, d1) -> (0, 0)>
#map1 = affine_map<(d0, d1) -> (0, 0, 0)>
module attributes {stable_mosaic.version = 14 : i64} {
  func.func @agg_kernel(%arg0: i32, %arg1: i32, %arg2: memref<10000x32xf32, #tpu.memory_space<hbm>>, %arg3: memref<32x125x80xi32, #tpu.memory_space<hbm>>, %arg4: memref<32x125x80xi32, #tpu.memory_space<hbm>>, %arg5: memref<20000x32xf32, #tpu.memory_space<hbm>>, %arg6: memref<125x80xi32, #tpu.memory_space<vmem>>, %arg7: memref<125x80xi32, #tpu.memory_space<vmem>>, %arg8: memref<8x80x32xf32, #tpu.memory_space<vmem>>, %arg9: memref<40x32xf32, #tpu.memory_space<vmem>>, %arg10: memref<10008x32xf32, #tpu.memory_space<vmem_shared>>, %arg11: memref<!tpu.dma_semaphore, #tpu.memory_space<semaphore_mem>>, %arg12: memref<!tpu.dma_semaphore, #tpu.memory_space<semaphore_mem>>, %arg13: memref<!tpu.dma_semaphore, #tpu.memory_space<semaphore_mem>>, %arg14: memref<!tpu.dma_semaphore, #tpu.memory_space<semaphore_mem>>, %arg15: memref<!tpu.dma_semaphore, #tpu.memory_space<semaphore_mem>>, %arg16: memref<!tpu.dma_semaphore, #tpu.memory_space<semaphore_mem>>, %arg17: memref<!tpu.dma_semaphore, #tpu.memory_space<semaphore_mem>>, %arg18: memref<!tpu.dma_semaphore, #tpu.memory_space<semaphore_mem>>, %arg19: memref<!tpu.dma_semaphore, #tpu.memory_space<semaphore_mem>>) attributes {dimension_semantics = [#tpu.dimension_semantics<core_parallel>, #tpu.dimension_semantics<subcore_parallel>], iteration_bounds = array<i64: 2, 16>, scalar_prefetch = 0 : i64, scratch_operands = 14 : i64, tpu.core_type = #tpu.core_type<sc_vector_subcore>, window_params = [{transform_indices = #map}, {transform_indices = #map1}, {transform_indices = #map1}, {transform_indices = #map}]} {
    %mul3A = arith.constant 16 : i32
    %mul3A_0 = arith.muli %arg0, %mul3A : i32
    %add3A = arith.addi %mul3A_0, %arg1 : i32
    %mul3A_1 = arith.constant 1000 : i32
    %mul3A_2 = arith.muli %arg1, %mul3A_1 : i32
    %lt3A = arith.constant 10 : i32
    %lt3A_3 = arith.cmpi slt, %arg1, %lt3A : i32
    %convert_element_type3A = arith.extui %lt3A_3 : i1 to i32
    %cond3A = arith.constant 0 : i32
    %cond3A_4 = arith.cmpi ne, %convert_element_type3A, %cond3A : i32
    scf.if %cond3A_4 {
      %scan3A_179 = arith.constant 0 : i32
      %scan3A_180 = arith.constant 0 : i32
      %scan3A_181 = arith.constant 40 : i32
      %scan3A_182 = arith.addi %scan3A_180, %scan3A_181 : i32
      %scan3A_183 = arith.constant 1 : i32
      scf.for %scan3A_485 = %scan3A_180 to %scan3A_182 step %scan3A_183  : i32 {
        %broadcast_in_dim3A = arith.constant 0.000000e+00 : f32
        %broadcast_in_dim3A_486 = vector.broadcast %broadcast_in_dim3A : f32 to vector<16xf32>
        %swap3A = arith.index_cast %scan3A_485 : i32 to index
        %swap3A_487 = arith.constant 0 : index
        %swap3A_488 = tpu.vector_load %arg9[%swap3A, %swap3A_487] {strides = array<i32>} : memref<40x32xf32, #tpu.memory_space<vmem>>, vector<1x16xf32>,
        %swap3A_489 = vector.shape_cast %swap3A_488 : vector<1x16xf32> to vector<16xf32>
        %swap3A_490 = vector.shape_cast %broadcast_in_dim3A_486 : vector<16xf32> to vector<1x16xf32>
        tpu.vector_store %arg9[%swap3A, %swap3A_487], %swap3A_490 {strides = array<i32>} : memref<40x32xf32, #tpu.memory_space<vmem>>, vector<1x16xf32>,
        %broadcast_in_dim3A_491 = arith.constant 0.000000e+00 : f32
        %broadcast_in_dim3A_492 = vector.broadcast %broadcast_in_dim3A_491 : f32 to vector<16xf32>
        %swap3A_493 = arith.index_cast %scan3A_485 : i32 to index
        %swap3A_494 = arith.constant 16 : index
        %swap3A_495 = tpu.vector_load %arg9[%swap3A_493, %swap3A_494] {strides = array<i32>} : memref<40x32xf32, #tpu.memory_space<vmem>>, vector<1x16xf32>,
        %swap3A_496 = vector.shape_cast %swap3A_495 : vector<1x16xf32> to vector<16xf32>
        %swap3A_497 = vector.shape_cast %broadcast_in_dim3A_492 : vector<16xf32> to vector<1x16xf32>
        tpu.vector_store %arg9[%swap3A_493, %swap3A_494], %swap3A_497 {strides = array<i32>} : memref<40x32xf32, #tpu.memory_space<vmem>>, vector<1x16xf32>,
      }
      %scan3A_184 = arith.constant 40 : i32
      %add3A_185 = arith.constant 0 : i32
      %add3A_186 = arith.addi %mul3A_2, %add3A_185 : i32
      %dma_start3A_187 = arith.constant 0 : i32
      %dma_start3A_188 = tpu.memref_slice %arg10[%add3A_186, %dma_start3A_187] : memref<10008x32xf32, #tpu.memory_space<vmem_shared>> -> memref<40x32xf32, #tpu.memory_space<vmem_shared>>
      %dma_start3A_189 = arith.constant 0 : i32
      %dma_start3A_190 = tpu.memref_slice %arg10[%add3A_186, %dma_start3A_189] : memref<10008x32xf32, #tpu.memory_space<vmem_shared>> -> memref<40x32xf32, #tpu.memory_space<vmem_shared>>
      tpu.enqueue_dma source(%arg9 : memref<40x32xf32, #tpu.memory_space<vmem>>) target(%dma_start3A_190 : memref<40x32xf32, #tpu.memory_space<vmem_shared>>) target_semaphore(%arg11 : memref<!tpu.dma_semaphore, #tpu.memory_space<semaphore_mem>>)
      %add3A_191 = arith.constant 40 : i32
      %add3A_192 = arith.addi %mul3A_2, %add3A_191 : i32
      %dma_start3A_193 = arith.constant 0 : i32
      %dma_start3A_194 = tpu.memref_slice %arg10[%add3A_192, %dma_start3A_193] : memref<10008x32xf32, #tpu.memory_space<vmem_shared>> -> memref<40x32xf32, #tpu.memory_space<vmem_shared>>
      %dma_start3A_195 = arith.constant 0 : i32
      %dma_start3A_196 = tpu.memref_slice %arg10[%add3A_192, %dma_start3A_195] : memref<10008x32xf32, #tpu.memory_space<vmem_shared>> -> memref<40x32xf32, #tpu.memory_space<vmem_shared>>
      tpu.enqueue_dma source(%arg9 : memref<40x32xf32, #tpu.memory_space<vmem>>) target(%dma_start3A_196 : memref<40x32xf32, #tpu.memory_space<vmem_shared>>) target_semaphore(%arg11 : memref<!tpu.dma_semaphore, #tpu.memory_space<semaphore_mem>>)
      %add3A_197 = arith.constant 80 : i32
      %add3A_198 = arith.addi %mul3A_2, %add3A_197 : i32
      %dma_start3A_199 = arith.constant 0 : i32
      %dma_start3A_200 = tpu.memref_slice %arg10[%add3A_198, %dma_start3A_199] : memref<10008x32xf32, #tpu.memory_space<vmem_shared>> -> memref<40x32xf32, #tpu.memory_space<vmem_shared>>
      %dma_start3A_201 = arith.constant 0 : i32
      %dma_start3A_202 = tpu.memref_slice %arg10[%add3A_198, %dma_start3A_201] : memref<10008x32xf32, #tpu.memory_space<vmem_shared>> -> memref<40x32xf32, #tpu.memory_space<vmem_shared>>
      tpu.enqueue_dma source(%arg9 : memref<40x32xf32, #tpu.memory_space<vmem>>) target(%dma_start3A_202 : memref<40x32xf32, #tpu.memory_space<vmem_shared>>) target_semaphore(%arg11 : memref<!tpu.dma_semaphore, #tpu.memory_space<semaphore_mem>>)
      %add3A_203 = arith.constant 120 : i32
      %add3A_204 = arith.addi %mul3A_2, %add3A_203 : i32
      %dma_start3A_205 = arith.constant 0 : i32
      %dma_start3A_206 = tpu.memref_slice %arg10[%add3A_204, %dma_start3A_205] : memref<10008x32xf32, #tpu.memory_space<vmem_shared>> -> memref<40x32xf32, #tpu.memory_space<vmem_shared>>
      %dma_start3A_207 = arith.constant 0 : i32
      %dma_start3A_208 = tpu.memref_slice %arg10[%add3A_204, %dma_start3A_207] : memref<10008x32xf32, #tpu.memory_space<vmem_shared>> -> memref<40x32xf32, #tpu.memory_space<vmem_shared>>
      tpu.enqueue_dma source(%arg9 : memref<40x32xf32, #tpu.memory_space<vmem>>) target(%dma_start3A_208 : memref<40x32xf32, #tpu.memory_space<vmem_shared>>) target_semaphore(%arg11 : memref<!tpu.dma_semaphore, #tpu.memory_space<semaphore_mem>>)
      %add3A_209 = arith.constant 160 : i32
      %add3A_210 = arith.addi %mul3A_2, %add3A_209 : i32
      %dma_start3A_211 = arith.constant 0 : i32
      %dma_start3A_212 = tpu.memref_slice %arg10[%add3A_210, %dma_start3A_211] : memref<10008x32xf32, #tpu.memory_space<vmem_shared>> -> memref<40x32xf32, #tpu.memory_space<vmem_shared>>
      %dma_start3A_213 = arith.constant 0 : i32
      %dma_start3A_214 = tpu.memref_slice %arg10[%add3A_210, %dma_start3A_213] : memref<10008x32xf32, #tpu.memory_space<vmem_shared>> -> memref<40x32xf32, #tpu.memory_space<vmem_shared>>
      tpu.enqueue_dma source(%arg9 : memref<40x32xf32, #tpu.memory_space<vmem>>) target(%dma_start3A_214 : memref<40x32xf32, #tpu.memory_space<vmem_shared>>) target_semaphore(%arg11 : memref<!tpu.dma_semaphore, #tpu.memory_space<semaphore_mem>>)
      %add3A_215 = arith.constant 200 : i32
      %add3A_216 = arith.addi %mul3A_2, %add3A_215 : i32
      %dma_start3A_217 = arith.constant 0 : i32
      %dma_start3A_218 = tpu.memref_slice %arg10[%add3A_216, %dma_start3A_217] : memref<10008x32xf32, #tpu.memory_space<vmem_shared>> -> memref<40x32xf32, #tpu.memory_space<vmem_shared>>
      %dma_start3A_219 = arith.constant 0 : i32
      %dma_start3A_220 = tpu.memref_slice %arg10[%add3A_216, %dma_start3A_219] : memref<10008x32xf32, #tpu.memory_space<vmem_shared>> -> memref<40x32xf32, #tpu.memory_space<vmem_shared>>
      tpu.enqueue_dma source(%arg9 : memref<40x32xf32, #tpu.memory_space<vmem>>) target(%dma_start3A_220 : memref<40x32xf32, #tpu.memory_space<vmem_shared>>) target_semaphore(%arg11 : memref<!tpu.dma_semaphore, #tpu.memory_space<semaphore_mem>>)
      %add3A_221 = arith.constant 240 : i32
      %add3A_222 = arith.addi %mul3A_2, %add3A_221 : i32
      %dma_start3A_223 = arith.constant 0 : i32
      %dma_start3A_224 = tpu.memref_slice %arg10[%add3A_222, %dma_start3A_223] : memref<10008x32xf32, #tpu.memory_space<vmem_shared>> -> memref<40x32xf32, #tpu.memory_space<vmem_shared>>
      %dma_start3A_225 = arith.constant 0 : i32
      %dma_start3A_226 = tpu.memref_slice %arg10[%add3A_222, %dma_start3A_225] : memref<10008x32xf32, #tpu.memory_space<vmem_shared>> -> memref<40x32xf32, #tpu.memory_space<vmem_shared>>
      tpu.enqueue_dma source(%arg9 : memref<40x32xf32, #tpu.memory_space<vmem>>) target(%dma_start3A_226 : memref<40x32xf32, #tpu.memory_space<vmem_shared>>) target_semaphore(%arg11 : memref<!tpu.dma_semaphore, #tpu.memory_space<semaphore_mem>>)
      %add3A_227 = arith.constant 280 : i32
      %add3A_228 = arith.addi %mul3A_2, %add3A_227 : i32
      %dma_start3A_229 = arith.constant 0 : i32
      %dma_start3A_230 = tpu.memref_slice %arg10[%add3A_228, %dma_start3A_229] : memref<10008x32xf32, #tpu.memory_space<vmem_shared>> -> memref<40x32xf32, #tpu.memory_space<vmem_shared>>
      %dma_start3A_231 = arith.constant 0 : i32
      %dma_start3A_232 = tpu.memref_slice %arg10[%add3A_228, %dma_start3A_231] : memref<10008x32xf32, #tpu.memory_space<vmem_shared>> -> memref<40x32xf32, #tpu.memory_space<vmem_shared>>
      tpu.enqueue_dma source(%arg9 : memref<40x32xf32, #tpu.memory_space<vmem>>) target(%dma_start3A_232 : memref<40x32xf32, #tpu.memory_space<vmem_shared>>) target_semaphore(%arg11 : memref<!tpu.dma_semaphore, #tpu.memory_space<semaphore_mem>>)
      %add3A_233 = arith.constant 320 : i32
      %add3A_234 = arith.addi %mul3A_2, %add3A_233 : i32
      %dma_start3A_235 = arith.constant 0 : i32
      %dma_start3A_236 = tpu.memref_slice %arg10[%add3A_234, %dma_start3A_235] : memref<10008x32xf32, #tpu.memory_space<vmem_shared>> -> memref<40x32xf32, #tpu.memory_space<vmem_shared>>
      %dma_start3A_237 = arith.constant 0 : i32
      %dma_start3A_238 = tpu.memref_slice %arg10[%add3A_234, %dma_start3A_237] : memref<10008x32xf32, #tpu.memory_space<vmem_shared>> -> memref<40x32xf32, #tpu.memory_space<vmem_shared>>
      tpu.enqueue_dma source(%arg9 : memref<40x32xf32, #tpu.memory_space<vmem>>) target(%dma_start3A_238 : memref<40x32xf32, #tpu.memory_space<vmem_shared>>) target_semaphore(%arg11 : memref<!tpu.dma_semaphore, #tpu.memory_space<semaphore_mem>>)
      %add3A_239 = arith.constant 360 : i32
      %add3A_240 = arith.addi %mul3A_2, %add3A_239 : i32
      %dma_start3A_241 = arith.constant 0 : i32
      %dma_start3A_242 = tpu.memref_slice %arg10[%add3A_240, %dma_start3A_241] : memref<10008x32xf32, #tpu.memory_space<vmem_shared>> -> memref<40x32xf32, #tpu.memory_space<vmem_shared>>
      %dma_start3A_243 = arith.constant 0 : i32
      %dma_start3A_244 = tpu.memref_slice %arg10[%add3A_240, %dma_start3A_243] : memref<10008x32xf32, #tpu.memory_space<vmem_shared>> -> memref<40x32xf32, #tpu.memory_space<vmem_shared>>
      tpu.enqueue_dma source(%arg9 : memref<40x32xf32, #tpu.memory_space<vmem>>) target(%dma_start3A_244 : memref<40x32xf32, #tpu.memory_space<vmem_shared>>) target_semaphore(%arg11 : memref<!tpu.dma_semaphore, #tpu.memory_space<semaphore_mem>>)
      %add3A_245 = arith.constant 400 : i32
      %add3A_246 = arith.addi %mul3A_2, %add3A_245 : i32
      %dma_start3A_247 = arith.constant 0 : i32
      %dma_start3A_248 = tpu.memref_slice %arg10[%add3A_246, %dma_start3A_247] : memref<10008x32xf32, #tpu.memory_space<vmem_shared>> -> memref<40x32xf32, #tpu.memory_space<vmem_shared>>
      %dma_start3A_249 = arith.constant 0 : i32
      %dma_start3A_250 = tpu.memref_slice %arg10[%add3A_246, %dma_start3A_249] : memref<10008x32xf32, #tpu.memory_space<vmem_shared>> -> memref<40x32xf32, #tpu.memory_space<vmem_shared>>
      tpu.enqueue_dma source(%arg9 : memref<40x32xf32, #tpu.memory_space<vmem>>) target(%dma_start3A_250 : memref<40x32xf32, #tpu.memory_space<vmem_shared>>) target_semaphore(%arg11 : memref<!tpu.dma_semaphore, #tpu.memory_space<semaphore_mem>>)
      %add3A_251 = arith.constant 440 : i32
      %add3A_252 = arith.addi %mul3A_2, %add3A_251 : i32
      %dma_start3A_253 = arith.constant 0 : i32
      %dma_start3A_254 = tpu.memref_slice %arg10[%add3A_252, %dma_start3A_253] : memref<10008x32xf32, #tpu.memory_space<vmem_shared>> -> memref<40x32xf32, #tpu.memory_space<vmem_shared>>
      %dma_start3A_255 = arith.constant 0 : i32
      %dma_start3A_256 = tpu.memref_slice %arg10[%add3A_252, %dma_start3A_255] : memref<10008x32xf32, #tpu.memory_space<vmem_shared>> -> memref<40x32xf32, #tpu.memory_space<vmem_shared>>
      tpu.enqueue_dma source(%arg9 : memref<40x32xf32, #tpu.memory_space<vmem>>) target(%dma_start3A_256 : memref<40x32xf32, #tpu.memory_space<vmem_shared>>) target_semaphore(%arg11 : memref<!tpu.dma_semaphore, #tpu.memory_space<semaphore_mem>>)
      %add3A_257 = arith.constant 480 : i32
      %add3A_258 = arith.addi %mul3A_2, %add3A_257 : i32
      %dma_start3A_259 = arith.constant 0 : i32
      %dma_start3A_260 = tpu.memref_slice %arg10[%add3A_258, %dma_start3A_259] : memref<10008x32xf32, #tpu.memory_space<vmem_shared>> -> memref<40x32xf32, #tpu.memory_space<vmem_shared>>
      %dma_start3A_261 = arith.constant 0 : i32
      %dma_start3A_262 = tpu.memref_slice %arg10[%add3A_258, %dma_start3A_261] : memref<10008x32xf32, #tpu.memory_space<vmem_shared>> -> memref<40x32xf32, #tpu.memory_space<vmem_shared>>
      tpu.enqueue_dma source(%arg9 : memref<40x32xf32, #tpu.memory_space<vmem>>) target(%dma_start3A_262 : memref<40x32xf32, #tpu.memory_space<vmem_shared>>) target_semaphore(%arg11 : memref<!tpu.dma_semaphore, #tpu.memory_space<semaphore_mem>>)
      %add3A_263 = arith.constant 520 : i32
      %add3A_264 = arith.addi %mul3A_2, %add3A_263 : i32
      %dma_start3A_265 = arith.constant 0 : i32
      %dma_start3A_266 = tpu.memref_slice %arg10[%add3A_264, %dma_start3A_265] : memref<10008x32xf32, #tpu.memory_space<vmem_shared>> -> memref<40x32xf32, #tpu.memory_space<vmem_shared>>
      %dma_start3A_267 = arith.constant 0 : i32
      %dma_start3A_268 = tpu.memref_slice %arg10[%add3A_264, %dma_start3A_267] : memref<10008x32xf32, #tpu.memory_space<vmem_shared>> -> memref<40x32xf32, #tpu.memory_space<vmem_shared>>
      tpu.enqueue_dma source(%arg9 : memref<40x32xf32, #tpu.memory_space<vmem>>) target(%dma_start3A_268 : memref<40x32xf32, #tpu.memory_space<vmem_shared>>) target_semaphore(%arg11 : memref<!tpu.dma_semaphore, #tpu.memory_space<semaphore_mem>>)
      %add3A_269 = arith.constant 560 : i32
      %add3A_270 = arith.addi %mul3A_2, %add3A_269 : i32
      %dma_start3A_271 = arith.constant 0 : i32
      %dma_start3A_272 = tpu.memref_slice %arg10[%add3A_270, %dma_start3A_271] : memref<10008x32xf32, #tpu.memory_space<vmem_shared>> -> memref<40x32xf32, #tpu.memory_space<vmem_shared>>
      %dma_start3A_273 = arith.constant 0 : i32
      %dma_start3A_274 = tpu.memref_slice %arg10[%add3A_270, %dma_start3A_273] : memref<10008x32xf32, #tpu.memory_space<vmem_shared>> -> memref<40x32xf32, #tpu.memory_space<vmem_shared>>
      tpu.enqueue_dma source(%arg9 : memref<40x32xf32, #tpu.memory_space<vmem>>) target(%dma_start3A_274 : memref<40x32xf32, #tpu.memory_space<vmem_shared>>) target_semaphore(%arg11 : memref<!tpu.dma_semaphore, #tpu.memory_space<semaphore_mem>>)
      %add3A_275 = arith.constant 600 : i32
      %add3A_276 = arith.addi %mul3A_2, %add3A_275 : i32
      %dma_start3A_277 = arith.constant 0 : i32
      %dma_start3A_278 = tpu.memref_slice %arg10[%add3A_276, %dma_start3A_277] : memref<10008x32xf32, #tpu.memory_space<vmem_shared>> -> memref<40x32xf32, #tpu.memory_space<vmem_shared>>
      %dma_start3A_279 = arith.constant 0 : i32
      %dma_start3A_280 = tpu.memref_slice %arg10[%add3A_276, %dma_start3A_279] : memref<10008x32xf32, #tpu.memory_space<vmem_shared>> -> memref<40x32xf32, #tpu.memory_space<vmem_shared>>
      tpu.enqueue_dma source(%arg9 : memref<40x32xf32, #tpu.memory_space<vmem>>) target(%dma_start3A_280 : memref<40x32xf32, #tpu.memory_space<vmem_shared>>) target_semaphore(%arg11 : memref<!tpu.dma_semaphore, #tpu.memory_space<semaphore_mem>>)
      %add3A_281 = arith.constant 640 : i32
      %add3A_282 = arith.addi %mul3A_2, %add3A_281 : i32
      %dma_start3A_283 = arith.constant 0 : i32
      %dma_start3A_284 = tpu.memref_slice %arg10[%add3A_282, %dma_start3A_283] : memref<10008x32xf32, #tpu.memory_space<vmem_shared>> -> memref<40x32xf32, #tpu.memory_space<vmem_shared>>
      %dma_start3A_285 = arith.constant 0 : i32
      %dma_start3A_286 = tpu.memref_slice %arg10[%add3A_282, %dma_start3A_285] : memref<10008x32xf32, #tpu.memory_space<vmem_shared>> -> memref<40x32xf32, #tpu.memory_space<vmem_shared>>
      tpu.enqueue_dma source(%arg9 : memref<40x32xf32, #tpu.memory_space<vmem>>) target(%dma_start3A_286 : memref<40x32xf32, #tpu.memory_space<vmem_shared>>) target_semaphore(%arg11 : memref<!tpu.dma_semaphore, #tpu.memory_space<semaphore_mem>>)
      %add3A_287 = arith.constant 680 : i32
      %add3A_288 = arith.addi %mul3A_2, %add3A_287 : i32
      %dma_start3A_289 = arith.constant 0 : i32
      %dma_start3A_290 = tpu.memref_slice %arg10[%add3A_288, %dma_start3A_289] : memref<10008x32xf32, #tpu.memory_space<vmem_shared>> -> memref<40x32xf32, #tpu.memory_space<vmem_shared>>
      %dma_start3A_291 = arith.constant 0 : i32
      %dma_start3A_292 = tpu.memref_slice %arg10[%add3A_288, %dma_start3A_291] : memref<10008x32xf32, #tpu.memory_space<vmem_shared>> -> memref<40x32xf32, #tpu.memory_space<vmem_shared>>
      tpu.enqueue_dma source(%arg9 : memref<40x32xf32, #tpu.memory_space<vmem>>) target(%dma_start3A_292 : memref<40x32xf32, #tpu.memory_space<vmem_shared>>) target_semaphore(%arg11 : memref<!tpu.dma_semaphore, #tpu.memory_space<semaphore_mem>>)
      %add3A_293 = arith.constant 720 : i32
      %add3A_294 = arith.addi %mul3A_2, %add3A_293 : i32
      %dma_start3A_295 = arith.constant 0 : i32
      %dma_start3A_296 = tpu.memref_slice %arg10[%add3A_294, %dma_start3A_295] : memref<10008x32xf32, #tpu.memory_space<vmem_shared>> -> memref<40x32xf32, #tpu.memory_space<vmem_shared>>
      %dma_start3A_297 = arith.constant 0 : i32
      %dma_start3A_298 = tpu.memref_slice %arg10[%add3A_294, %dma_start3A_297] : memref<10008x32xf32, #tpu.memory_space<vmem_shared>> -> memref<40x32xf32, #tpu.memory_space<vmem_shared>>
      tpu.enqueue_dma source(%arg9 : memref<40x32xf32, #tpu.memory_space<vmem>>) target(%dma_start3A_298 : memref<40x32xf32, #tpu.memory_space<vmem_shared>>) target_semaphore(%arg11 : memref<!tpu.dma_semaphore, #tpu.memory_space<semaphore_mem>>)
      %add3A_299 = arith.constant 760 : i32
      %add3A_300 = arith.addi %mul3A_2, %add3A_299 : i32
      %dma_start3A_301 = arith.constant 0 : i32
      %dma_start3A_302 = tpu.memref_slice %arg10[%add3A_300, %dma_start3A_301] : memref<10008x32xf32, #tpu.memory_space<vmem_shared>> -> memref<40x32xf32, #tpu.memory_space<vmem_shared>>
      %dma_start3A_303 = arith.constant 0 : i32
      %dma_start3A_304 = tpu.memref_slice %arg10[%add3A_300, %dma_start3A_303] : memref<10008x32xf32, #tpu.memory_space<vmem_shared>> -> memref<40x32xf32, #tpu.memory_space<vmem_shared>>
      tpu.enqueue_dma source(%arg9 : memref<40x32xf32, #tpu.memory_space<vmem>>) target(%dma_start3A_304 : memref<40x32xf32, #tpu.memory_space<vmem_shared>>) target_semaphore(%arg11 : memref<!tpu.dma_semaphore, #tpu.memory_space<semaphore_mem>>)
      %add3A_305 = arith.constant 800 : i32
      %add3A_306 = arith.addi %mul3A_2, %add3A_305 : i32
      %dma_start3A_307 = arith.constant 0 : i32
      %dma_start3A_308 = tpu.memref_slice %arg10[%add3A_306, %dma_start3A_307] : memref<10008x32xf32, #tpu.memory_space<vmem_shared>> -> memref<40x32xf32, #tpu.memory_space<vmem_shared>>
      %dma_start3A_309 = arith.constant 0 : i32
      %dma_start3A_310 = tpu.memref_slice %arg10[%add3A_306, %dma_start3A_309] : memref<10008x32xf32, #tpu.memory_space<vmem_shared>> -> memref<40x32xf32, #tpu.memory_space<vmem_shared>>
      tpu.enqueue_dma source(%arg9 : memref<40x32xf32, #tpu.memory_space<vmem>>) target(%dma_start3A_310 : memref<40x32xf32, #tpu.memory_space<vmem_shared>>) target_semaphore(%arg11 : memref<!tpu.dma_semaphore, #tpu.memory_space<semaphore_mem>>)
      %add3A_311 = arith.constant 840 : i32
      %add3A_312 = arith.addi %mul3A_2, %add3A_311 : i32
      %dma_start3A_313 = arith.constant 0 : i32
      %dma_start3A_314 = tpu.memref_slice %arg10[%add3A_312, %dma_start3A_313] : memref<10008x32xf32, #tpu.memory_space<vmem_shared>> -> memref<40x32xf32, #tpu.memory_space<vmem_shared>>
      %dma_start3A_315 = arith.constant 0 : i32
      %dma_start3A_316 = tpu.memref_slice %arg10[%add3A_312, %dma_start3A_315] : memref<10008x32xf32, #tpu.memory_space<vmem_shared>> -> memref<40x32xf32, #tpu.memory_space<vmem_shared>>
      tpu.enqueue_dma source(%arg9 : memref<40x32xf32, #tpu.memory_space<vmem>>) target(%dma_start3A_316 : memref<40x32xf32, #tpu.memory_space<vmem_shared>>) target_semaphore(%arg11 : memref<!tpu.dma_semaphore, #tpu.memory_space<semaphore_mem>>)
      %add3A_317 = arith.constant 880 : i32
      %add3A_318 = arith.addi %mul3A_2, %add3A_317 : i32
      %dma_start3A_319 = arith.constant 0 : i32
      %dma_start3A_320 = tpu.memref_slice %arg10[%add3A_318, %dma_start3A_319] : memref<10008x32xf32, #tpu.memory_space<vmem_shared>> -> memref<40x32xf32, #tpu.memory_space<vmem_shared>>
      %dma_start3A_321 = arith.constant 0 : i32
      %dma_start3A_322 = tpu.memref_slice %arg10[%add3A_318, %dma_start3A_321] : memref<10008x32xf32, #tpu.memory_space<vmem_shared>> -> memref<40x32xf32, #tpu.memory_space<vmem_shared>>
      tpu.enqueue_dma source(%arg9 : memref<40x32xf32, #tpu.memory_space<vmem>>) target(%dma_start3A_322 : memref<40x32xf32, #tpu.memory_space<vmem_shared>>) target_semaphore(%arg11 : memref<!tpu.dma_semaphore, #tpu.memory_space<semaphore_mem>>)
      %add3A_323 = arith.constant 920 : i32
      %add3A_324 = arith.addi %mul3A_2, %add3A_323 : i32
      %dma_start3A_325 = arith.constant 0 : i32
      %dma_start3A_326 = tpu.memref_slice %arg10[%add3A_324, %dma_start3A_325] : memref<10008x32xf32, #tpu.memory_space<vmem_shared>> -> memref<40x32xf32, #tpu.memory_space<vmem_shared>>
      %dma_start3A_327 = arith.constant 0 : i32
      %dma_start3A_328 = tpu.memref_slice %arg10[%add3A_324, %dma_start3A_327] : memref<10008x32xf32, #tpu.memory_space<vmem_shared>> -> memref<40x32xf32, #tpu.memory_space<vmem_shared>>
      tpu.enqueue_dma source(%arg9 : memref<40x32xf32, #tpu.memory_space<vmem>>) target(%dma_start3A_328 : memref<40x32xf32, #tpu.memory_space<vmem_shared>>) target_semaphore(%arg11 : memref<!tpu.dma_semaphore, #tpu.memory_space<semaphore_mem>>)
      %add3A_329 = arith.constant 960 : i32
      %add3A_330 = arith.addi %mul3A_2, %add3A_329 : i32
      %dma_start3A_331 = arith.constant 0 : i32
      %dma_start3A_332 = tpu.memref_slice %arg10[%add3A_330, %dma_start3A_331] : memref<10008x32xf32, #tpu.memory_space<vmem_shared>> -> memref<40x32xf32, #tpu.memory_space<vmem_shared>>
      %dma_start3A_333 = arith.constant 0 : i32
      %dma_start3A_334 = tpu.memref_slice %arg10[%add3A_330, %dma_start3A_333] : memref<10008x32xf32, #tpu.memory_space<vmem_shared>> -> memref<40x32xf32, #tpu.memory_space<vmem_shared>>
      tpu.enqueue_dma source(%arg9 : memref<40x32xf32, #tpu.memory_space<vmem>>) target(%dma_start3A_334 : memref<40x32xf32, #tpu.memory_space<vmem_shared>>) target_semaphore(%arg11 : memref<!tpu.dma_semaphore, #tpu.memory_space<semaphore_mem>>)
      %add3A_335 = arith.constant 0 : i32
      %add3A_336 = arith.addi %mul3A_2, %add3A_335 : i32
      %dma_wait3A_337 = arith.constant 0 : i32
      %dma_wait3A_338 = tpu.memref_slice %arg10[%add3A_336, %dma_wait3A_337] : memref<10008x32xf32, #tpu.memory_space<vmem_shared>> -> memref<40x32xf32, #tpu.memory_space<vmem_shared>>
      %dma_wait3A_339 = arith.constant 0 : i32
      %dma_wait3A_340 = tpu.memref_slice %arg10[%add3A_336, %dma_wait3A_339] : memref<10008x32xf32, #tpu.memory_space<vmem_shared>> -> memref<40x32xf32, #tpu.memory_space<vmem_shared>>
      tpu.wait_dma2 semaphore(%arg11 : memref<!tpu.dma_semaphore, #tpu.memory_space<semaphore_mem>>) src(%arg9 : memref<40x32xf32, #tpu.memory_space<vmem>>) dst(%dma_wait3A_340 : memref<40x32xf32, #tpu.memory_space<vmem_shared>>)
      %add3A_341 = arith.constant 40 : i32
      %add3A_342 = arith.addi %mul3A_2, %add3A_341 : i32
      %dma_wait3A_343 = arith.constant 0 : i32
      %dma_wait3A_344 = tpu.memref_slice %arg10[%add3A_342, %dma_wait3A_343] : memref<10008x32xf32, #tpu.memory_space<vmem_shared>> -> memref<40x32xf32, #tpu.memory_space<vmem_shared>>
      %dma_wait3A_345 = arith.constant 0 : i32
      %dma_wait3A_346 = tpu.memref_slice %arg10[%add3A_342, %dma_wait3A_345] : memref<10008x32xf32, #tpu.memory_space<vmem_shared>> -> memref<40x32xf32, #tpu.memory_space<vmem_shared>>
      tpu.wait_dma2 semaphore(%arg11 : memref<!tpu.dma_semaphore, #tpu.memory_space<semaphore_mem>>) src(%arg9 : memref<40x32xf32, #tpu.memory_space<vmem>>) dst(%dma_wait3A_346 : memref<40x32xf32, #tpu.memory_space<vmem_shared>>)
      %add3A_347 = arith.constant 80 : i32
      %add3A_348 = arith.addi %mul3A_2, %add3A_347 : i32
      %dma_wait3A_349 = arith.constant 0 : i32
      %dma_wait3A_350 = tpu.memref_slice %arg10[%add3A_348, %dma_wait3A_349] : memref<10008x32xf32, #tpu.memory_space<vmem_shared>> -> memref<40x32xf32, #tpu.memory_space<vmem_shared>>
      %dma_wait3A_351 = arith.constant 0 : i32
      %dma_wait3A_352 = tpu.memref_slice %arg10[%add3A_348, %dma_wait3A_351] : memref<10008x32xf32, #tpu.memory_space<vmem_shared>> -> memref<40x32xf32, #tpu.memory_space<vmem_shared>>
      tpu.wait_dma2 semaphore(%arg11 : memref<!tpu.dma_semaphore, #tpu.memory_space<semaphore_mem>>) src(%arg9 : memref<40x32xf32, #tpu.memory_space<vmem>>) dst(%dma_wait3A_352 : memref<40x32xf32, #tpu.memory_space<vmem_shared>>)
      %add3A_353 = arith.constant 120 : i32
      %add3A_354 = arith.addi %mul3A_2, %add3A_353 : i32
      %dma_wait3A_355 = arith.constant 0 : i32
      %dma_wait3A_356 = tpu.memref_slice %arg10[%add3A_354, %dma_wait3A_355] : memref<10008x32xf32, #tpu.memory_space<vmem_shared>> -> memref<40x32xf32, #tpu.memory_space<vmem_shared>>
      %dma_wait3A_357 = arith.constant 0 : i32
      %dma_wait3A_358 = tpu.memref_slice %arg10[%add3A_354, %dma_wait3A_357] : memref<10008x32xf32, #tpu.memory_space<vmem_shared>> -> memref<40x32xf32, #tpu.memory_space<vmem_shared>>
      tpu.wait_dma2 semaphore(%arg11 : memref<!tpu.dma_semaphore, #tpu.memory_space<semaphore_mem>>) src(%arg9 : memref<40x32xf32, #tpu.memory_space<vmem>>) dst(%dma_wait3A_358 : memref<40x32xf32, #tpu.memory_space<vmem_shared>>)
      %add3A_359 = arith.constant 160 : i32
      %add3A_360 = arith.addi %mul3A_2, %add3A_359 : i32
      %dma_wait3A_361 = arith.constant 0 : i32
      %dma_wait3A_362 = tpu.memref_slice %arg10[%add3A_360, %dma_wait3A_361] : memref<10008x32xf32, #tpu.memory_space<vmem_shared>> -> memref<40x32xf32, #tpu.memory_space<vmem_shared>>
      %dma_wait3A_363 = arith.constant 0 : i32
      %dma_wait3A_364 = tpu.memref_slice %arg10[%add3A_360, %dma_wait3A_363] : memref<10008x32xf32, #tpu.memory_space<vmem_shared>> -> memref<40x32xf32, #tpu.memory_space<vmem_shared>>
      tpu.wait_dma2 semaphore(%arg11 : memref<!tpu.dma_semaphore, #tpu.memory_space<semaphore_mem>>) src(%arg9 : memref<40x32xf32, #tpu.memory_space<vmem>>) dst(%dma_wait3A_364 : memref<40x32xf32, #tpu.memory_space<vmem_shared>>)
      %add3A_365 = arith.constant 200 : i32
      %add3A_366 = arith.addi %mul3A_2, %add3A_365 : i32
      %dma_wait3A_367 = arith.constant 0 : i32
      %dma_wait3A_368 = tpu.memref_slice %arg10[%add3A_366, %dma_wait3A_367] : memref<10008x32xf32, #tpu.memory_space<vmem_shared>> -> memref<40x32xf32, #tpu.memory_space<vmem_shared>>
      %dma_wait3A_369 = arith.constant 0 : i32
      %dma_wait3A_370 = tpu.memref_slice %arg10[%add3A_366, %dma_wait3A_369] : memref<10008x32xf32, #tpu.memory_space<vmem_shared>> -> memref<40x32xf32, #tpu.memory_space<vmem_shared>>
      tpu.wait_dma2 semaphore(%arg11 : memref<!tpu.dma_semaphore, #tpu.memory_space<semaphore_mem>>) src(%arg9 : memref<40x32xf32, #tpu.memory_space<vmem>>) dst(%dma_wait3A_370 : memref<40x32xf32, #tpu.memory_space<vmem_shared>>)
      %add3A_371 = arith.constant 240 : i32
      %add3A_372 = arith.addi %mul3A_2, %add3A_371 : i32
      %dma_wait3A_373 = arith.constant 0 : i32
      %dma_wait3A_374 = tpu.memref_slice %arg10[%add3A_372, %dma_wait3A_373] : memref<10008x32xf32, #tpu.memory_space<vmem_shared>> -> memref<40x32xf32, #tpu.memory_space<vmem_shared>>
      %dma_wait3A_375 = arith.constant 0 : i32
      %dma_wait3A_376 = tpu.memref_slice %arg10[%add3A_372, %dma_wait3A_375] : memref<10008x32xf32, #tpu.memory_space<vmem_shared>> -> memref<40x32xf32, #tpu.memory_space<vmem_shared>>
      tpu.wait_dma2 semaphore(%arg11 : memref<!tpu.dma_semaphore, #tpu.memory_space<semaphore_mem>>) src(%arg9 : memref<40x32xf32, #tpu.memory_space<vmem>>) dst(%dma_wait3A_376 : memref<40x32xf32, #tpu.memory_space<vmem_shared>>)
      %add3A_377 = arith.constant 280 : i32
      %add3A_378 = arith.addi %mul3A_2, %add3A_377 : i32
      %dma_wait3A_379 = arith.constant 0 : i32
      %dma_wait3A_380 = tpu.memref_slice %arg10[%add3A_378, %dma_wait3A_379] : memref<10008x32xf32, #tpu.memory_space<vmem_shared>> -> memref<40x32xf32, #tpu.memory_space<vmem_shared>>
      %dma_wait3A_381 = arith.constant 0 : i32
      %dma_wait3A_382 = tpu.memref_slice %arg10[%add3A_378, %dma_wait3A_381] : memref<10008x32xf32, #tpu.memory_space<vmem_shared>> -> memref<40x32xf32, #tpu.memory_space<vmem_shared>>
      tpu.wait_dma2 semaphore(%arg11 : memref<!tpu.dma_semaphore, #tpu.memory_space<semaphore_mem>>) src(%arg9 : memref<40x32xf32, #tpu.memory_space<vmem>>) dst(%dma_wait3A_382 : memref<40x32xf32, #tpu.memory_space<vmem_shared>>)
      %add3A_383 = arith.constant 320 : i32
      %add3A_384 = arith.addi %mul3A_2, %add3A_383 : i32
      %dma_wait3A_385 = arith.constant 0 : i32
      %dma_wait3A_386 = tpu.memref_slice %arg10[%add3A_384, %dma_wait3A_385] : memref<10008x32xf32, #tpu.memory_space<vmem_shared>> -> memref<40x32xf32, #tpu.memory_space<vmem_shared>>
      %dma_wait3A_387 = arith.constant 0 : i32
      %dma_wait3A_388 = tpu.memref_slice %arg10[%add3A_384, %dma_wait3A_387] : memref<10008x32xf32, #tpu.memory_space<vmem_shared>> -> memref<40x32xf32, #tpu.memory_space<vmem_shared>>
      tpu.wait_dma2 semaphore(%arg11 : memref<!tpu.dma_semaphore, #tpu.memory_space<semaphore_mem>>) src(%arg9 : memref<40x32xf32, #tpu.memory_space<vmem>>) dst(%dma_wait3A_388 : memref<40x32xf32, #tpu.memory_space<vmem_shared>>)
      %add3A_389 = arith.constant 360 : i32
      %add3A_390 = arith.addi %mul3A_2, %add3A_389 : i32
      %dma_wait3A_391 = arith.constant 0 : i32
      %dma_wait3A_392 = tpu.memref_slice %arg10[%add3A_390, %dma_wait3A_391] : memref<10008x32xf32, #tpu.memory_space<vmem_shared>> -> memref<40x32xf32, #tpu.memory_space<vmem_shared>>
      %dma_wait3A_393 = arith.constant 0 : i32
      %dma_wait3A_394 = tpu.memref_slice %arg10[%add3A_390, %dma_wait3A_393] : memref<10008x32xf32, #tpu.memory_space<vmem_shared>> -> memref<40x32xf32, #tpu.memory_space<vmem_shared>>
      tpu.wait_dma2 semaphore(%arg11 : memref<!tpu.dma_semaphore, #tpu.memory_space<semaphore_mem>>) src(%arg9 : memref<40x32xf32, #tpu.memory_space<vmem>>) dst(%dma_wait3A_394 : memref<40x32xf32, #tpu.memory_space<vmem_shared>>)
      %add3A_395 = arith.constant 400 : i32
      %add3A_396 = arith.addi %mul3A_2, %add3A_395 : i32
      %dma_wait3A_397 = arith.constant 0 : i32
      %dma_wait3A_398 = tpu.memref_slice %arg10[%add3A_396, %dma_wait3A_397] : memref<10008x32xf32, #tpu.memory_space<vmem_shared>> -> memref<40x32xf32, #tpu.memory_space<vmem_shared>>
      %dma_wait3A_399 = arith.constant 0 : i32
      %dma_wait3A_400 = tpu.memref_slice %arg10[%add3A_396, %dma_wait3A_399] : memref<10008x32xf32, #tpu.memory_space<vmem_shared>> -> memref<40x32xf32, #tpu.memory_space<vmem_shared>>
      tpu.wait_dma2 semaphore(%arg11 : memref<!tpu.dma_semaphore, #tpu.memory_space<semaphore_mem>>) src(%arg9 : memref<40x32xf32, #tpu.memory_space<vmem>>) dst(%dma_wait3A_400 : memref<40x32xf32, #tpu.memory_space<vmem_shared>>)
      %add3A_401 = arith.constant 440 : i32
      %add3A_402 = arith.addi %mul3A_2, %add3A_401 : i32
      %dma_wait3A_403 = arith.constant 0 : i32
      %dma_wait3A_404 = tpu.memref_slice %arg10[%add3A_402, %dma_wait3A_403] : memref<10008x32xf32, #tpu.memory_space<vmem_shared>> -> memref<40x32xf32, #tpu.memory_space<vmem_shared>>
      %dma_wait3A_405 = arith.constant 0 : i32
      %dma_wait3A_406 = tpu.memref_slice %arg10[%add3A_402, %dma_wait3A_405] : memref<10008x32xf32, #tpu.memory_space<vmem_shared>> -> memref<40x32xf32, #tpu.memory_space<vmem_shared>>
      tpu.wait_dma2 semaphore(%arg11 : memref<!tpu.dma_semaphore, #tpu.memory_space<semaphore_mem>>) src(%arg9 : memref<40x32xf32, #tpu.memory_space<vmem>>) dst(%dma_wait3A_406 : memref<40x32xf32, #tpu.memory_space<vmem_shared>>)
      %add3A_407 = arith.constant 480 : i32
      %add3A_408 = arith.addi %mul3A_2, %add3A_407 : i32
      %dma_wait3A_409 = arith.constant 0 : i32
      %dma_wait3A_410 = tpu.memref_slice %arg10[%add3A_408, %dma_wait3A_409] : memref<10008x32xf32, #tpu.memory_space<vmem_shared>> -> memref<40x32xf32, #tpu.memory_space<vmem_shared>>
      %dma_wait3A_411 = arith.constant 0 : i32
      %dma_wait3A_412 = tpu.memref_slice %arg10[%add3A_408, %dma_wait3A_411] : memref<10008x32xf32, #tpu.memory_space<vmem_shared>> -> memref<40x32xf32, #tpu.memory_space<vmem_shared>>
      tpu.wait_dma2 semaphore(%arg11 : memref<!tpu.dma_semaphore, #tpu.memory_space<semaphore_mem>>) src(%arg9 : memref<40x32xf32, #tpu.memory_space<vmem>>) dst(%dma_wait3A_412 : memref<40x32xf32, #tpu.memory_space<vmem_shared>>)
      %add3A_413 = arith.constant 520 : i32
      %add3A_414 = arith.addi %mul3A_2, %add3A_413 : i32
      %dma_wait3A_415 = arith.constant 0 : i32
      %dma_wait3A_416 = tpu.memref_slice %arg10[%add3A_414, %dma_wait3A_415] : memref<10008x32xf32, #tpu.memory_space<vmem_shared>> -> memref<40x32xf32, #tpu.memory_space<vmem_shared>>
      %dma_wait3A_417 = arith.constant 0 : i32
      %dma_wait3A_418 = tpu.memref_slice %arg10[%add3A_414, %dma_wait3A_417] : memref<10008x32xf32, #tpu.memory_space<vmem_shared>> -> memref<40x32xf32, #tpu.memory_space<vmem_shared>>
      tpu.wait_dma2 semaphore(%arg11 : memref<!tpu.dma_semaphore, #tpu.memory_space<semaphore_mem>>) src(%arg9 : memref<40x32xf32, #tpu.memory_space<vmem>>) dst(%dma_wait3A_418 : memref<40x32xf32, #tpu.memory_space<vmem_shared>>)
      %add3A_419 = arith.constant 560 : i32
      %add3A_420 = arith.addi %mul3A_2, %add3A_419 : i32
      %dma_wait3A_421 = arith.constant 0 : i32
      %dma_wait3A_422 = tpu.memref_slice %arg10[%add3A_420, %dma_wait3A_421] : memref<10008x32xf32, #tpu.memory_space<vmem_shared>> -> memref<40x32xf32, #tpu.memory_space<vmem_shared>>
      %dma_wait3A_423 = arith.constant 0 : i32
      %dma_wait3A_424 = tpu.memref_slice %arg10[%add3A_420, %dma_wait3A_423] : memref<10008x32xf32, #tpu.memory_space<vmem_shared>> -> memref<40x32xf32, #tpu.memory_space<vmem_shared>>
      tpu.wait_dma2 semaphore(%arg11 : memref<!tpu.dma_semaphore, #tpu.memory_space<semaphore_mem>>) src(%arg9 : memref<40x32xf32, #tpu.memory_space<vmem>>) dst(%dma_wait3A_424 : memref<40x32xf32, #tpu.memory_space<vmem_shared>>)
      %add3A_425 = arith.constant 600 : i32
      %add3A_426 = arith.addi %mul3A_2, %add3A_425 : i32
      %dma_wait3A_427 = arith.constant 0 : i32
      %dma_wait3A_428 = tpu.memref_slice %arg10[%add3A_426, %dma_wait3A_427] : memref<10008x32xf32, #tpu.memory_space<vmem_shared>> -> memref<40x32xf32, #tpu.memory_space<vmem_shared>>
      %dma_wait3A_429 = arith.constant 0 : i32
      %dma_wait3A_430 = tpu.memref_slice %arg10[%add3A_426, %dma_wait3A_429] : memref<10008x32xf32, #tpu.memory_space<vmem_shared>> -> memref<40x32xf32, #tpu.memory_space<vmem_shared>>
      tpu.wait_dma2 semaphore(%arg11 : memref<!tpu.dma_semaphore, #tpu.memory_space<semaphore_mem>>) src(%arg9 : memref<40x32xf32, #tpu.memory_space<vmem>>) dst(%dma_wait3A_430 : memref<40x32xf32, #tpu.memory_space<vmem_shared>>)
      %add3A_431 = arith.constant 640 : i32
      %add3A_432 = arith.addi %mul3A_2, %add3A_431 : i32
      %dma_wait3A_433 = arith.constant 0 : i32
      %dma_wait3A_434 = tpu.memref_slice %arg10[%add3A_432, %dma_wait3A_433] : memref<10008x32xf32, #tpu.memory_space<vmem_shared>> -> memref<40x32xf32, #tpu.memory_space<vmem_shared>>
      %dma_wait3A_435 = arith.constant 0 : i32
      %dma_wait3A_436 = tpu.memref_slice %arg10[%add3A_432, %dma_wait3A_435] : memref<10008x32xf32, #tpu.memory_space<vmem_shared>> -> memref<40x32xf32, #tpu.memory_space<vmem_shared>>
      tpu.wait_dma2 semaphore(%arg11 : memref<!tpu.dma_semaphore, #tpu.memory_space<semaphore_mem>>) src(%arg9 : memref<40x32xf32, #tpu.memory_space<vmem>>) dst(%dma_wait3A_436 : memref<40x32xf32, #tpu.memory_space<vmem_shared>>)
      %add3A_437 = arith.constant 680 : i32
      %add3A_438 = arith.addi %mul3A_2, %add3A_437 : i32
      %dma_wait3A_439 = arith.constant 0 : i32
      %dma_wait3A_440 = tpu.memref_slice %arg10[%add3A_438, %dma_wait3A_439] : memref<10008x32xf32, #tpu.memory_space<vmem_shared>> -> memref<40x32xf32, #tpu.memory_space<vmem_shared>>
      %dma_wait3A_441 = arith.constant 0 : i32
      %dma_wait3A_442 = tpu.memref_slice %arg10[%add3A_438, %dma_wait3A_441] : memref<10008x32xf32, #tpu.memory_space<vmem_shared>> -> memref<40x32xf32, #tpu.memory_space<vmem_shared>>
      tpu.wait_dma2 semaphore(%arg11 : memref<!tpu.dma_semaphore, #tpu.memory_space<semaphore_mem>>) src(%arg9 : memref<40x32xf32, #tpu.memory_space<vmem>>) dst(%dma_wait3A_442 : memref<40x32xf32, #tpu.memory_space<vmem_shared>>)
      %add3A_443 = arith.constant 720 : i32
      %add3A_444 = arith.addi %mul3A_2, %add3A_443 : i32
      %dma_wait3A_445 = arith.constant 0 : i32
      %dma_wait3A_446 = tpu.memref_slice %arg10[%add3A_444, %dma_wait3A_445] : memref<10008x32xf32, #tpu.memory_space<vmem_shared>> -> memref<40x32xf32, #tpu.memory_space<vmem_shared>>
      %dma_wait3A_447 = arith.constant 0 : i32
      %dma_wait3A_448 = tpu.memref_slice %arg10[%add3A_444, %dma_wait3A_447] : memref<10008x32xf32, #tpu.memory_space<vmem_shared>> -> memref<40x32xf32, #tpu.memory_space<vmem_shared>>
      tpu.wait_dma2 semaphore(%arg11 : memref<!tpu.dma_semaphore, #tpu.memory_space<semaphore_mem>>) src(%arg9 : memref<40x32xf32, #tpu.memory_space<vmem>>) dst(%dma_wait3A_448 : memref<40x32xf32, #tpu.memory_space<vmem_shared>>)
      %add3A_449 = arith.constant 760 : i32
      %add3A_450 = arith.addi %mul3A_2, %add3A_449 : i32
      %dma_wait3A_451 = arith.constant 0 : i32
      %dma_wait3A_452 = tpu.memref_slice %arg10[%add3A_450, %dma_wait3A_451] : memref<10008x32xf32, #tpu.memory_space<vmem_shared>> -> memref<40x32xf32, #tpu.memory_space<vmem_shared>>
      %dma_wait3A_453 = arith.constant 0 : i32
      %dma_wait3A_454 = tpu.memref_slice %arg10[%add3A_450, %dma_wait3A_453] : memref<10008x32xf32, #tpu.memory_space<vmem_shared>> -> memref<40x32xf32, #tpu.memory_space<vmem_shared>>
      tpu.wait_dma2 semaphore(%arg11 : memref<!tpu.dma_semaphore, #tpu.memory_space<semaphore_mem>>) src(%arg9 : memref<40x32xf32, #tpu.memory_space<vmem>>) dst(%dma_wait3A_454 : memref<40x32xf32, #tpu.memory_space<vmem_shared>>)
      %add3A_455 = arith.constant 800 : i32
      %add3A_456 = arith.addi %mul3A_2, %add3A_455 : i32
      %dma_wait3A_457 = arith.constant 0 : i32
      %dma_wait3A_458 = tpu.memref_slice %arg10[%add3A_456, %dma_wait3A_457] : memref<10008x32xf32, #tpu.memory_space<vmem_shared>> -> memref<40x32xf32, #tpu.memory_space<vmem_shared>>
      %dma_wait3A_459 = arith.constant 0 : i32
      %dma_wait3A_460 = tpu.memref_slice %arg10[%add3A_456, %dma_wait3A_459] : memref<10008x32xf32, #tpu.memory_space<vmem_shared>> -> memref<40x32xf32, #tpu.memory_space<vmem_shared>>
      tpu.wait_dma2 semaphore(%arg11 : memref<!tpu.dma_semaphore, #tpu.memory_space<semaphore_mem>>) src(%arg9 : memref<40x32xf32, #tpu.memory_space<vmem>>) dst(%dma_wait3A_460 : memref<40x32xf32, #tpu.memory_space<vmem_shared>>)
      %add3A_461 = arith.constant 840 : i32
      %add3A_462 = arith.addi %mul3A_2, %add3A_461 : i32
      %dma_wait3A_463 = arith.constant 0 : i32
      %dma_wait3A_464 = tpu.memref_slice %arg10[%add3A_462, %dma_wait3A_463] : memref<10008x32xf32, #tpu.memory_space<vmem_shared>> -> memref<40x32xf32, #tpu.memory_space<vmem_shared>>
      %dma_wait3A_465 = arith.constant 0 : i32
      %dma_wait3A_466 = tpu.memref_slice %arg10[%add3A_462, %dma_wait3A_465] : memref<10008x32xf32, #tpu.memory_space<vmem_shared>> -> memref<40x32xf32, #tpu.memory_space<vmem_shared>>
      tpu.wait_dma2 semaphore(%arg11 : memref<!tpu.dma_semaphore, #tpu.memory_space<semaphore_mem>>) src(%arg9 : memref<40x32xf32, #tpu.memory_space<vmem>>) dst(%dma_wait3A_466 : memref<40x32xf32, #tpu.memory_space<vmem_shared>>)
      %add3A_467 = arith.constant 880 : i32
      %add3A_468 = arith.addi %mul3A_2, %add3A_467 : i32
      %dma_wait3A_469 = arith.constant 0 : i32
      %dma_wait3A_470 = tpu.memref_slice %arg10[%add3A_468, %dma_wait3A_469] : memref<10008x32xf32, #tpu.memory_space<vmem_shared>> -> memref<40x32xf32, #tpu.memory_space<vmem_shared>>
      %dma_wait3A_471 = arith.constant 0 : i32
      %dma_wait3A_472 = tpu.memref_slice %arg10[%add3A_468, %dma_wait3A_471] : memref<10008x32xf32, #tpu.memory_space<vmem_shared>> -> memref<40x32xf32, #tpu.memory_space<vmem_shared>>
      tpu.wait_dma2 semaphore(%arg11 : memref<!tpu.dma_semaphore, #tpu.memory_space<semaphore_mem>>) src(%arg9 : memref<40x32xf32, #tpu.memory_space<vmem>>) dst(%dma_wait3A_472 : memref<40x32xf32, #tpu.memory_space<vmem_shared>>)
      %add3A_473 = arith.constant 920 : i32
      %add3A_474 = arith.addi %mul3A_2, %add3A_473 : i32
      %dma_wait3A_475 = arith.constant 0 : i32
      %dma_wait3A_476 = tpu.memref_slice %arg10[%add3A_474, %dma_wait3A_475] : memref<10008x32xf32, #tpu.memory_space<vmem_shared>> -> memref<40x32xf32, #tpu.memory_space<vmem_shared>>
      %dma_wait3A_477 = arith.constant 0 : i32
      %dma_wait3A_478 = tpu.memref_slice %arg10[%add3A_474, %dma_wait3A_477] : memref<10008x32xf32, #tpu.memory_space<vmem_shared>> -> memref<40x32xf32, #tpu.memory_space<vmem_shared>>
      tpu.wait_dma2 semaphore(%arg11 : memref<!tpu.dma_semaphore, #tpu.memory_space<semaphore_mem>>) src(%arg9 : memref<40x32xf32, #tpu.memory_space<vmem>>) dst(%dma_wait3A_478 : memref<40x32xf32, #tpu.memory_space<vmem_shared>>)
      %add3A_479 = arith.constant 960 : i32
      %add3A_480 = arith.addi %mul3A_2, %add3A_479 : i32
      %dma_wait3A_481 = arith.constant 0 : i32
      %dma_wait3A_482 = tpu.memref_slice %arg10[%add3A_480, %dma_wait3A_481] : memref<10008x32xf32, #tpu.memory_space<vmem_shared>> -> memref<40x32xf32, #tpu.memory_space<vmem_shared>>
      %dma_wait3A_483 = arith.constant 0 : i32
      %dma_wait3A_484 = tpu.memref_slice %arg10[%add3A_480, %dma_wait3A_483] : memref<10008x32xf32, #tpu.memory_space<vmem_shared>> -> memref<40x32xf32, #tpu.memory_space<vmem_shared>>
      tpu.wait_dma2 semaphore(%arg11 : memref<!tpu.dma_semaphore, #tpu.memory_space<semaphore_mem>>) src(%arg9 : memref<40x32xf32, #tpu.memory_space<vmem>>) dst(%dma_wait3A_484 : memref<40x32xf32, #tpu.memory_space<vmem_shared>>)
    } else {
    }
    "tpu.region"() ({
      %run_scoped3A_179 = tpu.sem_alloc : memref<!tpu.dma_semaphore, #tpu.memory_space<semaphore_mem>>
      %dma_start3A_180 = arith.constant 0 : i32
      %dma_start3A_181 = arith.constant 0 : i32
      %dma_start3A_182 = tpu.memref_slice %arg3[%add3A, %dma_start3A_180, %dma_start3A_181] : memref<32x125x80xi32, #tpu.memory_space<hbm>> -> memref<1x125x80xi32, #tpu.memory_space<hbm>>
      %dma_start3A_183 = tpu.memref_squeeze %dma_start3A_182 : memref<1x125x80xi32, #tpu.memory_space<hbm>> -> memref<125x80xi32, #tpu.memory_space<hbm>>
      %dma_start3A_184 = arith.constant 0 : i32
      %dma_start3A_185 = arith.constant 0 : i32
      %dma_start3A_186 = tpu.memref_slice %arg3[%add3A, %dma_start3A_184, %dma_start3A_185] : memref<32x125x80xi32, #tpu.memory_space<hbm>> -> memref<1x125x80xi32, #tpu.memory_space<hbm>>
      %dma_start3A_187 = tpu.memref_squeeze %dma_start3A_186 : memref<1x125x80xi32, #tpu.memory_space<hbm>> -> memref<125x80xi32, #tpu.memory_space<hbm>>
      tpu.enqueue_dma source(%dma_start3A_187 : memref<125x80xi32, #tpu.memory_space<hbm>>) target(%arg6 : memref<125x80xi32, #tpu.memory_space<vmem>>) target_semaphore(%run_scoped3A_179 : memref<!tpu.dma_semaphore, #tpu.memory_space<semaphore_mem>>)
      %dma_wait3A_188 = arith.constant 0 : i32
      %dma_wait3A_189 = arith.constant 0 : i32
      %dma_wait3A_190 = tpu.memref_slice %arg3[%add3A, %dma_wait3A_188, %dma_wait3A_189] : memref<32x125x80xi32, #tpu.memory_space<hbm>> -> memref<1x125x80xi32, #tpu.memory_space<hbm>>
      %dma_wait3A_191 = tpu.memref_squeeze %dma_wait3A_190 : memref<1x125x80xi32, #tpu.memory_space<hbm>> -> memref<125x80xi32, #tpu.memory_space<hbm>>
      %dma_wait3A_192 = arith.constant 0 : i32
      %dma_wait3A_193 = arith.constant 0 : i32
      %dma_wait3A_194 = tpu.memref_slice %arg3[%add3A, %dma_wait3A_192, %dma_wait3A_193] : memref<32x125x80xi32, #tpu.memory_space<hbm>> -> memref<1x125x80xi32, #tpu.memory_space<hbm>>
      %dma_wait3A_195 = tpu.memref_squeeze %dma_wait3A_194 : memref<1x125x80xi32, #tpu.memory_space<hbm>> -> memref<125x80xi32, #tpu.memory_space<hbm>>
      tpu.wait_dma2 semaphore(%run_scoped3A_179 : memref<!tpu.dma_semaphore, #tpu.memory_space<semaphore_mem>>) src(%dma_wait3A_195 : memref<125x80xi32, #tpu.memory_space<hbm>>) dst(%arg6 : memref<125x80xi32, #tpu.memory_space<vmem>>)
      tpu.yield
    }) : () -> ()
    "tpu.region"() ({
      %run_scoped3A_179 = tpu.sem_alloc : memref<!tpu.dma_semaphore, #tpu.memory_space<semaphore_mem>>
      %dma_start3A_180 = arith.constant 0 : i32
      %dma_start3A_181 = arith.constant 0 : i32
      %dma_start3A_182 = tpu.memref_slice %arg4[%add3A, %dma_start3A_180, %dma_start3A_181] : memref<32x125x80xi32, #tpu.memory_space<hbm>> -> memref<1x125x80xi32, #tpu.memory_space<hbm>>
      %dma_start3A_183 = tpu.memref_squeeze %dma_start3A_182 : memref<1x125x80xi32, #tpu.memory_space<hbm>> -> memref<125x80xi32, #tpu.memory_space<hbm>>
      %dma_start3A_184 = arith.constant 0 : i32
      %dma_start3A_185 = arith.constant 0 : i32
      %dma_start3A_186 = tpu.memref_slice %arg4[%add3A, %dma_start3A_184, %dma_start3A_185] : memref<32x125x80xi32, #tpu.memory_space<hbm>> -> memref<1x125x80xi32, #tpu.memory_space<hbm>>
      %dma_start3A_187 = tpu.memref_squeeze %dma_start3A_186 : memref<1x125x80xi32, #tpu.memory_space<hbm>> -> memref<125x80xi32, #tpu.memory_space<hbm>>
      tpu.enqueue_dma source(%dma_start3A_187 : memref<125x80xi32, #tpu.memory_space<hbm>>) target(%arg7 : memref<125x80xi32, #tpu.memory_space<vmem>>) target_semaphore(%run_scoped3A_179 : memref<!tpu.dma_semaphore, #tpu.memory_space<semaphore_mem>>)
      %dma_wait3A_188 = arith.constant 0 : i32
      %dma_wait3A_189 = arith.constant 0 : i32
      %dma_wait3A_190 = tpu.memref_slice %arg4[%add3A, %dma_wait3A_188, %dma_wait3A_189] : memref<32x125x80xi32, #tpu.memory_space<hbm>> -> memref<1x125x80xi32, #tpu.memory_space<hbm>>
      %dma_wait3A_191 = tpu.memref_squeeze %dma_wait3A_190 : memref<1x125x80xi32, #tpu.memory_space<hbm>> -> memref<125x80xi32, #tpu.memory_space<hbm>>
      %dma_wait3A_192 = arith.constant 0 : i32
      %dma_wait3A_193 = arith.constant 0 : i32
      %dma_wait3A_194 = tpu.memref_slice %arg4[%add3A, %dma_wait3A_192, %dma_wait3A_193] : memref<32x125x80xi32, #tpu.memory_space<hbm>> -> memref<1x125x80xi32, #tpu.memory_space<hbm>>
      %dma_wait3A_195 = tpu.memref_squeeze %dma_wait3A_194 : memref<1x125x80xi32, #tpu.memory_space<hbm>> -> memref<125x80xi32, #tpu.memory_space<hbm>>
      tpu.wait_dma2 semaphore(%run_scoped3A_179 : memref<!tpu.dma_semaphore, #tpu.memory_space<semaphore_mem>>) src(%dma_wait3A_195 : memref<125x80xi32, #tpu.memory_space<hbm>>) dst(%arg7 : memref<125x80xi32, #tpu.memory_space<vmem>>)
      tpu.yield
    }) : () -> ()
    %barrier3A = arith.constant 0 : index
    tpu.barrier barrier_id(%barrier3A)
    %dma_start3A = arith.constant 0 : i32
    %dma_start3A_5 = arith.constant 0 : i32
    %dma_start3A_6 = arith.constant 0 : i32
    %dma_start3A_7 = arith.constant 0 : i32
    %dma_start3A_8 = tpu.memref_slice %arg8[%dma_start3A_5, %dma_start3A_6, %dma_start3A_7] : memref<8x80x32xf32, #tpu.memory_space<vmem>> -> memref<1x80x32xf32, #tpu.memory_space<vmem>>
    %dma_start3A_9 = tpu.memref_squeeze %dma_start3A_8 : memref<1x80x32xf32, #tpu.memory_space<vmem>> -> memref<80x32xf32, #tpu.memory_space<vmem>>
    %dma_start3A_10 = arith.constant 0 : i32
    %dma_start3A_11 = tpu.memref_slice %arg6[%dma_start3A, %dma_start3A_10] : memref<125x80xi32, #tpu.memory_space<vmem>> -> memref<1x80xi32, #tpu.memory_space<vmem>>
    %dma_start3A_12 = tpu.memref_squeeze %dma_start3A_11 : memref<1x80xi32, #tpu.memory_space<vmem>> -> memref<80xi32, #tpu.memory_space<vmem>>
    %dma_start3A_13 = arith.constant 0 : i32
    %dma_start3A_14 = arith.constant 0 : i32
    %dma_start3A_15 = tpu.memref_slice %arg2[%dma_start3A_13, %dma_start3A_14] : memref<10000x32xf32, #tpu.memory_space<hbm>> -> memref<10000x32xf32, #tpu.memory_space<hbm>>
    tpu.enqueue_indirect_dma source(%dma_start3A_15 : memref<10000x32xf32, #tpu.memory_space<hbm>>) target(%dma_start3A_9 : memref<80x32xf32, #tpu.memory_space<vmem>>) offsets(%dma_start3A_12 : memref<80xi32, #tpu.memory_space<vmem>>) semaphore(%arg12 : memref<!tpu.dma_semaphore, #tpu.memory_space<semaphore_mem>>)
    %dma_start3A_16 = arith.constant 1 : i32
    %dma_start3A_17 = arith.constant 1 : i32
    %dma_start3A_18 = arith.constant 0 : i32
    %dma_start3A_19 = arith.constant 0 : i32
    %dma_start3A_20 = tpu.memref_slice %arg8[%dma_start3A_17, %dma_start3A_18, %dma_start3A_19] : memref<8x80x32xf32, #tpu.memory_space<vmem>> -> memref<1x80x32xf32, #tpu.memory_space<vmem>>
    %dma_start3A_21 = tpu.memref_squeeze %dma_start3A_20 : memref<1x80x32xf32, #tpu.memory_space<vmem>> -> memref<80x32xf32, #tpu.memory_space<vmem>>
    %dma_start3A_22 = arith.constant 0 : i32
    %dma_start3A_23 = tpu.memref_slice %arg6[%dma_start3A_16, %dma_start3A_22] : memref<125x80xi32, #tpu.memory_space<vmem>> -> memref<1x80xi32, #tpu.memory_space<vmem>>
    %dma_start3A_24 = tpu.memref_squeeze %dma_start3A_23 : memref<1x80xi32, #tpu.memory_space<vmem>> -> memref<80xi32, #tpu.memory_space<vmem>>
    %dma_start3A_25 = arith.constant 0 : i32
    %dma_start3A_26 = arith.constant 0 : i32
    %dma_start3A_27 = tpu.memref_slice %arg2[%dma_start3A_25, %dma_start3A_26] : memref<10000x32xf32, #tpu.memory_space<hbm>> -> memref<10000x32xf32, #tpu.memory_space<hbm>>
    tpu.enqueue_indirect_dma source(%dma_start3A_27 : memref<10000x32xf32, #tpu.memory_space<hbm>>) target(%dma_start3A_21 : memref<80x32xf32, #tpu.memory_space<vmem>>) offsets(%dma_start3A_24 : memref<80xi32, #tpu.memory_space<vmem>>) semaphore(%arg13 : memref<!tpu.dma_semaphore, #tpu.memory_space<semaphore_mem>>)
    %dma_start3A_28 = arith.constant 2 : i32
    %dma_start3A_29 = arith.constant 2 : i32
    %dma_start3A_30 = arith.constant 0 : i32
    %dma_start3A_31 = arith.constant 0 : i32
    %dma_start3A_32 = tpu.memref_slice %arg8[%dma_start3A_29, %dma_start3A_30, %dma_start3A_31] : memref<8x80x32xf32, #tpu.memory_space<vmem>> -> memref<1x80x32xf32, #tpu.memory_space<vmem>>
    %dma_start3A_33 = tpu.memref_squeeze %dma_start3A_32 : memref<1x80x32xf32, #tpu.memory_space<vmem>> -> memref<80x32xf32, #tpu.memory_space<vmem>>
    %dma_start3A_34 = arith.constant 0 : i32
    %dma_start3A_35 = tpu.memref_slice %arg6[%dma_start3A_28, %dma_start3A_34] : memref<125x80xi32, #tpu.memory_space<vmem>> -> memref<1x80xi32, #tpu.memory_space<vmem>>
    %dma_start3A_36 = tpu.memref_squeeze %dma_start3A_35 : memref<1x80xi32, #tpu.memory_space<vmem>> -> memref<80xi32, #tpu.memory_space<vmem>>
    %dma_start3A_37 = arith.constant 0 : i32
    %dma_start3A_38 = arith.constant 0 : i32
    %dma_start3A_39 = tpu.memref_slice %arg2[%dma_start3A_37, %dma_start3A_38] : memref<10000x32xf32, #tpu.memory_space<hbm>> -> memref<10000x32xf32, #tpu.memory_space<hbm>>
    tpu.enqueue_indirect_dma source(%dma_start3A_39 : memref<10000x32xf32, #tpu.memory_space<hbm>>) target(%dma_start3A_33 : memref<80x32xf32, #tpu.memory_space<vmem>>) offsets(%dma_start3A_36 : memref<80xi32, #tpu.memory_space<vmem>>) semaphore(%arg14 : memref<!tpu.dma_semaphore, #tpu.memory_space<semaphore_mem>>)
    %dma_start3A_40 = arith.constant 3 : i32
    %dma_start3A_41 = arith.constant 3 : i32
    %dma_start3A_42 = arith.constant 0 : i32
    %dma_start3A_43 = arith.constant 0 : i32
    %dma_start3A_44 = tpu.memref_slice %arg8[%dma_start3A_41, %dma_start3A_42, %dma_start3A_43] : memref<8x80x32xf32, #tpu.memory_space<vmem>> -> memref<1x80x32xf32, #tpu.memory_space<vmem>>
    %dma_start3A_45 = tpu.memref_squeeze %dma_start3A_44 : memref<1x80x32xf32, #tpu.memory_space<vmem>> -> memref<80x32xf32, #tpu.memory_space<vmem>>
    %dma_start3A_46 = arith.constant 0 : i32
    %dma_start3A_47 = tpu.memref_slice %arg6[%dma_start3A_40, %dma_start3A_46] : memref<125x80xi32, #tpu.memory_space<vmem>> -> memref<1x80xi32, #tpu.memory_space<vmem>>
    %dma_start3A_48 = tpu.memref_squeeze %dma_start3A_47 : memref<1x80xi32, #tpu.memory_space<vmem>> -> memref<80xi32, #tpu.memory_space<vmem>>
    %dma_start3A_49 = arith.constant 0 : i32
    %dma_start3A_50 = arith.constant 0 : i32
    %dma_start3A_51 = tpu.memref_slice %arg2[%dma_start3A_49, %dma_start3A_50] : memref<10000x32xf32, #tpu.memory_space<hbm>> -> memref<10000x32xf32, #tpu.memory_space<hbm>>
    tpu.enqueue_indirect_dma source(%dma_start3A_51 : memref<10000x32xf32, #tpu.memory_space<hbm>>) target(%dma_start3A_45 : memref<80x32xf32, #tpu.memory_space<vmem>>) offsets(%dma_start3A_48 : memref<80xi32, #tpu.memory_space<vmem>>) semaphore(%arg15 : memref<!tpu.dma_semaphore, #tpu.memory_space<semaphore_mem>>)
    %dma_start3A_52 = arith.constant 4 : i32
    %dma_start3A_53 = arith.constant 4 : i32
    %dma_start3A_54 = arith.constant 0 : i32
    %dma_start3A_55 = arith.constant 0 : i32
    %dma_start3A_56 = tpu.memref_slice %arg8[%dma_start3A_53, %dma_start3A_54, %dma_start3A_55] : memref<8x80x32xf32, #tpu.memory_space<vmem>> -> memref<1x80x32xf32, #tpu.memory_space<vmem>>
    %dma_start3A_57 = tpu.memref_squeeze %dma_start3A_56 : memref<1x80x32xf32, #tpu.memory_space<vmem>> -> memref<80x32xf32, #tpu.memory_space<vmem>>
    %dma_start3A_58 = arith.constant 0 : i32
    %dma_start3A_59 = tpu.memref_slice %arg6[%dma_start3A_52, %dma_start3A_58] : memref<125x80xi32, #tpu.memory_space<vmem>> -> memref<1x80xi32, #tpu.memory_space<vmem>>
    %dma_start3A_60 = tpu.memref_squeeze %dma_start3A_59 : memref<1x80xi32, #tpu.memory_space<vmem>> -> memref<80xi32, #tpu.memory_space<vmem>>
    %dma_start3A_61 = arith.constant 0 : i32
    %dma_start3A_62 = arith.constant 0 : i32
    %dma_start3A_63 = tpu.memref_slice %arg2[%dma_start3A_61, %dma_start3A_62] : memref<10000x32xf32, #tpu.memory_space<hbm>> -> memref<10000x32xf32, #tpu.memory_space<hbm>>
    tpu.enqueue_indirect_dma source(%dma_start3A_63 : memref<10000x32xf32, #tpu.memory_space<hbm>>) target(%dma_start3A_57 : memref<80x32xf32, #tpu.memory_space<vmem>>) offsets(%dma_start3A_60 : memref<80xi32, #tpu.memory_space<vmem>>) semaphore(%arg16 : memref<!tpu.dma_semaphore, #tpu.memory_space<semaphore_mem>>)
    %dma_start3A_64 = arith.constant 5 : i32
    %dma_start3A_65 = arith.constant 5 : i32
    %dma_start3A_66 = arith.constant 0 : i32
    %dma_start3A_67 = arith.constant 0 : i32
    %dma_start3A_68 = tpu.memref_slice %arg8[%dma_start3A_65, %dma_start3A_66, %dma_start3A_67] : memref<8x80x32xf32, #tpu.memory_space<vmem>> -> memref<1x80x32xf32, #tpu.memory_space<vmem>>
    %dma_start3A_69 = tpu.memref_squeeze %dma_start3A_68 : memref<1x80x32xf32, #tpu.memory_space<vmem>> -> memref<80x32xf32, #tpu.memory_space<vmem>>
    %dma_start3A_70 = arith.constant 0 : i32
    %dma_start3A_71 = tpu.memref_slice %arg6[%dma_start3A_64, %dma_start3A_70] : memref<125x80xi32, #tpu.memory_space<vmem>> -> memref<1x80xi32, #tpu.memory_space<vmem>>
    %dma_start3A_72 = tpu.memref_squeeze %dma_start3A_71 : memref<1x80xi32, #tpu.memory_space<vmem>> -> memref<80xi32, #tpu.memory_space<vmem>>
    %dma_start3A_73 = arith.constant 0 : i32
    %dma_start3A_74 = arith.constant 0 : i32
    %dma_start3A_75 = tpu.memref_slice %arg2[%dma_start3A_73, %dma_start3A_74] : memref<10000x32xf32, #tpu.memory_space<hbm>> -> memref<10000x32xf32, #tpu.memory_space<hbm>>
    tpu.enqueue_indirect_dma source(%dma_start3A_75 : memref<10000x32xf32, #tpu.memory_space<hbm>>) target(%dma_start3A_69 : memref<80x32xf32, #tpu.memory_space<vmem>>) offsets(%dma_start3A_72 : memref<80xi32, #tpu.memory_space<vmem>>) semaphore(%arg17 : memref<!tpu.dma_semaphore, #tpu.memory_space<semaphore_mem>>)
    %dma_start3A_76 = arith.constant 6 : i32
    %dma_start3A_77 = arith.constant 6 : i32
    %dma_start3A_78 = arith.constant 0 : i32
    %dma_start3A_79 = arith.constant 0 : i32
    %dma_start3A_80 = tpu.memref_slice %arg8[%dma_start3A_77, %dma_start3A_78, %dma_start3A_79] : memref<8x80x32xf32, #tpu.memory_space<vmem>> -> memref<1x80x32xf32, #tpu.memory_space<vmem>>
    %dma_start3A_81 = tpu.memref_squeeze %dma_start3A_80 : memref<1x80x32xf32, #tpu.memory_space<vmem>> -> memref<80x32xf32, #tpu.memory_space<vmem>>
    %dma_start3A_82 = arith.constant 0 : i32
    %dma_start3A_83 = tpu.memref_slice %arg6[%dma_start3A_76, %dma_start3A_82] : memref<125x80xi32, #tpu.memory_space<vmem>> -> memref<1x80xi32, #tpu.memory_space<vmem>>
    %dma_start3A_84 = tpu.memref_squeeze %dma_start3A_83 : memref<1x80xi32, #tpu.memory_space<vmem>> -> memref<80xi32, #tpu.memory_space<vmem>>
    %dma_start3A_85 = arith.constant 0 : i32
    %dma_start3A_86 = arith.constant 0 : i32
    %dma_start3A_87 = tpu.memref_slice %arg2[%dma_start3A_85, %dma_start3A_86] : memref<10000x32xf32, #tpu.memory_space<hbm>> -> memref<10000x32xf32, #tpu.memory_space<hbm>>
    tpu.enqueue_indirect_dma source(%dma_start3A_87 : memref<10000x32xf32, #tpu.memory_space<hbm>>) target(%dma_start3A_81 : memref<80x32xf32, #tpu.memory_space<vmem>>) offsets(%dma_start3A_84 : memref<80xi32, #tpu.memory_space<vmem>>) semaphore(%arg18 : memref<!tpu.dma_semaphore, #tpu.memory_space<semaphore_mem>>)
    %dma_start3A_88 = arith.constant 7 : i32
    %dma_start3A_89 = arith.constant 7 : i32
    %dma_start3A_90 = arith.constant 0 : i32
    %dma_start3A_91 = arith.constant 0 : i32
    %dma_start3A_92 = tpu.memref_slice %arg8[%dma_start3A_89, %dma_start3A_90, %dma_start3A_91] : memref<8x80x32xf32, #tpu.memory_space<vmem>> -> memref<1x80x32xf32, #tpu.memory_space<vmem>>
    %dma_start3A_93 = tpu.memref_squeeze %dma_start3A_92 : memref<1x80x32xf32, #tpu.memory_space<vmem>> -> memref<80x32xf32, #tpu.memory_space<vmem>>
    %dma_start3A_94 = arith.constant 0 : i32
    %dma_start3A_95 = tpu.memref_slice %arg6[%dma_start3A_88, %dma_start3A_94] : memref<125x80xi32, #tpu.memory_space<vmem>> -> memref<1x80xi32, #tpu.memory_space<vmem>>
    %dma_start3A_96 = tpu.memref_squeeze %dma_start3A_95 : memref<1x80xi32, #tpu.memory_space<vmem>> -> memref<80xi32, #tpu.memory_space<vmem>>
    %dma_start3A_97 = arith.constant 0 : i32
    %dma_start3A_98 = arith.constant 0 : i32
    %dma_start3A_99 = tpu.memref_slice %arg2[%dma_start3A_97, %dma_start3A_98] : memref<10000x32xf32, #tpu.memory_space<hbm>> -> memref<10000x32xf32, #tpu.memory_space<hbm>>
    tpu.enqueue_indirect_dma source(%dma_start3A_99 : memref<10000x32xf32, #tpu.memory_space<hbm>>) target(%dma_start3A_93 : memref<80x32xf32, #tpu.memory_space<vmem>>) offsets(%dma_start3A_96 : memref<80xi32, #tpu.memory_space<vmem>>) semaphore(%arg19 : memref<!tpu.dma_semaphore, #tpu.memory_space<semaphore_mem>>)
    %scan3A = arith.constant 0 : i32
    %scan3A_100 = arith.constant 0 : i32
    %scan3A_101 = arith.constant 15 : i32
    %scan3A_102 = arith.addi %scan3A_100, %scan3A_101 : i32
    %scan3A_103 = arith.constant 1 : i32
    scf.for %scan3A_179 = %scan3A_100 to %scan3A_102 step %scan3A_103  : i32 {
      %mul3A_180 = arith.constant 8 : i32
      %mul3A_181 = arith.muli %scan3A_179, %mul3A_180 : i32
      %add3A_182 = arith.constant 0 : i32
      %add3A_183 = arith.addi %mul3A_181, %add3A_182 : i32
      %dma_wait3A_184 = arith.constant 0 : i32
      %dma_wait3A_185 = arith.constant 0 : i32
      %dma_wait3A_186 = arith.constant 0 : i32
      %dma_wait3A_187 = tpu.memref_slice %arg8[%dma_wait3A_184, %dma_wait3A_185, %dma_wait3A_186] : memref<8x80x32xf32, #tpu.memory_space<vmem>> -> memref<1x80x32xf32, #tpu.memory_space<vmem>>
      %dma_wait3A_188 = tpu.memref_squeeze %dma_wait3A_187 : memref<1x80x32xf32, #tpu.memory_space<vmem>> -> memref<80x32xf32, #tpu.memory_space<vmem>>
      %dma_wait3A_189 = arith.constant 0 : i32
      %dma_wait3A_190 = tpu.memref_slice %arg6[%add3A_183, %dma_wait3A_189] : memref<125x80xi32, #tpu.memory_space<vmem>> -> memref<1x80xi32, #tpu.memory_space<vmem>>
      %dma_wait3A_191 = tpu.memref_squeeze %dma_wait3A_190 : memref<1x80xi32, #tpu.memory_space<vmem>> -> memref<80xi32, #tpu.memory_space<vmem>>
      %dma_wait3A_192 = arith.constant 0 : i32
      %dma_wait3A_193 = arith.constant 0 : i32
      %dma_wait3A_194 = tpu.memref_slice %arg2[%dma_wait3A_192, %dma_wait3A_193] : memref<10000x32xf32, #tpu.memory_space<hbm>> -> memref<10000x32xf32, #tpu.memory_space<hbm>>
      tpu.wait_indirect_dma semaphore(%arg12 : memref<!tpu.dma_semaphore, #tpu.memory_space<semaphore_mem>>) src(%dma_wait3A_194 : memref<10000x32xf32, #tpu.memory_space<hbm>>) dst(%dma_wait3A_188 : memref<80x32xf32, #tpu.memory_space<vmem>>)
      %run_scoped3A_195 = arith.constant 0 : i32
      "tpu.region"() ({
        %run_scoped3A_364 = tpu.sem_alloc : memref<!tpu.dma_semaphore, #tpu.memory_space<semaphore_mem>>
        %dma_start3A_365 = arith.constant 0 : i32
        %dma_start3A_366 = arith.constant 0 : i32
        %dma_start3A_367 = tpu.memref_slice %arg8[%run_scoped3A_195, %dma_start3A_365, %dma_start3A_366] : memref<8x80x32xf32, #tpu.memory_space<vmem>> -> memref<1x80x32xf32, #tpu.memory_space<vmem>>
        %dma_start3A_368 = tpu.memref_squeeze %dma_start3A_367 : memref<1x80x32xf32, #tpu.memory_space<vmem>> -> memref<80x32xf32, #tpu.memory_space<vmem>>
        %dma_start3A_369 = arith.constant 0 : i32
        %dma_start3A_370 = tpu.memref_slice %arg7[%add3A_183, %dma_start3A_369] : memref<125x80xi32, #tpu.memory_space<vmem>> -> memref<1x80xi32, #tpu.memory_space<vmem>>
        %dma_start3A_371 = tpu.memref_squeeze %dma_start3A_370 : memref<1x80xi32, #tpu.memory_space<vmem>> -> memref<80xi32, #tpu.memory_space<vmem>>
        %dma_start3A_372 = arith.constant 0 : i32
        %dma_start3A_373 = arith.constant 0 : i32
        %dma_start3A_374 = tpu.memref_slice %arg10[%dma_start3A_372, %dma_start3A_373] : memref<10008x32xf32, #tpu.memory_space<vmem_shared>> -> memref<10008x32xf32, #tpu.memory_space<vmem_shared>>
        tpu.enqueue_indirect_dma source(%dma_start3A_368 : memref<80x32xf32, #tpu.memory_space<vmem>>) target(%dma_start3A_374 : memref<10008x32xf32, #tpu.memory_space<vmem_shared>>) offsets(%dma_start3A_371 : memref<80xi32, #tpu.memory_space<vmem>>) semaphore(%run_scoped3A_364 : memref<!tpu.dma_semaphore, #tpu.memory_space<semaphore_mem>>) {add = true}
        %dma_wait3A_375 = arith.constant 0 : i32
        %dma_wait3A_376 = arith.constant 0 : i32
        %dma_wait3A_377 = tpu.memref_slice %arg8[%run_scoped3A_195, %dma_wait3A_375, %dma_wait3A_376] : memref<8x80x32xf32, #tpu.memory_space<vmem>> -> memref<1x80x32xf32, #tpu.memory_space<vmem>>
        %dma_wait3A_378 = tpu.memref_squeeze %dma_wait3A_377 : memref<1x80x32xf32, #tpu.memory_space<vmem>> -> memref<80x32xf32, #tpu.memory_space<vmem>>
        %dma_wait3A_379 = arith.constant 0 : i32
        %dma_wait3A_380 = tpu.memref_slice %arg7[%add3A_183, %dma_wait3A_379] : memref<125x80xi32, #tpu.memory_space<vmem>> -> memref<1x80xi32, #tpu.memory_space<vmem>>
        %dma_wait3A_381 = tpu.memref_squeeze %dma_wait3A_380 : memref<1x80xi32, #tpu.memory_space<vmem>> -> memref<80xi32, #tpu.memory_space<vmem>>
        %dma_wait3A_382 = arith.constant 0 : i32
        %dma_wait3A_383 = arith.constant 0 : i32
        %dma_wait3A_384 = tpu.memref_slice %arg10[%dma_wait3A_382, %dma_wait3A_383] : memref<10008x32xf32, #tpu.memory_space<vmem_shared>> -> memref<10008x32xf32, #tpu.memory_space<vmem_shared>>
        tpu.wait_indirect_dma semaphore(%run_scoped3A_364 : memref<!tpu.dma_semaphore, #tpu.memory_space<semaphore_mem>>) src(%dma_wait3A_378 : memref<80x32xf32, #tpu.memory_space<vmem>>) dst(%dma_wait3A_384 : memref<10008x32xf32, #tpu.memory_space<vmem_shared>>)
        tpu.yield
      }) : () -> ()
      %add3A_196 = arith.constant 8 : i32
      %add3A_197 = arith.addi %add3A_183, %add3A_196 : i32
      %lt3A_198 = arith.constant 125 : i32
      %lt3A_199 = arith.cmpi slt, %add3A_197, %lt3A_198 : i32
      %convert_element_type3A_200 = arith.extui %lt3A_199 : i1 to i32
      %cond3A_201 = arith.constant 0 : i32
      %cond3A_202 = arith.cmpi ne, %convert_element_type3A_200, %cond3A_201 : i32
      scf.if %cond3A_202 {
        %add3A_364 = arith.constant 8 : i32
        %add3A_365 = arith.addi %add3A_183, %add3A_364 : i32
        %dma_start3A_366 = arith.constant 0 : i32
        %dma_start3A_367 = arith.constant 0 : i32
        %dma_start3A_368 = arith.constant 0 : i32
        %dma_start3A_369 = tpu.memref_slice %arg8[%dma_start3A_366, %dma_start3A_367, %dma_start3A_368] : memref<8x80x32xf32, #tpu.memory_space<vmem>> -> memref<1x80x32xf32, #tpu.memory_space<vmem>>
        %dma_start3A_370 = tpu.memref_squeeze %dma_start3A_369 : memref<1x80x32xf32, #tpu.memory_space<vmem>> -> memref<80x32xf32, #tpu.memory_space<vmem>>
        %dma_start3A_371 = arith.constant 0 : i32
        %dma_start3A_372 = tpu.memref_slice %arg6[%add3A_365, %dma_start3A_371] : memref<125x80xi32, #tpu.memory_space<vmem>> -> memref<1x80xi32, #tpu.memory_space<vmem>>
        %dma_start3A_373 = tpu.memref_squeeze %dma_start3A_372 : memref<1x80xi32, #tpu.memory_space<vmem>> -> memref<80xi32, #tpu.memory_space<vmem>>
        %dma_start3A_374 = arith.constant 0 : i32
        %dma_start3A_375 = arith.constant 0 : i32
        %dma_start3A_376 = tpu.memref_slice %arg2[%dma_start3A_374, %dma_start3A_375] : memref<10000x32xf32, #tpu.memory_space<hbm>> -> memref<10000x32xf32, #tpu.memory_space<hbm>>
        tpu.enqueue_indirect_dma source(%dma_start3A_376 : memref<10000x32xf32, #tpu.memory_space<hbm>>) target(%dma_start3A_370 : memref<80x32xf32, #tpu.memory_space<vmem>>) offsets(%dma_start3A_373 : memref<80xi32, #tpu.memory_space<vmem>>) semaphore(%arg12 : memref<!tpu.dma_semaphore, #tpu.memory_space<semaphore_mem>>)
      } else {
      }
      %mul3A_203 = arith.constant 8 : i32
      %mul3A_204 = arith.muli %scan3A_179, %mul3A_203 : i32
      %add3A_205 = arith.constant 1 : i32
      %add3A_206 = arith.addi %mul3A_204, %add3A_205 : i32
      %dma_wait3A_207 = arith.constant 1 : i32
      %dma_wait3A_208 = arith.constant 0 : i32
      %dma_wait3A_209 = arith.constant 0 : i32
      %dma_wait3A_210 = tpu.memref_slice %arg8[%dma_wait3A_207, %dma_wait3A_208, %dma_wait3A_209] : memref<8x80x32xf32, #tpu.memory_space<vmem>> -> memref<1x80x32xf32, #tpu.memory_space<vmem>>
      %dma_wait3A_211 = tpu.memref_squeeze %dma_wait3A_210 : memref<1x80x32xf32, #tpu.memory_space<vmem>> -> memref<80x32xf32, #tpu.memory_space<vmem>>
      %dma_wait3A_212 = arith.constant 0 : i32
      %dma_wait3A_213 = tpu.memref_slice %arg6[%add3A_206, %dma_wait3A_212] : memref<125x80xi32, #tpu.memory_space<vmem>> -> memref<1x80xi32, #tpu.memory_space<vmem>>
      %dma_wait3A_214 = tpu.memref_squeeze %dma_wait3A_213 : memref<1x80xi32, #tpu.memory_space<vmem>> -> memref<80xi32, #tpu.memory_space<vmem>>
      %dma_wait3A_215 = arith.constant 0 : i32
      %dma_wait3A_216 = arith.constant 0 : i32
      %dma_wait3A_217 = tpu.memref_slice %arg2[%dma_wait3A_215, %dma_wait3A_216] : memref<10000x32xf32, #tpu.memory_space<hbm>> -> memref<10000x32xf32, #tpu.memory_space<hbm>>
      tpu.wait_indirect_dma semaphore(%arg13 : memref<!tpu.dma_semaphore, #tpu.memory_space<semaphore_mem>>) src(%dma_wait3A_217 : memref<10000x32xf32, #tpu.memory_space<hbm>>) dst(%dma_wait3A_211 : memref<80x32xf32, #tpu.memory_space<vmem>>)
      %run_scoped3A_218 = arith.constant 1 : i32
      "tpu.region"() ({
        %run_scoped3A_364 = tpu.sem_alloc : memref<!tpu.dma_semaphore, #tpu.memory_space<semaphore_mem>>
        %dma_start3A_365 = arith.constant 0 : i32
        %dma_start3A_366 = arith.constant 0 : i32
        %dma_start3A_367 = tpu.memref_slice %arg8[%run_scoped3A_218, %dma_start3A_365, %dma_start3A_366] : memref<8x80x32xf32, #tpu.memory_space<vmem>> -> memref<1x80x32xf32, #tpu.memory_space<vmem>>
        %dma_start3A_368 = tpu.memref_squeeze %dma_start3A_367 : memref<1x80x32xf32, #tpu.memory_space<vmem>> -> memref<80x32xf32, #tpu.memory_space<vmem>>
        %dma_start3A_369 = arith.constant 0 : i32
        %dma_start3A_370 = tpu.memref_slice %arg7[%add3A_206, %dma_start3A_369] : memref<125x80xi32, #tpu.memory_space<vmem>> -> memref<1x80xi32, #tpu.memory_space<vmem>>
        %dma_start3A_371 = tpu.memref_squeeze %dma_start3A_370 : memref<1x80xi32, #tpu.memory_space<vmem>> -> memref<80xi32, #tpu.memory_space<vmem>>
        %dma_start3A_372 = arith.constant 0 : i32
        %dma_start3A_373 = arith.constant 0 : i32
        %dma_start3A_374 = tpu.memref_slice %arg10[%dma_start3A_372, %dma_start3A_373] : memref<10008x32xf32, #tpu.memory_space<vmem_shared>> -> memref<10008x32xf32, #tpu.memory_space<vmem_shared>>
        tpu.enqueue_indirect_dma source(%dma_start3A_368 : memref<80x32xf32, #tpu.memory_space<vmem>>) target(%dma_start3A_374 : memref<10008x32xf32, #tpu.memory_space<vmem_shared>>) offsets(%dma_start3A_371 : memref<80xi32, #tpu.memory_space<vmem>>) semaphore(%run_scoped3A_364 : memref<!tpu.dma_semaphore, #tpu.memory_space<semaphore_mem>>) {add = true}
        %dma_wait3A_375 = arith.constant 0 : i32
        %dma_wait3A_376 = arith.constant 0 : i32
        %dma_wait3A_377 = tpu.memref_slice %arg8[%run_scoped3A_218, %dma_wait3A_375, %dma_wait3A_376] : memref<8x80x32xf32, #tpu.memory_space<vmem>> -> memref<1x80x32xf32, #tpu.memory_space<vmem>>
        %dma_wait3A_378 = tpu.memref_squeeze %dma_wait3A_377 : memref<1x80x32xf32, #tpu.memory_space<vmem>> -> memref<80x32xf32, #tpu.memory_space<vmem>>
        %dma_wait3A_379 = arith.constant 0 : i32
        %dma_wait3A_380 = tpu.memref_slice %arg7[%add3A_206, %dma_wait3A_379] : memref<125x80xi32, #tpu.memory_space<vmem>> -> memref<1x80xi32, #tpu.memory_space<vmem>>
        %dma_wait3A_381 = tpu.memref_squeeze %dma_wait3A_380 : memref<1x80xi32, #tpu.memory_space<vmem>> -> memref<80xi32, #tpu.memory_space<vmem>>
        %dma_wait3A_382 = arith.constant 0 : i32
        %dma_wait3A_383 = arith.constant 0 : i32
        %dma_wait3A_384 = tpu.memref_slice %arg10[%dma_wait3A_382, %dma_wait3A_383] : memref<10008x32xf32, #tpu.memory_space<vmem_shared>> -> memref<10008x32xf32, #tpu.memory_space<vmem_shared>>
        tpu.wait_indirect_dma semaphore(%run_scoped3A_364 : memref<!tpu.dma_semaphore, #tpu.memory_space<semaphore_mem>>) src(%dma_wait3A_378 : memref<80x32xf32, #tpu.memory_space<vmem>>) dst(%dma_wait3A_384 : memref<10008x32xf32, #tpu.memory_space<vmem_shared>>)
        tpu.yield
      }) : () -> ()
      %add3A_219 = arith.constant 8 : i32
      %add3A_220 = arith.addi %add3A_206, %add3A_219 : i32
      %lt3A_221 = arith.constant 125 : i32
      %lt3A_222 = arith.cmpi slt, %add3A_220, %lt3A_221 : i32
      %convert_element_type3A_223 = arith.extui %lt3A_222 : i1 to i32
      %cond3A_224 = arith.constant 0 : i32
      %cond3A_225 = arith.cmpi ne, %convert_element_type3A_223, %cond3A_224 : i32
      scf.if %cond3A_225 {
        %add3A_364 = arith.constant 8 : i32
        %add3A_365 = arith.addi %add3A_206, %add3A_364 : i32
        %dma_start3A_366 = arith.constant 1 : i32
        %dma_start3A_367 = arith.constant 0 : i32
        %dma_start3A_368 = arith.constant 0 : i32
        %dma_start3A_369 = tpu.memref_slice %arg8[%dma_start3A_366, %dma_start3A_367, %dma_start3A_368] : memref<8x80x32xf32, #tpu.memory_space<vmem>> -> memref<1x80x32xf32, #tpu.memory_space<vmem>>
        %dma_start3A_370 = tpu.memref_squeeze %dma_start3A_369 : memref<1x80x32xf32, #tpu.memory_space<vmem>> -> memref<80x32xf32, #tpu.memory_space<vmem>>
        %dma_start3A_371 = arith.constant 0 : i32
        %dma_start3A_372 = tpu.memref_slice %arg6[%add3A_365, %dma_start3A_371] : memref<125x80xi32, #tpu.memory_space<vmem>> -> memref<1x80xi32, #tpu.memory_space<vmem>>
        %dma_start3A_373 = tpu.memref_squeeze %dma_start3A_372 : memref<1x80xi32, #tpu.memory_space<vmem>> -> memref<80xi32, #tpu.memory_space<vmem>>
        %dma_start3A_374 = arith.constant 0 : i32
        %dma_start3A_375 = arith.constant 0 : i32
        %dma_start3A_376 = tpu.memref_slice %arg2[%dma_start3A_374, %dma_start3A_375] : memref<10000x32xf32, #tpu.memory_space<hbm>> -> memref<10000x32xf32, #tpu.memory_space<hbm>>
        tpu.enqueue_indirect_dma source(%dma_start3A_376 : memref<10000x32xf32, #tpu.memory_space<hbm>>) target(%dma_start3A_370 : memref<80x32xf32, #tpu.memory_space<vmem>>) offsets(%dma_start3A_373 : memref<80xi32, #tpu.memory_space<vmem>>) semaphore(%arg13 : memref<!tpu.dma_semaphore, #tpu.memory_space<semaphore_mem>>)
      } else {
      }
      %mul3A_226 = arith.constant 8 : i32
      %mul3A_227 = arith.muli %scan3A_179, %mul3A_226 : i32
      %add3A_228 = arith.constant 2 : i32
      %add3A_229 = arith.addi %mul3A_227, %add3A_228 : i32
      %dma_wait3A_230 = arith.constant 2 : i32
      %dma_wait3A_231 = arith.constant 0 : i32
      %dma_wait3A_232 = arith.constant 0 : i32
      %dma_wait3A_233 = tpu.memref_slice %arg8[%dma_wait3A_230, %dma_wait3A_231, %dma_wait3A_232] : memref<8x80x32xf32, #tpu.memory_space<vmem>> -> memref<1x80x32xf32, #tpu.memory_space<vmem>>
      %dma_wait3A_234 = tpu.memref_squeeze %dma_wait3A_233 : memref<1x80x32xf32, #tpu.memory_space<vmem>> -> memref<80x32xf32, #tpu.memory_space<vmem>>
      %dma_wait3A_235 = arith.constant 0 : i32
      %dma_wait3A_236 = tpu.memref_slice %arg6[%add3A_229, %dma_wait3A_235] : memref<125x80xi32, #tpu.memory_space<vmem>> -> memref<1x80xi32, #tpu.memory_space<vmem>>
      %dma_wait3A_237 = tpu.memref_squeeze %dma_wait3A_236 : memref<1x80xi32, #tpu.memory_space<vmem>> -> memref<80xi32, #tpu.memory_space<vmem>>
      %dma_wait3A_238 = arith.constant 0 : i32
      %dma_wait3A_239 = arith.constant 0 : i32
      %dma_wait3A_240 = tpu.memref_slice %arg2[%dma_wait3A_238, %dma_wait3A_239] : memref<10000x32xf32, #tpu.memory_space<hbm>> -> memref<10000x32xf32, #tpu.memory_space<hbm>>
      tpu.wait_indirect_dma semaphore(%arg14 : memref<!tpu.dma_semaphore, #tpu.memory_space<semaphore_mem>>) src(%dma_wait3A_240 : memref<10000x32xf32, #tpu.memory_space<hbm>>) dst(%dma_wait3A_234 : memref<80x32xf32, #tpu.memory_space<vmem>>)
      %run_scoped3A_241 = arith.constant 2 : i32
      "tpu.region"() ({
        %run_scoped3A_364 = tpu.sem_alloc : memref<!tpu.dma_semaphore, #tpu.memory_space<semaphore_mem>>
        %dma_start3A_365 = arith.constant 0 : i32
        %dma_start3A_366 = arith.constant 0 : i32
        %dma_start3A_367 = tpu.memref_slice %arg8[%run_scoped3A_241, %dma_start3A_365, %dma_start3A_366] : memref<8x80x32xf32, #tpu.memory_space<vmem>> -> memref<1x80x32xf32, #tpu.memory_space<vmem>>
        %dma_start3A_368 = tpu.memref_squeeze %dma_start3A_367 : memref<1x80x32xf32, #tpu.memory_space<vmem>> -> memref<80x32xf32, #tpu.memory_space<vmem>>
        %dma_start3A_369 = arith.constant 0 : i32
        %dma_start3A_370 = tpu.memref_slice %arg7[%add3A_229, %dma_start3A_369] : memref<125x80xi32, #tpu.memory_space<vmem>> -> memref<1x80xi32, #tpu.memory_space<vmem>>
        %dma_start3A_371 = tpu.memref_squeeze %dma_start3A_370 : memref<1x80xi32, #tpu.memory_space<vmem>> -> memref<80xi32, #tpu.memory_space<vmem>>
        %dma_start3A_372 = arith.constant 0 : i32
        %dma_start3A_373 = arith.constant 0 : i32
        %dma_start3A_374 = tpu.memref_slice %arg10[%dma_start3A_372, %dma_start3A_373] : memref<10008x32xf32, #tpu.memory_space<vmem_shared>> -> memref<10008x32xf32, #tpu.memory_space<vmem_shared>>
        tpu.enqueue_indirect_dma source(%dma_start3A_368 : memref<80x32xf32, #tpu.memory_space<vmem>>) target(%dma_start3A_374 : memref<10008x32xf32, #tpu.memory_space<vmem_shared>>) offsets(%dma_start3A_371 : memref<80xi32, #tpu.memory_space<vmem>>) semaphore(%run_scoped3A_364 : memref<!tpu.dma_semaphore, #tpu.memory_space<semaphore_mem>>) {add = true}
        %dma_wait3A_375 = arith.constant 0 : i32
        %dma_wait3A_376 = arith.constant 0 : i32
        %dma_wait3A_377 = tpu.memref_slice %arg8[%run_scoped3A_241, %dma_wait3A_375, %dma_wait3A_376] : memref<8x80x32xf32, #tpu.memory_space<vmem>> -> memref<1x80x32xf32, #tpu.memory_space<vmem>>
        %dma_wait3A_378 = tpu.memref_squeeze %dma_wait3A_377 : memref<1x80x32xf32, #tpu.memory_space<vmem>> -> memref<80x32xf32, #tpu.memory_space<vmem>>
        %dma_wait3A_379 = arith.constant 0 : i32
        %dma_wait3A_380 = tpu.memref_slice %arg7[%add3A_229, %dma_wait3A_379] : memref<125x80xi32, #tpu.memory_space<vmem>> -> memref<1x80xi32, #tpu.memory_space<vmem>>
        %dma_wait3A_381 = tpu.memref_squeeze %dma_wait3A_380 : memref<1x80xi32, #tpu.memory_space<vmem>> -> memref<80xi32, #tpu.memory_space<vmem>>
        %dma_wait3A_382 = arith.constant 0 : i32
        %dma_wait3A_383 = arith.constant 0 : i32
        %dma_wait3A_384 = tpu.memref_slice %arg10[%dma_wait3A_382, %dma_wait3A_383] : memref<10008x32xf32, #tpu.memory_space<vmem_shared>> -> memref<10008x32xf32, #tpu.memory_space<vmem_shared>>
        tpu.wait_indirect_dma semaphore(%run_scoped3A_364 : memref<!tpu.dma_semaphore, #tpu.memory_space<semaphore_mem>>) src(%dma_wait3A_378 : memref<80x32xf32, #tpu.memory_space<vmem>>) dst(%dma_wait3A_384 : memref<10008x32xf32, #tpu.memory_space<vmem_shared>>)
        tpu.yield
      }) : () -> ()
      %add3A_242 = arith.constant 8 : i32
      %add3A_243 = arith.addi %add3A_229, %add3A_242 : i32
      %lt3A_244 = arith.constant 125 : i32
      %lt3A_245 = arith.cmpi slt, %add3A_243, %lt3A_244 : i32
      %convert_element_type3A_246 = arith.extui %lt3A_245 : i1 to i32
      %cond3A_247 = arith.constant 0 : i32
      %cond3A_248 = arith.cmpi ne, %convert_element_type3A_246, %cond3A_247 : i32
      scf.if %cond3A_248 {
        %add3A_364 = arith.constant 8 : i32
        %add3A_365 = arith.addi %add3A_229, %add3A_364 : i32
        %dma_start3A_366 = arith.constant 2 : i32
        %dma_start3A_367 = arith.constant 0 : i32
        %dma_start3A_368 = arith.constant 0 : i32
        %dma_start3A_369 = tpu.memref_slice %arg8[%dma_start3A_366, %dma_start3A_367, %dma_start3A_368] : memref<8x80x32xf32, #tpu.memory_space<vmem>> -> memref<1x80x32xf32, #tpu.memory_space<vmem>>
        %dma_start3A_370 = tpu.memref_squeeze %dma_start3A_369 : memref<1x80x32xf32, #tpu.memory_space<vmem>> -> memref<80x32xf32, #tpu.memory_space<vmem>>
        %dma_start3A_371 = arith.constant 0 : i32
        %dma_start3A_372 = tpu.memref_slice %arg6[%add3A_365, %dma_start3A_371] : memref<125x80xi32, #tpu.memory_space<vmem>> -> memref<1x80xi32, #tpu.memory_space<vmem>>
        %dma_start3A_373 = tpu.memref_squeeze %dma_start3A_372 : memref<1x80xi32, #tpu.memory_space<vmem>> -> memref<80xi32, #tpu.memory_space<vmem>>
        %dma_start3A_374 = arith.constant 0 : i32
        %dma_start3A_375 = arith.constant 0 : i32
        %dma_start3A_376 = tpu.memref_slice %arg2[%dma_start3A_374, %dma_start3A_375] : memref<10000x32xf32, #tpu.memory_space<hbm>> -> memref<10000x32xf32, #tpu.memory_space<hbm>>
        tpu.enqueue_indirect_dma source(%dma_start3A_376 : memref<10000x32xf32, #tpu.memory_space<hbm>>) target(%dma_start3A_370 : memref<80x32xf32, #tpu.memory_space<vmem>>) offsets(%dma_start3A_373 : memref<80xi32, #tpu.memory_space<vmem>>) semaphore(%arg14 : memref<!tpu.dma_semaphore, #tpu.memory_space<semaphore_mem>>)
      } else {
      }
      %mul3A_249 = arith.constant 8 : i32
      %mul3A_250 = arith.muli %scan3A_179, %mul3A_249 : i32
      %add3A_251 = arith.constant 3 : i32
      %add3A_252 = arith.addi %mul3A_250, %add3A_251 : i32
      %dma_wait3A_253 = arith.constant 3 : i32
      %dma_wait3A_254 = arith.constant 0 : i32
      %dma_wait3A_255 = arith.constant 0 : i32
      %dma_wait3A_256 = tpu.memref_slice %arg8[%dma_wait3A_253, %dma_wait3A_254, %dma_wait3A_255] : memref<8x80x32xf32, #tpu.memory_space<vmem>> -> memref<1x80x32xf32, #tpu.memory_space<vmem>>
      %dma_wait3A_257 = tpu.memref_squeeze %dma_wait3A_256 : memref<1x80x32xf32, #tpu.memory_space<vmem>> -> memref<80x32xf32, #tpu.memory_space<vmem>>
      %dma_wait3A_258 = arith.constant 0 : i32
      %dma_wait3A_259 = tpu.memref_slice %arg6[%add3A_252, %dma_wait3A_258] : memref<125x80xi32, #tpu.memory_space<vmem>> -> memref<1x80xi32, #tpu.memory_space<vmem>>
      %dma_wait3A_260 = tpu.memref_squeeze %dma_wait3A_259 : memref<1x80xi32, #tpu.memory_space<vmem>> -> memref<80xi32, #tpu.memory_space<vmem>>
      %dma_wait3A_261 = arith.constant 0 : i32
      %dma_wait3A_262 = arith.constant 0 : i32
      %dma_wait3A_263 = tpu.memref_slice %arg2[%dma_wait3A_261, %dma_wait3A_262] : memref<10000x32xf32, #tpu.memory_space<hbm>> -> memref<10000x32xf32, #tpu.memory_space<hbm>>
      tpu.wait_indirect_dma semaphore(%arg15 : memref<!tpu.dma_semaphore, #tpu.memory_space<semaphore_mem>>) src(%dma_wait3A_263 : memref<10000x32xf32, #tpu.memory_space<hbm>>) dst(%dma_wait3A_257 : memref<80x32xf32, #tpu.memory_space<vmem>>)
      %run_scoped3A_264 = arith.constant 3 : i32
      "tpu.region"() ({
        %run_scoped3A_364 = tpu.sem_alloc : memref<!tpu.dma_semaphore, #tpu.memory_space<semaphore_mem>>
        %dma_start3A_365 = arith.constant 0 : i32
        %dma_start3A_366 = arith.constant 0 : i32
        %dma_start3A_367 = tpu.memref_slice %arg8[%run_scoped3A_264, %dma_start3A_365, %dma_start3A_366] : memref<8x80x32xf32, #tpu.memory_space<vmem>> -> memref<1x80x32xf32, #tpu.memory_space<vmem>>
        %dma_start3A_368 = tpu.memref_squeeze %dma_start3A_367 : memref<1x80x32xf32, #tpu.memory_space<vmem>> -> memref<80x32xf32, #tpu.memory_space<vmem>>
        %dma_start3A_369 = arith.constant 0 : i32
        %dma_start3A_370 = tpu.memref_slice %arg7[%add3A_252, %dma_start3A_369] : memref<125x80xi32, #tpu.memory_space<vmem>> -> memref<1x80xi32, #tpu.memory_space<vmem>>
        %dma_start3A_371 = tpu.memref_squeeze %dma_start3A_370 : memref<1x80xi32, #tpu.memory_space<vmem>> -> memref<80xi32, #tpu.memory_space<vmem>>
        %dma_start3A_372 = arith.constant 0 : i32
        %dma_start3A_373 = arith.constant 0 : i32
        %dma_start3A_374 = tpu.memref_slice %arg10[%dma_start3A_372, %dma_start3A_373] : memref<10008x32xf32, #tpu.memory_space<vmem_shared>> -> memref<10008x32xf32, #tpu.memory_space<vmem_shared>>
        tpu.enqueue_indirect_dma source(%dma_start3A_368 : memref<80x32xf32, #tpu.memory_space<vmem>>) target(%dma_start3A_374 : memref<10008x32xf32, #tpu.memory_space<vmem_shared>>) offsets(%dma_start3A_371 : memref<80xi32, #tpu.memory_space<vmem>>) semaphore(%run_scoped3A_364 : memref<!tpu.dma_semaphore, #tpu.memory_space<semaphore_mem>>) {add = true}
        %dma_wait3A_375 = arith.constant 0 : i32
        %dma_wait3A_376 = arith.constant 0 : i32
        %dma_wait3A_377 = tpu.memref_slice %arg8[%run_scoped3A_264, %dma_wait3A_375, %dma_wait3A_376] : memref<8x80x32xf32, #tpu.memory_space<vmem>> -> memref<1x80x32xf32, #tpu.memory_space<vmem>>
        %dma_wait3A_378 = tpu.memref_squeeze %dma_wait3A_377 : memref<1x80x32xf32, #tpu.memory_space<vmem>> -> memref<80x32xf32, #tpu.memory_space<vmem>>
        %dma_wait3A_379 = arith.constant 0 : i32
        %dma_wait3A_380 = tpu.memref_slice %arg7[%add3A_252, %dma_wait3A_379] : memref<125x80xi32, #tpu.memory_space<vmem>> -> memref<1x80xi32, #tpu.memory_space<vmem>>
        %dma_wait3A_381 = tpu.memref_squeeze %dma_wait3A_380 : memref<1x80xi32, #tpu.memory_space<vmem>> -> memref<80xi32, #tpu.memory_space<vmem>>
        %dma_wait3A_382 = arith.constant 0 : i32
        %dma_wait3A_383 = arith.constant 0 : i32
        %dma_wait3A_384 = tpu.memref_slice %arg10[%dma_wait3A_382, %dma_wait3A_383] : memref<10008x32xf32, #tpu.memory_space<vmem_shared>> -> memref<10008x32xf32, #tpu.memory_space<vmem_shared>>
        tpu.wait_indirect_dma semaphore(%run_scoped3A_364 : memref<!tpu.dma_semaphore, #tpu.memory_space<semaphore_mem>>) src(%dma_wait3A_378 : memref<80x32xf32, #tpu.memory_space<vmem>>) dst(%dma_wait3A_384 : memref<10008x32xf32, #tpu.memory_space<vmem_shared>>)
        tpu.yield
      }) : () -> ()
      %add3A_265 = arith.constant 8 : i32
      %add3A_266 = arith.addi %add3A_252, %add3A_265 : i32
      %lt3A_267 = arith.constant 125 : i32
      %lt3A_268 = arith.cmpi slt, %add3A_266, %lt3A_267 : i32
      %convert_element_type3A_269 = arith.extui %lt3A_268 : i1 to i32
      %cond3A_270 = arith.constant 0 : i32
      %cond3A_271 = arith.cmpi ne, %convert_element_type3A_269, %cond3A_270 : i32
      scf.if %cond3A_271 {
        %add3A_364 = arith.constant 8 : i32
        %add3A_365 = arith.addi %add3A_252, %add3A_364 : i32
        %dma_start3A_366 = arith.constant 3 : i32
        %dma_start3A_367 = arith.constant 0 : i32
        %dma_start3A_368 = arith.constant 0 : i32
        %dma_start3A_369 = tpu.memref_slice %arg8[%dma_start3A_366, %dma_start3A_367, %dma_start3A_368] : memref<8x80x32xf32, #tpu.memory_space<vmem>> -> memref<1x80x32xf32, #tpu.memory_space<vmem>>
        %dma_start3A_370 = tpu.memref_squeeze %dma_start3A_369 : memref<1x80x32xf32, #tpu.memory_space<vmem>> -> memref<80x32xf32, #tpu.memory_space<vmem>>
        %dma_start3A_371 = arith.constant 0 : i32
        %dma_start3A_372 = tpu.memref_slice %arg6[%add3A_365, %dma_start3A_371] : memref<125x80xi32, #tpu.memory_space<vmem>> -> memref<1x80xi32, #tpu.memory_space<vmem>>
        %dma_start3A_373 = tpu.memref_squeeze %dma_start3A_372 : memref<1x80xi32, #tpu.memory_space<vmem>> -> memref<80xi32, #tpu.memory_space<vmem>>
        %dma_start3A_374 = arith.constant 0 : i32
        %dma_start3A_375 = arith.constant 0 : i32
        %dma_start3A_376 = tpu.memref_slice %arg2[%dma_start3A_374, %dma_start3A_375] : memref<10000x32xf32, #tpu.memory_space<hbm>> -> memref<10000x32xf32, #tpu.memory_space<hbm>>
        tpu.enqueue_indirect_dma source(%dma_start3A_376 : memref<10000x32xf32, #tpu.memory_space<hbm>>) target(%dma_start3A_370 : memref<80x32xf32, #tpu.memory_space<vmem>>) offsets(%dma_start3A_373 : memref<80xi32, #tpu.memory_space<vmem>>) semaphore(%arg15 : memref<!tpu.dma_semaphore, #tpu.memory_space<semaphore_mem>>)
      } else {
      }
      %mul3A_272 = arith.constant 8 : i32
      %mul3A_273 = arith.muli %scan3A_179, %mul3A_272 : i32
      %add3A_274 = arith.constant 4 : i32
      %add3A_275 = arith.addi %mul3A_273, %add3A_274 : i32
      %dma_wait3A_276 = arith.constant 4 : i32
      %dma_wait3A_277 = arith.constant 0 : i32
      %dma_wait3A_278 = arith.constant 0 : i32
      %dma_wait3A_279 = tpu.memref_slice %arg8[%dma_wait3A_276, %dma_wait3A_277, %dma_wait3A_278] : memref<8x80x32xf32, #tpu.memory_space<vmem>> -> memref<1x80x32xf32, #tpu.memory_space<vmem>>
      %dma_wait3A_280 = tpu.memref_squeeze %dma_wait3A_279 : memref<1x80x32xf32, #tpu.memory_space<vmem>> -> memref<80x32xf32, #tpu.memory_space<vmem>>
      %dma_wait3A_281 = arith.constant 0 : i32
      %dma_wait3A_282 = tpu.memref_slice %arg6[%add3A_275, %dma_wait3A_281] : memref<125x80xi32, #tpu.memory_space<vmem>> -> memref<1x80xi32, #tpu.memory_space<vmem>>
      %dma_wait3A_283 = tpu.memref_squeeze %dma_wait3A_282 : memref<1x80xi32, #tpu.memory_space<vmem>> -> memref<80xi32, #tpu.memory_space<vmem>>
      %dma_wait3A_284 = arith.constant 0 : i32
      %dma_wait3A_285 = arith.constant 0 : i32
      %dma_wait3A_286 = tpu.memref_slice %arg2[%dma_wait3A_284, %dma_wait3A_285] : memref<10000x32xf32, #tpu.memory_space<hbm>> -> memref<10000x32xf32, #tpu.memory_space<hbm>>
      tpu.wait_indirect_dma semaphore(%arg16 : memref<!tpu.dma_semaphore, #tpu.memory_space<semaphore_mem>>) src(%dma_wait3A_286 : memref<10000x32xf32, #tpu.memory_space<hbm>>) dst(%dma_wait3A_280 : memref<80x32xf32, #tpu.memory_space<vmem>>)
      %run_scoped3A_287 = arith.constant 4 : i32
      "tpu.region"() ({
        %run_scoped3A_364 = tpu.sem_alloc : memref<!tpu.dma_semaphore, #tpu.memory_space<semaphore_mem>>
        %dma_start3A_365 = arith.constant 0 : i32
        %dma_start3A_366 = arith.constant 0 : i32
        %dma_start3A_367 = tpu.memref_slice %arg8[%run_scoped3A_287, %dma_start3A_365, %dma_start3A_366] : memref<8x80x32xf32, #tpu.memory_space<vmem>> -> memref<1x80x32xf32, #tpu.memory_space<vmem>>
        %dma_start3A_368 = tpu.memref_squeeze %dma_start3A_367 : memref<1x80x32xf32, #tpu.memory_space<vmem>> -> memref<80x32xf32, #tpu.memory_space<vmem>>
        %dma_start3A_369 = arith.constant 0 : i32
        %dma_start3A_370 = tpu.memref_slice %arg7[%add3A_275, %dma_start3A_369] : memref<125x80xi32, #tpu.memory_space<vmem>> -> memref<1x80xi32, #tpu.memory_space<vmem>>
        %dma_start3A_371 = tpu.memref_squeeze %dma_start3A_370 : memref<1x80xi32, #tpu.memory_space<vmem>> -> memref<80xi32, #tpu.memory_space<vmem>>
        %dma_start3A_372 = arith.constant 0 : i32
        %dma_start3A_373 = arith.constant 0 : i32
        %dma_start3A_374 = tpu.memref_slice %arg10[%dma_start3A_372, %dma_start3A_373] : memref<10008x32xf32, #tpu.memory_space<vmem_shared>> -> memref<10008x32xf32, #tpu.memory_space<vmem_shared>>
        tpu.enqueue_indirect_dma source(%dma_start3A_368 : memref<80x32xf32, #tpu.memory_space<vmem>>) target(%dma_start3A_374 : memref<10008x32xf32, #tpu.memory_space<vmem_shared>>) offsets(%dma_start3A_371 : memref<80xi32, #tpu.memory_space<vmem>>) semaphore(%run_scoped3A_364 : memref<!tpu.dma_semaphore, #tpu.memory_space<semaphore_mem>>) {add = true}
        %dma_wait3A_375 = arith.constant 0 : i32
        %dma_wait3A_376 = arith.constant 0 : i32
        %dma_wait3A_377 = tpu.memref_slice %arg8[%run_scoped3A_287, %dma_wait3A_375, %dma_wait3A_376] : memref<8x80x32xf32, #tpu.memory_space<vmem>> -> memref<1x80x32xf32, #tpu.memory_space<vmem>>
        %dma_wait3A_378 = tpu.memref_squeeze %dma_wait3A_377 : memref<1x80x32xf32, #tpu.memory_space<vmem>> -> memref<80x32xf32, #tpu.memory_space<vmem>>
        %dma_wait3A_379 = arith.constant 0 : i32
        %dma_wait3A_380 = tpu.memref_slice %arg7[%add3A_275, %dma_wait3A_379] : memref<125x80xi32, #tpu.memory_space<vmem>> -> memref<1x80xi32, #tpu.memory_space<vmem>>
        %dma_wait3A_381 = tpu.memref_squeeze %dma_wait3A_380 : memref<1x80xi32, #tpu.memory_space<vmem>> -> memref<80xi32, #tpu.memory_space<vmem>>
        %dma_wait3A_382 = arith.constant 0 : i32
        %dma_wait3A_383 = arith.constant 0 : i32
        %dma_wait3A_384 = tpu.memref_slice %arg10[%dma_wait3A_382, %dma_wait3A_383] : memref<10008x32xf32, #tpu.memory_space<vmem_shared>> -> memref<10008x32xf32, #tpu.memory_space<vmem_shared>>
        tpu.wait_indirect_dma semaphore(%run_scoped3A_364 : memref<!tpu.dma_semaphore, #tpu.memory_space<semaphore_mem>>) src(%dma_wait3A_378 : memref<80x32xf32, #tpu.memory_space<vmem>>) dst(%dma_wait3A_384 : memref<10008x32xf32, #tpu.memory_space<vmem_shared>>)
        tpu.yield
      }) : () -> ()
      %add3A_288 = arith.constant 8 : i32
      %add3A_289 = arith.addi %add3A_275, %add3A_288 : i32
      %lt3A_290 = arith.constant 125 : i32
      %lt3A_291 = arith.cmpi slt, %add3A_289, %lt3A_290 : i32
      %convert_element_type3A_292 = arith.extui %lt3A_291 : i1 to i32
      %cond3A_293 = arith.constant 0 : i32
      %cond3A_294 = arith.cmpi ne, %convert_element_type3A_292, %cond3A_293 : i32
      scf.if %cond3A_294 {
        %add3A_364 = arith.constant 8 : i32
        %add3A_365 = arith.addi %add3A_275, %add3A_364 : i32
        %dma_start3A_366 = arith.constant 4 : i32
        %dma_start3A_367 = arith.constant 0 : i32
        %dma_start3A_368 = arith.constant 0 : i32
        %dma_start3A_369 = tpu.memref_slice %arg8[%dma_start3A_366, %dma_start3A_367, %dma_start3A_368] : memref<8x80x32xf32, #tpu.memory_space<vmem>> -> memref<1x80x32xf32, #tpu.memory_space<vmem>>
        %dma_start3A_370 = tpu.memref_squeeze %dma_start3A_369 : memref<1x80x32xf32, #tpu.memory_space<vmem>> -> memref<80x32xf32, #tpu.memory_space<vmem>>
        %dma_start3A_371 = arith.constant 0 : i32
        %dma_start3A_372 = tpu.memref_slice %arg6[%add3A_365, %dma_start3A_371] : memref<125x80xi32, #tpu.memory_space<vmem>> -> memref<1x80xi32, #tpu.memory_space<vmem>>
        %dma_start3A_373 = tpu.memref_squeeze %dma_start3A_372 : memref<1x80xi32, #tpu.memory_space<vmem>> -> memref<80xi32, #tpu.memory_space<vmem>>
        %dma_start3A_374 = arith.constant 0 : i32
        %dma_start3A_375 = arith.constant 0 : i32
        %dma_start3A_376 = tpu.memref_slice %arg2[%dma_start3A_374, %dma_start3A_375] : memref<10000x32xf32, #tpu.memory_space<hbm>> -> memref<10000x32xf32, #tpu.memory_space<hbm>>
        tpu.enqueue_indirect_dma source(%dma_start3A_376 : memref<10000x32xf32, #tpu.memory_space<hbm>>) target(%dma_start3A_370 : memref<80x32xf32, #tpu.memory_space<vmem>>) offsets(%dma_start3A_373 : memref<80xi32, #tpu.memory_space<vmem>>) semaphore(%arg16 : memref<!tpu.dma_semaphore, #tpu.memory_space<semaphore_mem>>)
      } else {
      }
      %mul3A_295 = arith.constant 8 : i32
      %mul3A_296 = arith.muli %scan3A_179, %mul3A_295 : i32
      %add3A_297 = arith.constant 5 : i32
      %add3A_298 = arith.addi %mul3A_296, %add3A_297 : i32
      %dma_wait3A_299 = arith.constant 5 : i32
      %dma_wait3A_300 = arith.constant 0 : i32
      %dma_wait3A_301 = arith.constant 0 : i32
      %dma_wait3A_302 = tpu.memref_slice %arg8[%dma_wait3A_299, %dma_wait3A_300, %dma_wait3A_301] : memref<8x80x32xf32, #tpu.memory_space<vmem>> -> memref<1x80x32xf32, #tpu.memory_space<vmem>>
      %dma_wait3A_303 = tpu.memref_squeeze %dma_wait3A_302 : memref<1x80x32xf32, #tpu.memory_space<vmem>> -> memref<80x32xf32, #tpu.memory_space<vmem>>
      %dma_wait3A_304 = arith.constant 0 : i32
      %dma_wait3A_305 = tpu.memref_slice %arg6[%add3A_298, %dma_wait3A_304] : memref<125x80xi32, #tpu.memory_space<vmem>> -> memref<1x80xi32, #tpu.memory_space<vmem>>
      %dma_wait3A_306 = tpu.memref_squeeze %dma_wait3A_305 : memref<1x80xi32, #tpu.memory_space<vmem>> -> memref<80xi32, #tpu.memory_space<vmem>>
      %dma_wait3A_307 = arith.constant 0 : i32
      %dma_wait3A_308 = arith.constant 0 : i32
      %dma_wait3A_309 = tpu.memref_slice %arg2[%dma_wait3A_307, %dma_wait3A_308] : memref<10000x32xf32, #tpu.memory_space<hbm>> -> memref<10000x32xf32, #tpu.memory_space<hbm>>
      tpu.wait_indirect_dma semaphore(%arg17 : memref<!tpu.dma_semaphore, #tpu.memory_space<semaphore_mem>>) src(%dma_wait3A_309 : memref<10000x32xf32, #tpu.memory_space<hbm>>) dst(%dma_wait3A_303 : memref<80x32xf32, #tpu.memory_space<vmem>>)
      %run_scoped3A_310 = arith.constant 5 : i32
      "tpu.region"() ({
        %run_scoped3A_364 = tpu.sem_alloc : memref<!tpu.dma_semaphore, #tpu.memory_space<semaphore_mem>>
        %dma_start3A_365 = arith.constant 0 : i32
        %dma_start3A_366 = arith.constant 0 : i32
        %dma_start3A_367 = tpu.memref_slice %arg8[%run_scoped3A_310, %dma_start3A_365, %dma_start3A_366] : memref<8x80x32xf32, #tpu.memory_space<vmem>> -> memref<1x80x32xf32, #tpu.memory_space<vmem>>
        %dma_start3A_368 = tpu.memref_squeeze %dma_start3A_367 : memref<1x80x32xf32, #tpu.memory_space<vmem>> -> memref<80x32xf32, #tpu.memory_space<vmem>>
        %dma_start3A_369 = arith.constant 0 : i32
        %dma_start3A_370 = tpu.memref_slice %arg7[%add3A_298, %dma_start3A_369] : memref<125x80xi32, #tpu.memory_space<vmem>> -> memref<1x80xi32, #tpu.memory_space<vmem>>
        %dma_start3A_371 = tpu.memref_squeeze %dma_start3A_370 : memref<1x80xi32, #tpu.memory_space<vmem>> -> memref<80xi32, #tpu.memory_space<vmem>>
        %dma_start3A_372 = arith.constant 0 : i32
        %dma_start3A_373 = arith.constant 0 : i32
        %dma_start3A_374 = tpu.memref_slice %arg10[%dma_start3A_372, %dma_start3A_373] : memref<10008x32xf32, #tpu.memory_space<vmem_shared>> -> memref<10008x32xf32, #tpu.memory_space<vmem_shared>>
        tpu.enqueue_indirect_dma source(%dma_start3A_368 : memref<80x32xf32, #tpu.memory_space<vmem>>) target(%dma_start3A_374 : memref<10008x32xf32, #tpu.memory_space<vmem_shared>>) offsets(%dma_start3A_371 : memref<80xi32, #tpu.memory_space<vmem>>) semaphore(%run_scoped3A_364 : memref<!tpu.dma_semaphore, #tpu.memory_space<semaphore_mem>>) {add = true}
        %dma_wait3A_375 = arith.constant 0 : i32
        %dma_wait3A_376 = arith.constant 0 : i32
        %dma_wait3A_377 = tpu.memref_slice %arg8[%run_scoped3A_310, %dma_wait3A_375, %dma_wait3A_376] : memref<8x80x32xf32, #tpu.memory_space<vmem>> -> memref<1x80x32xf32, #tpu.memory_space<vmem>>
        %dma_wait3A_378 = tpu.memref_squeeze %dma_wait3A_377 : memref<1x80x32xf32, #tpu.memory_space<vmem>> -> memref<80x32xf32, #tpu.memory_space<vmem>>
        %dma_wait3A_379 = arith.constant 0 : i32
        %dma_wait3A_380 = tpu.memref_slice %arg7[%add3A_298, %dma_wait3A_379] : memref<125x80xi32, #tpu.memory_space<vmem>> -> memref<1x80xi32, #tpu.memory_space<vmem>>
        %dma_wait3A_381 = tpu.memref_squeeze %dma_wait3A_380 : memref<1x80xi32, #tpu.memory_space<vmem>> -> memref<80xi32, #tpu.memory_space<vmem>>
        %dma_wait3A_382 = arith.constant 0 : i32
        %dma_wait3A_383 = arith.constant 0 : i32
        %dma_wait3A_384 = tpu.memref_slice %arg10[%dma_wait3A_382, %dma_wait3A_383] : memref<10008x32xf32, #tpu.memory_space<vmem_shared>> -> memref<10008x32xf32, #tpu.memory_space<vmem_shared>>
        tpu.wait_indirect_dma semaphore(%run_scoped3A_364 : memref<!tpu.dma_semaphore, #tpu.memory_space<semaphore_mem>>) src(%dma_wait3A_378 : memref<80x32xf32, #tpu.memory_space<vmem>>) dst(%dma_wait3A_384 : memref<10008x32xf32, #tpu.memory_space<vmem_shared>>)
        tpu.yield
      }) : () -> ()
      %add3A_311 = arith.constant 8 : i32
      %add3A_312 = arith.addi %add3A_298, %add3A_311 : i32
      %lt3A_313 = arith.constant 125 : i32
      %lt3A_314 = arith.cmpi slt, %add3A_312, %lt3A_313 : i32
      %convert_element_type3A_315 = arith.extui %lt3A_314 : i1 to i32
      %cond3A_316 = arith.constant 0 : i32
      %cond3A_317 = arith.cmpi ne, %convert_element_type3A_315, %cond3A_316 : i32
      scf.if %cond3A_317 {
        %add3A_364 = arith.constant 8 : i32
        %add3A_365 = arith.addi %add3A_298, %add3A_364 : i32
        %dma_start3A_366 = arith.constant 5 : i32
        %dma_start3A_367 = arith.constant 0 : i32
        %dma_start3A_368 = arith.constant 0 : i32
        %dma_start3A_369 = tpu.memref_slice %arg8[%dma_start3A_366, %dma_start3A_367, %dma_start3A_368] : memref<8x80x32xf32, #tpu.memory_space<vmem>> -> memref<1x80x32xf32, #tpu.memory_space<vmem>>
        %dma_start3A_370 = tpu.memref_squeeze %dma_start3A_369 : memref<1x80x32xf32, #tpu.memory_space<vmem>> -> memref<80x32xf32, #tpu.memory_space<vmem>>
        %dma_start3A_371 = arith.constant 0 : i32
        %dma_start3A_372 = tpu.memref_slice %arg6[%add3A_365, %dma_start3A_371] : memref<125x80xi32, #tpu.memory_space<vmem>> -> memref<1x80xi32, #tpu.memory_space<vmem>>
        %dma_start3A_373 = tpu.memref_squeeze %dma_start3A_372 : memref<1x80xi32, #tpu.memory_space<vmem>> -> memref<80xi32, #tpu.memory_space<vmem>>
        %dma_start3A_374 = arith.constant 0 : i32
        %dma_start3A_375 = arith.constant 0 : i32
        %dma_start3A_376 = tpu.memref_slice %arg2[%dma_start3A_374, %dma_start3A_375] : memref<10000x32xf32, #tpu.memory_space<hbm>> -> memref<10000x32xf32, #tpu.memory_space<hbm>>
        tpu.enqueue_indirect_dma source(%dma_start3A_376 : memref<10000x32xf32, #tpu.memory_space<hbm>>) target(%dma_start3A_370 : memref<80x32xf32, #tpu.memory_space<vmem>>) offsets(%dma_start3A_373 : memref<80xi32, #tpu.memory_space<vmem>>) semaphore(%arg17 : memref<!tpu.dma_semaphore, #tpu.memory_space<semaphore_mem>>)
      } else {
      }
      %mul3A_318 = arith.constant 8 : i32
      %mul3A_319 = arith.muli %scan3A_179, %mul3A_318 : i32
      %add3A_320 = arith.constant 6 : i32
      %add3A_321 = arith.addi %mul3A_319, %add3A_320 : i32
      %dma_wait3A_322 = arith.constant 6 : i32
      %dma_wait3A_323 = arith.constant 0 : i32
      %dma_wait3A_324 = arith.constant 0 : i32
      %dma_wait3A_325 = tpu.memref_slice %arg8[%dma_wait3A_322, %dma_wait3A_323, %dma_wait3A_324] : memref<8x80x32xf32, #tpu.memory_space<vmem>> -> memref<1x80x32xf32, #tpu.memory_space<vmem>>
      %dma_wait3A_326 = tpu.memref_squeeze %dma_wait3A_325 : memref<1x80x32xf32, #tpu.memory_space<vmem>> -> memref<80x32xf32, #tpu.memory_space<vmem>>
      %dma_wait3A_327 = arith.constant 0 : i32
      %dma_wait3A_328 = tpu.memref_slice %arg6[%add3A_321, %dma_wait3A_327] : memref<125x80xi32, #tpu.memory_space<vmem>> -> memref<1x80xi32, #tpu.memory_space<vmem>>
      %dma_wait3A_329 = tpu.memref_squeeze %dma_wait3A_328 : memref<1x80xi32, #tpu.memory_space<vmem>> -> memref<80xi32, #tpu.memory_space<vmem>>
      %dma_wait3A_330 = arith.constant 0 : i32
      %dma_wait3A_331 = arith.constant 0 : i32
      %dma_wait3A_332 = tpu.memref_slice %arg2[%dma_wait3A_330, %dma_wait3A_331] : memref<10000x32xf32, #tpu.memory_space<hbm>> -> memref<10000x32xf32, #tpu.memory_space<hbm>>
      tpu.wait_indirect_dma semaphore(%arg18 : memref<!tpu.dma_semaphore, #tpu.memory_space<semaphore_mem>>) src(%dma_wait3A_332 : memref<10000x32xf32, #tpu.memory_space<hbm>>) dst(%dma_wait3A_326 : memref<80x32xf32, #tpu.memory_space<vmem>>)
      %run_scoped3A_333 = arith.constant 6 : i32
      "tpu.region"() ({
        %run_scoped3A_364 = tpu.sem_alloc : memref<!tpu.dma_semaphore, #tpu.memory_space<semaphore_mem>>
        %dma_start3A_365 = arith.constant 0 : i32
        %dma_start3A_366 = arith.constant 0 : i32
        %dma_start3A_367 = tpu.memref_slice %arg8[%run_scoped3A_333, %dma_start3A_365, %dma_start3A_366] : memref<8x80x32xf32, #tpu.memory_space<vmem>> -> memref<1x80x32xf32, #tpu.memory_space<vmem>>
        %dma_start3A_368 = tpu.memref_squeeze %dma_start3A_367 : memref<1x80x32xf32, #tpu.memory_space<vmem>> -> memref<80x32xf32, #tpu.memory_space<vmem>>
        %dma_start3A_369 = arith.constant 0 : i32
        %dma_start3A_370 = tpu.memref_slice %arg7[%add3A_321, %dma_start3A_369] : memref<125x80xi32, #tpu.memory_space<vmem>> -> memref<1x80xi32, #tpu.memory_space<vmem>>
        %dma_start3A_371 = tpu.memref_squeeze %dma_start3A_370 : memref<1x80xi32, #tpu.memory_space<vmem>> -> memref<80xi32, #tpu.memory_space<vmem>>
        %dma_start3A_372 = arith.constant 0 : i32
        %dma_start3A_373 = arith.constant 0 : i32
        %dma_start3A_374 = tpu.memref_slice %arg10[%dma_start3A_372, %dma_start3A_373] : memref<10008x32xf32, #tpu.memory_space<vmem_shared>> -> memref<10008x32xf32, #tpu.memory_space<vmem_shared>>
        tpu.enqueue_indirect_dma source(%dma_start3A_368 : memref<80x32xf32, #tpu.memory_space<vmem>>) target(%dma_start3A_374 : memref<10008x32xf32, #tpu.memory_space<vmem_shared>>) offsets(%dma_start3A_371 : memref<80xi32, #tpu.memory_space<vmem>>) semaphore(%run_scoped3A_364 : memref<!tpu.dma_semaphore, #tpu.memory_space<semaphore_mem>>) {add = true}
        %dma_wait3A_375 = arith.constant 0 : i32
        %dma_wait3A_376 = arith.constant 0 : i32
        %dma_wait3A_377 = tpu.memref_slice %arg8[%run_scoped3A_333, %dma_wait3A_375, %dma_wait3A_376] : memref<8x80x32xf32, #tpu.memory_space<vmem>> -> memref<1x80x32xf32, #tpu.memory_space<vmem>>
        %dma_wait3A_378 = tpu.memref_squeeze %dma_wait3A_377 : memref<1x80x32xf32, #tpu.memory_space<vmem>> -> memref<80x32xf32, #tpu.memory_space<vmem>>
        %dma_wait3A_379 = arith.constant 0 : i32
        %dma_wait3A_380 = tpu.memref_slice %arg7[%add3A_321, %dma_wait3A_379] : memref<125x80xi32, #tpu.memory_space<vmem>> -> memref<1x80xi32, #tpu.memory_space<vmem>>
        %dma_wait3A_381 = tpu.memref_squeeze %dma_wait3A_380 : memref<1x80xi32, #tpu.memory_space<vmem>> -> memref<80xi32, #tpu.memory_space<vmem>>
        %dma_wait3A_382 = arith.constant 0 : i32
        %dma_wait3A_383 = arith.constant 0 : i32
        %dma_wait3A_384 = tpu.memref_slice %arg10[%dma_wait3A_382, %dma_wait3A_383] : memref<10008x32xf32, #tpu.memory_space<vmem_shared>> -> memref<10008x32xf32, #tpu.memory_space<vmem_shared>>
        tpu.wait_indirect_dma semaphore(%run_scoped3A_364 : memref<!tpu.dma_semaphore, #tpu.memory_space<semaphore_mem>>) src(%dma_wait3A_378 : memref<80x32xf32, #tpu.memory_space<vmem>>) dst(%dma_wait3A_384 : memref<10008x32xf32, #tpu.memory_space<vmem_shared>>)
        tpu.yield
      }) : () -> ()
      %add3A_334 = arith.constant 8 : i32
      %add3A_335 = arith.addi %add3A_321, %add3A_334 : i32
      %lt3A_336 = arith.constant 125 : i32
      %lt3A_337 = arith.cmpi slt, %add3A_335, %lt3A_336 : i32
      %convert_element_type3A_338 = arith.extui %lt3A_337 : i1 to i32
      %cond3A_339 = arith.constant 0 : i32
      %cond3A_340 = arith.cmpi ne, %convert_element_type3A_338, %cond3A_339 : i32
      scf.if %cond3A_340 {
        %add3A_364 = arith.constant 8 : i32
        %add3A_365 = arith.addi %add3A_321, %add3A_364 : i32
        %dma_start3A_366 = arith.constant 6 : i32
        %dma_start3A_367 = arith.constant 0 : i32
        %dma_start3A_368 = arith.constant 0 : i32
        %dma_start3A_369 = tpu.memref_slice %arg8[%dma_start3A_366, %dma_start3A_367, %dma_start3A_368] : memref<8x80x32xf32, #tpu.memory_space<vmem>> -> memref<1x80x32xf32, #tpu.memory_space<vmem>>
        %dma_start3A_370 = tpu.memref_squeeze %dma_start3A_369 : memref<1x80x32xf32, #tpu.memory_space<vmem>> -> memref<80x32xf32, #tpu.memory_space<vmem>>
        %dma_start3A_371 = arith.constant 0 : i32
        %dma_start3A_372 = tpu.memref_slice %arg6[%add3A_365, %dma_start3A_371] : memref<125x80xi32, #tpu.memory_space<vmem>> -> memref<1x80xi32, #tpu.memory_space<vmem>>
        %dma_start3A_373 = tpu.memref_squeeze %dma_start3A_372 : memref<1x80xi32, #tpu.memory_space<vmem>> -> memref<80xi32, #tpu.memory_space<vmem>>
        %dma_start3A_374 = arith.constant 0 : i32
        %dma_start3A_375 = arith.constant 0 : i32
        %dma_start3A_376 = tpu.memref_slice %arg2[%dma_start3A_374, %dma_start3A_375] : memref<10000x32xf32, #tpu.memory_space<hbm>> -> memref<10000x32xf32, #tpu.memory_space<hbm>>
        tpu.enqueue_indirect_dma source(%dma_start3A_376 : memref<10000x32xf32, #tpu.memory_space<hbm>>) target(%dma_start3A_370 : memref<80x32xf32, #tpu.memory_space<vmem>>) offsets(%dma_start3A_373 : memref<80xi32, #tpu.memory_space<vmem>>) semaphore(%arg18 : memref<!tpu.dma_semaphore, #tpu.memory_space<semaphore_mem>>)
      } else {
      }
      %mul3A_341 = arith.constant 8 : i32
      %mul3A_342 = arith.muli %scan3A_179, %mul3A_341 : i32
      %add3A_343 = arith.constant 7 : i32
      %add3A_344 = arith.addi %mul3A_342, %add3A_343 : i32
      %dma_wait3A_345 = arith.constant 7 : i32
      %dma_wait3A_346 = arith.constant 0 : i32
      %dma_wait3A_347 = arith.constant 0 : i32
      %dma_wait3A_348 = tpu.memref_slice %arg8[%dma_wait3A_345, %dma_wait3A_346, %dma_wait3A_347] : memref<8x80x32xf32, #tpu.memory_space<vmem>> -> memref<1x80x32xf32, #tpu.memory_space<vmem>>
      %dma_wait3A_349 = tpu.memref_squeeze %dma_wait3A_348 : memref<1x80x32xf32, #tpu.memory_space<vmem>> -> memref<80x32xf32, #tpu.memory_space<vmem>>
      %dma_wait3A_350 = arith.constant 0 : i32
      %dma_wait3A_351 = tpu.memref_slice %arg6[%add3A_344, %dma_wait3A_350] : memref<125x80xi32, #tpu.memory_space<vmem>> -> memref<1x80xi32, #tpu.memory_space<vmem>>
      %dma_wait3A_352 = tpu.memref_squeeze %dma_wait3A_351 : memref<1x80xi32, #tpu.memory_space<vmem>> -> memref<80xi32, #tpu.memory_space<vmem>>
      %dma_wait3A_353 = arith.constant 0 : i32
      %dma_wait3A_354 = arith.constant 0 : i32
      %dma_wait3A_355 = tpu.memref_slice %arg2[%dma_wait3A_353, %dma_wait3A_354] : memref<10000x32xf32, #tpu.memory_space<hbm>> -> memref<10000x32xf32, #tpu.memory_space<hbm>>
      tpu.wait_indirect_dma semaphore(%arg19 : memref<!tpu.dma_semaphore, #tpu.memory_space<semaphore_mem>>) src(%dma_wait3A_355 : memref<10000x32xf32, #tpu.memory_space<hbm>>) dst(%dma_wait3A_349 : memref<80x32xf32, #tpu.memory_space<vmem>>)
      %run_scoped3A_356 = arith.constant 7 : i32
      "tpu.region"() ({
        %run_scoped3A_364 = tpu.sem_alloc : memref<!tpu.dma_semaphore, #tpu.memory_space<semaphore_mem>>
        %dma_start3A_365 = arith.constant 0 : i32
        %dma_start3A_366 = arith.constant 0 : i32
        %dma_start3A_367 = tpu.memref_slice %arg8[%run_scoped3A_356, %dma_start3A_365, %dma_start3A_366] : memref<8x80x32xf32, #tpu.memory_space<vmem>> -> memref<1x80x32xf32, #tpu.memory_space<vmem>>
        %dma_start3A_368 = tpu.memref_squeeze %dma_start3A_367 : memref<1x80x32xf32, #tpu.memory_space<vmem>> -> memref<80x32xf32, #tpu.memory_space<vmem>>
        %dma_start3A_369 = arith.constant 0 : i32
        %dma_start3A_370 = tpu.memref_slice %arg7[%add3A_344, %dma_start3A_369] : memref<125x80xi32, #tpu.memory_space<vmem>> -> memref<1x80xi32, #tpu.memory_space<vmem>>
        %dma_start3A_371 = tpu.memref_squeeze %dma_start3A_370 : memref<1x80xi32, #tpu.memory_space<vmem>> -> memref<80xi32, #tpu.memory_space<vmem>>
        %dma_start3A_372 = arith.constant 0 : i32
        %dma_start3A_373 = arith.constant 0 : i32
        %dma_start3A_374 = tpu.memref_slice %arg10[%dma_start3A_372, %dma_start3A_373] : memref<10008x32xf32, #tpu.memory_space<vmem_shared>> -> memref<10008x32xf32, #tpu.memory_space<vmem_shared>>
        tpu.enqueue_indirect_dma source(%dma_start3A_368 : memref<80x32xf32, #tpu.memory_space<vmem>>) target(%dma_start3A_374 : memref<10008x32xf32, #tpu.memory_space<vmem_shared>>) offsets(%dma_start3A_371 : memref<80xi32, #tpu.memory_space<vmem>>) semaphore(%run_scoped3A_364 : memref<!tpu.dma_semaphore, #tpu.memory_space<semaphore_mem>>) {add = true}
        %dma_wait3A_375 = arith.constant 0 : i32
        %dma_wait3A_376 = arith.constant 0 : i32
        %dma_wait3A_377 = tpu.memref_slice %arg8[%run_scoped3A_356, %dma_wait3A_375, %dma_wait3A_376] : memref<8x80x32xf32, #tpu.memory_space<vmem>> -> memref<1x80x32xf32, #tpu.memory_space<vmem>>
        %dma_wait3A_378 = tpu.memref_squeeze %dma_wait3A_377 : memref<1x80x32xf32, #tpu.memory_space<vmem>> -> memref<80x32xf32, #tpu.memory_space<vmem>>
        %dma_wait3A_379 = arith.constant 0 : i32
        %dma_wait3A_380 = tpu.memref_slice %arg7[%add3A_344, %dma_wait3A_379] : memref<125x80xi32, #tpu.memory_space<vmem>> -> memref<1x80xi32, #tpu.memory_space<vmem>>
        %dma_wait3A_381 = tpu.memref_squeeze %dma_wait3A_380 : memref<1x80xi32, #tpu.memory_space<vmem>> -> memref<80xi32, #tpu.memory_space<vmem>>
        %dma_wait3A_382 = arith.constant 0 : i32
        %dma_wait3A_383 = arith.constant 0 : i32
        %dma_wait3A_384 = tpu.memref_slice %arg10[%dma_wait3A_382, %dma_wait3A_383] : memref<10008x32xf32, #tpu.memory_space<vmem_shared>> -> memref<10008x32xf32, #tpu.memory_space<vmem_shared>>
        tpu.wait_indirect_dma semaphore(%run_scoped3A_364 : memref<!tpu.dma_semaphore, #tpu.memory_space<semaphore_mem>>) src(%dma_wait3A_378 : memref<80x32xf32, #tpu.memory_space<vmem>>) dst(%dma_wait3A_384 : memref<10008x32xf32, #tpu.memory_space<vmem_shared>>)
        tpu.yield
      }) : () -> ()
      %add3A_357 = arith.constant 8 : i32
      %add3A_358 = arith.addi %add3A_344, %add3A_357 : i32
      %lt3A_359 = arith.constant 125 : i32
      %lt3A_360 = arith.cmpi slt, %add3A_358, %lt3A_359 : i32
      %convert_element_type3A_361 = arith.extui %lt3A_360 : i1 to i32
      %cond3A_362 = arith.constant 0 : i32
      %cond3A_363 = arith.cmpi ne, %convert_element_type3A_361, %cond3A_362 : i32
      scf.if %cond3A_363 {
        %add3A_364 = arith.constant 8 : i32
        %add3A_365 = arith.addi %add3A_344, %add3A_364 : i32
        %dma_start3A_366 = arith.constant 7 : i32
        %dma_start3A_367 = arith.constant 0 : i32
        %dma_start3A_368 = arith.constant 0 : i32
        %dma_start3A_369 = tpu.memref_slice %arg8[%dma_start3A_366, %dma_start3A_367, %dma_start3A_368] : memref<8x80x32xf32, #tpu.memory_space<vmem>> -> memref<1x80x32xf32, #tpu.memory_space<vmem>>
        %dma_start3A_370 = tpu.memref_squeeze %dma_start3A_369 : memref<1x80x32xf32, #tpu.memory_space<vmem>> -> memref<80x32xf32, #tpu.memory_space<vmem>>
        %dma_start3A_371 = arith.constant 0 : i32
        %dma_start3A_372 = tpu.memref_slice %arg6[%add3A_365, %dma_start3A_371] : memref<125x80xi32, #tpu.memory_space<vmem>> -> memref<1x80xi32, #tpu.memory_space<vmem>>
        %dma_start3A_373 = tpu.memref_squeeze %dma_start3A_372 : memref<1x80xi32, #tpu.memory_space<vmem>> -> memref<80xi32, #tpu.memory_space<vmem>>
        %dma_start3A_374 = arith.constant 0 : i32
        %dma_start3A_375 = arith.constant 0 : i32
        %dma_start3A_376 = tpu.memref_slice %arg2[%dma_start3A_374, %dma_start3A_375] : memref<10000x32xf32, #tpu.memory_space<hbm>> -> memref<10000x32xf32, #tpu.memory_space<hbm>>
        tpu.enqueue_indirect_dma source(%dma_start3A_376 : memref<10000x32xf32, #tpu.memory_space<hbm>>) target(%dma_start3A_370 : memref<80x32xf32, #tpu.memory_space<vmem>>) offsets(%dma_start3A_373 : memref<80xi32, #tpu.memory_space<vmem>>) semaphore(%arg19 : memref<!tpu.dma_semaphore, #tpu.memory_space<semaphore_mem>>)
      } else {
      }
    }
    %scan3A_104 = arith.constant 15 : i32
    %dma_wait3A = arith.constant 120 : i32
    %dma_wait3A_105 = arith.constant 0 : i32
    %dma_wait3A_106 = arith.constant 0 : i32
    %dma_wait3A_107 = arith.constant 0 : i32
    %dma_wait3A_108 = tpu.memref_slice %arg8[%dma_wait3A_105, %dma_wait3A_106, %dma_wait3A_107] : memref<8x80x32xf32, #tpu.memory_space<vmem>> -> memref<1x80x32xf32, #tpu.memory_space<vmem>>
    %dma_wait3A_109 = tpu.memref_squeeze %dma_wait3A_108 : memref<1x80x32xf32, #tpu.memory_space<vmem>> -> memref<80x32xf32, #tpu.memory_space<vmem>>
    %dma_wait3A_110 = arith.constant 0 : i32
    %dma_wait3A_111 = tpu.memref_slice %arg6[%dma_wait3A, %dma_wait3A_110] : memref<125x80xi32, #tpu.memory_space<vmem>> -> memref<1x80xi32, #tpu.memory_space<vmem>>
    %dma_wait3A_112 = tpu.memref_squeeze %dma_wait3A_111 : memref<1x80xi32, #tpu.memory_space<vmem>> -> memref<80xi32, #tpu.memory_space<vmem>>
    %dma_wait3A_113 = arith.constant 0 : i32
    %dma_wait3A_114 = arith.constant 0 : i32
    %dma_wait3A_115 = tpu.memref_slice %arg2[%dma_wait3A_113, %dma_wait3A_114] : memref<10000x32xf32, #tpu.memory_space<hbm>> -> memref<10000x32xf32, #tpu.memory_space<hbm>>
    tpu.wait_indirect_dma semaphore(%arg12 : memref<!tpu.dma_semaphore, #tpu.memory_space<semaphore_mem>>) src(%dma_wait3A_115 : memref<10000x32xf32, #tpu.memory_space<hbm>>) dst(%dma_wait3A_109 : memref<80x32xf32, #tpu.memory_space<vmem>>)
    %run_scoped3A = arith.constant 0 : i32
    %run_scoped3A_116 = arith.constant 120 : i32
    "tpu.region"() ({
      %run_scoped3A_179 = tpu.sem_alloc : memref<!tpu.dma_semaphore, #tpu.memory_space<semaphore_mem>>
      %dma_start3A_180 = arith.constant 0 : i32
      %dma_start3A_181 = arith.constant 0 : i32
      %dma_start3A_182 = tpu.memref_slice %arg8[%run_scoped3A, %dma_start3A_180, %dma_start3A_181] : memref<8x80x32xf32, #tpu.memory_space<vmem>> -> memref<1x80x32xf32, #tpu.memory_space<vmem>>
      %dma_start3A_183 = tpu.memref_squeeze %dma_start3A_182 : memref<1x80x32xf32, #tpu.memory_space<vmem>> -> memref<80x32xf32, #tpu.memory_space<vmem>>
      %dma_start3A_184 = arith.constant 0 : i32
      %dma_start3A_185 = tpu.memref_slice %arg7[%run_scoped3A_116, %dma_start3A_184] : memref<125x80xi32, #tpu.memory_space<vmem>> -> memref<1x80xi32, #tpu.memory_space<vmem>>
      %dma_start3A_186 = tpu.memref_squeeze %dma_start3A_185 : memref<1x80xi32, #tpu.memory_space<vmem>> -> memref<80xi32, #tpu.memory_space<vmem>>
      %dma_start3A_187 = arith.constant 0 : i32
      %dma_start3A_188 = arith.constant 0 : i32
      %dma_start3A_189 = tpu.memref_slice %arg10[%dma_start3A_187, %dma_start3A_188] : memref<10008x32xf32, #tpu.memory_space<vmem_shared>> -> memref<10008x32xf32, #tpu.memory_space<vmem_shared>>
      tpu.enqueue_indirect_dma source(%dma_start3A_183 : memref<80x32xf32, #tpu.memory_space<vmem>>) target(%dma_start3A_189 : memref<10008x32xf32, #tpu.memory_space<vmem_shared>>) offsets(%dma_start3A_186 : memref<80xi32, #tpu.memory_space<vmem>>) semaphore(%run_scoped3A_179 : memref<!tpu.dma_semaphore, #tpu.memory_space<semaphore_mem>>) {add = true}
      %dma_wait3A_190 = arith.constant 0 : i32
      %dma_wait3A_191 = arith.constant 0 : i32
      %dma_wait3A_192 = tpu.memref_slice %arg8[%run_scoped3A, %dma_wait3A_190, %dma_wait3A_191] : memref<8x80x32xf32, #tpu.memory_space<vmem>> -> memref<1x80x32xf32, #tpu.memory_space<vmem>>
      %dma_wait3A_193 = tpu.memref_squeeze %dma_wait3A_192 : memref<1x80x32xf32, #tpu.memory_space<vmem>> -> memref<80x32xf32, #tpu.memory_space<vmem>>
      %dma_wait3A_194 = arith.constant 0 : i32
      %dma_wait3A_195 = tpu.memref_slice %arg7[%run_scoped3A_116, %dma_wait3A_194] : memref<125x80xi32, #tpu.memory_space<vmem>> -> memref<1x80xi32, #tpu.memory_space<vmem>>
      %dma_wait3A_196 = tpu.memref_squeeze %dma_wait3A_195 : memref<1x80xi32, #tpu.memory_space<vmem>> -> memref<80xi32, #tpu.memory_space<vmem>>
      %dma_wait3A_197 = arith.constant 0 : i32
      %dma_wait3A_198 = arith.constant 0 : i32
      %dma_wait3A_199 = tpu.memref_slice %arg10[%dma_wait3A_197, %dma_wait3A_198] : memref<10008x32xf32, #tpu.memory_space<vmem_shared>> -> memref<10008x32xf32, #tpu.memory_space<vmem_shared>>
      tpu.wait_indirect_dma semaphore(%run_scoped3A_179 : memref<!tpu.dma_semaphore, #tpu.memory_space<semaphore_mem>>) src(%dma_wait3A_193 : memref<80x32xf32, #tpu.memory_space<vmem>>) dst(%dma_wait3A_199 : memref<10008x32xf32, #tpu.memory_space<vmem_shared>>)
      tpu.yield
    }) : () -> ()
    %dma_wait3A_117 = arith.constant 121 : i32
    %dma_wait3A_118 = arith.constant 1 : i32
    %dma_wait3A_119 = arith.constant 0 : i32
    %dma_wait3A_120 = arith.constant 0 : i32
    %dma_wait3A_121 = tpu.memref_slice %arg8[%dma_wait3A_118, %dma_wait3A_119, %dma_wait3A_120] : memref<8x80x32xf32, #tpu.memory_space<vmem>> -> memref<1x80x32xf32, #tpu.memory_space<vmem>>
    %dma_wait3A_122 = tpu.memref_squeeze %dma_wait3A_121 : memref<1x80x32xf32, #tpu.memory_space<vmem>> -> memref<80x32xf32, #tpu.memory_space<vmem>>
    %dma_wait3A_123 = arith.constant 0 : i32
    %dma_wait3A_124 = tpu.memref_slice %arg6[%dma_wait3A_117, %dma_wait3A_123] : memref<125x80xi32, #tpu.memory_space<vmem>> -> memref<1x80xi32, #tpu.memory_space<vmem>>
    %dma_wait3A_125 = tpu.memref_squeeze %dma_wait3A_124 : memref<1x80xi32, #tpu.memory_space<vmem>> -> memref<80xi32, #tpu.memory_space<vmem>>
    %dma_wait3A_126 = arith.constant 0 : i32
    %dma_wait3A_127 = arith.constant 0 : i32
    %dma_wait3A_128 = tpu.memref_slice %arg2[%dma_wait3A_126, %dma_wait3A_127] : memref<10000x32xf32, #tpu.memory_space<hbm>> -> memref<10000x32xf32, #tpu.memory_space<hbm>>
    tpu.wait_indirect_dma semaphore(%arg13 : memref<!tpu.dma_semaphore, #tpu.memory_space<semaphore_mem>>) src(%dma_wait3A_128 : memref<10000x32xf32, #tpu.memory_space<hbm>>) dst(%dma_wait3A_122 : memref<80x32xf32, #tpu.memory_space<vmem>>)
    %run_scoped3A_129 = arith.constant 1 : i32
    %run_scoped3A_130 = arith.constant 121 : i32
    "tpu.region"() ({
      %run_scoped3A_179 = tpu.sem_alloc : memref<!tpu.dma_semaphore, #tpu.memory_space<semaphore_mem>>
      %dma_start3A_180 = arith.constant 0 : i32
      %dma_start3A_181 = arith.constant 0 : i32
      %dma_start3A_182 = tpu.memref_slice %arg8[%run_scoped3A_129, %dma_start3A_180, %dma_start3A_181] : memref<8x80x32xf32, #tpu.memory_space<vmem>> -> memref<1x80x32xf32, #tpu.memory_space<vmem>>
      %dma_start3A_183 = tpu.memref_squeeze %dma_start3A_182 : memref<1x80x32xf32, #tpu.memory_space<vmem>> -> memref<80x32xf32, #tpu.memory_space<vmem>>
      %dma_start3A_184 = arith.constant 0 : i32
      %dma_start3A_185 = tpu.memref_slice %arg7[%run_scoped3A_130, %dma_start3A_184] : memref<125x80xi32, #tpu.memory_space<vmem>> -> memref<1x80xi32, #tpu.memory_space<vmem>>
      %dma_start3A_186 = tpu.memref_squeeze %dma_start3A_185 : memref<1x80xi32, #tpu.memory_space<vmem>> -> memref<80xi32, #tpu.memory_space<vmem>>
      %dma_start3A_187 = arith.constant 0 : i32
      %dma_start3A_188 = arith.constant 0 : i32
      %dma_start3A_189 = tpu.memref_slice %arg10[%dma_start3A_187, %dma_start3A_188] : memref<10008x32xf32, #tpu.memory_space<vmem_shared>> -> memref<10008x32xf32, #tpu.memory_space<vmem_shared>>
      tpu.enqueue_indirect_dma source(%dma_start3A_183 : memref<80x32xf32, #tpu.memory_space<vmem>>) target(%dma_start3A_189 : memref<10008x32xf32, #tpu.memory_space<vmem_shared>>) offsets(%dma_start3A_186 : memref<80xi32, #tpu.memory_space<vmem>>) semaphore(%run_scoped3A_179 : memref<!tpu.dma_semaphore, #tpu.memory_space<semaphore_mem>>) {add = true}
      %dma_wait3A_190 = arith.constant 0 : i32
      %dma_wait3A_191 = arith.constant 0 : i32
      %dma_wait3A_192 = tpu.memref_slice %arg8[%run_scoped3A_129, %dma_wait3A_190, %dma_wait3A_191] : memref<8x80x32xf32, #tpu.memory_space<vmem>> -> memref<1x80x32xf32, #tpu.memory_space<vmem>>
      %dma_wait3A_193 = tpu.memref_squeeze %dma_wait3A_192 : memref<1x80x32xf32, #tpu.memory_space<vmem>> -> memref<80x32xf32, #tpu.memory_space<vmem>>
      %dma_wait3A_194 = arith.constant 0 : i32
      %dma_wait3A_195 = tpu.memref_slice %arg7[%run_scoped3A_130, %dma_wait3A_194] : memref<125x80xi32, #tpu.memory_space<vmem>> -> memref<1x80xi32, #tpu.memory_space<vmem>>
      %dma_wait3A_196 = tpu.memref_squeeze %dma_wait3A_195 : memref<1x80xi32, #tpu.memory_space<vmem>> -> memref<80xi32, #tpu.memory_space<vmem>>
      %dma_wait3A_197 = arith.constant 0 : i32
      %dma_wait3A_198 = arith.constant 0 : i32
      %dma_wait3A_199 = tpu.memref_slice %arg10[%dma_wait3A_197, %dma_wait3A_198] : memref<10008x32xf32, #tpu.memory_space<vmem_shared>> -> memref<10008x32xf32, #tpu.memory_space<vmem_shared>>
      tpu.wait_indirect_dma semaphore(%run_scoped3A_179 : memref<!tpu.dma_semaphore, #tpu.memory_space<semaphore_mem>>) src(%dma_wait3A_193 : memref<80x32xf32, #tpu.memory_space<vmem>>) dst(%dma_wait3A_199 : memref<10008x32xf32, #tpu.memory_space<vmem_shared>>)
      tpu.yield
    }) : () -> ()
    %dma_wait3A_131 = arith.constant 122 : i32
    %dma_wait3A_132 = arith.constant 2 : i32
    %dma_wait3A_133 = arith.constant 0 : i32
    %dma_wait3A_134 = arith.constant 0 : i32
    %dma_wait3A_135 = tpu.memref_slice %arg8[%dma_wait3A_132, %dma_wait3A_133, %dma_wait3A_134] : memref<8x80x32xf32, #tpu.memory_space<vmem>> -> memref<1x80x32xf32, #tpu.memory_space<vmem>>
    %dma_wait3A_136 = tpu.memref_squeeze %dma_wait3A_135 : memref<1x80x32xf32, #tpu.memory_space<vmem>> -> memref<80x32xf32, #tpu.memory_space<vmem>>
    %dma_wait3A_137 = arith.constant 0 : i32
    %dma_wait3A_138 = tpu.memref_slice %arg6[%dma_wait3A_131, %dma_wait3A_137] : memref<125x80xi32, #tpu.memory_space<vmem>> -> memref<1x80xi32, #tpu.memory_space<vmem>>
    %dma_wait3A_139 = tpu.memref_squeeze %dma_wait3A_138 : memref<1x80xi32, #tpu.memory_space<vmem>> -> memref<80xi32, #tpu.memory_space<vmem>>
    %dma_wait3A_140 = arith.constant 0 : i32
    %dma_wait3A_141 = arith.constant 0 : i32
    %dma_wait3A_142 = tpu.memref_slice %arg2[%dma_wait3A_140, %dma_wait3A_141] : memref<10000x32xf32, #tpu.memory_space<hbm>> -> memref<10000x32xf32, #tpu.memory_space<hbm>>
    tpu.wait_indirect_dma semaphore(%arg14 : memref<!tpu.dma_semaphore, #tpu.memory_space<semaphore_mem>>) src(%dma_wait3A_142 : memref<10000x32xf32, #tpu.memory_space<hbm>>) dst(%dma_wait3A_136 : memref<80x32xf32, #tpu.memory_space<vmem>>)
    %run_scoped3A_143 = arith.constant 2 : i32
    %run_scoped3A_144 = arith.constant 122 : i32
    "tpu.region"() ({
      %run_scoped3A_179 = tpu.sem_alloc : memref<!tpu.dma_semaphore, #tpu.memory_space<semaphore_mem>>
      %dma_start3A_180 = arith.constant 0 : i32
      %dma_start3A_181 = arith.constant 0 : i32
      %dma_start3A_182 = tpu.memref_slice %arg8[%run_scoped3A_143, %dma_start3A_180, %dma_start3A_181] : memref<8x80x32xf32, #tpu.memory_space<vmem>> -> memref<1x80x32xf32, #tpu.memory_space<vmem>>
      %dma_start3A_183 = tpu.memref_squeeze %dma_start3A_182 : memref<1x80x32xf32, #tpu.memory_space<vmem>> -> memref<80x32xf32, #tpu.memory_space<vmem>>
      %dma_start3A_184 = arith.constant 0 : i32
      %dma_start3A_185 = tpu.memref_slice %arg7[%run_scoped3A_144, %dma_start3A_184] : memref<125x80xi32, #tpu.memory_space<vmem>> -> memref<1x80xi32, #tpu.memory_space<vmem>>
      %dma_start3A_186 = tpu.memref_squeeze %dma_start3A_185 : memref<1x80xi32, #tpu.memory_space<vmem>> -> memref<80xi32, #tpu.memory_space<vmem>>
      %dma_start3A_187 = arith.constant 0 : i32
      %dma_start3A_188 = arith.constant 0 : i32
      %dma_start3A_189 = tpu.memref_slice %arg10[%dma_start3A_187, %dma_start3A_188] : memref<10008x32xf32, #tpu.memory_space<vmem_shared>> -> memref<10008x32xf32, #tpu.memory_space<vmem_shared>>
      tpu.enqueue_indirect_dma source(%dma_start3A_183 : memref<80x32xf32, #tpu.memory_space<vmem>>) target(%dma_start3A_189 : memref<10008x32xf32, #tpu.memory_space<vmem_shared>>) offsets(%dma_start3A_186 : memref<80xi32, #tpu.memory_space<vmem>>) semaphore(%run_scoped3A_179 : memref<!tpu.dma_semaphore, #tpu.memory_space<semaphore_mem>>) {add = true}
      %dma_wait3A_190 = arith.constant 0 : i32
      %dma_wait3A_191 = arith.constant 0 : i32
      %dma_wait3A_192 = tpu.memref_slice %arg8[%run_scoped3A_143, %dma_wait3A_190, %dma_wait3A_191] : memref<8x80x32xf32, #tpu.memory_space<vmem>> -> memref<1x80x32xf32, #tpu.memory_space<vmem>>
      %dma_wait3A_193 = tpu.memref_squeeze %dma_wait3A_192 : memref<1x80x32xf32, #tpu.memory_space<vmem>> -> memref<80x32xf32, #tpu.memory_space<vmem>>
      %dma_wait3A_194 = arith.constant 0 : i32
      %dma_wait3A_195 = tpu.memref_slice %arg7[%run_scoped3A_144, %dma_wait3A_194] : memref<125x80xi32, #tpu.memory_space<vmem>> -> memref<1x80xi32, #tpu.memory_space<vmem>>
      %dma_wait3A_196 = tpu.memref_squeeze %dma_wait3A_195 : memref<1x80xi32, #tpu.memory_space<vmem>> -> memref<80xi32, #tpu.memory_space<vmem>>
      %dma_wait3A_197 = arith.constant 0 : i32
      %dma_wait3A_198 = arith.constant 0 : i32
      %dma_wait3A_199 = tpu.memref_slice %arg10[%dma_wait3A_197, %dma_wait3A_198] : memref<10008x32xf32, #tpu.memory_space<vmem_shared>> -> memref<10008x32xf32, #tpu.memory_space<vmem_shared>>
      tpu.wait_indirect_dma semaphore(%run_scoped3A_179 : memref<!tpu.dma_semaphore, #tpu.memory_space<semaphore_mem>>) src(%dma_wait3A_193 : memref<80x32xf32, #tpu.memory_space<vmem>>) dst(%dma_wait3A_199 : memref<10008x32xf32, #tpu.memory_space<vmem_shared>>)
      tpu.yield
    }) : () -> ()
    %dma_wait3A_145 = arith.constant 123 : i32
    %dma_wait3A_146 = arith.constant 3 : i32
    %dma_wait3A_147 = arith.constant 0 : i32
    %dma_wait3A_148 = arith.constant 0 : i32
    %dma_wait3A_149 = tpu.memref_slice %arg8[%dma_wait3A_146, %dma_wait3A_147, %dma_wait3A_148] : memref<8x80x32xf32, #tpu.memory_space<vmem>> -> memref<1x80x32xf32, #tpu.memory_space<vmem>>
    %dma_wait3A_150 = tpu.memref_squeeze %dma_wait3A_149 : memref<1x80x32xf32, #tpu.memory_space<vmem>> -> memref<80x32xf32, #tpu.memory_space<vmem>>
    %dma_wait3A_151 = arith.constant 0 : i32
    %dma_wait3A_152 = tpu.memref_slice %arg6[%dma_wait3A_145, %dma_wait3A_151] : memref<125x80xi32, #tpu.memory_space<vmem>> -> memref<1x80xi32, #tpu.memory_space<vmem>>
    %dma_wait3A_153 = tpu.memref_squeeze %dma_wait3A_152 : memref<1x80xi32, #tpu.memory_space<vmem>> -> memref<80xi32, #tpu.memory_space<vmem>>
    %dma_wait3A_154 = arith.constant 0 : i32
    %dma_wait3A_155 = arith.constant 0 : i32
    %dma_wait3A_156 = tpu.memref_slice %arg2[%dma_wait3A_154, %dma_wait3A_155] : memref<10000x32xf32, #tpu.memory_space<hbm>> -> memref<10000x32xf32, #tpu.memory_space<hbm>>
    tpu.wait_indirect_dma semaphore(%arg15 : memref<!tpu.dma_semaphore, #tpu.memory_space<semaphore_mem>>) src(%dma_wait3A_156 : memref<10000x32xf32, #tpu.memory_space<hbm>>) dst(%dma_wait3A_150 : memref<80x32xf32, #tpu.memory_space<vmem>>)
    %run_scoped3A_157 = arith.constant 3 : i32
    %run_scoped3A_158 = arith.constant 123 : i32
    "tpu.region"() ({
      %run_scoped3A_179 = tpu.sem_alloc : memref<!tpu.dma_semaphore, #tpu.memory_space<semaphore_mem>>
      %dma_start3A_180 = arith.constant 0 : i32
      %dma_start3A_181 = arith.constant 0 : i32
      %dma_start3A_182 = tpu.memref_slice %arg8[%run_scoped3A_157, %dma_start3A_180, %dma_start3A_181] : memref<8x80x32xf32, #tpu.memory_space<vmem>> -> memref<1x80x32xf32, #tpu.memory_space<vmem>>
      %dma_start3A_183 = tpu.memref_squeeze %dma_start3A_182 : memref<1x80x32xf32, #tpu.memory_space<vmem>> -> memref<80x32xf32, #tpu.memory_space<vmem>>
      %dma_start3A_184 = arith.constant 0 : i32
      %dma_start3A_185 = tpu.memref_slice %arg7[%run_scoped3A_158, %dma_start3A_184] : memref<125x80xi32, #tpu.memory_space<vmem>> -> memref<1x80xi32, #tpu.memory_space<vmem>>
      %dma_start3A_186 = tpu.memref_squeeze %dma_start3A_185 : memref<1x80xi32, #tpu.memory_space<vmem>> -> memref<80xi32, #tpu.memory_space<vmem>>
      %dma_start3A_187 = arith.constant 0 : i32
      %dma_start3A_188 = arith.constant 0 : i32
      %dma_start3A_189 = tpu.memref_slice %arg10[%dma_start3A_187, %dma_start3A_188] : memref<10008x32xf32, #tpu.memory_space<vmem_shared>> -> memref<10008x32xf32, #tpu.memory_space<vmem_shared>>
      tpu.enqueue_indirect_dma source(%dma_start3A_183 : memref<80x32xf32, #tpu.memory_space<vmem>>) target(%dma_start3A_189 : memref<10008x32xf32, #tpu.memory_space<vmem_shared>>) offsets(%dma_start3A_186 : memref<80xi32, #tpu.memory_space<vmem>>) semaphore(%run_scoped3A_179 : memref<!tpu.dma_semaphore, #tpu.memory_space<semaphore_mem>>) {add = true}
      %dma_wait3A_190 = arith.constant 0 : i32
      %dma_wait3A_191 = arith.constant 0 : i32
      %dma_wait3A_192 = tpu.memref_slice %arg8[%run_scoped3A_157, %dma_wait3A_190, %dma_wait3A_191] : memref<8x80x32xf32, #tpu.memory_space<vmem>> -> memref<1x80x32xf32, #tpu.memory_space<vmem>>
      %dma_wait3A_193 = tpu.memref_squeeze %dma_wait3A_192 : memref<1x80x32xf32, #tpu.memory_space<vmem>> -> memref<80x32xf32, #tpu.memory_space<vmem>>
      %dma_wait3A_194 = arith.constant 0 : i32
      %dma_wait3A_195 = tpu.memref_slice %arg7[%run_scoped3A_158, %dma_wait3A_194] : memref<125x80xi32, #tpu.memory_space<vmem>> -> memref<1x80xi32, #tpu.memory_space<vmem>>
      %dma_wait3A_196 = tpu.memref_squeeze %dma_wait3A_195 : memref<1x80xi32, #tpu.memory_space<vmem>> -> memref<80xi32, #tpu.memory_space<vmem>>
      %dma_wait3A_197 = arith.constant 0 : i32
      %dma_wait3A_198 = arith.constant 0 : i32
      %dma_wait3A_199 = tpu.memref_slice %arg10[%dma_wait3A_197, %dma_wait3A_198] : memref<10008x32xf32, #tpu.memory_space<vmem_shared>> -> memref<10008x32xf32, #tpu.memory_space<vmem_shared>>
      tpu.wait_indirect_dma semaphore(%run_scoped3A_179 : memref<!tpu.dma_semaphore, #tpu.memory_space<semaphore_mem>>) src(%dma_wait3A_193 : memref<80x32xf32, #tpu.memory_space<vmem>>) dst(%dma_wait3A_199 : memref<10008x32xf32, #tpu.memory_space<vmem_shared>>)
      tpu.yield
    }) : () -> ()
    %dma_wait3A_159 = arith.constant 124 : i32
    %dma_wait3A_160 = arith.constant 4 : i32
    %dma_wait3A_161 = arith.constant 0 : i32
    %dma_wait3A_162 = arith.constant 0 : i32
    %dma_wait3A_163 = tpu.memref_slice %arg8[%dma_wait3A_160, %dma_wait3A_161, %dma_wait3A_162] : memref<8x80x32xf32, #tpu.memory_space<vmem>> -> memref<1x80x32xf32, #tpu.memory_space<vmem>>
    %dma_wait3A_164 = tpu.memref_squeeze %dma_wait3A_163 : memref<1x80x32xf32, #tpu.memory_space<vmem>> -> memref<80x32xf32, #tpu.memory_space<vmem>>
    %dma_wait3A_165 = arith.constant 0 : i32
    %dma_wait3A_166 = tpu.memref_slice %arg6[%dma_wait3A_159, %dma_wait3A_165] : memref<125x80xi32, #tpu.memory_space<vmem>> -> memref<1x80xi32, #tpu.memory_space<vmem>>
    %dma_wait3A_167 = tpu.memref_squeeze %dma_wait3A_166 : memref<1x80xi32, #tpu.memory_space<vmem>> -> memref<80xi32, #tpu.memory_space<vmem>>
    %dma_wait3A_168 = arith.constant 0 : i32
    %dma_wait3A_169 = arith.constant 0 : i32
    %dma_wait3A_170 = tpu.memref_slice %arg2[%dma_wait3A_168, %dma_wait3A_169] : memref<10000x32xf32, #tpu.memory_space<hbm>> -> memref<10000x32xf32, #tpu.memory_space<hbm>>
    tpu.wait_indirect_dma semaphore(%arg16 : memref<!tpu.dma_semaphore, #tpu.memory_space<semaphore_mem>>) src(%dma_wait3A_170 : memref<10000x32xf32, #tpu.memory_space<hbm>>) dst(%dma_wait3A_164 : memref<80x32xf32, #tpu.memory_space<vmem>>)
    %run_scoped3A_171 = arith.constant 4 : i32
    %run_scoped3A_172 = arith.constant 124 : i32
    "tpu.region"() ({
      %run_scoped3A_179 = tpu.sem_alloc : memref<!tpu.dma_semaphore, #tpu.memory_space<semaphore_mem>>
      %dma_start3A_180 = arith.constant 0 : i32
      %dma_start3A_181 = arith.constant 0 : i32
      %dma_start3A_182 = tpu.memref_slice %arg8[%run_scoped3A_171, %dma_start3A_180, %dma_start3A_181] : memref<8x80x32xf32, #tpu.memory_space<vmem>> -> memref<1x80x32xf32, #tpu.memory_space<vmem>>
      %dma_start3A_183 = tpu.memref_squeeze %dma_start3A_182 : memref<1x80x32xf32, #tpu.memory_space<vmem>> -> memref<80x32xf32, #tpu.memory_space<vmem>>
      %dma_start3A_184 = arith.constant 0 : i32
      %dma_start3A_185 = tpu.memref_slice %arg7[%run_scoped3A_172, %dma_start3A_184] : memref<125x80xi32, #tpu.memory_space<vmem>> -> memref<1x80xi32, #tpu.memory_space<vmem>>
      %dma_start3A_186 = tpu.memref_squeeze %dma_start3A_185 : memref<1x80xi32, #tpu.memory_space<vmem>> -> memref<80xi32, #tpu.memory_space<vmem>>
      %dma_start3A_187 = arith.constant 0 : i32
      %dma_start3A_188 = arith.constant 0 : i32
      %dma_start3A_189 = tpu.memref_slice %arg10[%dma_start3A_187, %dma_start3A_188] : memref<10008x32xf32, #tpu.memory_space<vmem_shared>> -> memref<10008x32xf32, #tpu.memory_space<vmem_shared>>
      tpu.enqueue_indirect_dma source(%dma_start3A_183 : memref<80x32xf32, #tpu.memory_space<vmem>>) target(%dma_start3A_189 : memref<10008x32xf32, #tpu.memory_space<vmem_shared>>) offsets(%dma_start3A_186 : memref<80xi32, #tpu.memory_space<vmem>>) semaphore(%run_scoped3A_179 : memref<!tpu.dma_semaphore, #tpu.memory_space<semaphore_mem>>) {add = true}
      %dma_wait3A_190 = arith.constant 0 : i32
      %dma_wait3A_191 = arith.constant 0 : i32
      %dma_wait3A_192 = tpu.memref_slice %arg8[%run_scoped3A_171, %dma_wait3A_190, %dma_wait3A_191] : memref<8x80x32xf32, #tpu.memory_space<vmem>> -> memref<1x80x32xf32, #tpu.memory_space<vmem>>
      %dma_wait3A_193 = tpu.memref_squeeze %dma_wait3A_192 : memref<1x80x32xf32, #tpu.memory_space<vmem>> -> memref<80x32xf32, #tpu.memory_space<vmem>>
      %dma_wait3A_194 = arith.constant 0 : i32
      %dma_wait3A_195 = tpu.memref_slice %arg7[%run_scoped3A_172, %dma_wait3A_194] : memref<125x80xi32, #tpu.memory_space<vmem>> -> memref<1x80xi32, #tpu.memory_space<vmem>>
      %dma_wait3A_196 = tpu.memref_squeeze %dma_wait3A_195 : memref<1x80xi32, #tpu.memory_space<vmem>> -> memref<80xi32, #tpu.memory_space<vmem>>
      %dma_wait3A_197 = arith.constant 0 : i32
      %dma_wait3A_198 = arith.constant 0 : i32
      %dma_wait3A_199 = tpu.memref_slice %arg10[%dma_wait3A_197, %dma_wait3A_198] : memref<10008x32xf32, #tpu.memory_space<vmem_shared>> -> memref<10008x32xf32, #tpu.memory_space<vmem_shared>>
      tpu.wait_indirect_dma semaphore(%run_scoped3A_179 : memref<!tpu.dma_semaphore, #tpu.memory_space<semaphore_mem>>) src(%dma_wait3A_193 : memref<80x32xf32, #tpu.memory_space<vmem>>) dst(%dma_wait3A_199 : memref<10008x32xf32, #tpu.memory_space<vmem_shared>>)
      tpu.yield
    }) : () -> ()
    %barrier3A_173 = arith.constant 0 : index
    tpu.barrier barrier_id(%barrier3A_173)
    %lt3A_174 = arith.constant 10 : i32
    %lt3A_175 = arith.cmpi slt, %arg1, %lt3A_174 : i32
    %convert_element_type3A_176 = arith.extui %lt3A_175 : i1 to i32
    %cond3A_177 = arith.constant 0 : i32
    %cond3A_178 = arith.cmpi ne, %convert_element_type3A_176, %cond3A_177 : i32
    scf.if %cond3A_178 {
      %mul3A_179 = arith.constant 10000 : i32
      %mul3A_180 = arith.muli %arg0, %mul3A_179 : i32
      %add3A_181 = arith.addi %mul3A_180, %mul3A_2 : i32
      "tpu.region"() ({
        %run_scoped3A_182 = tpu.sem_alloc : memref<!tpu.dma_semaphore, #tpu.memory_space<semaphore_mem>>
        %dma_start3A_183 = arith.constant 0 : i32
        %dma_start3A_184 = tpu.memref_slice %arg5[%add3A_181, %dma_start3A_183] : memref<20000x32xf32, #tpu.memory_space<hbm>> -> memref<1000x32xf32, #tpu.memory_space<hbm>>
        %dma_start3A_185 = arith.constant 0 : i32
        %dma_start3A_186 = tpu.memref_slice %arg10[%mul3A_2, %dma_start3A_185] : memref<10008x32xf32, #tpu.memory_space<vmem_shared>> -> memref<1000x32xf32, #tpu.memory_space<vmem_shared>>
        tpu.enqueue_dma source(%dma_start3A_186 : memref<1000x32xf32, #tpu.memory_space<vmem_shared>>) target(%dma_start3A_184 : memref<1000x32xf32, #tpu.memory_space<hbm>>) target_semaphore(%run_scoped3A_182 : memref<!tpu.dma_semaphore, #tpu.memory_space<semaphore_mem>>)
        %dma_wait3A_187 = arith.constant 0 : i32
        %dma_wait3A_188 = tpu.memref_slice %arg5[%add3A_181, %dma_wait3A_187] : memref<20000x32xf32, #tpu.memory_space<hbm>> -> memref<1000x32xf32, #tpu.memory_space<hbm>>
        %dma_wait3A_189 = arith.constant 0 : i32
        %dma_wait3A_190 = tpu.memref_slice %arg10[%mul3A_2, %dma_wait3A_189] : memref<10008x32xf32, #tpu.memory_space<vmem_shared>> -> memref<1000x32xf32, #tpu.memory_space<vmem_shared>>
        tpu.wait_dma2 semaphore(%run_scoped3A_182 : memref<!tpu.dma_semaphore, #tpu.memory_space<semaphore_mem>>) src(%dma_wait3A_190 : memref<1000x32xf32, #tpu.memory_space<vmem_shared>>) dst(%dma_wait3A_188 : memref<1000x32xf32, #tpu.memory_space<hbm>>)
        tpu.yield
      }) : () -> ()
    } else {
    }
    return
  }
}

#map = affine_map<(d0, d1) -> (0, 0)>
#map1 = affine_map<(d0, d1) -> (0, 0, 0)>
module attributes {stable_mosaic.version = 14 : i64} {
  func.func @agg_kernel(%arg0: i32, %arg1: i32, %arg2: memref<10000x112xf32, #tpu.memory_space<hbm>>, %arg3: memref<32x125x80xi32, #tpu.memory_space<hbm>>, %arg4: memref<32x125x80xi32, #tpu.memory_space<hbm>>, %arg5: memref<20000x112xf32, #tpu.memory_space<hbm>>, %arg6: memref<125x80xi32, #tpu.memory_space<vmem>>, %arg7: memref<125x80xi32, #tpu.memory_space<vmem>>, %arg8: memref<4x80x112xf32, #tpu.memory_space<vmem>>, %arg9: memref<40x112xf32, #tpu.memory_space<vmem>>, %arg10: memref<10008x112xf32, #tpu.memory_space<vmem_shared>>, %arg11: memref<!tpu.dma_semaphore, #tpu.memory_space<semaphore_mem>>, %arg12: memref<!tpu.dma_semaphore, #tpu.memory_space<semaphore_mem>>, %arg13: memref<!tpu.dma_semaphore, #tpu.memory_space<semaphore_mem>>, %arg14: memref<!tpu.dma_semaphore, #tpu.memory_space<semaphore_mem>>, %arg15: memref<!tpu.dma_semaphore, #tpu.memory_space<semaphore_mem>>) attributes {dimension_semantics = [#tpu.dimension_semantics<core_parallel>, #tpu.dimension_semantics<subcore_parallel>], iteration_bounds = array<i64: 2, 16>, scalar_prefetch = 0 : i64, scratch_operands = 10 : i64, tpu.core_type = #tpu.core_type<sc_vector_subcore>, window_params = [{transform_indices = #map}, {transform_indices = #map1}, {transform_indices = #map1}, {transform_indices = #map}]} {
    %mul3A = arith.constant 16 : i32
    %mul3A_0 = arith.muli %arg0, %mul3A : i32
    %add3A = arith.addi %mul3A_0, %arg1 : i32
    %mul3A_1 = arith.constant 1000 : i32
    %mul3A_2 = arith.muli %arg1, %mul3A_1 : i32
    %lt3A = arith.constant 10 : i32
    %lt3A_3 = arith.cmpi slt, %arg1, %lt3A : i32
    %convert_element_type3A = arith.extui %lt3A_3 : i1 to i32
    %cond3A = arith.constant 0 : i32
    %cond3A_4 = arith.cmpi ne, %convert_element_type3A, %cond3A : i32
    scf.if %cond3A_4 {
      %scan3A_75 = arith.constant 0 : i32
      %scan3A_76 = arith.constant 0 : i32
      %scan3A_77 = arith.constant 40 : i32
      %scan3A_78 = arith.addi %scan3A_76, %scan3A_77 : i32
      %scan3A_79 = arith.constant 1 : i32
      scf.for %scan3A_381 = %scan3A_76 to %scan3A_78 step %scan3A_79  : i32 {
        %broadcast_in_dim3A = arith.constant 0.000000e+00 : f32
        %broadcast_in_dim3A_382 = vector.broadcast %broadcast_in_dim3A : f32 to vector<16xf32>
        %swap3A = arith.index_cast %scan3A_381 : i32 to index
        %swap3A_383 = arith.constant 0 : index
        %swap3A_384 = tpu.vector_load %arg9[%swap3A, %swap3A_383] {strides = array<i32>} : memref<40x112xf32, #tpu.memory_space<vmem>>, vector<1x16xf32>,
        %swap3A_385 = vector.shape_cast %swap3A_384 : vector<1x16xf32> to vector<16xf32>
        %swap3A_386 = vector.shape_cast %broadcast_in_dim3A_382 : vector<16xf32> to vector<1x16xf32>
        tpu.vector_store %arg9[%swap3A, %swap3A_383], %swap3A_386 {strides = array<i32>} : memref<40x112xf32, #tpu.memory_space<vmem>>, vector<1x16xf32>,
        %broadcast_in_dim3A_387 = arith.constant 0.000000e+00 : f32
        %broadcast_in_dim3A_388 = vector.broadcast %broadcast_in_dim3A_387 : f32 to vector<16xf32>
        %swap3A_389 = arith.index_cast %scan3A_381 : i32 to index
        %swap3A_390 = arith.constant 16 : index
        %swap3A_391 = tpu.vector_load %arg9[%swap3A_389, %swap3A_390] {strides = array<i32>} : memref<40x112xf32, #tpu.memory_space<vmem>>, vector<1x16xf32>,
        %swap3A_392 = vector.shape_cast %swap3A_391 : vector<1x16xf32> to vector<16xf32>
        %swap3A_393 = vector.shape_cast %broadcast_in_dim3A_388 : vector<16xf32> to vector<1x16xf32>
        tpu.vector_store %arg9[%swap3A_389, %swap3A_390], %swap3A_393 {strides = array<i32>} : memref<40x112xf32, #tpu.memory_space<vmem>>, vector<1x16xf32>,
        %broadcast_in_dim3A_394 = arith.constant 0.000000e+00 : f32
        %broadcast_in_dim3A_395 = vector.broadcast %broadcast_in_dim3A_394 : f32 to vector<16xf32>
        %swap3A_396 = arith.index_cast %scan3A_381 : i32 to index
        %swap3A_397 = arith.constant 32 : index
        %swap3A_398 = tpu.vector_load %arg9[%swap3A_396, %swap3A_397] {strides = array<i32>} : memref<40x112xf32, #tpu.memory_space<vmem>>, vector<1x16xf32>,
        %swap3A_399 = vector.shape_cast %swap3A_398 : vector<1x16xf32> to vector<16xf32>
        %swap3A_400 = vector.shape_cast %broadcast_in_dim3A_395 : vector<16xf32> to vector<1x16xf32>
        tpu.vector_store %arg9[%swap3A_396, %swap3A_397], %swap3A_400 {strides = array<i32>} : memref<40x112xf32, #tpu.memory_space<vmem>>, vector<1x16xf32>,
        %broadcast_in_dim3A_401 = arith.constant 0.000000e+00 : f32
        %broadcast_in_dim3A_402 = vector.broadcast %broadcast_in_dim3A_401 : f32 to vector<16xf32>
        %swap3A_403 = arith.index_cast %scan3A_381 : i32 to index
        %swap3A_404 = arith.constant 48 : index
        %swap3A_405 = tpu.vector_load %arg9[%swap3A_403, %swap3A_404] {strides = array<i32>} : memref<40x112xf32, #tpu.memory_space<vmem>>, vector<1x16xf32>,
        %swap3A_406 = vector.shape_cast %swap3A_405 : vector<1x16xf32> to vector<16xf32>
        %swap3A_407 = vector.shape_cast %broadcast_in_dim3A_402 : vector<16xf32> to vector<1x16xf32>
        tpu.vector_store %arg9[%swap3A_403, %swap3A_404], %swap3A_407 {strides = array<i32>} : memref<40x112xf32, #tpu.memory_space<vmem>>, vector<1x16xf32>,
        %broadcast_in_dim3A_408 = arith.constant 0.000000e+00 : f32
        %broadcast_in_dim3A_409 = vector.broadcast %broadcast_in_dim3A_408 : f32 to vector<16xf32>
        %swap3A_410 = arith.index_cast %scan3A_381 : i32 to index
        %swap3A_411 = arith.constant 64 : index
        %swap3A_412 = tpu.vector_load %arg9[%swap3A_410, %swap3A_411] {strides = array<i32>} : memref<40x112xf32, #tpu.memory_space<vmem>>, vector<1x16xf32>,
        %swap3A_413 = vector.shape_cast %swap3A_412 : vector<1x16xf32> to vector<16xf32>
        %swap3A_414 = vector.shape_cast %broadcast_in_dim3A_409 : vector<16xf32> to vector<1x16xf32>
        tpu.vector_store %arg9[%swap3A_410, %swap3A_411], %swap3A_414 {strides = array<i32>} : memref<40x112xf32, #tpu.memory_space<vmem>>, vector<1x16xf32>,
        %broadcast_in_dim3A_415 = arith.constant 0.000000e+00 : f32
        %broadcast_in_dim3A_416 = vector.broadcast %broadcast_in_dim3A_415 : f32 to vector<16xf32>
        %swap3A_417 = arith.index_cast %scan3A_381 : i32 to index
        %swap3A_418 = arith.constant 80 : index
        %swap3A_419 = tpu.vector_load %arg9[%swap3A_417, %swap3A_418] {strides = array<i32>} : memref<40x112xf32, #tpu.memory_space<vmem>>, vector<1x16xf32>,
        %swap3A_420 = vector.shape_cast %swap3A_419 : vector<1x16xf32> to vector<16xf32>
        %swap3A_421 = vector.shape_cast %broadcast_in_dim3A_416 : vector<16xf32> to vector<1x16xf32>
        tpu.vector_store %arg9[%swap3A_417, %swap3A_418], %swap3A_421 {strides = array<i32>} : memref<40x112xf32, #tpu.memory_space<vmem>>, vector<1x16xf32>,
        %broadcast_in_dim3A_422 = arith.constant 0.000000e+00 : f32
        %broadcast_in_dim3A_423 = vector.broadcast %broadcast_in_dim3A_422 : f32 to vector<16xf32>
        %swap3A_424 = arith.index_cast %scan3A_381 : i32 to index
        %swap3A_425 = arith.constant 96 : index
        %swap3A_426 = tpu.vector_load %arg9[%swap3A_424, %swap3A_425] {strides = array<i32>} : memref<40x112xf32, #tpu.memory_space<vmem>>, vector<1x16xf32>,
        %swap3A_427 = vector.shape_cast %swap3A_426 : vector<1x16xf32> to vector<16xf32>
        %swap3A_428 = vector.shape_cast %broadcast_in_dim3A_423 : vector<16xf32> to vector<1x16xf32>
        tpu.vector_store %arg9[%swap3A_424, %swap3A_425], %swap3A_428 {strides = array<i32>} : memref<40x112xf32, #tpu.memory_space<vmem>>, vector<1x16xf32>,
      }
      %scan3A_80 = arith.constant 40 : i32
      %add3A_81 = arith.constant 0 : i32
      %add3A_82 = arith.addi %mul3A_2, %add3A_81 : i32
      %dma_start3A_83 = arith.constant 0 : i32
      %dma_start3A_84 = tpu.memref_slice %arg10[%add3A_82, %dma_start3A_83] : memref<10008x112xf32, #tpu.memory_space<vmem_shared>> -> memref<40x112xf32, #tpu.memory_space<vmem_shared>>
      %dma_start3A_85 = arith.constant 0 : i32
      %dma_start3A_86 = tpu.memref_slice %arg10[%add3A_82, %dma_start3A_85] : memref<10008x112xf32, #tpu.memory_space<vmem_shared>> -> memref<40x112xf32, #tpu.memory_space<vmem_shared>>
      tpu.enqueue_dma source(%arg9 : memref<40x112xf32, #tpu.memory_space<vmem>>) target(%dma_start3A_86 : memref<40x112xf32, #tpu.memory_space<vmem_shared>>) target_semaphore(%arg11 : memref<!tpu.dma_semaphore, #tpu.memory_space<semaphore_mem>>)
      %add3A_87 = arith.constant 40 : i32
      %add3A_88 = arith.addi %mul3A_2, %add3A_87 : i32
      %dma_start3A_89 = arith.constant 0 : i32
      %dma_start3A_90 = tpu.memref_slice %arg10[%add3A_88, %dma_start3A_89] : memref<10008x112xf32, #tpu.memory_space<vmem_shared>> -> memref<40x112xf32, #tpu.memory_space<vmem_shared>>
      %dma_start3A_91 = arith.constant 0 : i32
      %dma_start3A_92 = tpu.memref_slice %arg10[%add3A_88, %dma_start3A_91] : memref<10008x112xf32, #tpu.memory_space<vmem_shared>> -> memref<40x112xf32, #tpu.memory_space<vmem_shared>>
      tpu.enqueue_dma source(%arg9 : memref<40x112xf32, #tpu.memory_space<vmem>>) target(%dma_start3A_92 : memref<40x112xf32, #tpu.memory_space<vmem_shared>>) target_semaphore(%arg11 : memref<!tpu.dma_semaphore, #tpu.memory_space<semaphore_mem>>)
      %add3A_93 = arith.constant 80 : i32
      %add3A_94 = arith.addi %mul3A_2, %add3A_93 : i32
      %dma_start3A_95 = arith.constant 0 : i32
      %dma_start3A_96 = tpu.memref_slice %arg10[%add3A_94, %dma_start3A_95] : memref<10008x112xf32, #tpu.memory_space<vmem_shared>> -> memref<40x112xf32, #tpu.memory_space<vmem_shared>>
      %dma_start3A_97 = arith.constant 0 : i32
      %dma_start3A_98 = tpu.memref_slice %arg10[%add3A_94, %dma_start3A_97] : memref<10008x112xf32, #tpu.memory_space<vmem_shared>> -> memref<40x112xf32, #tpu.memory_space<vmem_shared>>
      tpu.enqueue_dma source(%arg9 : memref<40x112xf32, #tpu.memory_space<vmem>>) target(%dma_start3A_98 : memref<40x112xf32, #tpu.memory_space<vmem_shared>>) target_semaphore(%arg11 : memref<!tpu.dma_semaphore, #tpu.memory_space<semaphore_mem>>)
      %add3A_99 = arith.constant 120 : i32
      %add3A_100 = arith.addi %mul3A_2, %add3A_99 : i32
      %dma_start3A_101 = arith.constant 0 : i32
      %dma_start3A_102 = tpu.memref_slice %arg10[%add3A_100, %dma_start3A_101] : memref<10008x112xf32, #tpu.memory_space<vmem_shared>> -> memref<40x112xf32, #tpu.memory_space<vmem_shared>>
      %dma_start3A_103 = arith.constant 0 : i32
      %dma_start3A_104 = tpu.memref_slice %arg10[%add3A_100, %dma_start3A_103] : memref<10008x112xf32, #tpu.memory_space<vmem_shared>> -> memref<40x112xf32, #tpu.memory_space<vmem_shared>>
      tpu.enqueue_dma source(%arg9 : memref<40x112xf32, #tpu.memory_space<vmem>>) target(%dma_start3A_104 : memref<40x112xf32, #tpu.memory_space<vmem_shared>>) target_semaphore(%arg11 : memref<!tpu.dma_semaphore, #tpu.memory_space<semaphore_mem>>)
      %add3A_105 = arith.constant 160 : i32
      %add3A_106 = arith.addi %mul3A_2, %add3A_105 : i32
      %dma_start3A_107 = arith.constant 0 : i32
      %dma_start3A_108 = tpu.memref_slice %arg10[%add3A_106, %dma_start3A_107] : memref<10008x112xf32, #tpu.memory_space<vmem_shared>> -> memref<40x112xf32, #tpu.memory_space<vmem_shared>>
      %dma_start3A_109 = arith.constant 0 : i32
      %dma_start3A_110 = tpu.memref_slice %arg10[%add3A_106, %dma_start3A_109] : memref<10008x112xf32, #tpu.memory_space<vmem_shared>> -> memref<40x112xf32, #tpu.memory_space<vmem_shared>>
      tpu.enqueue_dma source(%arg9 : memref<40x112xf32, #tpu.memory_space<vmem>>) target(%dma_start3A_110 : memref<40x112xf32, #tpu.memory_space<vmem_shared>>) target_semaphore(%arg11 : memref<!tpu.dma_semaphore, #tpu.memory_space<semaphore_mem>>)
      %add3A_111 = arith.constant 200 : i32
      %add3A_112 = arith.addi %mul3A_2, %add3A_111 : i32
      %dma_start3A_113 = arith.constant 0 : i32
      %dma_start3A_114 = tpu.memref_slice %arg10[%add3A_112, %dma_start3A_113] : memref<10008x112xf32, #tpu.memory_space<vmem_shared>> -> memref<40x112xf32, #tpu.memory_space<vmem_shared>>
      %dma_start3A_115 = arith.constant 0 : i32
      %dma_start3A_116 = tpu.memref_slice %arg10[%add3A_112, %dma_start3A_115] : memref<10008x112xf32, #tpu.memory_space<vmem_shared>> -> memref<40x112xf32, #tpu.memory_space<vmem_shared>>
      tpu.enqueue_dma source(%arg9 : memref<40x112xf32, #tpu.memory_space<vmem>>) target(%dma_start3A_116 : memref<40x112xf32, #tpu.memory_space<vmem_shared>>) target_semaphore(%arg11 : memref<!tpu.dma_semaphore, #tpu.memory_space<semaphore_mem>>)
      %add3A_117 = arith.constant 240 : i32
      %add3A_118 = arith.addi %mul3A_2, %add3A_117 : i32
      %dma_start3A_119 = arith.constant 0 : i32
      %dma_start3A_120 = tpu.memref_slice %arg10[%add3A_118, %dma_start3A_119] : memref<10008x112xf32, #tpu.memory_space<vmem_shared>> -> memref<40x112xf32, #tpu.memory_space<vmem_shared>>
      %dma_start3A_121 = arith.constant 0 : i32
      %dma_start3A_122 = tpu.memref_slice %arg10[%add3A_118, %dma_start3A_121] : memref<10008x112xf32, #tpu.memory_space<vmem_shared>> -> memref<40x112xf32, #tpu.memory_space<vmem_shared>>
      tpu.enqueue_dma source(%arg9 : memref<40x112xf32, #tpu.memory_space<vmem>>) target(%dma_start3A_122 : memref<40x112xf32, #tpu.memory_space<vmem_shared>>) target_semaphore(%arg11 : memref<!tpu.dma_semaphore, #tpu.memory_space<semaphore_mem>>)
      %add3A_123 = arith.constant 280 : i32
      %add3A_124 = arith.addi %mul3A_2, %add3A_123 : i32
      %dma_start3A_125 = arith.constant 0 : i32
      %dma_start3A_126 = tpu.memref_slice %arg10[%add3A_124, %dma_start3A_125] : memref<10008x112xf32, #tpu.memory_space<vmem_shared>> -> memref<40x112xf32, #tpu.memory_space<vmem_shared>>
      %dma_start3A_127 = arith.constant 0 : i32
      %dma_start3A_128 = tpu.memref_slice %arg10[%add3A_124, %dma_start3A_127] : memref<10008x112xf32, #tpu.memory_space<vmem_shared>> -> memref<40x112xf32, #tpu.memory_space<vmem_shared>>
      tpu.enqueue_dma source(%arg9 : memref<40x112xf32, #tpu.memory_space<vmem>>) target(%dma_start3A_128 : memref<40x112xf32, #tpu.memory_space<vmem_shared>>) target_semaphore(%arg11 : memref<!tpu.dma_semaphore, #tpu.memory_space<semaphore_mem>>)
      %add3A_129 = arith.constant 320 : i32
      %add3A_130 = arith.addi %mul3A_2, %add3A_129 : i32
      %dma_start3A_131 = arith.constant 0 : i32
      %dma_start3A_132 = tpu.memref_slice %arg10[%add3A_130, %dma_start3A_131] : memref<10008x112xf32, #tpu.memory_space<vmem_shared>> -> memref<40x112xf32, #tpu.memory_space<vmem_shared>>
      %dma_start3A_133 = arith.constant 0 : i32
      %dma_start3A_134 = tpu.memref_slice %arg10[%add3A_130, %dma_start3A_133] : memref<10008x112xf32, #tpu.memory_space<vmem_shared>> -> memref<40x112xf32, #tpu.memory_space<vmem_shared>>
      tpu.enqueue_dma source(%arg9 : memref<40x112xf32, #tpu.memory_space<vmem>>) target(%dma_start3A_134 : memref<40x112xf32, #tpu.memory_space<vmem_shared>>) target_semaphore(%arg11 : memref<!tpu.dma_semaphore, #tpu.memory_space<semaphore_mem>>)
      %add3A_135 = arith.constant 360 : i32
      %add3A_136 = arith.addi %mul3A_2, %add3A_135 : i32
      %dma_start3A_137 = arith.constant 0 : i32
      %dma_start3A_138 = tpu.memref_slice %arg10[%add3A_136, %dma_start3A_137] : memref<10008x112xf32, #tpu.memory_space<vmem_shared>> -> memref<40x112xf32, #tpu.memory_space<vmem_shared>>
      %dma_start3A_139 = arith.constant 0 : i32
      %dma_start3A_140 = tpu.memref_slice %arg10[%add3A_136, %dma_start3A_139] : memref<10008x112xf32, #tpu.memory_space<vmem_shared>> -> memref<40x112xf32, #tpu.memory_space<vmem_shared>>
      tpu.enqueue_dma source(%arg9 : memref<40x112xf32, #tpu.memory_space<vmem>>) target(%dma_start3A_140 : memref<40x112xf32, #tpu.memory_space<vmem_shared>>) target_semaphore(%arg11 : memref<!tpu.dma_semaphore, #tpu.memory_space<semaphore_mem>>)
      %add3A_141 = arith.constant 400 : i32
      %add3A_142 = arith.addi %mul3A_2, %add3A_141 : i32
      %dma_start3A_143 = arith.constant 0 : i32
      %dma_start3A_144 = tpu.memref_slice %arg10[%add3A_142, %dma_start3A_143] : memref<10008x112xf32, #tpu.memory_space<vmem_shared>> -> memref<40x112xf32, #tpu.memory_space<vmem_shared>>
      %dma_start3A_145 = arith.constant 0 : i32
      %dma_start3A_146 = tpu.memref_slice %arg10[%add3A_142, %dma_start3A_145] : memref<10008x112xf32, #tpu.memory_space<vmem_shared>> -> memref<40x112xf32, #tpu.memory_space<vmem_shared>>
      tpu.enqueue_dma source(%arg9 : memref<40x112xf32, #tpu.memory_space<vmem>>) target(%dma_start3A_146 : memref<40x112xf32, #tpu.memory_space<vmem_shared>>) target_semaphore(%arg11 : memref<!tpu.dma_semaphore, #tpu.memory_space<semaphore_mem>>)
      %add3A_147 = arith.constant 440 : i32
      %add3A_148 = arith.addi %mul3A_2, %add3A_147 : i32
      %dma_start3A_149 = arith.constant 0 : i32
      %dma_start3A_150 = tpu.memref_slice %arg10[%add3A_148, %dma_start3A_149] : memref<10008x112xf32, #tpu.memory_space<vmem_shared>> -> memref<40x112xf32, #tpu.memory_space<vmem_shared>>
      %dma_start3A_151 = arith.constant 0 : i32
      %dma_start3A_152 = tpu.memref_slice %arg10[%add3A_148, %dma_start3A_151] : memref<10008x112xf32, #tpu.memory_space<vmem_shared>> -> memref<40x112xf32, #tpu.memory_space<vmem_shared>>
      tpu.enqueue_dma source(%arg9 : memref<40x112xf32, #tpu.memory_space<vmem>>) target(%dma_start3A_152 : memref<40x112xf32, #tpu.memory_space<vmem_shared>>) target_semaphore(%arg11 : memref<!tpu.dma_semaphore, #tpu.memory_space<semaphore_mem>>)
      %add3A_153 = arith.constant 480 : i32
      %add3A_154 = arith.addi %mul3A_2, %add3A_153 : i32
      %dma_start3A_155 = arith.constant 0 : i32
      %dma_start3A_156 = tpu.memref_slice %arg10[%add3A_154, %dma_start3A_155] : memref<10008x112xf32, #tpu.memory_space<vmem_shared>> -> memref<40x112xf32, #tpu.memory_space<vmem_shared>>
      %dma_start3A_157 = arith.constant 0 : i32
      %dma_start3A_158 = tpu.memref_slice %arg10[%add3A_154, %dma_start3A_157] : memref<10008x112xf32, #tpu.memory_space<vmem_shared>> -> memref<40x112xf32, #tpu.memory_space<vmem_shared>>
      tpu.enqueue_dma source(%arg9 : memref<40x112xf32, #tpu.memory_space<vmem>>) target(%dma_start3A_158 : memref<40x112xf32, #tpu.memory_space<vmem_shared>>) target_semaphore(%arg11 : memref<!tpu.dma_semaphore, #tpu.memory_space<semaphore_mem>>)
      %add3A_159 = arith.constant 520 : i32
      %add3A_160 = arith.addi %mul3A_2, %add3A_159 : i32
      %dma_start3A_161 = arith.constant 0 : i32
      %dma_start3A_162 = tpu.memref_slice %arg10[%add3A_160, %dma_start3A_161] : memref<10008x112xf32, #tpu.memory_space<vmem_shared>> -> memref<40x112xf32, #tpu.memory_space<vmem_shared>>
      %dma_start3A_163 = arith.constant 0 : i32
      %dma_start3A_164 = tpu.memref_slice %arg10[%add3A_160, %dma_start3A_163] : memref<10008x112xf32, #tpu.memory_space<vmem_shared>> -> memref<40x112xf32, #tpu.memory_space<vmem_shared>>
      tpu.enqueue_dma source(%arg9 : memref<40x112xf32, #tpu.memory_space<vmem>>) target(%dma_start3A_164 : memref<40x112xf32, #tpu.memory_space<vmem_shared>>) target_semaphore(%arg11 : memref<!tpu.dma_semaphore, #tpu.memory_space<semaphore_mem>>)
      %add3A_165 = arith.constant 560 : i32
      %add3A_166 = arith.addi %mul3A_2, %add3A_165 : i32
      %dma_start3A_167 = arith.constant 0 : i32
      %dma_start3A_168 = tpu.memref_slice %arg10[%add3A_166, %dma_start3A_167] : memref<10008x112xf32, #tpu.memory_space<vmem_shared>> -> memref<40x112xf32, #tpu.memory_space<vmem_shared>>
      %dma_start3A_169 = arith.constant 0 : i32
      %dma_start3A_170 = tpu.memref_slice %arg10[%add3A_166, %dma_start3A_169] : memref<10008x112xf32, #tpu.memory_space<vmem_shared>> -> memref<40x112xf32, #tpu.memory_space<vmem_shared>>
      tpu.enqueue_dma source(%arg9 : memref<40x112xf32, #tpu.memory_space<vmem>>) target(%dma_start3A_170 : memref<40x112xf32, #tpu.memory_space<vmem_shared>>) target_semaphore(%arg11 : memref<!tpu.dma_semaphore, #tpu.memory_space<semaphore_mem>>)
      %add3A_171 = arith.constant 600 : i32
      %add3A_172 = arith.addi %mul3A_2, %add3A_171 : i32
      %dma_start3A_173 = arith.constant 0 : i32
      %dma_start3A_174 = tpu.memref_slice %arg10[%add3A_172, %dma_start3A_173] : memref<10008x112xf32, #tpu.memory_space<vmem_shared>> -> memref<40x112xf32, #tpu.memory_space<vmem_shared>>
      %dma_start3A_175 = arith.constant 0 : i32
      %dma_start3A_176 = tpu.memref_slice %arg10[%add3A_172, %dma_start3A_175] : memref<10008x112xf32, #tpu.memory_space<vmem_shared>> -> memref<40x112xf32, #tpu.memory_space<vmem_shared>>
      tpu.enqueue_dma source(%arg9 : memref<40x112xf32, #tpu.memory_space<vmem>>) target(%dma_start3A_176 : memref<40x112xf32, #tpu.memory_space<vmem_shared>>) target_semaphore(%arg11 : memref<!tpu.dma_semaphore, #tpu.memory_space<semaphore_mem>>)
      %add3A_177 = arith.constant 640 : i32
      %add3A_178 = arith.addi %mul3A_2, %add3A_177 : i32
      %dma_start3A_179 = arith.constant 0 : i32
      %dma_start3A_180 = tpu.memref_slice %arg10[%add3A_178, %dma_start3A_179] : memref<10008x112xf32, #tpu.memory_space<vmem_shared>> -> memref<40x112xf32, #tpu.memory_space<vmem_shared>>
      %dma_start3A_181 = arith.constant 0 : i32
      %dma_start3A_182 = tpu.memref_slice %arg10[%add3A_178, %dma_start3A_181] : memref<10008x112xf32, #tpu.memory_space<vmem_shared>> -> memref<40x112xf32, #tpu.memory_space<vmem_shared>>
      tpu.enqueue_dma source(%arg9 : memref<40x112xf32, #tpu.memory_space<vmem>>) target(%dma_start3A_182 : memref<40x112xf32, #tpu.memory_space<vmem_shared>>) target_semaphore(%arg11 : memref<!tpu.dma_semaphore, #tpu.memory_space<semaphore_mem>>)
      %add3A_183 = arith.constant 680 : i32
      %add3A_184 = arith.addi %mul3A_2, %add3A_183 : i32
      %dma_start3A_185 = arith.constant 0 : i32
      %dma_start3A_186 = tpu.memref_slice %arg10[%add3A_184, %dma_start3A_185] : memref<10008x112xf32, #tpu.memory_space<vmem_shared>> -> memref<40x112xf32, #tpu.memory_space<vmem_shared>>
      %dma_start3A_187 = arith.constant 0 : i32
      %dma_start3A_188 = tpu.memref_slice %arg10[%add3A_184, %dma_start3A_187] : memref<10008x112xf32, #tpu.memory_space<vmem_shared>> -> memref<40x112xf32, #tpu.memory_space<vmem_shared>>
      tpu.enqueue_dma source(%arg9 : memref<40x112xf32, #tpu.memory_space<vmem>>) target(%dma_start3A_188 : memref<40x112xf32, #tpu.memory_space<vmem_shared>>) target_semaphore(%arg11 : memref<!tpu.dma_semaphore, #tpu.memory_space<semaphore_mem>>)
      %add3A_189 = arith.constant 720 : i32
      %add3A_190 = arith.addi %mul3A_2, %add3A_189 : i32
      %dma_start3A_191 = arith.constant 0 : i32
      %dma_start3A_192 = tpu.memref_slice %arg10[%add3A_190, %dma_start3A_191] : memref<10008x112xf32, #tpu.memory_space<vmem_shared>> -> memref<40x112xf32, #tpu.memory_space<vmem_shared>>
      %dma_start3A_193 = arith.constant 0 : i32
      %dma_start3A_194 = tpu.memref_slice %arg10[%add3A_190, %dma_start3A_193] : memref<10008x112xf32, #tpu.memory_space<vmem_shared>> -> memref<40x112xf32, #tpu.memory_space<vmem_shared>>
      tpu.enqueue_dma source(%arg9 : memref<40x112xf32, #tpu.memory_space<vmem>>) target(%dma_start3A_194 : memref<40x112xf32, #tpu.memory_space<vmem_shared>>) target_semaphore(%arg11 : memref<!tpu.dma_semaphore, #tpu.memory_space<semaphore_mem>>)
      %add3A_195 = arith.constant 760 : i32
      %add3A_196 = arith.addi %mul3A_2, %add3A_195 : i32
      %dma_start3A_197 = arith.constant 0 : i32
      %dma_start3A_198 = tpu.memref_slice %arg10[%add3A_196, %dma_start3A_197] : memref<10008x112xf32, #tpu.memory_space<vmem_shared>> -> memref<40x112xf32, #tpu.memory_space<vmem_shared>>
      %dma_start3A_199 = arith.constant 0 : i32
      %dma_start3A_200 = tpu.memref_slice %arg10[%add3A_196, %dma_start3A_199] : memref<10008x112xf32, #tpu.memory_space<vmem_shared>> -> memref<40x112xf32, #tpu.memory_space<vmem_shared>>
      tpu.enqueue_dma source(%arg9 : memref<40x112xf32, #tpu.memory_space<vmem>>) target(%dma_start3A_200 : memref<40x112xf32, #tpu.memory_space<vmem_shared>>) target_semaphore(%arg11 : memref<!tpu.dma_semaphore, #tpu.memory_space<semaphore_mem>>)
      %add3A_201 = arith.constant 800 : i32
      %add3A_202 = arith.addi %mul3A_2, %add3A_201 : i32
      %dma_start3A_203 = arith.constant 0 : i32
      %dma_start3A_204 = tpu.memref_slice %arg10[%add3A_202, %dma_start3A_203] : memref<10008x112xf32, #tpu.memory_space<vmem_shared>> -> memref<40x112xf32, #tpu.memory_space<vmem_shared>>
      %dma_start3A_205 = arith.constant 0 : i32
      %dma_start3A_206 = tpu.memref_slice %arg10[%add3A_202, %dma_start3A_205] : memref<10008x112xf32, #tpu.memory_space<vmem_shared>> -> memref<40x112xf32, #tpu.memory_space<vmem_shared>>
      tpu.enqueue_dma source(%arg9 : memref<40x112xf32, #tpu.memory_space<vmem>>) target(%dma_start3A_206 : memref<40x112xf32, #tpu.memory_space<vmem_shared>>) target_semaphore(%arg11 : memref<!tpu.dma_semaphore, #tpu.memory_space<semaphore_mem>>)
      %add3A_207 = arith.constant 840 : i32
      %add3A_208 = arith.addi %mul3A_2, %add3A_207 : i32
      %dma_start3A_209 = arith.constant 0 : i32
      %dma_start3A_210 = tpu.memref_slice %arg10[%add3A_208, %dma_start3A_209] : memref<10008x112xf32, #tpu.memory_space<vmem_shared>> -> memref<40x112xf32, #tpu.memory_space<vmem_shared>>
      %dma_start3A_211 = arith.constant 0 : i32
      %dma_start3A_212 = tpu.memref_slice %arg10[%add3A_208, %dma_start3A_211] : memref<10008x112xf32, #tpu.memory_space<vmem_shared>> -> memref<40x112xf32, #tpu.memory_space<vmem_shared>>
      tpu.enqueue_dma source(%arg9 : memref<40x112xf32, #tpu.memory_space<vmem>>) target(%dma_start3A_212 : memref<40x112xf32, #tpu.memory_space<vmem_shared>>) target_semaphore(%arg11 : memref<!tpu.dma_semaphore, #tpu.memory_space<semaphore_mem>>)
      %add3A_213 = arith.constant 880 : i32
      %add3A_214 = arith.addi %mul3A_2, %add3A_213 : i32
      %dma_start3A_215 = arith.constant 0 : i32
      %dma_start3A_216 = tpu.memref_slice %arg10[%add3A_214, %dma_start3A_215] : memref<10008x112xf32, #tpu.memory_space<vmem_shared>> -> memref<40x112xf32, #tpu.memory_space<vmem_shared>>
      %dma_start3A_217 = arith.constant 0 : i32
      %dma_start3A_218 = tpu.memref_slice %arg10[%add3A_214, %dma_start3A_217] : memref<10008x112xf32, #tpu.memory_space<vmem_shared>> -> memref<40x112xf32, #tpu.memory_space<vmem_shared>>
      tpu.enqueue_dma source(%arg9 : memref<40x112xf32, #tpu.memory_space<vmem>>) target(%dma_start3A_218 : memref<40x112xf32, #tpu.memory_space<vmem_shared>>) target_semaphore(%arg11 : memref<!tpu.dma_semaphore, #tpu.memory_space<semaphore_mem>>)
      %add3A_219 = arith.constant 920 : i32
      %add3A_220 = arith.addi %mul3A_2, %add3A_219 : i32
      %dma_start3A_221 = arith.constant 0 : i32
      %dma_start3A_222 = tpu.memref_slice %arg10[%add3A_220, %dma_start3A_221] : memref<10008x112xf32, #tpu.memory_space<vmem_shared>> -> memref<40x112xf32, #tpu.memory_space<vmem_shared>>
      %dma_start3A_223 = arith.constant 0 : i32
      %dma_start3A_224 = tpu.memref_slice %arg10[%add3A_220, %dma_start3A_223] : memref<10008x112xf32, #tpu.memory_space<vmem_shared>> -> memref<40x112xf32, #tpu.memory_space<vmem_shared>>
      tpu.enqueue_dma source(%arg9 : memref<40x112xf32, #tpu.memory_space<vmem>>) target(%dma_start3A_224 : memref<40x112xf32, #tpu.memory_space<vmem_shared>>) target_semaphore(%arg11 : memref<!tpu.dma_semaphore, #tpu.memory_space<semaphore_mem>>)
      %add3A_225 = arith.constant 960 : i32
      %add3A_226 = arith.addi %mul3A_2, %add3A_225 : i32
      %dma_start3A_227 = arith.constant 0 : i32
      %dma_start3A_228 = tpu.memref_slice %arg10[%add3A_226, %dma_start3A_227] : memref<10008x112xf32, #tpu.memory_space<vmem_shared>> -> memref<40x112xf32, #tpu.memory_space<vmem_shared>>
      %dma_start3A_229 = arith.constant 0 : i32
      %dma_start3A_230 = tpu.memref_slice %arg10[%add3A_226, %dma_start3A_229] : memref<10008x112xf32, #tpu.memory_space<vmem_shared>> -> memref<40x112xf32, #tpu.memory_space<vmem_shared>>
      tpu.enqueue_dma source(%arg9 : memref<40x112xf32, #tpu.memory_space<vmem>>) target(%dma_start3A_230 : memref<40x112xf32, #tpu.memory_space<vmem_shared>>) target_semaphore(%arg11 : memref<!tpu.dma_semaphore, #tpu.memory_space<semaphore_mem>>)
      %add3A_231 = arith.constant 0 : i32
      %add3A_232 = arith.addi %mul3A_2, %add3A_231 : i32
      %dma_wait3A_233 = arith.constant 0 : i32
      %dma_wait3A_234 = tpu.memref_slice %arg10[%add3A_232, %dma_wait3A_233] : memref<10008x112xf32, #tpu.memory_space<vmem_shared>> -> memref<40x112xf32, #tpu.memory_space<vmem_shared>>
      %dma_wait3A_235 = arith.constant 0 : i32
      %dma_wait3A_236 = tpu.memref_slice %arg10[%add3A_232, %dma_wait3A_235] : memref<10008x112xf32, #tpu.memory_space<vmem_shared>> -> memref<40x112xf32, #tpu.memory_space<vmem_shared>>
      tpu.wait_dma2 semaphore(%arg11 : memref<!tpu.dma_semaphore, #tpu.memory_space<semaphore_mem>>) src(%arg9 : memref<40x112xf32, #tpu.memory_space<vmem>>) dst(%dma_wait3A_236 : memref<40x112xf32, #tpu.memory_space<vmem_shared>>)
      %add3A_237 = arith.constant 40 : i32
      %add3A_238 = arith.addi %mul3A_2, %add3A_237 : i32
      %dma_wait3A_239 = arith.constant 0 : i32
      %dma_wait3A_240 = tpu.memref_slice %arg10[%add3A_238, %dma_wait3A_239] : memref<10008x112xf32, #tpu.memory_space<vmem_shared>> -> memref<40x112xf32, #tpu.memory_space<vmem_shared>>
      %dma_wait3A_241 = arith.constant 0 : i32
      %dma_wait3A_242 = tpu.memref_slice %arg10[%add3A_238, %dma_wait3A_241] : memref<10008x112xf32, #tpu.memory_space<vmem_shared>> -> memref<40x112xf32, #tpu.memory_space<vmem_shared>>
      tpu.wait_dma2 semaphore(%arg11 : memref<!tpu.dma_semaphore, #tpu.memory_space<semaphore_mem>>) src(%arg9 : memref<40x112xf32, #tpu.memory_space<vmem>>) dst(%dma_wait3A_242 : memref<40x112xf32, #tpu.memory_space<vmem_shared>>)
      %add3A_243 = arith.constant 80 : i32
      %add3A_244 = arith.addi %mul3A_2, %add3A_243 : i32
      %dma_wait3A_245 = arith.constant 0 : i32
      %dma_wait3A_246 = tpu.memref_slice %arg10[%add3A_244, %dma_wait3A_245] : memref<10008x112xf32, #tpu.memory_space<vmem_shared>> -> memref<40x112xf32, #tpu.memory_space<vmem_shared>>
      %dma_wait3A_247 = arith.constant 0 : i32
      %dma_wait3A_248 = tpu.memref_slice %arg10[%add3A_244, %dma_wait3A_247] : memref<10008x112xf32, #tpu.memory_space<vmem_shared>> -> memref<40x112xf32, #tpu.memory_space<vmem_shared>>
      tpu.wait_dma2 semaphore(%arg11 : memref<!tpu.dma_semaphore, #tpu.memory_space<semaphore_mem>>) src(%arg9 : memref<40x112xf32, #tpu.memory_space<vmem>>) dst(%dma_wait3A_248 : memref<40x112xf32, #tpu.memory_space<vmem_shared>>)
      %add3A_249 = arith.constant 120 : i32
      %add3A_250 = arith.addi %mul3A_2, %add3A_249 : i32
      %dma_wait3A_251 = arith.constant 0 : i32
      %dma_wait3A_252 = tpu.memref_slice %arg10[%add3A_250, %dma_wait3A_251] : memref<10008x112xf32, #tpu.memory_space<vmem_shared>> -> memref<40x112xf32, #tpu.memory_space<vmem_shared>>
      %dma_wait3A_253 = arith.constant 0 : i32
      %dma_wait3A_254 = tpu.memref_slice %arg10[%add3A_250, %dma_wait3A_253] : memref<10008x112xf32, #tpu.memory_space<vmem_shared>> -> memref<40x112xf32, #tpu.memory_space<vmem_shared>>
      tpu.wait_dma2 semaphore(%arg11 : memref<!tpu.dma_semaphore, #tpu.memory_space<semaphore_mem>>) src(%arg9 : memref<40x112xf32, #tpu.memory_space<vmem>>) dst(%dma_wait3A_254 : memref<40x112xf32, #tpu.memory_space<vmem_shared>>)
      %add3A_255 = arith.constant 160 : i32
      %add3A_256 = arith.addi %mul3A_2, %add3A_255 : i32
      %dma_wait3A_257 = arith.constant 0 : i32
      %dma_wait3A_258 = tpu.memref_slice %arg10[%add3A_256, %dma_wait3A_257] : memref<10008x112xf32, #tpu.memory_space<vmem_shared>> -> memref<40x112xf32, #tpu.memory_space<vmem_shared>>
      %dma_wait3A_259 = arith.constant 0 : i32
      %dma_wait3A_260 = tpu.memref_slice %arg10[%add3A_256, %dma_wait3A_259] : memref<10008x112xf32, #tpu.memory_space<vmem_shared>> -> memref<40x112xf32, #tpu.memory_space<vmem_shared>>
      tpu.wait_dma2 semaphore(%arg11 : memref<!tpu.dma_semaphore, #tpu.memory_space<semaphore_mem>>) src(%arg9 : memref<40x112xf32, #tpu.memory_space<vmem>>) dst(%dma_wait3A_260 : memref<40x112xf32, #tpu.memory_space<vmem_shared>>)
      %add3A_261 = arith.constant 200 : i32
      %add3A_262 = arith.addi %mul3A_2, %add3A_261 : i32
      %dma_wait3A_263 = arith.constant 0 : i32
      %dma_wait3A_264 = tpu.memref_slice %arg10[%add3A_262, %dma_wait3A_263] : memref<10008x112xf32, #tpu.memory_space<vmem_shared>> -> memref<40x112xf32, #tpu.memory_space<vmem_shared>>
      %dma_wait3A_265 = arith.constant 0 : i32
      %dma_wait3A_266 = tpu.memref_slice %arg10[%add3A_262, %dma_wait3A_265] : memref<10008x112xf32, #tpu.memory_space<vmem_shared>> -> memref<40x112xf32, #tpu.memory_space<vmem_shared>>
      tpu.wait_dma2 semaphore(%arg11 : memref<!tpu.dma_semaphore, #tpu.memory_space<semaphore_mem>>) src(%arg9 : memref<40x112xf32, #tpu.memory_space<vmem>>) dst(%dma_wait3A_266 : memref<40x112xf32, #tpu.memory_space<vmem_shared>>)
      %add3A_267 = arith.constant 240 : i32
      %add3A_268 = arith.addi %mul3A_2, %add3A_267 : i32
      %dma_wait3A_269 = arith.constant 0 : i32
      %dma_wait3A_270 = tpu.memref_slice %arg10[%add3A_268, %dma_wait3A_269] : memref<10008x112xf32, #tpu.memory_space<vmem_shared>> -> memref<40x112xf32, #tpu.memory_space<vmem_shared>>
      %dma_wait3A_271 = arith.constant 0 : i32
      %dma_wait3A_272 = tpu.memref_slice %arg10[%add3A_268, %dma_wait3A_271] : memref<10008x112xf32, #tpu.memory_space<vmem_shared>> -> memref<40x112xf32, #tpu.memory_space<vmem_shared>>
      tpu.wait_dma2 semaphore(%arg11 : memref<!tpu.dma_semaphore, #tpu.memory_space<semaphore_mem>>) src(%arg9 : memref<40x112xf32, #tpu.memory_space<vmem>>) dst(%dma_wait3A_272 : memref<40x112xf32, #tpu.memory_space<vmem_shared>>)
      %add3A_273 = arith.constant 280 : i32
      %add3A_274 = arith.addi %mul3A_2, %add3A_273 : i32
      %dma_wait3A_275 = arith.constant 0 : i32
      %dma_wait3A_276 = tpu.memref_slice %arg10[%add3A_274, %dma_wait3A_275] : memref<10008x112xf32, #tpu.memory_space<vmem_shared>> -> memref<40x112xf32, #tpu.memory_space<vmem_shared>>
      %dma_wait3A_277 = arith.constant 0 : i32
      %dma_wait3A_278 = tpu.memref_slice %arg10[%add3A_274, %dma_wait3A_277] : memref<10008x112xf32, #tpu.memory_space<vmem_shared>> -> memref<40x112xf32, #tpu.memory_space<vmem_shared>>
      tpu.wait_dma2 semaphore(%arg11 : memref<!tpu.dma_semaphore, #tpu.memory_space<semaphore_mem>>) src(%arg9 : memref<40x112xf32, #tpu.memory_space<vmem>>) dst(%dma_wait3A_278 : memref<40x112xf32, #tpu.memory_space<vmem_shared>>)
      %add3A_279 = arith.constant 320 : i32
      %add3A_280 = arith.addi %mul3A_2, %add3A_279 : i32
      %dma_wait3A_281 = arith.constant 0 : i32
      %dma_wait3A_282 = tpu.memref_slice %arg10[%add3A_280, %dma_wait3A_281] : memref<10008x112xf32, #tpu.memory_space<vmem_shared>> -> memref<40x112xf32, #tpu.memory_space<vmem_shared>>
      %dma_wait3A_283 = arith.constant 0 : i32
      %dma_wait3A_284 = tpu.memref_slice %arg10[%add3A_280, %dma_wait3A_283] : memref<10008x112xf32, #tpu.memory_space<vmem_shared>> -> memref<40x112xf32, #tpu.memory_space<vmem_shared>>
      tpu.wait_dma2 semaphore(%arg11 : memref<!tpu.dma_semaphore, #tpu.memory_space<semaphore_mem>>) src(%arg9 : memref<40x112xf32, #tpu.memory_space<vmem>>) dst(%dma_wait3A_284 : memref<40x112xf32, #tpu.memory_space<vmem_shared>>)
      %add3A_285 = arith.constant 360 : i32
      %add3A_286 = arith.addi %mul3A_2, %add3A_285 : i32
      %dma_wait3A_287 = arith.constant 0 : i32
      %dma_wait3A_288 = tpu.memref_slice %arg10[%add3A_286, %dma_wait3A_287] : memref<10008x112xf32, #tpu.memory_space<vmem_shared>> -> memref<40x112xf32, #tpu.memory_space<vmem_shared>>
      %dma_wait3A_289 = arith.constant 0 : i32
      %dma_wait3A_290 = tpu.memref_slice %arg10[%add3A_286, %dma_wait3A_289] : memref<10008x112xf32, #tpu.memory_space<vmem_shared>> -> memref<40x112xf32, #tpu.memory_space<vmem_shared>>
      tpu.wait_dma2 semaphore(%arg11 : memref<!tpu.dma_semaphore, #tpu.memory_space<semaphore_mem>>) src(%arg9 : memref<40x112xf32, #tpu.memory_space<vmem>>) dst(%dma_wait3A_290 : memref<40x112xf32, #tpu.memory_space<vmem_shared>>)
      %add3A_291 = arith.constant 400 : i32
      %add3A_292 = arith.addi %mul3A_2, %add3A_291 : i32
      %dma_wait3A_293 = arith.constant 0 : i32
      %dma_wait3A_294 = tpu.memref_slice %arg10[%add3A_292, %dma_wait3A_293] : memref<10008x112xf32, #tpu.memory_space<vmem_shared>> -> memref<40x112xf32, #tpu.memory_space<vmem_shared>>
      %dma_wait3A_295 = arith.constant 0 : i32
      %dma_wait3A_296 = tpu.memref_slice %arg10[%add3A_292, %dma_wait3A_295] : memref<10008x112xf32, #tpu.memory_space<vmem_shared>> -> memref<40x112xf32, #tpu.memory_space<vmem_shared>>
      tpu.wait_dma2 semaphore(%arg11 : memref<!tpu.dma_semaphore, #tpu.memory_space<semaphore_mem>>) src(%arg9 : memref<40x112xf32, #tpu.memory_space<vmem>>) dst(%dma_wait3A_296 : memref<40x112xf32, #tpu.memory_space<vmem_shared>>)
      %add3A_297 = arith.constant 440 : i32
      %add3A_298 = arith.addi %mul3A_2, %add3A_297 : i32
      %dma_wait3A_299 = arith.constant 0 : i32
      %dma_wait3A_300 = tpu.memref_slice %arg10[%add3A_298, %dma_wait3A_299] : memref<10008x112xf32, #tpu.memory_space<vmem_shared>> -> memref<40x112xf32, #tpu.memory_space<vmem_shared>>
      %dma_wait3A_301 = arith.constant 0 : i32
      %dma_wait3A_302 = tpu.memref_slice %arg10[%add3A_298, %dma_wait3A_301] : memref<10008x112xf32, #tpu.memory_space<vmem_shared>> -> memref<40x112xf32, #tpu.memory_space<vmem_shared>>
      tpu.wait_dma2 semaphore(%arg11 : memref<!tpu.dma_semaphore, #tpu.memory_space<semaphore_mem>>) src(%arg9 : memref<40x112xf32, #tpu.memory_space<vmem>>) dst(%dma_wait3A_302 : memref<40x112xf32, #tpu.memory_space<vmem_shared>>)
      %add3A_303 = arith.constant 480 : i32
      %add3A_304 = arith.addi %mul3A_2, %add3A_303 : i32
      %dma_wait3A_305 = arith.constant 0 : i32
      %dma_wait3A_306 = tpu.memref_slice %arg10[%add3A_304, %dma_wait3A_305] : memref<10008x112xf32, #tpu.memory_space<vmem_shared>> -> memref<40x112xf32, #tpu.memory_space<vmem_shared>>
      %dma_wait3A_307 = arith.constant 0 : i32
      %dma_wait3A_308 = tpu.memref_slice %arg10[%add3A_304, %dma_wait3A_307] : memref<10008x112xf32, #tpu.memory_space<vmem_shared>> -> memref<40x112xf32, #tpu.memory_space<vmem_shared>>
      tpu.wait_dma2 semaphore(%arg11 : memref<!tpu.dma_semaphore, #tpu.memory_space<semaphore_mem>>) src(%arg9 : memref<40x112xf32, #tpu.memory_space<vmem>>) dst(%dma_wait3A_308 : memref<40x112xf32, #tpu.memory_space<vmem_shared>>)
      %add3A_309 = arith.constant 520 : i32
      %add3A_310 = arith.addi %mul3A_2, %add3A_309 : i32
      %dma_wait3A_311 = arith.constant 0 : i32
      %dma_wait3A_312 = tpu.memref_slice %arg10[%add3A_310, %dma_wait3A_311] : memref<10008x112xf32, #tpu.memory_space<vmem_shared>> -> memref<40x112xf32, #tpu.memory_space<vmem_shared>>
      %dma_wait3A_313 = arith.constant 0 : i32
      %dma_wait3A_314 = tpu.memref_slice %arg10[%add3A_310, %dma_wait3A_313] : memref<10008x112xf32, #tpu.memory_space<vmem_shared>> -> memref<40x112xf32, #tpu.memory_space<vmem_shared>>
      tpu.wait_dma2 semaphore(%arg11 : memref<!tpu.dma_semaphore, #tpu.memory_space<semaphore_mem>>) src(%arg9 : memref<40x112xf32, #tpu.memory_space<vmem>>) dst(%dma_wait3A_314 : memref<40x112xf32, #tpu.memory_space<vmem_shared>>)
      %add3A_315 = arith.constant 560 : i32
      %add3A_316 = arith.addi %mul3A_2, %add3A_315 : i32
      %dma_wait3A_317 = arith.constant 0 : i32
      %dma_wait3A_318 = tpu.memref_slice %arg10[%add3A_316, %dma_wait3A_317] : memref<10008x112xf32, #tpu.memory_space<vmem_shared>> -> memref<40x112xf32, #tpu.memory_space<vmem_shared>>
      %dma_wait3A_319 = arith.constant 0 : i32
      %dma_wait3A_320 = tpu.memref_slice %arg10[%add3A_316, %dma_wait3A_319] : memref<10008x112xf32, #tpu.memory_space<vmem_shared>> -> memref<40x112xf32, #tpu.memory_space<vmem_shared>>
      tpu.wait_dma2 semaphore(%arg11 : memref<!tpu.dma_semaphore, #tpu.memory_space<semaphore_mem>>) src(%arg9 : memref<40x112xf32, #tpu.memory_space<vmem>>) dst(%dma_wait3A_320 : memref<40x112xf32, #tpu.memory_space<vmem_shared>>)
      %add3A_321 = arith.constant 600 : i32
      %add3A_322 = arith.addi %mul3A_2, %add3A_321 : i32
      %dma_wait3A_323 = arith.constant 0 : i32
      %dma_wait3A_324 = tpu.memref_slice %arg10[%add3A_322, %dma_wait3A_323] : memref<10008x112xf32, #tpu.memory_space<vmem_shared>> -> memref<40x112xf32, #tpu.memory_space<vmem_shared>>
      %dma_wait3A_325 = arith.constant 0 : i32
      %dma_wait3A_326 = tpu.memref_slice %arg10[%add3A_322, %dma_wait3A_325] : memref<10008x112xf32, #tpu.memory_space<vmem_shared>> -> memref<40x112xf32, #tpu.memory_space<vmem_shared>>
      tpu.wait_dma2 semaphore(%arg11 : memref<!tpu.dma_semaphore, #tpu.memory_space<semaphore_mem>>) src(%arg9 : memref<40x112xf32, #tpu.memory_space<vmem>>) dst(%dma_wait3A_326 : memref<40x112xf32, #tpu.memory_space<vmem_shared>>)
      %add3A_327 = arith.constant 640 : i32
      %add3A_328 = arith.addi %mul3A_2, %add3A_327 : i32
      %dma_wait3A_329 = arith.constant 0 : i32
      %dma_wait3A_330 = tpu.memref_slice %arg10[%add3A_328, %dma_wait3A_329] : memref<10008x112xf32, #tpu.memory_space<vmem_shared>> -> memref<40x112xf32, #tpu.memory_space<vmem_shared>>
      %dma_wait3A_331 = arith.constant 0 : i32
      %dma_wait3A_332 = tpu.memref_slice %arg10[%add3A_328, %dma_wait3A_331] : memref<10008x112xf32, #tpu.memory_space<vmem_shared>> -> memref<40x112xf32, #tpu.memory_space<vmem_shared>>
      tpu.wait_dma2 semaphore(%arg11 : memref<!tpu.dma_semaphore, #tpu.memory_space<semaphore_mem>>) src(%arg9 : memref<40x112xf32, #tpu.memory_space<vmem>>) dst(%dma_wait3A_332 : memref<40x112xf32, #tpu.memory_space<vmem_shared>>)
      %add3A_333 = arith.constant 680 : i32
      %add3A_334 = arith.addi %mul3A_2, %add3A_333 : i32
      %dma_wait3A_335 = arith.constant 0 : i32
      %dma_wait3A_336 = tpu.memref_slice %arg10[%add3A_334, %dma_wait3A_335] : memref<10008x112xf32, #tpu.memory_space<vmem_shared>> -> memref<40x112xf32, #tpu.memory_space<vmem_shared>>
      %dma_wait3A_337 = arith.constant 0 : i32
      %dma_wait3A_338 = tpu.memref_slice %arg10[%add3A_334, %dma_wait3A_337] : memref<10008x112xf32, #tpu.memory_space<vmem_shared>> -> memref<40x112xf32, #tpu.memory_space<vmem_shared>>
      tpu.wait_dma2 semaphore(%arg11 : memref<!tpu.dma_semaphore, #tpu.memory_space<semaphore_mem>>) src(%arg9 : memref<40x112xf32, #tpu.memory_space<vmem>>) dst(%dma_wait3A_338 : memref<40x112xf32, #tpu.memory_space<vmem_shared>>)
      %add3A_339 = arith.constant 720 : i32
      %add3A_340 = arith.addi %mul3A_2, %add3A_339 : i32
      %dma_wait3A_341 = arith.constant 0 : i32
      %dma_wait3A_342 = tpu.memref_slice %arg10[%add3A_340, %dma_wait3A_341] : memref<10008x112xf32, #tpu.memory_space<vmem_shared>> -> memref<40x112xf32, #tpu.memory_space<vmem_shared>>
      %dma_wait3A_343 = arith.constant 0 : i32
      %dma_wait3A_344 = tpu.memref_slice %arg10[%add3A_340, %dma_wait3A_343] : memref<10008x112xf32, #tpu.memory_space<vmem_shared>> -> memref<40x112xf32, #tpu.memory_space<vmem_shared>>
      tpu.wait_dma2 semaphore(%arg11 : memref<!tpu.dma_semaphore, #tpu.memory_space<semaphore_mem>>) src(%arg9 : memref<40x112xf32, #tpu.memory_space<vmem>>) dst(%dma_wait3A_344 : memref<40x112xf32, #tpu.memory_space<vmem_shared>>)
      %add3A_345 = arith.constant 760 : i32
      %add3A_346 = arith.addi %mul3A_2, %add3A_345 : i32
      %dma_wait3A_347 = arith.constant 0 : i32
      %dma_wait3A_348 = tpu.memref_slice %arg10[%add3A_346, %dma_wait3A_347] : memref<10008x112xf32, #tpu.memory_space<vmem_shared>> -> memref<40x112xf32, #tpu.memory_space<vmem_shared>>
      %dma_wait3A_349 = arith.constant 0 : i32
      %dma_wait3A_350 = tpu.memref_slice %arg10[%add3A_346, %dma_wait3A_349] : memref<10008x112xf32, #tpu.memory_space<vmem_shared>> -> memref<40x112xf32, #tpu.memory_space<vmem_shared>>
      tpu.wait_dma2 semaphore(%arg11 : memref<!tpu.dma_semaphore, #tpu.memory_space<semaphore_mem>>) src(%arg9 : memref<40x112xf32, #tpu.memory_space<vmem>>) dst(%dma_wait3A_350 : memref<40x112xf32, #tpu.memory_space<vmem_shared>>)
      %add3A_351 = arith.constant 800 : i32
      %add3A_352 = arith.addi %mul3A_2, %add3A_351 : i32
      %dma_wait3A_353 = arith.constant 0 : i32
      %dma_wait3A_354 = tpu.memref_slice %arg10[%add3A_352, %dma_wait3A_353] : memref<10008x112xf32, #tpu.memory_space<vmem_shared>> -> memref<40x112xf32, #tpu.memory_space<vmem_shared>>
      %dma_wait3A_355 = arith.constant 0 : i32
      %dma_wait3A_356 = tpu.memref_slice %arg10[%add3A_352, %dma_wait3A_355] : memref<10008x112xf32, #tpu.memory_space<vmem_shared>> -> memref<40x112xf32, #tpu.memory_space<vmem_shared>>
      tpu.wait_dma2 semaphore(%arg11 : memref<!tpu.dma_semaphore, #tpu.memory_space<semaphore_mem>>) src(%arg9 : memref<40x112xf32, #tpu.memory_space<vmem>>) dst(%dma_wait3A_356 : memref<40x112xf32, #tpu.memory_space<vmem_shared>>)
      %add3A_357 = arith.constant 840 : i32
      %add3A_358 = arith.addi %mul3A_2, %add3A_357 : i32
      %dma_wait3A_359 = arith.constant 0 : i32
      %dma_wait3A_360 = tpu.memref_slice %arg10[%add3A_358, %dma_wait3A_359] : memref<10008x112xf32, #tpu.memory_space<vmem_shared>> -> memref<40x112xf32, #tpu.memory_space<vmem_shared>>
      %dma_wait3A_361 = arith.constant 0 : i32
      %dma_wait3A_362 = tpu.memref_slice %arg10[%add3A_358, %dma_wait3A_361] : memref<10008x112xf32, #tpu.memory_space<vmem_shared>> -> memref<40x112xf32, #tpu.memory_space<vmem_shared>>
      tpu.wait_dma2 semaphore(%arg11 : memref<!tpu.dma_semaphore, #tpu.memory_space<semaphore_mem>>) src(%arg9 : memref<40x112xf32, #tpu.memory_space<vmem>>) dst(%dma_wait3A_362 : memref<40x112xf32, #tpu.memory_space<vmem_shared>>)
      %add3A_363 = arith.constant 880 : i32
      %add3A_364 = arith.addi %mul3A_2, %add3A_363 : i32
      %dma_wait3A_365 = arith.constant 0 : i32
      %dma_wait3A_366 = tpu.memref_slice %arg10[%add3A_364, %dma_wait3A_365] : memref<10008x112xf32, #tpu.memory_space<vmem_shared>> -> memref<40x112xf32, #tpu.memory_space<vmem_shared>>
      %dma_wait3A_367 = arith.constant 0 : i32
      %dma_wait3A_368 = tpu.memref_slice %arg10[%add3A_364, %dma_wait3A_367] : memref<10008x112xf32, #tpu.memory_space<vmem_shared>> -> memref<40x112xf32, #tpu.memory_space<vmem_shared>>
      tpu.wait_dma2 semaphore(%arg11 : memref<!tpu.dma_semaphore, #tpu.memory_space<semaphore_mem>>) src(%arg9 : memref<40x112xf32, #tpu.memory_space<vmem>>) dst(%dma_wait3A_368 : memref<40x112xf32, #tpu.memory_space<vmem_shared>>)
      %add3A_369 = arith.constant 920 : i32
      %add3A_370 = arith.addi %mul3A_2, %add3A_369 : i32
      %dma_wait3A_371 = arith.constant 0 : i32
      %dma_wait3A_372 = tpu.memref_slice %arg10[%add3A_370, %dma_wait3A_371] : memref<10008x112xf32, #tpu.memory_space<vmem_shared>> -> memref<40x112xf32, #tpu.memory_space<vmem_shared>>
      %dma_wait3A_373 = arith.constant 0 : i32
      %dma_wait3A_374 = tpu.memref_slice %arg10[%add3A_370, %dma_wait3A_373] : memref<10008x112xf32, #tpu.memory_space<vmem_shared>> -> memref<40x112xf32, #tpu.memory_space<vmem_shared>>
      tpu.wait_dma2 semaphore(%arg11 : memref<!tpu.dma_semaphore, #tpu.memory_space<semaphore_mem>>) src(%arg9 : memref<40x112xf32, #tpu.memory_space<vmem>>) dst(%dma_wait3A_374 : memref<40x112xf32, #tpu.memory_space<vmem_shared>>)
      %add3A_375 = arith.constant 960 : i32
      %add3A_376 = arith.addi %mul3A_2, %add3A_375 : i32
      %dma_wait3A_377 = arith.constant 0 : i32
      %dma_wait3A_378 = tpu.memref_slice %arg10[%add3A_376, %dma_wait3A_377] : memref<10008x112xf32, #tpu.memory_space<vmem_shared>> -> memref<40x112xf32, #tpu.memory_space<vmem_shared>>
      %dma_wait3A_379 = arith.constant 0 : i32
      %dma_wait3A_380 = tpu.memref_slice %arg10[%add3A_376, %dma_wait3A_379] : memref<10008x112xf32, #tpu.memory_space<vmem_shared>> -> memref<40x112xf32, #tpu.memory_space<vmem_shared>>
      tpu.wait_dma2 semaphore(%arg11 : memref<!tpu.dma_semaphore, #tpu.memory_space<semaphore_mem>>) src(%arg9 : memref<40x112xf32, #tpu.memory_space<vmem>>) dst(%dma_wait3A_380 : memref<40x112xf32, #tpu.memory_space<vmem_shared>>)
    } else {
    }
    "tpu.region"() ({
      %run_scoped3A_75 = tpu.sem_alloc : memref<!tpu.dma_semaphore, #tpu.memory_space<semaphore_mem>>
      %dma_start3A_76 = arith.constant 0 : i32
      %dma_start3A_77 = arith.constant 0 : i32
      %dma_start3A_78 = tpu.memref_slice %arg3[%add3A, %dma_start3A_76, %dma_start3A_77] : memref<32x125x80xi32, #tpu.memory_space<hbm>> -> memref<1x125x80xi32, #tpu.memory_space<hbm>>
      %dma_start3A_79 = tpu.memref_squeeze %dma_start3A_78 : memref<1x125x80xi32, #tpu.memory_space<hbm>> -> memref<125x80xi32, #tpu.memory_space<hbm>>
      %dma_start3A_80 = arith.constant 0 : i32
      %dma_start3A_81 = arith.constant 0 : i32
      %dma_start3A_82 = tpu.memref_slice %arg3[%add3A, %dma_start3A_80, %dma_start3A_81] : memref<32x125x80xi32, #tpu.memory_space<hbm>> -> memref<1x125x80xi32, #tpu.memory_space<hbm>>
      %dma_start3A_83 = tpu.memref_squeeze %dma_start3A_82 : memref<1x125x80xi32, #tpu.memory_space<hbm>> -> memref<125x80xi32, #tpu.memory_space<hbm>>
      tpu.enqueue_dma source(%dma_start3A_83 : memref<125x80xi32, #tpu.memory_space<hbm>>) target(%arg6 : memref<125x80xi32, #tpu.memory_space<vmem>>) target_semaphore(%run_scoped3A_75 : memref<!tpu.dma_semaphore, #tpu.memory_space<semaphore_mem>>)
      %dma_wait3A_84 = arith.constant 0 : i32
      %dma_wait3A_85 = arith.constant 0 : i32
      %dma_wait3A_86 = tpu.memref_slice %arg3[%add3A, %dma_wait3A_84, %dma_wait3A_85] : memref<32x125x80xi32, #tpu.memory_space<hbm>> -> memref<1x125x80xi32, #tpu.memory_space<hbm>>
      %dma_wait3A_87 = tpu.memref_squeeze %dma_wait3A_86 : memref<1x125x80xi32, #tpu.memory_space<hbm>> -> memref<125x80xi32, #tpu.memory_space<hbm>>
      %dma_wait3A_88 = arith.constant 0 : i32
      %dma_wait3A_89 = arith.constant 0 : i32
      %dma_wait3A_90 = tpu.memref_slice %arg3[%add3A, %dma_wait3A_88, %dma_wait3A_89] : memref<32x125x80xi32, #tpu.memory_space<hbm>> -> memref<1x125x80xi32, #tpu.memory_space<hbm>>
      %dma_wait3A_91 = tpu.memref_squeeze %dma_wait3A_90 : memref<1x125x80xi32, #tpu.memory_space<hbm>> -> memref<125x80xi32, #tpu.memory_space<hbm>>
      tpu.wait_dma2 semaphore(%run_scoped3A_75 : memref<!tpu.dma_semaphore, #tpu.memory_space<semaphore_mem>>) src(%dma_wait3A_91 : memref<125x80xi32, #tpu.memory_space<hbm>>) dst(%arg6 : memref<125x80xi32, #tpu.memory_space<vmem>>)
      tpu.yield
    }) : () -> ()
    "tpu.region"() ({
      %run_scoped3A_75 = tpu.sem_alloc : memref<!tpu.dma_semaphore, #tpu.memory_space<semaphore_mem>>
      %dma_start3A_76 = arith.constant 0 : i32
      %dma_start3A_77 = arith.constant 0 : i32
      %dma_start3A_78 = tpu.memref_slice %arg4[%add3A, %dma_start3A_76, %dma_start3A_77] : memref<32x125x80xi32, #tpu.memory_space<hbm>> -> memref<1x125x80xi32, #tpu.memory_space<hbm>>
      %dma_start3A_79 = tpu.memref_squeeze %dma_start3A_78 : memref<1x125x80xi32, #tpu.memory_space<hbm>> -> memref<125x80xi32, #tpu.memory_space<hbm>>
      %dma_start3A_80 = arith.constant 0 : i32
      %dma_start3A_81 = arith.constant 0 : i32
      %dma_start3A_82 = tpu.memref_slice %arg4[%add3A, %dma_start3A_80, %dma_start3A_81] : memref<32x125x80xi32, #tpu.memory_space<hbm>> -> memref<1x125x80xi32, #tpu.memory_space<hbm>>
      %dma_start3A_83 = tpu.memref_squeeze %dma_start3A_82 : memref<1x125x80xi32, #tpu.memory_space<hbm>> -> memref<125x80xi32, #tpu.memory_space<hbm>>
      tpu.enqueue_dma source(%dma_start3A_83 : memref<125x80xi32, #tpu.memory_space<hbm>>) target(%arg7 : memref<125x80xi32, #tpu.memory_space<vmem>>) target_semaphore(%run_scoped3A_75 : memref<!tpu.dma_semaphore, #tpu.memory_space<semaphore_mem>>)
      %dma_wait3A_84 = arith.constant 0 : i32
      %dma_wait3A_85 = arith.constant 0 : i32
      %dma_wait3A_86 = tpu.memref_slice %arg4[%add3A, %dma_wait3A_84, %dma_wait3A_85] : memref<32x125x80xi32, #tpu.memory_space<hbm>> -> memref<1x125x80xi32, #tpu.memory_space<hbm>>
      %dma_wait3A_87 = tpu.memref_squeeze %dma_wait3A_86 : memref<1x125x80xi32, #tpu.memory_space<hbm>> -> memref<125x80xi32, #tpu.memory_space<hbm>>
      %dma_wait3A_88 = arith.constant 0 : i32
      %dma_wait3A_89 = arith.constant 0 : i32
      %dma_wait3A_90 = tpu.memref_slice %arg4[%add3A, %dma_wait3A_88, %dma_wait3A_89] : memref<32x125x80xi32, #tpu.memory_space<hbm>> -> memref<1x125x80xi32, #tpu.memory_space<hbm>>
      %dma_wait3A_91 = tpu.memref_squeeze %dma_wait3A_90 : memref<1x125x80xi32, #tpu.memory_space<hbm>> -> memref<125x80xi32, #tpu.memory_space<hbm>>
      tpu.wait_dma2 semaphore(%run_scoped3A_75 : memref<!tpu.dma_semaphore, #tpu.memory_space<semaphore_mem>>) src(%dma_wait3A_91 : memref<125x80xi32, #tpu.memory_space<hbm>>) dst(%arg7 : memref<125x80xi32, #tpu.memory_space<vmem>>)
      tpu.yield
    }) : () -> ()
    %barrier3A = arith.constant 0 : index
    tpu.barrier barrier_id(%barrier3A)
    %dma_start3A = arith.constant 0 : i32
    %dma_start3A_5 = arith.constant 0 : i32
    %dma_start3A_6 = arith.constant 0 : i32
    %dma_start3A_7 = arith.constant 0 : i32
    %dma_start3A_8 = tpu.memref_slice %arg8[%dma_start3A_5, %dma_start3A_6, %dma_start3A_7] : memref<4x80x112xf32, #tpu.memory_space<vmem>> -> memref<1x80x112xf32, #tpu.memory_space<vmem>>
    %dma_start3A_9 = tpu.memref_squeeze %dma_start3A_8 : memref<1x80x112xf32, #tpu.memory_space<vmem>> -> memref<80x112xf32, #tpu.memory_space<vmem>>
    %dma_start3A_10 = arith.constant 0 : i32
    %dma_start3A_11 = tpu.memref_slice %arg6[%dma_start3A, %dma_start3A_10] : memref<125x80xi32, #tpu.memory_space<vmem>> -> memref<1x80xi32, #tpu.memory_space<vmem>>
    %dma_start3A_12 = tpu.memref_squeeze %dma_start3A_11 : memref<1x80xi32, #tpu.memory_space<vmem>> -> memref<80xi32, #tpu.memory_space<vmem>>
    %dma_start3A_13 = arith.constant 0 : i32
    %dma_start3A_14 = arith.constant 0 : i32
    %dma_start3A_15 = tpu.memref_slice %arg2[%dma_start3A_13, %dma_start3A_14] : memref<10000x112xf32, #tpu.memory_space<hbm>> -> memref<10000x112xf32, #tpu.memory_space<hbm>>
    tpu.enqueue_indirect_dma source(%dma_start3A_15 : memref<10000x112xf32, #tpu.memory_space<hbm>>) target(%dma_start3A_9 : memref<80x112xf32, #tpu.memory_space<vmem>>) offsets(%dma_start3A_12 : memref<80xi32, #tpu.memory_space<vmem>>) semaphore(%arg12 : memref<!tpu.dma_semaphore, #tpu.memory_space<semaphore_mem>>)
    %dma_start3A_16 = arith.constant 1 : i32
    %dma_start3A_17 = arith.constant 1 : i32
    %dma_start3A_18 = arith.constant 0 : i32
    %dma_start3A_19 = arith.constant 0 : i32
    %dma_start3A_20 = tpu.memref_slice %arg8[%dma_start3A_17, %dma_start3A_18, %dma_start3A_19] : memref<4x80x112xf32, #tpu.memory_space<vmem>> -> memref<1x80x112xf32, #tpu.memory_space<vmem>>
    %dma_start3A_21 = tpu.memref_squeeze %dma_start3A_20 : memref<1x80x112xf32, #tpu.memory_space<vmem>> -> memref<80x112xf32, #tpu.memory_space<vmem>>
    %dma_start3A_22 = arith.constant 0 : i32
    %dma_start3A_23 = tpu.memref_slice %arg6[%dma_start3A_16, %dma_start3A_22] : memref<125x80xi32, #tpu.memory_space<vmem>> -> memref<1x80xi32, #tpu.memory_space<vmem>>
    %dma_start3A_24 = tpu.memref_squeeze %dma_start3A_23 : memref<1x80xi32, #tpu.memory_space<vmem>> -> memref<80xi32, #tpu.memory_space<vmem>>
    %dma_start3A_25 = arith.constant 0 : i32
    %dma_start3A_26 = arith.constant 0 : i32
    %dma_start3A_27 = tpu.memref_slice %arg2[%dma_start3A_25, %dma_start3A_26] : memref<10000x112xf32, #tpu.memory_space<hbm>> -> memref<10000x112xf32, #tpu.memory_space<hbm>>
    tpu.enqueue_indirect_dma source(%dma_start3A_27 : memref<10000x112xf32, #tpu.memory_space<hbm>>) target(%dma_start3A_21 : memref<80x112xf32, #tpu.memory_space<vmem>>) offsets(%dma_start3A_24 : memref<80xi32, #tpu.memory_space<vmem>>) semaphore(%arg13 : memref<!tpu.dma_semaphore, #tpu.memory_space<semaphore_mem>>)
    %dma_start3A_28 = arith.constant 2 : i32
    %dma_start3A_29 = arith.constant 2 : i32
    %dma_start3A_30 = arith.constant 0 : i32
    %dma_start3A_31 = arith.constant 0 : i32
    %dma_start3A_32 = tpu.memref_slice %arg8[%dma_start3A_29, %dma_start3A_30, %dma_start3A_31] : memref<4x80x112xf32, #tpu.memory_space<vmem>> -> memref<1x80x112xf32, #tpu.memory_space<vmem>>
    %dma_start3A_33 = tpu.memref_squeeze %dma_start3A_32 : memref<1x80x112xf32, #tpu.memory_space<vmem>> -> memref<80x112xf32, #tpu.memory_space<vmem>>
    %dma_start3A_34 = arith.constant 0 : i32
    %dma_start3A_35 = tpu.memref_slice %arg6[%dma_start3A_28, %dma_start3A_34] : memref<125x80xi32, #tpu.memory_space<vmem>> -> memref<1x80xi32, #tpu.memory_space<vmem>>
    %dma_start3A_36 = tpu.memref_squeeze %dma_start3A_35 : memref<1x80xi32, #tpu.memory_space<vmem>> -> memref<80xi32, #tpu.memory_space<vmem>>
    %dma_start3A_37 = arith.constant 0 : i32
    %dma_start3A_38 = arith.constant 0 : i32
    %dma_start3A_39 = tpu.memref_slice %arg2[%dma_start3A_37, %dma_start3A_38] : memref<10000x112xf32, #tpu.memory_space<hbm>> -> memref<10000x112xf32, #tpu.memory_space<hbm>>
    tpu.enqueue_indirect_dma source(%dma_start3A_39 : memref<10000x112xf32, #tpu.memory_space<hbm>>) target(%dma_start3A_33 : memref<80x112xf32, #tpu.memory_space<vmem>>) offsets(%dma_start3A_36 : memref<80xi32, #tpu.memory_space<vmem>>) semaphore(%arg14 : memref<!tpu.dma_semaphore, #tpu.memory_space<semaphore_mem>>)
    %dma_start3A_40 = arith.constant 3 : i32
    %dma_start3A_41 = arith.constant 3 : i32
    %dma_start3A_42 = arith.constant 0 : i32
    %dma_start3A_43 = arith.constant 0 : i32
    %dma_start3A_44 = tpu.memref_slice %arg8[%dma_start3A_41, %dma_start3A_42, %dma_start3A_43] : memref<4x80x112xf32, #tpu.memory_space<vmem>> -> memref<1x80x112xf32, #tpu.memory_space<vmem>>
    %dma_start3A_45 = tpu.memref_squeeze %dma_start3A_44 : memref<1x80x112xf32, #tpu.memory_space<vmem>> -> memref<80x112xf32, #tpu.memory_space<vmem>>
    %dma_start3A_46 = arith.constant 0 : i32
    %dma_start3A_47 = tpu.memref_slice %arg6[%dma_start3A_40, %dma_start3A_46] : memref<125x80xi32, #tpu.memory_space<vmem>> -> memref<1x80xi32, #tpu.memory_space<vmem>>
    %dma_start3A_48 = tpu.memref_squeeze %dma_start3A_47 : memref<1x80xi32, #tpu.memory_space<vmem>> -> memref<80xi32, #tpu.memory_space<vmem>>
    %dma_start3A_49 = arith.constant 0 : i32
    %dma_start3A_50 = arith.constant 0 : i32
    %dma_start3A_51 = tpu.memref_slice %arg2[%dma_start3A_49, %dma_start3A_50] : memref<10000x112xf32, #tpu.memory_space<hbm>> -> memref<10000x112xf32, #tpu.memory_space<hbm>>
    tpu.enqueue_indirect_dma source(%dma_start3A_51 : memref<10000x112xf32, #tpu.memory_space<hbm>>) target(%dma_start3A_45 : memref<80x112xf32, #tpu.memory_space<vmem>>) offsets(%dma_start3A_48 : memref<80xi32, #tpu.memory_space<vmem>>) semaphore(%arg15 : memref<!tpu.dma_semaphore, #tpu.memory_space<semaphore_mem>>)
    %scan3A = arith.constant 0 : i32
    %scan3A_52 = arith.constant 0 : i32
    %scan3A_53 = arith.constant 31 : i32
    %scan3A_54 = arith.addi %scan3A_52, %scan3A_53 : i32
    %scan3A_55 = arith.constant 1 : i32
    scf.for %scan3A_75 = %scan3A_52 to %scan3A_54 step %scan3A_55  : i32 {
      %mul3A_76 = arith.constant 4 : i32
      %mul3A_77 = arith.muli %scan3A_75, %mul3A_76 : i32
      %add3A_78 = arith.constant 0 : i32
      %add3A_79 = arith.addi %mul3A_77, %add3A_78 : i32
      %dma_wait3A_80 = arith.constant 0 : i32
      %dma_wait3A_81 = arith.constant 0 : i32
      %dma_wait3A_82 = arith.constant 0 : i32
      %dma_wait3A_83 = tpu.memref_slice %arg8[%dma_wait3A_80, %dma_wait3A_81, %dma_wait3A_82] : memref<4x80x112xf32, #tpu.memory_space<vmem>> -> memref<1x80x112xf32, #tpu.memory_space<vmem>>
      %dma_wait3A_84 = tpu.memref_squeeze %dma_wait3A_83 : memref<1x80x112xf32, #tpu.memory_space<vmem>> -> memref<80x112xf32, #tpu.memory_space<vmem>>
      %dma_wait3A_85 = arith.constant 0 : i32
      %dma_wait3A_86 = tpu.memref_slice %arg6[%add3A_79, %dma_wait3A_85] : memref<125x80xi32, #tpu.memory_space<vmem>> -> memref<1x80xi32, #tpu.memory_space<vmem>>
      %dma_wait3A_87 = tpu.memref_squeeze %dma_wait3A_86 : memref<1x80xi32, #tpu.memory_space<vmem>> -> memref<80xi32, #tpu.memory_space<vmem>>
      %dma_wait3A_88 = arith.constant 0 : i32
      %dma_wait3A_89 = arith.constant 0 : i32
      %dma_wait3A_90 = tpu.memref_slice %arg2[%dma_wait3A_88, %dma_wait3A_89] : memref<10000x112xf32, #tpu.memory_space<hbm>> -> memref<10000x112xf32, #tpu.memory_space<hbm>>
      tpu.wait_indirect_dma semaphore(%arg12 : memref<!tpu.dma_semaphore, #tpu.memory_space<semaphore_mem>>) src(%dma_wait3A_90 : memref<10000x112xf32, #tpu.memory_space<hbm>>) dst(%dma_wait3A_84 : memref<80x112xf32, #tpu.memory_space<vmem>>)
      %run_scoped3A_91 = arith.constant 0 : i32
      "tpu.region"() ({
        %run_scoped3A_168 = tpu.sem_alloc : memref<!tpu.dma_semaphore, #tpu.memory_space<semaphore_mem>>
        %dma_start3A_169 = arith.constant 0 : i32
        %dma_start3A_170 = arith.constant 0 : i32
        %dma_start3A_171 = tpu.memref_slice %arg8[%run_scoped3A_91, %dma_start3A_169, %dma_start3A_170] : memref<4x80x112xf32, #tpu.memory_space<vmem>> -> memref<1x80x112xf32, #tpu.memory_space<vmem>>
        %dma_start3A_172 = tpu.memref_squeeze %dma_start3A_171 : memref<1x80x112xf32, #tpu.memory_space<vmem>> -> memref<80x112xf32, #tpu.memory_space<vmem>>
        %dma_start3A_173 = arith.constant 0 : i32
        %dma_start3A_174 = tpu.memref_slice %arg7[%add3A_79, %dma_start3A_173] : memref<125x80xi32, #tpu.memory_space<vmem>> -> memref<1x80xi32, #tpu.memory_space<vmem>>
        %dma_start3A_175 = tpu.memref_squeeze %dma_start3A_174 : memref<1x80xi32, #tpu.memory_space<vmem>> -> memref<80xi32, #tpu.memory_space<vmem>>
        %dma_start3A_176 = arith.constant 0 : i32
        %dma_start3A_177 = arith.constant 0 : i32
        %dma_start3A_178 = tpu.memref_slice %arg10[%dma_start3A_176, %dma_start3A_177] : memref<10008x112xf32, #tpu.memory_space<vmem_shared>> -> memref<10008x112xf32, #tpu.memory_space<vmem_shared>>
        tpu.enqueue_indirect_dma source(%dma_start3A_172 : memref<80x112xf32, #tpu.memory_space<vmem>>) target(%dma_start3A_178 : memref<10008x112xf32, #tpu.memory_space<vmem_shared>>) offsets(%dma_start3A_175 : memref<80xi32, #tpu.memory_space<vmem>>) semaphore(%run_scoped3A_168 : memref<!tpu.dma_semaphore, #tpu.memory_space<semaphore_mem>>) {add = true}
        %dma_wait3A_179 = arith.constant 0 : i32
        %dma_wait3A_180 = arith.constant 0 : i32
        %dma_wait3A_181 = tpu.memref_slice %arg8[%run_scoped3A_91, %dma_wait3A_179, %dma_wait3A_180] : memref<4x80x112xf32, #tpu.memory_space<vmem>> -> memref<1x80x112xf32, #tpu.memory_space<vmem>>
        %dma_wait3A_182 = tpu.memref_squeeze %dma_wait3A_181 : memref<1x80x112xf32, #tpu.memory_space<vmem>> -> memref<80x112xf32, #tpu.memory_space<vmem>>
        %dma_wait3A_183 = arith.constant 0 : i32
        %dma_wait3A_184 = tpu.memref_slice %arg7[%add3A_79, %dma_wait3A_183] : memref<125x80xi32, #tpu.memory_space<vmem>> -> memref<1x80xi32, #tpu.memory_space<vmem>>
        %dma_wait3A_185 = tpu.memref_squeeze %dma_wait3A_184 : memref<1x80xi32, #tpu.memory_space<vmem>> -> memref<80xi32, #tpu.memory_space<vmem>>
        %dma_wait3A_186 = arith.constant 0 : i32
        %dma_wait3A_187 = arith.constant 0 : i32
        %dma_wait3A_188 = tpu.memref_slice %arg10[%dma_wait3A_186, %dma_wait3A_187] : memref<10008x112xf32, #tpu.memory_space<vmem_shared>> -> memref<10008x112xf32, #tpu.memory_space<vmem_shared>>
        tpu.wait_indirect_dma semaphore(%run_scoped3A_168 : memref<!tpu.dma_semaphore, #tpu.memory_space<semaphore_mem>>) src(%dma_wait3A_182 : memref<80x112xf32, #tpu.memory_space<vmem>>) dst(%dma_wait3A_188 : memref<10008x112xf32, #tpu.memory_space<vmem_shared>>)
        tpu.yield
      }) : () -> ()
      %add3A_92 = arith.constant 4 : i32
      %add3A_93 = arith.addi %add3A_79, %add3A_92 : i32
      %lt3A_94 = arith.constant 125 : i32
      %lt3A_95 = arith.cmpi slt, %add3A_93, %lt3A_94 : i32
      %convert_element_type3A_96 = arith.extui %lt3A_95 : i1 to i32
      %cond3A_97 = arith.constant 0 : i32
      %cond3A_98 = arith.cmpi ne, %convert_element_type3A_96, %cond3A_97 : i32
      scf.if %cond3A_98 {
        %add3A_168 = arith.constant 4 : i32
        %add3A_169 = arith.addi %add3A_79, %add3A_168 : i32
        %dma_start3A_170 = arith.constant 0 : i32
        %dma_start3A_171 = arith.constant 0 : i32
        %dma_start3A_172 = arith.constant 0 : i32
        %dma_start3A_173 = tpu.memref_slice %arg8[%dma_start3A_170, %dma_start3A_171, %dma_start3A_172] : memref<4x80x112xf32, #tpu.memory_space<vmem>> -> memref<1x80x112xf32, #tpu.memory_space<vmem>>
        %dma_start3A_174 = tpu.memref_squeeze %dma_start3A_173 : memref<1x80x112xf32, #tpu.memory_space<vmem>> -> memref<80x112xf32, #tpu.memory_space<vmem>>
        %dma_start3A_175 = arith.constant 0 : i32
        %dma_start3A_176 = tpu.memref_slice %arg6[%add3A_169, %dma_start3A_175] : memref<125x80xi32, #tpu.memory_space<vmem>> -> memref<1x80xi32, #tpu.memory_space<vmem>>
        %dma_start3A_177 = tpu.memref_squeeze %dma_start3A_176 : memref<1x80xi32, #tpu.memory_space<vmem>> -> memref<80xi32, #tpu.memory_space<vmem>>
        %dma_start3A_178 = arith.constant 0 : i32
        %dma_start3A_179 = arith.constant 0 : i32
        %dma_start3A_180 = tpu.memref_slice %arg2[%dma_start3A_178, %dma_start3A_179] : memref<10000x112xf32, #tpu.memory_space<hbm>> -> memref<10000x112xf32, #tpu.memory_space<hbm>>
        tpu.enqueue_indirect_dma source(%dma_start3A_180 : memref<10000x112xf32, #tpu.memory_space<hbm>>) target(%dma_start3A_174 : memref<80x112xf32, #tpu.memory_space<vmem>>) offsets(%dma_start3A_177 : memref<80xi32, #tpu.memory_space<vmem>>) semaphore(%arg12 : memref<!tpu.dma_semaphore, #tpu.memory_space<semaphore_mem>>)
      } else {
      }
      %mul3A_99 = arith.constant 4 : i32
      %mul3A_100 = arith.muli %scan3A_75, %mul3A_99 : i32
      %add3A_101 = arith.constant 1 : i32
      %add3A_102 = arith.addi %mul3A_100, %add3A_101 : i32
      %dma_wait3A_103 = arith.constant 1 : i32
      %dma_wait3A_104 = arith.constant 0 : i32
      %dma_wait3A_105 = arith.constant 0 : i32
      %dma_wait3A_106 = tpu.memref_slice %arg8[%dma_wait3A_103, %dma_wait3A_104, %dma_wait3A_105] : memref<4x80x112xf32, #tpu.memory_space<vmem>> -> memref<1x80x112xf32, #tpu.memory_space<vmem>>
      %dma_wait3A_107 = tpu.memref_squeeze %dma_wait3A_106 : memref<1x80x112xf32, #tpu.memory_space<vmem>> -> memref<80x112xf32, #tpu.memory_space<vmem>>
      %dma_wait3A_108 = arith.constant 0 : i32
      %dma_wait3A_109 = tpu.memref_slice %arg6[%add3A_102, %dma_wait3A_108] : memref<125x80xi32, #tpu.memory_space<vmem>> -> memref<1x80xi32, #tpu.memory_space<vmem>>
      %dma_wait3A_110 = tpu.memref_squeeze %dma_wait3A_109 : memref<1x80xi32, #tpu.memory_space<vmem>> -> memref<80xi32, #tpu.memory_space<vmem>>
      %dma_wait3A_111 = arith.constant 0 : i32
      %dma_wait3A_112 = arith.constant 0 : i32
      %dma_wait3A_113 = tpu.memref_slice %arg2[%dma_wait3A_111, %dma_wait3A_112] : memref<10000x112xf32, #tpu.memory_space<hbm>> -> memref<10000x112xf32, #tpu.memory_space<hbm>>
      tpu.wait_indirect_dma semaphore(%arg13 : memref<!tpu.dma_semaphore, #tpu.memory_space<semaphore_mem>>) src(%dma_wait3A_113 : memref<10000x112xf32, #tpu.memory_space<hbm>>) dst(%dma_wait3A_107 : memref<80x112xf32, #tpu.memory_space<vmem>>)
      %run_scoped3A_114 = arith.constant 1 : i32
      "tpu.region"() ({
        %run_scoped3A_168 = tpu.sem_alloc : memref<!tpu.dma_semaphore, #tpu.memory_space<semaphore_mem>>
        %dma_start3A_169 = arith.constant 0 : i32
        %dma_start3A_170 = arith.constant 0 : i32
        %dma_start3A_171 = tpu.memref_slice %arg8[%run_scoped3A_114, %dma_start3A_169, %dma_start3A_170] : memref<4x80x112xf32, #tpu.memory_space<vmem>> -> memref<1x80x112xf32, #tpu.memory_space<vmem>>
        %dma_start3A_172 = tpu.memref_squeeze %dma_start3A_171 : memref<1x80x112xf32, #tpu.memory_space<vmem>> -> memref<80x112xf32, #tpu.memory_space<vmem>>
        %dma_start3A_173 = arith.constant 0 : i32
        %dma_start3A_174 = tpu.memref_slice %arg7[%add3A_102, %dma_start3A_173] : memref<125x80xi32, #tpu.memory_space<vmem>> -> memref<1x80xi32, #tpu.memory_space<vmem>>
        %dma_start3A_175 = tpu.memref_squeeze %dma_start3A_174 : memref<1x80xi32, #tpu.memory_space<vmem>> -> memref<80xi32, #tpu.memory_space<vmem>>
        %dma_start3A_176 = arith.constant 0 : i32
        %dma_start3A_177 = arith.constant 0 : i32
        %dma_start3A_178 = tpu.memref_slice %arg10[%dma_start3A_176, %dma_start3A_177] : memref<10008x112xf32, #tpu.memory_space<vmem_shared>> -> memref<10008x112xf32, #tpu.memory_space<vmem_shared>>
        tpu.enqueue_indirect_dma source(%dma_start3A_172 : memref<80x112xf32, #tpu.memory_space<vmem>>) target(%dma_start3A_178 : memref<10008x112xf32, #tpu.memory_space<vmem_shared>>) offsets(%dma_start3A_175 : memref<80xi32, #tpu.memory_space<vmem>>) semaphore(%run_scoped3A_168 : memref<!tpu.dma_semaphore, #tpu.memory_space<semaphore_mem>>) {add = true}
        %dma_wait3A_179 = arith.constant 0 : i32
        %dma_wait3A_180 = arith.constant 0 : i32
        %dma_wait3A_181 = tpu.memref_slice %arg8[%run_scoped3A_114, %dma_wait3A_179, %dma_wait3A_180] : memref<4x80x112xf32, #tpu.memory_space<vmem>> -> memref<1x80x112xf32, #tpu.memory_space<vmem>>
        %dma_wait3A_182 = tpu.memref_squeeze %dma_wait3A_181 : memref<1x80x112xf32, #tpu.memory_space<vmem>> -> memref<80x112xf32, #tpu.memory_space<vmem>>
        %dma_wait3A_183 = arith.constant 0 : i32
        %dma_wait3A_184 = tpu.memref_slice %arg7[%add3A_102, %dma_wait3A_183] : memref<125x80xi32, #tpu.memory_space<vmem>> -> memref<1x80xi32, #tpu.memory_space<vmem>>
        %dma_wait3A_185 = tpu.memref_squeeze %dma_wait3A_184 : memref<1x80xi32, #tpu.memory_space<vmem>> -> memref<80xi32, #tpu.memory_space<vmem>>
        %dma_wait3A_186 = arith.constant 0 : i32
        %dma_wait3A_187 = arith.constant 0 : i32
        %dma_wait3A_188 = tpu.memref_slice %arg10[%dma_wait3A_186, %dma_wait3A_187] : memref<10008x112xf32, #tpu.memory_space<vmem_shared>> -> memref<10008x112xf32, #tpu.memory_space<vmem_shared>>
        tpu.wait_indirect_dma semaphore(%run_scoped3A_168 : memref<!tpu.dma_semaphore, #tpu.memory_space<semaphore_mem>>) src(%dma_wait3A_182 : memref<80x112xf32, #tpu.memory_space<vmem>>) dst(%dma_wait3A_188 : memref<10008x112xf32, #tpu.memory_space<vmem_shared>>)
        tpu.yield
      }) : () -> ()
      %add3A_115 = arith.constant 4 : i32
      %add3A_116 = arith.addi %add3A_102, %add3A_115 : i32
      %lt3A_117 = arith.constant 125 : i32
      %lt3A_118 = arith.cmpi slt, %add3A_116, %lt3A_117 : i32
      %convert_element_type3A_119 = arith.extui %lt3A_118 : i1 to i32
      %cond3A_120 = arith.constant 0 : i32
      %cond3A_121 = arith.cmpi ne, %convert_element_type3A_119, %cond3A_120 : i32
      scf.if %cond3A_121 {
        %add3A_168 = arith.constant 4 : i32
        %add3A_169 = arith.addi %add3A_102, %add3A_168 : i32
        %dma_start3A_170 = arith.constant 1 : i32
        %dma_start3A_171 = arith.constant 0 : i32
        %dma_start3A_172 = arith.constant 0 : i32
        %dma_start3A_173 = tpu.memref_slice %arg8[%dma_start3A_170, %dma_start3A_171, %dma_start3A_172] : memref<4x80x112xf32, #tpu.memory_space<vmem>> -> memref<1x80x112xf32, #tpu.memory_space<vmem>>
        %dma_start3A_174 = tpu.memref_squeeze %dma_start3A_173 : memref<1x80x112xf32, #tpu.memory_space<vmem>> -> memref<80x112xf32, #tpu.memory_space<vmem>>
        %dma_start3A_175 = arith.constant 0 : i32
        %dma_start3A_176 = tpu.memref_slice %arg6[%add3A_169, %dma_start3A_175] : memref<125x80xi32, #tpu.memory_space<vmem>> -> memref<1x80xi32, #tpu.memory_space<vmem>>
        %dma_start3A_177 = tpu.memref_squeeze %dma_start3A_176 : memref<1x80xi32, #tpu.memory_space<vmem>> -> memref<80xi32, #tpu.memory_space<vmem>>
        %dma_start3A_178 = arith.constant 0 : i32
        %dma_start3A_179 = arith.constant 0 : i32
        %dma_start3A_180 = tpu.memref_slice %arg2[%dma_start3A_178, %dma_start3A_179] : memref<10000x112xf32, #tpu.memory_space<hbm>> -> memref<10000x112xf32, #tpu.memory_space<hbm>>
        tpu.enqueue_indirect_dma source(%dma_start3A_180 : memref<10000x112xf32, #tpu.memory_space<hbm>>) target(%dma_start3A_174 : memref<80x112xf32, #tpu.memory_space<vmem>>) offsets(%dma_start3A_177 : memref<80xi32, #tpu.memory_space<vmem>>) semaphore(%arg13 : memref<!tpu.dma_semaphore, #tpu.memory_space<semaphore_mem>>)
      } else {
      }
      %mul3A_122 = arith.constant 4 : i32
      %mul3A_123 = arith.muli %scan3A_75, %mul3A_122 : i32
      %add3A_124 = arith.constant 2 : i32
      %add3A_125 = arith.addi %mul3A_123, %add3A_124 : i32
      %dma_wait3A_126 = arith.constant 2 : i32
      %dma_wait3A_127 = arith.constant 0 : i32
      %dma_wait3A_128 = arith.constant 0 : i32
      %dma_wait3A_129 = tpu.memref_slice %arg8[%dma_wait3A_126, %dma_wait3A_127, %dma_wait3A_128] : memref<4x80x112xf32, #tpu.memory_space<vmem>> -> memref<1x80x112xf32, #tpu.memory_space<vmem>>
      %dma_wait3A_130 = tpu.memref_squeeze %dma_wait3A_129 : memref<1x80x112xf32, #tpu.memory_space<vmem>> -> memref<80x112xf32, #tpu.memory_space<vmem>>
      %dma_wait3A_131 = arith.constant 0 : i32
      %dma_wait3A_132 = tpu.memref_slice %arg6[%add3A_125, %dma_wait3A_131] : memref<125x80xi32, #tpu.memory_space<vmem>> -> memref<1x80xi32, #tpu.memory_space<vmem>>
      %dma_wait3A_133 = tpu.memref_squeeze %dma_wait3A_132 : memref<1x80xi32, #tpu.memory_space<vmem>> -> memref<80xi32, #tpu.memory_space<vmem>>
      %dma_wait3A_134 = arith.constant 0 : i32
      %dma_wait3A_135 = arith.constant 0 : i32
      %dma_wait3A_136 = tpu.memref_slice %arg2[%dma_wait3A_134, %dma_wait3A_135] : memref<10000x112xf32, #tpu.memory_space<hbm>> -> memref<10000x112xf32, #tpu.memory_space<hbm>>
      tpu.wait_indirect_dma semaphore(%arg14 : memref<!tpu.dma_semaphore, #tpu.memory_space<semaphore_mem>>) src(%dma_wait3A_136 : memref<10000x112xf32, #tpu.memory_space<hbm>>) dst(%dma_wait3A_130 : memref<80x112xf32, #tpu.memory_space<vmem>>)
      %run_scoped3A_137 = arith.constant 2 : i32
      "tpu.region"() ({
        %run_scoped3A_168 = tpu.sem_alloc : memref<!tpu.dma_semaphore, #tpu.memory_space<semaphore_mem>>
        %dma_start3A_169 = arith.constant 0 : i32
        %dma_start3A_170 = arith.constant 0 : i32
        %dma_start3A_171 = tpu.memref_slice %arg8[%run_scoped3A_137, %dma_start3A_169, %dma_start3A_170] : memref<4x80x112xf32, #tpu.memory_space<vmem>> -> memref<1x80x112xf32, #tpu.memory_space<vmem>>
        %dma_start3A_172 = tpu.memref_squeeze %dma_start3A_171 : memref<1x80x112xf32, #tpu.memory_space<vmem>> -> memref<80x112xf32, #tpu.memory_space<vmem>>
        %dma_start3A_173 = arith.constant 0 : i32
        %dma_start3A_174 = tpu.memref_slice %arg7[%add3A_125, %dma_start3A_173] : memref<125x80xi32, #tpu.memory_space<vmem>> -> memref<1x80xi32, #tpu.memory_space<vmem>>
        %dma_start3A_175 = tpu.memref_squeeze %dma_start3A_174 : memref<1x80xi32, #tpu.memory_space<vmem>> -> memref<80xi32, #tpu.memory_space<vmem>>
        %dma_start3A_176 = arith.constant 0 : i32
        %dma_start3A_177 = arith.constant 0 : i32
        %dma_start3A_178 = tpu.memref_slice %arg10[%dma_start3A_176, %dma_start3A_177] : memref<10008x112xf32, #tpu.memory_space<vmem_shared>> -> memref<10008x112xf32, #tpu.memory_space<vmem_shared>>
        tpu.enqueue_indirect_dma source(%dma_start3A_172 : memref<80x112xf32, #tpu.memory_space<vmem>>) target(%dma_start3A_178 : memref<10008x112xf32, #tpu.memory_space<vmem_shared>>) offsets(%dma_start3A_175 : memref<80xi32, #tpu.memory_space<vmem>>) semaphore(%run_scoped3A_168 : memref<!tpu.dma_semaphore, #tpu.memory_space<semaphore_mem>>) {add = true}
        %dma_wait3A_179 = arith.constant 0 : i32
        %dma_wait3A_180 = arith.constant 0 : i32
        %dma_wait3A_181 = tpu.memref_slice %arg8[%run_scoped3A_137, %dma_wait3A_179, %dma_wait3A_180] : memref<4x80x112xf32, #tpu.memory_space<vmem>> -> memref<1x80x112xf32, #tpu.memory_space<vmem>>
        %dma_wait3A_182 = tpu.memref_squeeze %dma_wait3A_181 : memref<1x80x112xf32, #tpu.memory_space<vmem>> -> memref<80x112xf32, #tpu.memory_space<vmem>>
        %dma_wait3A_183 = arith.constant 0 : i32
        %dma_wait3A_184 = tpu.memref_slice %arg7[%add3A_125, %dma_wait3A_183] : memref<125x80xi32, #tpu.memory_space<vmem>> -> memref<1x80xi32, #tpu.memory_space<vmem>>
        %dma_wait3A_185 = tpu.memref_squeeze %dma_wait3A_184 : memref<1x80xi32, #tpu.memory_space<vmem>> -> memref<80xi32, #tpu.memory_space<vmem>>
        %dma_wait3A_186 = arith.constant 0 : i32
        %dma_wait3A_187 = arith.constant 0 : i32
        %dma_wait3A_188 = tpu.memref_slice %arg10[%dma_wait3A_186, %dma_wait3A_187] : memref<10008x112xf32, #tpu.memory_space<vmem_shared>> -> memref<10008x112xf32, #tpu.memory_space<vmem_shared>>
        tpu.wait_indirect_dma semaphore(%run_scoped3A_168 : memref<!tpu.dma_semaphore, #tpu.memory_space<semaphore_mem>>) src(%dma_wait3A_182 : memref<80x112xf32, #tpu.memory_space<vmem>>) dst(%dma_wait3A_188 : memref<10008x112xf32, #tpu.memory_space<vmem_shared>>)
        tpu.yield
      }) : () -> ()
      %add3A_138 = arith.constant 4 : i32
      %add3A_139 = arith.addi %add3A_125, %add3A_138 : i32
      %lt3A_140 = arith.constant 125 : i32
      %lt3A_141 = arith.cmpi slt, %add3A_139, %lt3A_140 : i32
      %convert_element_type3A_142 = arith.extui %lt3A_141 : i1 to i32
      %cond3A_143 = arith.constant 0 : i32
      %cond3A_144 = arith.cmpi ne, %convert_element_type3A_142, %cond3A_143 : i32
      scf.if %cond3A_144 {
        %add3A_168 = arith.constant 4 : i32
        %add3A_169 = arith.addi %add3A_125, %add3A_168 : i32
        %dma_start3A_170 = arith.constant 2 : i32
        %dma_start3A_171 = arith.constant 0 : i32
        %dma_start3A_172 = arith.constant 0 : i32
        %dma_start3A_173 = tpu.memref_slice %arg8[%dma_start3A_170, %dma_start3A_171, %dma_start3A_172] : memref<4x80x112xf32, #tpu.memory_space<vmem>> -> memref<1x80x112xf32, #tpu.memory_space<vmem>>
        %dma_start3A_174 = tpu.memref_squeeze %dma_start3A_173 : memref<1x80x112xf32, #tpu.memory_space<vmem>> -> memref<80x112xf32, #tpu.memory_space<vmem>>
        %dma_start3A_175 = arith.constant 0 : i32
        %dma_start3A_176 = tpu.memref_slice %arg6[%add3A_169, %dma_start3A_175] : memref<125x80xi32, #tpu.memory_space<vmem>> -> memref<1x80xi32, #tpu.memory_space<vmem>>
        %dma_start3A_177 = tpu.memref_squeeze %dma_start3A_176 : memref<1x80xi32, #tpu.memory_space<vmem>> -> memref<80xi32, #tpu.memory_space<vmem>>
        %dma_start3A_178 = arith.constant 0 : i32
        %dma_start3A_179 = arith.constant 0 : i32
        %dma_start3A_180 = tpu.memref_slice %arg2[%dma_start3A_178, %dma_start3A_179] : memref<10000x112xf32, #tpu.memory_space<hbm>> -> memref<10000x112xf32, #tpu.memory_space<hbm>>
        tpu.enqueue_indirect_dma source(%dma_start3A_180 : memref<10000x112xf32, #tpu.memory_space<hbm>>) target(%dma_start3A_174 : memref<80x112xf32, #tpu.memory_space<vmem>>) offsets(%dma_start3A_177 : memref<80xi32, #tpu.memory_space<vmem>>) semaphore(%arg14 : memref<!tpu.dma_semaphore, #tpu.memory_space<semaphore_mem>>)
      } else {
      }
      %mul3A_145 = arith.constant 4 : i32
      %mul3A_146 = arith.muli %scan3A_75, %mul3A_145 : i32
      %add3A_147 = arith.constant 3 : i32
      %add3A_148 = arith.addi %mul3A_146, %add3A_147 : i32
      %dma_wait3A_149 = arith.constant 3 : i32
      %dma_wait3A_150 = arith.constant 0 : i32
      %dma_wait3A_151 = arith.constant 0 : i32
      %dma_wait3A_152 = tpu.memref_slice %arg8[%dma_wait3A_149, %dma_wait3A_150, %dma_wait3A_151] : memref<4x80x112xf32, #tpu.memory_space<vmem>> -> memref<1x80x112xf32, #tpu.memory_space<vmem>>
      %dma_wait3A_153 = tpu.memref_squeeze %dma_wait3A_152 : memref<1x80x112xf32, #tpu.memory_space<vmem>> -> memref<80x112xf32, #tpu.memory_space<vmem>>
      %dma_wait3A_154 = arith.constant 0 : i32
      %dma_wait3A_155 = tpu.memref_slice %arg6[%add3A_148, %dma_wait3A_154] : memref<125x80xi32, #tpu.memory_space<vmem>> -> memref<1x80xi32, #tpu.memory_space<vmem>>
      %dma_wait3A_156 = tpu.memref_squeeze %dma_wait3A_155 : memref<1x80xi32, #tpu.memory_space<vmem>> -> memref<80xi32, #tpu.memory_space<vmem>>
      %dma_wait3A_157 = arith.constant 0 : i32
      %dma_wait3A_158 = arith.constant 0 : i32
      %dma_wait3A_159 = tpu.memref_slice %arg2[%dma_wait3A_157, %dma_wait3A_158] : memref<10000x112xf32, #tpu.memory_space<hbm>> -> memref<10000x112xf32, #tpu.memory_space<hbm>>
      tpu.wait_indirect_dma semaphore(%arg15 : memref<!tpu.dma_semaphore, #tpu.memory_space<semaphore_mem>>) src(%dma_wait3A_159 : memref<10000x112xf32, #tpu.memory_space<hbm>>) dst(%dma_wait3A_153 : memref<80x112xf32, #tpu.memory_space<vmem>>)
      %run_scoped3A_160 = arith.constant 3 : i32
      "tpu.region"() ({
        %run_scoped3A_168 = tpu.sem_alloc : memref<!tpu.dma_semaphore, #tpu.memory_space<semaphore_mem>>
        %dma_start3A_169 = arith.constant 0 : i32
        %dma_start3A_170 = arith.constant 0 : i32
        %dma_start3A_171 = tpu.memref_slice %arg8[%run_scoped3A_160, %dma_start3A_169, %dma_start3A_170] : memref<4x80x112xf32, #tpu.memory_space<vmem>> -> memref<1x80x112xf32, #tpu.memory_space<vmem>>
        %dma_start3A_172 = tpu.memref_squeeze %dma_start3A_171 : memref<1x80x112xf32, #tpu.memory_space<vmem>> -> memref<80x112xf32, #tpu.memory_space<vmem>>
        %dma_start3A_173 = arith.constant 0 : i32
        %dma_start3A_174 = tpu.memref_slice %arg7[%add3A_148, %dma_start3A_173] : memref<125x80xi32, #tpu.memory_space<vmem>> -> memref<1x80xi32, #tpu.memory_space<vmem>>
        %dma_start3A_175 = tpu.memref_squeeze %dma_start3A_174 : memref<1x80xi32, #tpu.memory_space<vmem>> -> memref<80xi32, #tpu.memory_space<vmem>>
        %dma_start3A_176 = arith.constant 0 : i32
        %dma_start3A_177 = arith.constant 0 : i32
        %dma_start3A_178 = tpu.memref_slice %arg10[%dma_start3A_176, %dma_start3A_177] : memref<10008x112xf32, #tpu.memory_space<vmem_shared>> -> memref<10008x112xf32, #tpu.memory_space<vmem_shared>>
        tpu.enqueue_indirect_dma source(%dma_start3A_172 : memref<80x112xf32, #tpu.memory_space<vmem>>) target(%dma_start3A_178 : memref<10008x112xf32, #tpu.memory_space<vmem_shared>>) offsets(%dma_start3A_175 : memref<80xi32, #tpu.memory_space<vmem>>) semaphore(%run_scoped3A_168 : memref<!tpu.dma_semaphore, #tpu.memory_space<semaphore_mem>>) {add = true}
        %dma_wait3A_179 = arith.constant 0 : i32
        %dma_wait3A_180 = arith.constant 0 : i32
        %dma_wait3A_181 = tpu.memref_slice %arg8[%run_scoped3A_160, %dma_wait3A_179, %dma_wait3A_180] : memref<4x80x112xf32, #tpu.memory_space<vmem>> -> memref<1x80x112xf32, #tpu.memory_space<vmem>>
        %dma_wait3A_182 = tpu.memref_squeeze %dma_wait3A_181 : memref<1x80x112xf32, #tpu.memory_space<vmem>> -> memref<80x112xf32, #tpu.memory_space<vmem>>
        %dma_wait3A_183 = arith.constant 0 : i32
        %dma_wait3A_184 = tpu.memref_slice %arg7[%add3A_148, %dma_wait3A_183] : memref<125x80xi32, #tpu.memory_space<vmem>> -> memref<1x80xi32, #tpu.memory_space<vmem>>
        %dma_wait3A_185 = tpu.memref_squeeze %dma_wait3A_184 : memref<1x80xi32, #tpu.memory_space<vmem>> -> memref<80xi32, #tpu.memory_space<vmem>>
        %dma_wait3A_186 = arith.constant 0 : i32
        %dma_wait3A_187 = arith.constant 0 : i32
        %dma_wait3A_188 = tpu.memref_slice %arg10[%dma_wait3A_186, %dma_wait3A_187] : memref<10008x112xf32, #tpu.memory_space<vmem_shared>> -> memref<10008x112xf32, #tpu.memory_space<vmem_shared>>
        tpu.wait_indirect_dma semaphore(%run_scoped3A_168 : memref<!tpu.dma_semaphore, #tpu.memory_space<semaphore_mem>>) src(%dma_wait3A_182 : memref<80x112xf32, #tpu.memory_space<vmem>>) dst(%dma_wait3A_188 : memref<10008x112xf32, #tpu.memory_space<vmem_shared>>)
        tpu.yield
      }) : () -> ()
      %add3A_161 = arith.constant 4 : i32
      %add3A_162 = arith.addi %add3A_148, %add3A_161 : i32
      %lt3A_163 = arith.constant 125 : i32
      %lt3A_164 = arith.cmpi slt, %add3A_162, %lt3A_163 : i32
      %convert_element_type3A_165 = arith.extui %lt3A_164 : i1 to i32
      %cond3A_166 = arith.constant 0 : i32
      %cond3A_167 = arith.cmpi ne, %convert_element_type3A_165, %cond3A_166 : i32
      scf.if %cond3A_167 {
        %add3A_168 = arith.constant 4 : i32
        %add3A_169 = arith.addi %add3A_148, %add3A_168 : i32
        %dma_start3A_170 = arith.constant 3 : i32
        %dma_start3A_171 = arith.constant 0 : i32
        %dma_start3A_172 = arith.constant 0 : i32
        %dma_start3A_173 = tpu.memref_slice %arg8[%dma_start3A_170, %dma_start3A_171, %dma_start3A_172] : memref<4x80x112xf32, #tpu.memory_space<vmem>> -> memref<1x80x112xf32, #tpu.memory_space<vmem>>
        %dma_start3A_174 = tpu.memref_squeeze %dma_start3A_173 : memref<1x80x112xf32, #tpu.memory_space<vmem>> -> memref<80x112xf32, #tpu.memory_space<vmem>>
        %dma_start3A_175 = arith.constant 0 : i32
        %dma_start3A_176 = tpu.memref_slice %arg6[%add3A_169, %dma_start3A_175] : memref<125x80xi32, #tpu.memory_space<vmem>> -> memref<1x80xi32, #tpu.memory_space<vmem>>
        %dma_start3A_177 = tpu.memref_squeeze %dma_start3A_176 : memref<1x80xi32, #tpu.memory_space<vmem>> -> memref<80xi32, #tpu.memory_space<vmem>>
        %dma_start3A_178 = arith.constant 0 : i32
        %dma_start3A_179 = arith.constant 0 : i32
        %dma_start3A_180 = tpu.memref_slice %arg2[%dma_start3A_178, %dma_start3A_179] : memref<10000x112xf32, #tpu.memory_space<hbm>> -> memref<10000x112xf32, #tpu.memory_space<hbm>>
        tpu.enqueue_indirect_dma source(%dma_start3A_180 : memref<10000x112xf32, #tpu.memory_space<hbm>>) target(%dma_start3A_174 : memref<80x112xf32, #tpu.memory_space<vmem>>) offsets(%dma_start3A_177 : memref<80xi32, #tpu.memory_space<vmem>>) semaphore(%arg15 : memref<!tpu.dma_semaphore, #tpu.memory_space<semaphore_mem>>)
      } else {
      }
    }
    %scan3A_56 = arith.constant 31 : i32
    %dma_wait3A = arith.constant 124 : i32
    %dma_wait3A_57 = arith.constant 0 : i32
    %dma_wait3A_58 = arith.constant 0 : i32
    %dma_wait3A_59 = arith.constant 0 : i32
    %dma_wait3A_60 = tpu.memref_slice %arg8[%dma_wait3A_57, %dma_wait3A_58, %dma_wait3A_59] : memref<4x80x112xf32, #tpu.memory_space<vmem>> -> memref<1x80x112xf32, #tpu.memory_space<vmem>>
    %dma_wait3A_61 = tpu.memref_squeeze %dma_wait3A_60 : memref<1x80x112xf32, #tpu.memory_space<vmem>> -> memref<80x112xf32, #tpu.memory_space<vmem>>
    %dma_wait3A_62 = arith.constant 0 : i32
    %dma_wait3A_63 = tpu.memref_slice %arg6[%dma_wait3A, %dma_wait3A_62] : memref<125x80xi32, #tpu.memory_space<vmem>> -> memref<1x80xi32, #tpu.memory_space<vmem>>
    %dma_wait3A_64 = tpu.memref_squeeze %dma_wait3A_63 : memref<1x80xi32, #tpu.memory_space<vmem>> -> memref<80xi32, #tpu.memory_space<vmem>>
    %dma_wait3A_65 = arith.constant 0 : i32
    %dma_wait3A_66 = arith.constant 0 : i32
    %dma_wait3A_67 = tpu.memref_slice %arg2[%dma_wait3A_65, %dma_wait3A_66] : memref<10000x112xf32, #tpu.memory_space<hbm>> -> memref<10000x112xf32, #tpu.memory_space<hbm>>
    tpu.wait_indirect_dma semaphore(%arg12 : memref<!tpu.dma_semaphore, #tpu.memory_space<semaphore_mem>>) src(%dma_wait3A_67 : memref<10000x112xf32, #tpu.memory_space<hbm>>) dst(%dma_wait3A_61 : memref<80x112xf32, #tpu.memory_space<vmem>>)
    %run_scoped3A = arith.constant 0 : i32
    %run_scoped3A_68 = arith.constant 124 : i32
    "tpu.region"() ({
      %run_scoped3A_75 = tpu.sem_alloc : memref<!tpu.dma_semaphore, #tpu.memory_space<semaphore_mem>>
      %dma_start3A_76 = arith.constant 0 : i32
      %dma_start3A_77 = arith.constant 0 : i32
      %dma_start3A_78 = tpu.memref_slice %arg8[%run_scoped3A, %dma_start3A_76, %dma_start3A_77] : memref<4x80x112xf32, #tpu.memory_space<vmem>> -> memref<1x80x112xf32, #tpu.memory_space<vmem>>
      %dma_start3A_79 = tpu.memref_squeeze %dma_start3A_78 : memref<1x80x112xf32, #tpu.memory_space<vmem>> -> memref<80x112xf32, #tpu.memory_space<vmem>>
      %dma_start3A_80 = arith.constant 0 : i32
      %dma_start3A_81 = tpu.memref_slice %arg7[%run_scoped3A_68, %dma_start3A_80] : memref<125x80xi32, #tpu.memory_space<vmem>> -> memref<1x80xi32, #tpu.memory_space<vmem>>
      %dma_start3A_82 = tpu.memref_squeeze %dma_start3A_81 : memref<1x80xi32, #tpu.memory_space<vmem>> -> memref<80xi32, #tpu.memory_space<vmem>>
      %dma_start3A_83 = arith.constant 0 : i32
      %dma_start3A_84 = arith.constant 0 : i32
      %dma_start3A_85 = tpu.memref_slice %arg10[%dma_start3A_83, %dma_start3A_84] : memref<10008x112xf32, #tpu.memory_space<vmem_shared>> -> memref<10008x112xf32, #tpu.memory_space<vmem_shared>>
      tpu.enqueue_indirect_dma source(%dma_start3A_79 : memref<80x112xf32, #tpu.memory_space<vmem>>) target(%dma_start3A_85 : memref<10008x112xf32, #tpu.memory_space<vmem_shared>>) offsets(%dma_start3A_82 : memref<80xi32, #tpu.memory_space<vmem>>) semaphore(%run_scoped3A_75 : memref<!tpu.dma_semaphore, #tpu.memory_space<semaphore_mem>>) {add = true}
      %dma_wait3A_86 = arith.constant 0 : i32
      %dma_wait3A_87 = arith.constant 0 : i32
      %dma_wait3A_88 = tpu.memref_slice %arg8[%run_scoped3A, %dma_wait3A_86, %dma_wait3A_87] : memref<4x80x112xf32, #tpu.memory_space<vmem>> -> memref<1x80x112xf32, #tpu.memory_space<vmem>>
      %dma_wait3A_89 = tpu.memref_squeeze %dma_wait3A_88 : memref<1x80x112xf32, #tpu.memory_space<vmem>> -> memref<80x112xf32, #tpu.memory_space<vmem>>
      %dma_wait3A_90 = arith.constant 0 : i32
      %dma_wait3A_91 = tpu.memref_slice %arg7[%run_scoped3A_68, %dma_wait3A_90] : memref<125x80xi32, #tpu.memory_space<vmem>> -> memref<1x80xi32, #tpu.memory_space<vmem>>
      %dma_wait3A_92 = tpu.memref_squeeze %dma_wait3A_91 : memref<1x80xi32, #tpu.memory_space<vmem>> -> memref<80xi32, #tpu.memory_space<vmem>>
      %dma_wait3A_93 = arith.constant 0 : i32
      %dma_wait3A_94 = arith.constant 0 : i32
      %dma_wait3A_95 = tpu.memref_slice %arg10[%dma_wait3A_93, %dma_wait3A_94] : memref<10008x112xf32, #tpu.memory_space<vmem_shared>> -> memref<10008x112xf32, #tpu.memory_space<vmem_shared>>
      tpu.wait_indirect_dma semaphore(%run_scoped3A_75 : memref<!tpu.dma_semaphore, #tpu.memory_space<semaphore_mem>>) src(%dma_wait3A_89 : memref<80x112xf32, #tpu.memory_space<vmem>>) dst(%dma_wait3A_95 : memref<10008x112xf32, #tpu.memory_space<vmem_shared>>)
      tpu.yield
    }) : () -> ()
    %barrier3A_69 = arith.constant 0 : index
    tpu.barrier barrier_id(%barrier3A_69)
    %lt3A_70 = arith.constant 10 : i32
    %lt3A_71 = arith.cmpi slt, %arg1, %lt3A_70 : i32
    %convert_element_type3A_72 = arith.extui %lt3A_71 : i1 to i32
    %cond3A_73 = arith.constant 0 : i32
    %cond3A_74 = arith.cmpi ne, %convert_element_type3A_72, %cond3A_73 : i32
    scf.if %cond3A_74 {
      %mul3A_75 = arith.constant 10000 : i32
      %mul3A_76 = arith.muli %arg0, %mul3A_75 : i32
      %add3A_77 = arith.addi %mul3A_76, %mul3A_2 : i32
      "tpu.region"() ({
        %run_scoped3A_78 = tpu.sem_alloc : memref<!tpu.dma_semaphore, #tpu.memory_space<semaphore_mem>>
        %dma_start3A_79 = arith.constant 0 : i32
        %dma_start3A_80 = tpu.memref_slice %arg5[%add3A_77, %dma_start3A_79] : memref<20000x112xf32, #tpu.memory_space<hbm>> -> memref<1000x112xf32, #tpu.memory_space<hbm>>
        %dma_start3A_81 = arith.constant 0 : i32
        %dma_start3A_82 = tpu.memref_slice %arg10[%mul3A_2, %dma_start3A_81] : memref<10008x112xf32, #tpu.memory_space<vmem_shared>> -> memref<1000x112xf32, #tpu.memory_space<vmem_shared>>
        tpu.enqueue_dma source(%dma_start3A_82 : memref<1000x112xf32, #tpu.memory_space<vmem_shared>>) target(%dma_start3A_80 : memref<1000x112xf32, #tpu.memory_space<hbm>>) target_semaphore(%run_scoped3A_78 : memref<!tpu.dma_semaphore, #tpu.memory_space<semaphore_mem>>)
        %dma_wait3A_83 = arith.constant 0 : i32
        %dma_wait3A_84 = tpu.memref_slice %arg5[%add3A_77, %dma_wait3A_83] : memref<20000x112xf32, #tpu.memory_space<hbm>> -> memref<1000x112xf32, #tpu.memory_space<hbm>>
        %dma_wait3A_85 = arith.constant 0 : i32
        %dma_wait3A_86 = tpu.memref_slice %arg10[%mul3A_2, %dma_wait3A_85] : memref<10008x112xf32, #tpu.memory_space<vmem_shared>> -> memref<1000x112xf32, #tpu.memory_space<vmem_shared>>
        tpu.wait_dma2 semaphore(%run_scoped3A_78 : memref<!tpu.dma_semaphore, #tpu.memory_space<semaphore_mem>>) src(%dma_wait3A_86 : memref<1000x112xf32, #tpu.memory_space<vmem_shared>>) dst(%dma_wait3A_84 : memref<1000x112xf32, #tpu.memory_space<hbm>>)
        tpu.yield
      }) : () -> ()
    } else {
    }
    return
  }
}

module attributes {stable_mosaic.version = 14 : i64} {
  func.func @body(%arg0: i32, %arg1: memref<1000x128xf32, #tpu.memory_space<vmem>>, %arg2: memref<128x112xf32, #tpu.memory_space<vmem>>, %arg3: memref<1000x112xf32, #tpu.memory_space<vmem>>) attributes {dimension_semantics = [#tpu.dimension_semantics<arbitrary>], iteration_bounds = array<i64: 10>, scalar_prefetch = 0 : i64, scratch_operands = 0 : i64, tpu.core_type = #tpu.core_type<tc>, window_params = [{transform_indices = @transform_0, window_bounds = array<i64: 1000, 128>}, {pipeline_mode = #tpu.pipeline_mode<synchronous>, transform_indices = @transform_1, window_bounds = array<i64: 128, 112>}, {transform_indices = @transform_2, window_bounds = array<i64: 1000, 112>}]} {
    %get3A = arith.constant 0 : index
    %get3A_0 = arith.constant 0 : index
    %get3A_1 = vector.load %arg1[%get3A, %get3A_0] : memref<1000x128xf32, #tpu.memory_space<vmem>>, vector<1000x128xf32>
    %get3A_2 = arith.constant 0 : index
    %get3A_3 = arith.constant 0 : index
    %get3A_4 = vector.load %arg2[%get3A_2, %get3A_3] : memref<128x112xf32, #tpu.memory_space<vmem>>, vector<128x112xf32>
    %dot_general3A = arith.constant dense<0.000000e+00> : vector<1000x112xf32>
    %dot_general3A_5 = tpu.matmul %get3A_1, %get3A_4, %dot_general3A {dimension_numbers = #tpu.dot_dimension_numbers<[1], [0], [0], [1], [0, 0, 1, 1], [], []>, transpose_lhs_hint = false} : vector<1000x128xf32>, vector<128x112xf32>, vector<1000x112xf32> -> vector<1000x112xf32>
    %iota3A = tpu.iota {dimensions = array<i32: 1>} : vector<1000x112xi32>
    %eq3A = arith.constant 100 : i32
    %eq3A_6 = vector.broadcast %eq3A : i32 to vector<1000x112xi32>
    %eq3A_7 = arith.cmpi eq, %iota3A, %eq3A_6 : vector<1000x112xi32>
    %jit3A = arith.constant 1.000000e+00 : f32
    %broadcast_in_dim3A = vector.broadcast %jit3A : f32 to vector<1000x112xf32>
    %select_n3A = arith.select %eq3A_7, %broadcast_in_dim3A, %dot_general3A_5 : vector<1000x112xi1>, vector<1000x112xf32>
    %swap3A = arith.constant 0 : index
    %swap3A_8 = arith.constant 0 : index
    %swap3A_9 = vector.load %arg3[%swap3A, %swap3A_8] : memref<1000x112xf32, #tpu.memory_space<vmem>>, vector<1000x112xf32>
    tpu.vector_store %arg3[%swap3A, %swap3A_8], %select_n3A {strides = array<i32>} : memref<1000x112xf32, #tpu.memory_space<vmem>>, vector<1000x112xf32>,
    return
  }
  func.func @transform_0(%arg0: i32) -> (i32, i32) {
    %c0_i32 = arith.constant 0 : i32
    %c0_i32_0 = arith.constant 0 : i32
    return %arg0, %c0_i32 : i32, i32
  }
  func.func @transform_1(%arg0: i32) -> (i32, i32) {
    %c0_i32 = arith.constant 0 : i32
    %c0_i32_0 = arith.constant 0 : i32
    %c0_i32_1 = arith.constant 0 : i32
    return %c0_i32, %c0_i32_0 : i32, i32
  }
  func.func @transform_2(%arg0: i32) -> (i32, i32) {
    %c0_i32 = arith.constant 0 : i32
    %c0_i32_0 = arith.constant 0 : i32
    return %arg0, %c0_i32 : i32, i32
  }
}

module attributes {stable_mosaic.version = 14 : i64} {
  func.func @body(%arg0: i32, %arg1: memref<1000x112xf32, #tpu.memory_space<vmem>>, %arg2: memref<1000x112xf32, #tpu.memory_space<vmem>>, %arg3: memref<1x112xf32, #tpu.memory_space<vmem>>, %arg4: memref<112x32xf32, #tpu.memory_space<vmem>>, %arg5: memref<1000x32xf32, #tpu.memory_space<vmem>>) attributes {dimension_semantics = [#tpu.dimension_semantics<arbitrary>], iteration_bounds = array<i64: 10>, scalar_prefetch = 0 : i64, scratch_operands = 0 : i64, tpu.core_type = #tpu.core_type<tc>, window_params = [{transform_indices = @transform_0, window_bounds = array<i64: 1000, 112>}, {transform_indices = @transform_1, window_bounds = array<i64: 1000, 112>}, {pipeline_mode = #tpu.pipeline_mode<synchronous>, transform_indices = @transform_2, window_bounds = array<i64: 1, 112>}, {pipeline_mode = #tpu.pipeline_mode<synchronous>, transform_indices = @transform_3, window_bounds = array<i64: 112, 32>}, {transform_indices = @transform_4, window_bounds = array<i64: 1000, 32>}]} {
    %get3A = arith.constant 0 : index
    %get3A_0 = arith.constant 0 : index
    %get3A_1 = vector.load %arg1[%get3A, %get3A_0] : memref<1000x112xf32, #tpu.memory_space<vmem>>, vector<1000x112xf32>
    %get3A_2 = arith.constant 0 : index
    %get3A_3 = arith.constant 0 : index
    %get3A_4 = vector.load %arg2[%get3A_2, %get3A_3] : memref<1000x112xf32, #tpu.memory_space<vmem>>, vector<1000x112xf32>
    %add3A = arith.addf %get3A_1, %get3A_4 : vector<1000x112xf32>
    %slice3A = vector.extract_strided_slice %add3A {offsets = [0, 100], sizes = [1000, 1], strides = [1, 1]} : vector<1000x112xf32> to vector<1000x1xf32>
    %max3A = arith.constant 1.000000e+00 : f32
    %max3A_5 = vector.broadcast %max3A : f32 to vector<1000x1xf32>
    %max3A_6 = arith.maximumf %slice3A, %max3A_5 : vector<1000x1xf32>
    %div3A = vector.broadcast %max3A_6 : vector<1000x1xf32> to vector<1000x112xf32>
    %div3A_7 = arith.divf %add3A, %div3A : vector<1000x112xf32>
    %get3A_8 = arith.constant 0 : index
    %get3A_9 = arith.constant 0 : index
    %get3A_10 = vector.load %arg3[%get3A_8, %get3A_9] : memref<1x112xf32, #tpu.memory_space<vmem>>, vector<1x112xf32>
    %add3A_11 = vector.broadcast %get3A_10 : vector<1x112xf32> to vector<1000x112xf32>
    %add3A_12 = arith.addf %div3A_7, %add3A_11 : vector<1000x112xf32>
    %max3A_13 = arith.constant 0.000000e+00 : f32
    %max3A_14 = vector.broadcast %max3A_13 : f32 to vector<1000x112xf32>
    %max3A_15 = arith.maximumf %add3A_12, %max3A_14 : vector<1000x112xf32>
    %iota3A = tpu.iota {dimensions = array<i32: 1>} : vector<1000x112xi32>
    %lt3A = arith.constant 100 : i32
    %lt3A_16 = vector.broadcast %lt3A : i32 to vector<1000x112xi32>
    %lt3A_17 = arith.cmpi slt, %iota3A, %lt3A_16 : vector<1000x112xi32>
    %jit3A = arith.constant 0.000000e+00 : f32
    %broadcast_in_dim3A = vector.broadcast %jit3A : f32 to vector<1000x112xf32>
    %select_n3A = arith.select %lt3A_17, %max3A_15, %broadcast_in_dim3A : vector<1000x112xi1>, vector<1000x112xf32>
    %get3A_18 = arith.constant 0 : index
    %get3A_19 = arith.constant 0 : index
    %get3A_20 = vector.load %arg4[%get3A_18, %get3A_19] : memref<112x32xf32, #tpu.memory_space<vmem>>, vector<112x32xf32>
    %dot_general3A = arith.constant dense<0.000000e+00> : vector<1000x32xf32>
    %dot_general3A_21 = tpu.matmul %select_n3A, %get3A_20, %dot_general3A {dimension_numbers = #tpu.dot_dimension_numbers<[1], [0], [0], [1], [0, 0, 1, 1], [], []>, transpose_lhs_hint = false} : vector<1000x112xf32>, vector<112x32xf32>, vector<1000x32xf32> -> vector<1000x32xf32>
    %iota3A_22 = tpu.iota {dimensions = array<i32: 1>} : vector<1000x32xi32>
    %eq3A = arith.constant 20 : i32
    %eq3A_23 = vector.broadcast %eq3A : i32 to vector<1000x32xi32>
    %eq3A_24 = arith.cmpi eq, %iota3A_22, %eq3A_23 : vector<1000x32xi32>
    %jit3A_25 = arith.constant 1.000000e+00 : f32
    %broadcast_in_dim3A_26 = vector.broadcast %jit3A_25 : f32 to vector<1000x32xf32>
    %select_n3A_27 = arith.select %eq3A_24, %broadcast_in_dim3A_26, %dot_general3A_21 : vector<1000x32xi1>, vector<1000x32xf32>
    %swap3A = arith.constant 0 : index
    %swap3A_28 = arith.constant 0 : index
    %swap3A_29 = vector.load %arg5[%swap3A, %swap3A_28] : memref<1000x32xf32, #tpu.memory_space<vmem>>, vector<1000x32xf32>
    tpu.vector_store %arg5[%swap3A, %swap3A_28], %select_n3A_27 {strides = array<i32>} : memref<1000x32xf32, #tpu.memory_space<vmem>>, vector<1000x32xf32>,
    return
  }
  func.func @transform_0(%arg0: i32) -> (i32, i32) {
    %c0_i32 = arith.constant 0 : i32
    %c0_i32_0 = arith.constant 0 : i32
    return %arg0, %c0_i32 : i32, i32
  }
  func.func @transform_1(%arg0: i32) -> (i32, i32) {
    %add3A = arith.constant 10 : i32
    %add3A_0 = arith.addi %arg0, %add3A : i32
    %c0_i32 = arith.constant 0 : i32
    %c0_i32_1 = arith.constant 0 : i32
    return %add3A_0, %c0_i32 : i32, i32
  }
  func.func @transform_2(%arg0: i32) -> (i32, i32) {
    %c0_i32 = arith.constant 0 : i32
    %c0_i32_0 = arith.constant 0 : i32
    %c0_i32_1 = arith.constant 0 : i32
    return %c0_i32, %c0_i32_0 : i32, i32
  }
  func.func @transform_3(%arg0: i32) -> (i32, i32) {
    %c0_i32 = arith.constant 0 : i32
    %c0_i32_0 = arith.constant 0 : i32
    %c0_i32_1 = arith.constant 0 : i32
    return %c0_i32, %c0_i32_0 : i32, i32
  }
  func.func @transform_4(%arg0: i32) -> (i32, i32) {
    %c0_i32 = arith.constant 0 : i32
    %c0_i32_0 = arith.constant 0 : i32
    return %arg0, %c0_i32 : i32, i32
  }
}

module attributes {stable_mosaic.version = 14 : i64} {
  func.func @body(%arg0: i32, %arg1: memref<10000x32xf32, #tpu.memory_space<vmem>>, %arg2: memref<10000x32xf32, #tpu.memory_space<vmem>>, %arg3: memref<1x32xf32, #tpu.memory_space<vmem>>, %arg4: memref<1x10000xi32, #tpu.memory_space<vmem>>, %arg5: memref<64x32xf32, #tpu.memory_space<vmem>>, %arg6: memref<640x128xf32, #tpu.memory_space<vmem>>, %arg7: memref<1x128xf32, #tpu.memory_space<vmem>>, %arg8: memref<128x32xf32, #tpu.memory_space<vmem>>, %arg9: memref<1x32xf32, #tpu.memory_space<vmem>>, %arg10: memref<32x8xf32, #tpu.memory_space<vmem>>, %arg11: memref<1x8xf32, #tpu.memory_space<vmem>>, %arg12: memref<1x128xf32, #tpu.memory_space<vmem>>, %arg13: memref<1x128xf32, #tpu.memory_space<vmem>>, %arg14: memref<1x32xf32, #tpu.memory_space<vmem>>, %arg15: memref<1x32xf32, #tpu.memory_space<vmem>>, %arg16: memref<64x8xf32, #tpu.memory_space<vmem>>) attributes {dimension_semantics = [#tpu.dimension_semantics<arbitrary>], iteration_bounds = array<i64: 1>, scalar_prefetch = 0 : i64, scratch_operands = 0 : i64, tpu.core_type = #tpu.core_type<tc>, window_params = [{transform_indices = @transform_0, window_bounds = array<i64: 10000, 32>}, {transform_indices = @transform_1, window_bounds = array<i64: 10000, 32>}, {pipeline_mode = #tpu.pipeline_mode<synchronous>, transform_indices = @transform_2, window_bounds = array<i64: 1, 32>}, {pipeline_mode = #tpu.pipeline_mode<synchronous>, transform_indices = @transform_3, window_bounds = array<i64: 1, 10000>}, {pipeline_mode = #tpu.pipeline_mode<synchronous>, transform_indices = @transform_4, window_bounds = array<i64: 64, 32>}, {pipeline_mode = #tpu.pipeline_mode<synchronous>, transform_indices = @transform_5, window_bounds = array<i64: 640, 128>}, {pipeline_mode = #tpu.pipeline_mode<synchronous>, transform_indices = @transform_6, window_bounds = array<i64: 1, 128>}, {pipeline_mode = #tpu.pipeline_mode<synchronous>, transform_indices = @transform_7, window_bounds = array<i64: 128, 32>}, {pipeline_mode = #tpu.pipeline_mode<synchronous>, transform_indices = @transform_8, window_bounds = array<i64: 1, 32>}, {pipeline_mode = #tpu.pipeline_mode<synchronous>, transform_indices = @transform_9, window_bounds = array<i64: 32, 8>}, {pipeline_mode = #tpu.pipeline_mode<synchronous>, transform_indices = @transform_10, window_bounds = array<i64: 1, 8>}, {pipeline_mode = #tpu.pipeline_mode<synchronous>, transform_indices = @transform_11, window_bounds = array<i64: 1, 128>}, {pipeline_mode = #tpu.pipeline_mode<synchronous>, transform_indices = @transform_12, window_bounds = array<i64: 1, 128>}, {pipeline_mode = #tpu.pipeline_mode<synchronous>, transform_indices = @transform_13, window_bounds = array<i64: 1, 32>}, {pipeline_mode = #tpu.pipeline_mode<synchronous>, transform_indices = @transform_14, window_bounds = array<i64: 1, 32>}, {pipeline_mode = #tpu.pipeline_mode<synchronous>, transform_indices = @transform_15, window_bounds = array<i64: 64, 8>}]} {
    %get3A = arith.constant 0 : index
    %get3A_0 = arith.constant 0 : index
    %get3A_1 = vector.load %arg1[%get3A, %get3A_0] : memref<10000x32xf32, #tpu.memory_space<vmem>>, vector<10000x32xf32>
    %get3A_2 = arith.constant 0 : index
    %get3A_3 = arith.constant 0 : index
    %get3A_4 = vector.load %arg2[%get3A_2, %get3A_3] : memref<10000x32xf32, #tpu.memory_space<vmem>>, vector<10000x32xf32>
    %add3A = arith.addf %get3A_1, %get3A_4 : vector<10000x32xf32>
    %slice3A = vector.extract_strided_slice %add3A {offsets = [0, 20], sizes = [10000, 1], strides = [1, 1]} : vector<10000x32xf32> to vector<10000x1xf32>
    %max3A = arith.constant 1.000000e+00 : f32
    %max3A_5 = vector.broadcast %max3A : f32 to vector<10000x1xf32>
    %max3A_6 = arith.maximumf %slice3A, %max3A_5 : vector<10000x1xf32>
    %div3A = vector.broadcast %max3A_6 : vector<10000x1xf32> to vector<10000x32xf32>
    %div3A_7 = arith.divf %add3A, %div3A : vector<10000x32xf32>
    %get3A_8 = arith.constant 0 : index
    %get3A_9 = arith.constant 0 : index
    %get3A_10 = vector.load %arg3[%get3A_8, %get3A_9] : memref<1x32xf32, #tpu.memory_space<vmem>>, vector<1x32xf32>
    %add3A_11 = vector.broadcast %get3A_10 : vector<1x32xf32> to vector<10000x32xf32>
    %add3A_12 = arith.addf %div3A_7, %add3A_11 : vector<10000x32xf32>
    %max3A_13 = arith.constant 0.000000e+00 : f32
    %max3A_14 = vector.broadcast %max3A_13 : f32 to vector<10000x32xf32>
    %max3A_15 = arith.maximumf %add3A_12, %max3A_14 : vector<10000x32xf32>
    %iota3A = tpu.iota {dimensions = array<i32: 1>} : vector<10000x32xi32>
    %lt3A = arith.constant 20 : i32
    %lt3A_16 = vector.broadcast %lt3A : i32 to vector<10000x32xi32>
    %lt3A_17 = arith.cmpi slt, %iota3A, %lt3A_16 : vector<10000x32xi32>
    %jit3A = arith.constant 0.000000e+00 : f32
    %broadcast_in_dim3A = vector.broadcast %jit3A : f32 to vector<10000x32xf32>
    %select_n3A = arith.select %lt3A_17, %max3A_15, %broadcast_in_dim3A : vector<10000x32xi1>, vector<10000x32xf32>
    %get3A_18 = arith.constant 0 : index
    %get3A_19 = arith.constant 0 : index
    %get3A_20 = vector.load %arg4[%get3A_18, %get3A_19] : memref<1x10000xi32, #tpu.memory_space<vmem>>, vector<1x10000xi32>
    %broadcast_in_dim3A_21 = vector.shape_cast %get3A_20 : vector<1x10000xi32> to vector<1x10000xi32>
    %broadcast_in_dim3A_22 = vector.broadcast %broadcast_in_dim3A_21 : vector<1x10000xi32> to vector<64x10000xi32>
    %iota3A_23 = tpu.iota {dimensions = array<i32: 0>} : vector<64x10000xi32>
    %eq3A = arith.cmpi eq, %broadcast_in_dim3A_22, %iota3A_23 : vector<64x10000xi32>
    %jit3A_24 = arith.constant 1.000000e+00 : f32
    %jit3A_25 = arith.constant 0.000000e+00 : f32
    %broadcast_in_dim3A_26 = vector.broadcast %jit3A_24 : f32 to vector<64x10000xf32>
    %broadcast_in_dim3A_27 = vector.broadcast %jit3A_25 : f32 to vector<64x10000xf32>
    %select_n3A_28 = arith.select %eq3A, %broadcast_in_dim3A_26, %broadcast_in_dim3A_27 : vector<64x10000xi1>, vector<64x10000xf32>
    %dot_general3A = arith.constant dense<0.000000e+00> : vector<64x32xf32>
    %dot_general3A_29 = tpu.matmul %select_n3A_28, %select_n3A, %dot_general3A {dimension_numbers = #tpu.dot_dimension_numbers<[1], [0], [0], [1], [0, 0, 1, 1], [], []>, transpose_lhs_hint = false} : vector<64x10000xf32>, vector<10000x32xf32>, vector<64x32xf32> -> vector<64x32xf32>
    %reduce_sum3A = arith.constant dense<0.000000e+00> : vector<64xf32>
    %reduce_sum3A_30 = vector.multi_reduction <add>, %select_n3A_28, %reduce_sum3A [1] : vector<64x10000xf32> to vector<64xf32>
    %broadcast_in_dim3A_31 = vector.shape_cast %reduce_sum3A_30 : vector<64xf32> to vector<64x1xf32>
    %max3A_32 = arith.constant 1.000000e+00 : f32
    %max3A_33 = vector.broadcast %max3A_32 : f32 to vector<64x1xf32>
    %max3A_34 = arith.maximumf %broadcast_in_dim3A_31, %max3A_33 : vector<64x1xf32>
    %div3A_35 = vector.broadcast %max3A_34 : vector<64x1xf32> to vector<64x32xf32>
    %div3A_36 = arith.divf %dot_general3A_29, %div3A_35 : vector<64x32xf32>
    %get3A_37 = arith.constant 0 : index
    %get3A_38 = arith.constant 0 : index
    %get3A_39 = vector.load %arg5[%get3A_37, %get3A_38] : memref<64x32xf32, #tpu.memory_space<vmem>>, vector<64x32xf32>
    %get3A_40 = arith.constant 0 : index
    %get3A_41 = arith.constant 0 : index
    %get3A_42 = vector.load %arg6[%get3A_40, %get3A_41] : memref<640x128xf32, #tpu.memory_space<vmem>>, vector<640x128xf32>
    %broadcast_in_dim3A_43 = arith.constant 0.000000e+00 : f32
    %broadcast_in_dim3A_44 = vector.broadcast %broadcast_in_dim3A_43 : f32 to vector<64x128xf32>
    %slice3A_45 = vector.extract_strided_slice %div3A_36 {offsets = [0, 0], sizes = [64, 1], strides = [1, 1]} : vector<64x32xf32> to vector<64x1xf32>
    %slice3A_46 = vector.extract_strided_slice %get3A_42 {offsets = [0, 0], sizes = [32, 128], strides = [1, 1]} : vector<640x128xf32> to vector<32x128xf32>
    %dot_general3A_47 = arith.constant dense<0.000000e+00> : vector<64x128xf32>
    %dot_general3A_48 = tpu.matmul %get3A_39, %slice3A_46, %dot_general3A_47 {dimension_numbers = #tpu.dot_dimension_numbers<[1], [0], [0], [1], [0, 0, 1, 1], [], []>, transpose_lhs_hint = false} : vector<64x32xf32>, vector<32x128xf32>, vector<64x128xf32> -> vector<64x128xf32>
    %mul3A = vector.broadcast %slice3A_45 : vector<64x1xf32> to vector<64x128xf32>
    %mul3A_49 = arith.mulf %mul3A, %dot_general3A_48 : vector<64x128xf32>
    %add3A_50 = arith.addf %broadcast_in_dim3A_44, %mul3A_49 : vector<64x128xf32>
    %slice3A_51 = vector.extract_strided_slice %div3A_36 {offsets = [0, 1], sizes = [64, 1], strides = [1, 1]} : vector<64x32xf32> to vector<64x1xf32>
    %slice3A_52 = vector.extract_strided_slice %get3A_42 {offsets = [32, 0], sizes = [32, 128], strides = [1, 1]} : vector<640x128xf32> to vector<32x128xf32>
    %dot_general3A_53 = arith.constant dense<0.000000e+00> : vector<64x128xf32>
    %dot_general3A_54 = tpu.matmul %get3A_39, %slice3A_52, %dot_general3A_53 {dimension_numbers = #tpu.dot_dimension_numbers<[1], [0], [0], [1], [0, 0, 1, 1], [], []>, transpose_lhs_hint = false} : vector<64x32xf32>, vector<32x128xf32>, vector<64x128xf32> -> vector<64x128xf32>
    %mul3A_55 = vector.broadcast %slice3A_51 : vector<64x1xf32> to vector<64x128xf32>
    %mul3A_56 = arith.mulf %mul3A_55, %dot_general3A_54 : vector<64x128xf32>
    %add3A_57 = arith.addf %add3A_50, %mul3A_56 : vector<64x128xf32>
    %slice3A_58 = vector.extract_strided_slice %div3A_36 {offsets = [0, 2], sizes = [64, 1], strides = [1, 1]} : vector<64x32xf32> to vector<64x1xf32>
    %slice3A_59 = vector.extract_strided_slice %get3A_42 {offsets = [64, 0], sizes = [32, 128], strides = [1, 1]} : vector<640x128xf32> to vector<32x128xf32>
    %dot_general3A_60 = arith.constant dense<0.000000e+00> : vector<64x128xf32>
    %dot_general3A_61 = tpu.matmul %get3A_39, %slice3A_59, %dot_general3A_60 {dimension_numbers = #tpu.dot_dimension_numbers<[1], [0], [0], [1], [0, 0, 1, 1], [], []>, transpose_lhs_hint = false} : vector<64x32xf32>, vector<32x128xf32>, vector<64x128xf32> -> vector<64x128xf32>
    %mul3A_62 = vector.broadcast %slice3A_58 : vector<64x1xf32> to vector<64x128xf32>
    %mul3A_63 = arith.mulf %mul3A_62, %dot_general3A_61 : vector<64x128xf32>
    %add3A_64 = arith.addf %add3A_57, %mul3A_63 : vector<64x128xf32>
    %slice3A_65 = vector.extract_strided_slice %div3A_36 {offsets = [0, 3], sizes = [64, 1], strides = [1, 1]} : vector<64x32xf32> to vector<64x1xf32>
    %slice3A_66 = vector.extract_strided_slice %get3A_42 {offsets = [96, 0], sizes = [32, 128], strides = [1, 1]} : vector<640x128xf32> to vector<32x128xf32>
    %dot_general3A_67 = arith.constant dense<0.000000e+00> : vector<64x128xf32>
    %dot_general3A_68 = tpu.matmul %get3A_39, %slice3A_66, %dot_general3A_67 {dimension_numbers = #tpu.dot_dimension_numbers<[1], [0], [0], [1], [0, 0, 1, 1], [], []>, transpose_lhs_hint = false} : vector<64x32xf32>, vector<32x128xf32>, vector<64x128xf32> -> vector<64x128xf32>
    %mul3A_69 = vector.broadcast %slice3A_65 : vector<64x1xf32> to vector<64x128xf32>
    %mul3A_70 = arith.mulf %mul3A_69, %dot_general3A_68 : vector<64x128xf32>
    %add3A_71 = arith.addf %add3A_64, %mul3A_70 : vector<64x128xf32>
    %slice3A_72 = vector.extract_strided_slice %div3A_36 {offsets = [0, 4], sizes = [64, 1], strides = [1, 1]} : vector<64x32xf32> to vector<64x1xf32>
    %slice3A_73 = vector.extract_strided_slice %get3A_42 {offsets = [128, 0], sizes = [32, 128], strides = [1, 1]} : vector<640x128xf32> to vector<32x128xf32>
    %dot_general3A_74 = arith.constant dense<0.000000e+00> : vector<64x128xf32>
    %dot_general3A_75 = tpu.matmul %get3A_39, %slice3A_73, %dot_general3A_74 {dimension_numbers = #tpu.dot_dimension_numbers<[1], [0], [0], [1], [0, 0, 1, 1], [], []>, transpose_lhs_hint = false} : vector<64x32xf32>, vector<32x128xf32>, vector<64x128xf32> -> vector<64x128xf32>
    %mul3A_76 = vector.broadcast %slice3A_72 : vector<64x1xf32> to vector<64x128xf32>
    %mul3A_77 = arith.mulf %mul3A_76, %dot_general3A_75 : vector<64x128xf32>
    %add3A_78 = arith.addf %add3A_71, %mul3A_77 : vector<64x128xf32>
    %slice3A_79 = vector.extract_strided_slice %div3A_36 {offsets = [0, 5], sizes = [64, 1], strides = [1, 1]} : vector<64x32xf32> to vector<64x1xf32>
    %slice3A_80 = vector.extract_strided_slice %get3A_42 {offsets = [160, 0], sizes = [32, 128], strides = [1, 1]} : vector<640x128xf32> to vector<32x128xf32>
    %dot_general3A_81 = arith.constant dense<0.000000e+00> : vector<64x128xf32>
    %dot_general3A_82 = tpu.matmul %get3A_39, %slice3A_80, %dot_general3A_81 {dimension_numbers = #tpu.dot_dimension_numbers<[1], [0], [0], [1], [0, 0, 1, 1], [], []>, transpose_lhs_hint = false} : vector<64x32xf32>, vector<32x128xf32>, vector<64x128xf32> -> vector<64x128xf32>
    %mul3A_83 = vector.broadcast %slice3A_79 : vector<64x1xf32> to vector<64x128xf32>
    %mul3A_84 = arith.mulf %mul3A_83, %dot_general3A_82 : vector<64x128xf32>
    %add3A_85 = arith.addf %add3A_78, %mul3A_84 : vector<64x128xf32>
    %slice3A_86 = vector.extract_strided_slice %div3A_36 {offsets = [0, 6], sizes = [64, 1], strides = [1, 1]} : vector<64x32xf32> to vector<64x1xf32>
    %slice3A_87 = vector.extract_strided_slice %get3A_42 {offsets = [192, 0], sizes = [32, 128], strides = [1, 1]} : vector<640x128xf32> to vector<32x128xf32>
    %dot_general3A_88 = arith.constant dense<0.000000e+00> : vector<64x128xf32>
    %dot_general3A_89 = tpu.matmul %get3A_39, %slice3A_87, %dot_general3A_88 {dimension_numbers = #tpu.dot_dimension_numbers<[1], [0], [0], [1], [0, 0, 1, 1], [], []>, transpose_lhs_hint = false} : vector<64x32xf32>, vector<32x128xf32>, vector<64x128xf32> -> vector<64x128xf32>
    %mul3A_90 = vector.broadcast %slice3A_86 : vector<64x1xf32> to vector<64x128xf32>
    %mul3A_91 = arith.mulf %mul3A_90, %dot_general3A_89 : vector<64x128xf32>
    %add3A_92 = arith.addf %add3A_85, %mul3A_91 : vector<64x128xf32>
    %slice3A_93 = vector.extract_strided_slice %div3A_36 {offsets = [0, 7], sizes = [64, 1], strides = [1, 1]} : vector<64x32xf32> to vector<64x1xf32>
    %slice3A_94 = vector.extract_strided_slice %get3A_42 {offsets = [224, 0], sizes = [32, 128], strides = [1, 1]} : vector<640x128xf32> to vector<32x128xf32>
    %dot_general3A_95 = arith.constant dense<0.000000e+00> : vector<64x128xf32>
    %dot_general3A_96 = tpu.matmul %get3A_39, %slice3A_94, %dot_general3A_95 {dimension_numbers = #tpu.dot_dimension_numbers<[1], [0], [0], [1], [0, 0, 1, 1], [], []>, transpose_lhs_hint = false} : vector<64x32xf32>, vector<32x128xf32>, vector<64x128xf32> -> vector<64x128xf32>
    %mul3A_97 = vector.broadcast %slice3A_93 : vector<64x1xf32> to vector<64x128xf32>
    %mul3A_98 = arith.mulf %mul3A_97, %dot_general3A_96 : vector<64x128xf32>
    %add3A_99 = arith.addf %add3A_92, %mul3A_98 : vector<64x128xf32>
    %slice3A_100 = vector.extract_strided_slice %div3A_36 {offsets = [0, 8], sizes = [64, 1], strides = [1, 1]} : vector<64x32xf32> to vector<64x1xf32>
    %slice3A_101 = vector.extract_strided_slice %get3A_42 {offsets = [256, 0], sizes = [32, 128], strides = [1, 1]} : vector<640x128xf32> to vector<32x128xf32>
    %dot_general3A_102 = arith.constant dense<0.000000e+00> : vector<64x128xf32>
    %dot_general3A_103 = tpu.matmul %get3A_39, %slice3A_101, %dot_general3A_102 {dimension_numbers = #tpu.dot_dimension_numbers<[1], [0], [0], [1], [0, 0, 1, 1], [], []>, transpose_lhs_hint = false} : vector<64x32xf32>, vector<32x128xf32>, vector<64x128xf32> -> vector<64x128xf32>
    %mul3A_104 = vector.broadcast %slice3A_100 : vector<64x1xf32> to vector<64x128xf32>
    %mul3A_105 = arith.mulf %mul3A_104, %dot_general3A_103 : vector<64x128xf32>
    %add3A_106 = arith.addf %add3A_99, %mul3A_105 : vector<64x128xf32>
    %slice3A_107 = vector.extract_strided_slice %div3A_36 {offsets = [0, 9], sizes = [64, 1], strides = [1, 1]} : vector<64x32xf32> to vector<64x1xf32>
    %slice3A_108 = vector.extract_strided_slice %get3A_42 {offsets = [288, 0], sizes = [32, 128], strides = [1, 1]} : vector<640x128xf32> to vector<32x128xf32>
    %dot_general3A_109 = arith.constant dense<0.000000e+00> : vector<64x128xf32>
    %dot_general3A_110 = tpu.matmul %get3A_39, %slice3A_108, %dot_general3A_109 {dimension_numbers = #tpu.dot_dimension_numbers<[1], [0], [0], [1], [0, 0, 1, 1], [], []>, transpose_lhs_hint = false} : vector<64x32xf32>, vector<32x128xf32>, vector<64x128xf32> -> vector<64x128xf32>
    %mul3A_111 = vector.broadcast %slice3A_107 : vector<64x1xf32> to vector<64x128xf32>
    %mul3A_112 = arith.mulf %mul3A_111, %dot_general3A_110 : vector<64x128xf32>
    %add3A_113 = arith.addf %add3A_106, %mul3A_112 : vector<64x128xf32>
    %slice3A_114 = vector.extract_strided_slice %div3A_36 {offsets = [0, 10], sizes = [64, 1], strides = [1, 1]} : vector<64x32xf32> to vector<64x1xf32>
    %slice3A_115 = vector.extract_strided_slice %get3A_42 {offsets = [320, 0], sizes = [32, 128], strides = [1, 1]} : vector<640x128xf32> to vector<32x128xf32>
    %dot_general3A_116 = arith.constant dense<0.000000e+00> : vector<64x128xf32>
    %dot_general3A_117 = tpu.matmul %get3A_39, %slice3A_115, %dot_general3A_116 {dimension_numbers = #tpu.dot_dimension_numbers<[1], [0], [0], [1], [0, 0, 1, 1], [], []>, transpose_lhs_hint = false} : vector<64x32xf32>, vector<32x128xf32>, vector<64x128xf32> -> vector<64x128xf32>
    %mul3A_118 = vector.broadcast %slice3A_114 : vector<64x1xf32> to vector<64x128xf32>
    %mul3A_119 = arith.mulf %mul3A_118, %dot_general3A_117 : vector<64x128xf32>
    %add3A_120 = arith.addf %add3A_113, %mul3A_119 : vector<64x128xf32>
    %slice3A_121 = vector.extract_strided_slice %div3A_36 {offsets = [0, 11], sizes = [64, 1], strides = [1, 1]} : vector<64x32xf32> to vector<64x1xf32>
    %slice3A_122 = vector.extract_strided_slice %get3A_42 {offsets = [352, 0], sizes = [32, 128], strides = [1, 1]} : vector<640x128xf32> to vector<32x128xf32>
    %dot_general3A_123 = arith.constant dense<0.000000e+00> : vector<64x128xf32>
    %dot_general3A_124 = tpu.matmul %get3A_39, %slice3A_122, %dot_general3A_123 {dimension_numbers = #tpu.dot_dimension_numbers<[1], [0], [0], [1], [0, 0, 1, 1], [], []>, transpose_lhs_hint = false} : vector<64x32xf32>, vector<32x128xf32>, vector<64x128xf32> -> vector<64x128xf32>
    %mul3A_125 = vector.broadcast %slice3A_121 : vector<64x1xf32> to vector<64x128xf32>
    %mul3A_126 = arith.mulf %mul3A_125, %dot_general3A_124 : vector<64x128xf32>
    %add3A_127 = arith.addf %add3A_120, %mul3A_126 : vector<64x128xf32>
    %slice3A_128 = vector.extract_strided_slice %div3A_36 {offsets = [0, 12], sizes = [64, 1], strides = [1, 1]} : vector<64x32xf32> to vector<64x1xf32>
    %slice3A_129 = vector.extract_strided_slice %get3A_42 {offsets = [384, 0], sizes = [32, 128], strides = [1, 1]} : vector<640x128xf32> to vector<32x128xf32>
    %dot_general3A_130 = arith.constant dense<0.000000e+00> : vector<64x128xf32>
    %dot_general3A_131 = tpu.matmul %get3A_39, %slice3A_129, %dot_general3A_130 {dimension_numbers = #tpu.dot_dimension_numbers<[1], [0], [0], [1], [0, 0, 1, 1], [], []>, transpose_lhs_hint = false} : vector<64x32xf32>, vector<32x128xf32>, vector<64x128xf32> -> vector<64x128xf32>
    %mul3A_132 = vector.broadcast %slice3A_128 : vector<64x1xf32> to vector<64x128xf32>
    %mul3A_133 = arith.mulf %mul3A_132, %dot_general3A_131 : vector<64x128xf32>
    %add3A_134 = arith.addf %add3A_127, %mul3A_133 : vector<64x128xf32>
    %slice3A_135 = vector.extract_strided_slice %div3A_36 {offsets = [0, 13], sizes = [64, 1], strides = [1, 1]} : vector<64x32xf32> to vector<64x1xf32>
    %slice3A_136 = vector.extract_strided_slice %get3A_42 {offsets = [416, 0], sizes = [32, 128], strides = [1, 1]} : vector<640x128xf32> to vector<32x128xf32>
    %dot_general3A_137 = arith.constant dense<0.000000e+00> : vector<64x128xf32>
    %dot_general3A_138 = tpu.matmul %get3A_39, %slice3A_136, %dot_general3A_137 {dimension_numbers = #tpu.dot_dimension_numbers<[1], [0], [0], [1], [0, 0, 1, 1], [], []>, transpose_lhs_hint = false} : vector<64x32xf32>, vector<32x128xf32>, vector<64x128xf32> -> vector<64x128xf32>
    %mul3A_139 = vector.broadcast %slice3A_135 : vector<64x1xf32> to vector<64x128xf32>
    %mul3A_140 = arith.mulf %mul3A_139, %dot_general3A_138 : vector<64x128xf32>
    %add3A_141 = arith.addf %add3A_134, %mul3A_140 : vector<64x128xf32>
    %slice3A_142 = vector.extract_strided_slice %div3A_36 {offsets = [0, 14], sizes = [64, 1], strides = [1, 1]} : vector<64x32xf32> to vector<64x1xf32>
    %slice3A_143 = vector.extract_strided_slice %get3A_42 {offsets = [448, 0], sizes = [32, 128], strides = [1, 1]} : vector<640x128xf32> to vector<32x128xf32>
    %dot_general3A_144 = arith.constant dense<0.000000e+00> : vector<64x128xf32>
    %dot_general3A_145 = tpu.matmul %get3A_39, %slice3A_143, %dot_general3A_144 {dimension_numbers = #tpu.dot_dimension_numbers<[1], [0], [0], [1], [0, 0, 1, 1], [], []>, transpose_lhs_hint = false} : vector<64x32xf32>, vector<32x128xf32>, vector<64x128xf32> -> vector<64x128xf32>
    %mul3A_146 = vector.broadcast %slice3A_142 : vector<64x1xf32> to vector<64x128xf32>
    %mul3A_147 = arith.mulf %mul3A_146, %dot_general3A_145 : vector<64x128xf32>
    %add3A_148 = arith.addf %add3A_141, %mul3A_147 : vector<64x128xf32>
    %slice3A_149 = vector.extract_strided_slice %div3A_36 {offsets = [0, 15], sizes = [64, 1], strides = [1, 1]} : vector<64x32xf32> to vector<64x1xf32>
    %slice3A_150 = vector.extract_strided_slice %get3A_42 {offsets = [480, 0], sizes = [32, 128], strides = [1, 1]} : vector<640x128xf32> to vector<32x128xf32>
    %dot_general3A_151 = arith.constant dense<0.000000e+00> : vector<64x128xf32>
    %dot_general3A_152 = tpu.matmul %get3A_39, %slice3A_150, %dot_general3A_151 {dimension_numbers = #tpu.dot_dimension_numbers<[1], [0], [0], [1], [0, 0, 1, 1], [], []>, transpose_lhs_hint = false} : vector<64x32xf32>, vector<32x128xf32>, vector<64x128xf32> -> vector<64x128xf32>
    %mul3A_153 = vector.broadcast %slice3A_149 : vector<64x1xf32> to vector<64x128xf32>
    %mul3A_154 = arith.mulf %mul3A_153, %dot_general3A_152 : vector<64x128xf32>
    %add3A_155 = arith.addf %add3A_148, %mul3A_154 : vector<64x128xf32>
    %slice3A_156 = vector.extract_strided_slice %div3A_36 {offsets = [0, 16], sizes = [64, 1], strides = [1, 1]} : vector<64x32xf32> to vector<64x1xf32>
    %slice3A_157 = vector.extract_strided_slice %get3A_42 {offsets = [512, 0], sizes = [32, 128], strides = [1, 1]} : vector<640x128xf32> to vector<32x128xf32>
    %dot_general3A_158 = arith.constant dense<0.000000e+00> : vector<64x128xf32>
    %dot_general3A_159 = tpu.matmul %get3A_39, %slice3A_157, %dot_general3A_158 {dimension_numbers = #tpu.dot_dimension_numbers<[1], [0], [0], [1], [0, 0, 1, 1], [], []>, transpose_lhs_hint = false} : vector<64x32xf32>, vector<32x128xf32>, vector<64x128xf32> -> vector<64x128xf32>
    %mul3A_160 = vector.broadcast %slice3A_156 : vector<64x1xf32> to vector<64x128xf32>
    %mul3A_161 = arith.mulf %mul3A_160, %dot_general3A_159 : vector<64x128xf32>
    %add3A_162 = arith.addf %add3A_155, %mul3A_161 : vector<64x128xf32>
    %slice3A_163 = vector.extract_strided_slice %div3A_36 {offsets = [0, 17], sizes = [64, 1], strides = [1, 1]} : vector<64x32xf32> to vector<64x1xf32>
    %slice3A_164 = vector.extract_strided_slice %get3A_42 {offsets = [544, 0], sizes = [32, 128], strides = [1, 1]} : vector<640x128xf32> to vector<32x128xf32>
    %dot_general3A_165 = arith.constant dense<0.000000e+00> : vector<64x128xf32>
    %dot_general3A_166 = tpu.matmul %get3A_39, %slice3A_164, %dot_general3A_165 {dimension_numbers = #tpu.dot_dimension_numbers<[1], [0], [0], [1], [0, 0, 1, 1], [], []>, transpose_lhs_hint = false} : vector<64x32xf32>, vector<32x128xf32>, vector<64x128xf32> -> vector<64x128xf32>
    %mul3A_167 = vector.broadcast %slice3A_163 : vector<64x1xf32> to vector<64x128xf32>
    %mul3A_168 = arith.mulf %mul3A_167, %dot_general3A_166 : vector<64x128xf32>
    %add3A_169 = arith.addf %add3A_162, %mul3A_168 : vector<64x128xf32>
    %slice3A_170 = vector.extract_strided_slice %div3A_36 {offsets = [0, 18], sizes = [64, 1], strides = [1, 1]} : vector<64x32xf32> to vector<64x1xf32>
    %slice3A_171 = vector.extract_strided_slice %get3A_42 {offsets = [576, 0], sizes = [32, 128], strides = [1, 1]} : vector<640x128xf32> to vector<32x128xf32>
    %dot_general3A_172 = arith.constant dense<0.000000e+00> : vector<64x128xf32>
    %dot_general3A_173 = tpu.matmul %get3A_39, %slice3A_171, %dot_general3A_172 {dimension_numbers = #tpu.dot_dimension_numbers<[1], [0], [0], [1], [0, 0, 1, 1], [], []>, transpose_lhs_hint = false} : vector<64x32xf32>, vector<32x128xf32>, vector<64x128xf32> -> vector<64x128xf32>
    %mul3A_174 = vector.broadcast %slice3A_170 : vector<64x1xf32> to vector<64x128xf32>
    %mul3A_175 = arith.mulf %mul3A_174, %dot_general3A_173 : vector<64x128xf32>
    %add3A_176 = arith.addf %add3A_169, %mul3A_175 : vector<64x128xf32>
    %slice3A_177 = vector.extract_strided_slice %div3A_36 {offsets = [0, 19], sizes = [64, 1], strides = [1, 1]} : vector<64x32xf32> to vector<64x1xf32>
    %slice3A_178 = vector.extract_strided_slice %get3A_42 {offsets = [608, 0], sizes = [32, 128], strides = [1, 1]} : vector<640x128xf32> to vector<32x128xf32>
    %dot_general3A_179 = arith.constant dense<0.000000e+00> : vector<64x128xf32>
    %dot_general3A_180 = tpu.matmul %get3A_39, %slice3A_178, %dot_general3A_179 {dimension_numbers = #tpu.dot_dimension_numbers<[1], [0], [0], [1], [0, 0, 1, 1], [], []>, transpose_lhs_hint = false} : vector<64x32xf32>, vector<32x128xf32>, vector<64x128xf32> -> vector<64x128xf32>
    %mul3A_181 = vector.broadcast %slice3A_177 : vector<64x1xf32> to vector<64x128xf32>
    %mul3A_182 = arith.mulf %mul3A_181, %dot_general3A_180 : vector<64x128xf32>
    %add3A_183 = arith.addf %add3A_176, %mul3A_182 : vector<64x128xf32>
    %get3A_184 = arith.constant 0 : index
    %get3A_185 = arith.constant 0 : index
    %get3A_186 = vector.load %arg7[%get3A_184, %get3A_185] : memref<1x128xf32, #tpu.memory_space<vmem>>, vector<1x128xf32>
    %add3A_187 = vector.broadcast %get3A_186 : vector<1x128xf32> to vector<64x128xf32>
    %add3A_188 = arith.addf %add3A_183, %add3A_187 : vector<64x128xf32>
    %reduce_sum3A_189 = arith.constant dense<0.000000e+00> : vector<128xf32>
    %reduce_sum3A_190 = vector.multi_reduction <add>, %add3A_188, %reduce_sum3A_189 [0] : vector<64x128xf32> to vector<128xf32>
    %broadcast_in_dim3A_191 = vector.shape_cast %reduce_sum3A_190 : vector<128xf32> to vector<1x128xf32>
    %div3A_192 = arith.constant 6.400000e+01 : f32
    %div3A_193 = vector.broadcast %div3A_192 : f32 to vector<1x128xf32>
    %div3A_194 = arith.divf %broadcast_in_dim3A_191, %div3A_193 : vector<1x128xf32>
    %sub3A = vector.broadcast %div3A_194 : vector<1x128xf32> to vector<64x128xf32>
    %sub3A_195 = arith.subf %add3A_188, %sub3A : vector<64x128xf32>
    %integer_pow3A = arith.mulf %sub3A_195, %sub3A_195 : vector<64x128xf32>
    %reduce_sum3A_196 = arith.constant dense<0.000000e+00> : vector<128xf32>
    %reduce_sum3A_197 = vector.multi_reduction <add>, %integer_pow3A, %reduce_sum3A_196 [0] : vector<64x128xf32> to vector<128xf32>
    %broadcast_in_dim3A_198 = vector.shape_cast %reduce_sum3A_197 : vector<128xf32> to vector<1x128xf32>
    %div3A_199 = arith.constant 6.400000e+01 : f32
    %div3A_200 = vector.broadcast %div3A_199 : f32 to vector<1x128xf32>
    %div3A_201 = arith.divf %broadcast_in_dim3A_198, %div3A_200 : vector<1x128xf32>
    %sub3A_202 = vector.broadcast %div3A_194 : vector<1x128xf32> to vector<64x128xf32>
    %sub3A_203 = arith.subf %add3A_188, %sub3A_202 : vector<64x128xf32>
    %add3A_204 = arith.constant 9.99999974E-6 : f32
    %add3A_205 = vector.broadcast %add3A_204 : f32 to vector<1x128xf32>
    %add3A_206 = arith.addf %div3A_201, %add3A_205 : vector<1x128xf32>
    %sqrt3A = math.sqrt %add3A_206 : vector<1x128xf32>
    %div3A_207 = vector.broadcast %sqrt3A : vector<1x128xf32> to vector<64x128xf32>
    %div3A_208 = arith.divf %sub3A_203, %div3A_207 : vector<64x128xf32>
    %get3A_209 = arith.constant 0 : index
    %get3A_210 = arith.constant 0 : index
    %get3A_211 = vector.load %arg12[%get3A_209, %get3A_210] : memref<1x128xf32, #tpu.memory_space<vmem>>, vector<1x128xf32>
    %mul3A_212 = vector.broadcast %get3A_211 : vector<1x128xf32> to vector<64x128xf32>
    %mul3A_213 = arith.mulf %div3A_208, %mul3A_212 : vector<64x128xf32>
    %get3A_214 = arith.constant 0 : index
    %get3A_215 = arith.constant 0 : index
    %get3A_216 = vector.load %arg13[%get3A_214, %get3A_215] : memref<1x128xf32, #tpu.memory_space<vmem>>, vector<1x128xf32>
    %add3A_217 = vector.broadcast %get3A_216 : vector<1x128xf32> to vector<64x128xf32>
    %add3A_218 = arith.addf %mul3A_213, %add3A_217 : vector<64x128xf32>
    %max3A_219 = arith.constant 0.000000e+00 : f32
    %max3A_220 = vector.broadcast %max3A_219 : f32 to vector<64x128xf32>
    %max3A_221 = arith.maximumf %add3A_218, %max3A_220 : vector<64x128xf32>
    %get3A_222 = arith.constant 0 : index
    %get3A_223 = arith.constant 0 : index
    %get3A_224 = vector.load %arg8[%get3A_222, %get3A_223] : memref<128x32xf32, #tpu.memory_space<vmem>>, vector<128x32xf32>
    %dot_general3A_225 = arith.constant dense<0.000000e+00> : vector<64x32xf32>
    %dot_general3A_226 = tpu.matmul %max3A_221, %get3A_224, %dot_general3A_225 {dimension_numbers = #tpu.dot_dimension_numbers<[1], [0], [0], [1], [0, 0, 1, 1], [], []>, transpose_lhs_hint = false} : vector<64x128xf32>, vector<128x32xf32>, vector<64x32xf32> -> vector<64x32xf32>
    %get3A_227 = arith.constant 0 : index
    %get3A_228 = arith.constant 0 : index
    %get3A_229 = vector.load %arg9[%get3A_227, %get3A_228] : memref<1x32xf32, #tpu.memory_space<vmem>>, vector<1x32xf32>
    %add3A_230 = vector.broadcast %get3A_229 : vector<1x32xf32> to vector<64x32xf32>
    %add3A_231 = arith.addf %dot_general3A_226, %add3A_230 : vector<64x32xf32>
    %reduce_sum3A_232 = arith.constant dense<0.000000e+00> : vector<32xf32>
    %reduce_sum3A_233 = vector.multi_reduction <add>, %add3A_231, %reduce_sum3A_232 [0] : vector<64x32xf32> to vector<32xf32>
    %broadcast_in_dim3A_234 = vector.shape_cast %reduce_sum3A_233 : vector<32xf32> to vector<1x32xf32>
    %div3A_235 = arith.constant 6.400000e+01 : f32
    %div3A_236 = vector.broadcast %div3A_235 : f32 to vector<1x32xf32>
    %div3A_237 = arith.divf %broadcast_in_dim3A_234, %div3A_236 : vector<1x32xf32>
    %sub3A_238 = vector.broadcast %div3A_237 : vector<1x32xf32> to vector<64x32xf32>
    %sub3A_239 = arith.subf %add3A_231, %sub3A_238 : vector<64x32xf32>
    %integer_pow3A_240 = arith.mulf %sub3A_239, %sub3A_239 : vector<64x32xf32>
    %reduce_sum3A_241 = arith.constant dense<0.000000e+00> : vector<32xf32>
    %reduce_sum3A_242 = vector.multi_reduction <add>, %integer_pow3A_240, %reduce_sum3A_241 [0] : vector<64x32xf32> to vector<32xf32>
    %broadcast_in_dim3A_243 = vector.shape_cast %reduce_sum3A_242 : vector<32xf32> to vector<1x32xf32>
    %div3A_244 = arith.constant 6.400000e+01 : f32
    %div3A_245 = vector.broadcast %div3A_244 : f32 to vector<1x32xf32>
    %div3A_246 = arith.divf %broadcast_in_dim3A_243, %div3A_245 : vector<1x32xf32>
    %sub3A_247 = vector.broadcast %div3A_237 : vector<1x32xf32> to vector<64x32xf32>
    %sub3A_248 = arith.subf %add3A_231, %sub3A_247 : vector<64x32xf32>
    %add3A_249 = arith.constant 9.99999974E-6 : f32
    %add3A_250 = vector.broadcast %add3A_249 : f32 to vector<1x32xf32>
    %add3A_251 = arith.addf %div3A_246, %add3A_250 : vector<1x32xf32>
    %sqrt3A_252 = math.sqrt %add3A_251 : vector<1x32xf32>
    %div3A_253 = vector.broadcast %sqrt3A_252 : vector<1x32xf32> to vector<64x32xf32>
    %div3A_254 = arith.divf %sub3A_248, %div3A_253 : vector<64x32xf32>
    %get3A_255 = arith.constant 0 : index
    %get3A_256 = arith.constant 0 : index
    %get3A_257 = vector.load %arg14[%get3A_255, %get3A_256] : memref<1x32xf32, #tpu.memory_space<vmem>>, vector<1x32xf32>
    %mul3A_258 = vector.broadcast %get3A_257 : vector<1x32xf32> to vector<64x32xf32>
    %mul3A_259 = arith.mulf %div3A_254, %mul3A_258 : vector<64x32xf32>
    %get3A_260 = arith.constant 0 : index
    %get3A_261 = arith.constant 0 : index
    %get3A_262 = vector.load %arg15[%get3A_260, %get3A_261] : memref<1x32xf32, #tpu.memory_space<vmem>>, vector<1x32xf32>
    %add3A_263 = vector.broadcast %get3A_262 : vector<1x32xf32> to vector<64x32xf32>
    %add3A_264 = arith.addf %mul3A_259, %add3A_263 : vector<64x32xf32>
    %max3A_265 = arith.constant 0.000000e+00 : f32
    %max3A_266 = vector.broadcast %max3A_265 : f32 to vector<64x32xf32>
    %max3A_267 = arith.maximumf %add3A_264, %max3A_266 : vector<64x32xf32>
    %get3A_268 = arith.constant 0 : index
    %get3A_269 = arith.constant 0 : index
    %get3A_270 = vector.load %arg10[%get3A_268, %get3A_269] : memref<32x8xf32, #tpu.memory_space<vmem>>, vector<32x8xf32>
    %dot_general3A_271 = arith.constant dense<0.000000e+00> : vector<64x8xf32>
    %dot_general3A_272 = tpu.matmul %max3A_267, %get3A_270, %dot_general3A_271 {dimension_numbers = #tpu.dot_dimension_numbers<[1], [0], [0], [1], [0, 0, 1, 1], [], []>, transpose_lhs_hint = false} : vector<64x32xf32>, vector<32x8xf32>, vector<64x8xf32> -> vector<64x8xf32>
    %get3A_273 = arith.constant 0 : index
    %get3A_274 = arith.constant 0 : index
    %get3A_275 = vector.load %arg11[%get3A_273, %get3A_274] : memref<1x8xf32, #tpu.memory_space<vmem>>, vector<1x8xf32>
    %add3A_276 = vector.broadcast %get3A_275 : vector<1x8xf32> to vector<64x8xf32>
    %add3A_277 = arith.addf %dot_general3A_272, %add3A_276 : vector<64x8xf32>
    %swap3A = arith.constant 0 : index
    %swap3A_278 = arith.constant 0 : index
    %swap3A_279 = vector.load %arg16[%swap3A, %swap3A_278] : memref<64x8xf32, #tpu.memory_space<vmem>>, vector<64x8xf32>
    tpu.vector_store %arg16[%swap3A, %swap3A_278], %add3A_277 {strides = array<i32>} : memref<64x8xf32, #tpu.memory_space<vmem>>, vector<64x8xf32>,
    return
  }
  func.func @transform_0(%arg0: i32) -> (i32, i32) {
    %c0_i32 = arith.constant 0 : i32
    %c0_i32_0 = arith.constant 0 : i32
    %c0_i32_1 = arith.constant 0 : i32
    return %c0_i32, %c0_i32_0 : i32, i32
  }
  func.func @transform_1(%arg0: i32) -> (i32, i32) {
    %c1_i32 = arith.constant 1 : i32
    %c0_i32 = arith.constant 0 : i32
    %c0_i32_0 = arith.constant 0 : i32
    return %c1_i32, %c0_i32 : i32, i32
  }
  func.func @transform_2(%arg0: i32) -> (i32, i32) {
    %c0_i32 = arith.constant 0 : i32
    %c0_i32_0 = arith.constant 0 : i32
    %c0_i32_1 = arith.constant 0 : i32
    return %c0_i32, %c0_i32_0 : i32, i32
  }
  func.func @transform_3(%arg0: i32) -> (i32, i32) {
    %c0_i32 = arith.constant 0 : i32
    %c0_i32_0 = arith.constant 0 : i32
    %c0_i32_1 = arith.constant 0 : i32
    return %c0_i32, %c0_i32_0 : i32, i32
  }
  func.func @transform_4(%arg0: i32) -> (i32, i32) {
    %c0_i32 = arith.constant 0 : i32
    %c0_i32_0 = arith.constant 0 : i32
    %c0_i32_1 = arith.constant 0 : i32
    return %c0_i32, %c0_i32_0 : i32, i32
  }
  func.func @transform_5(%arg0: i32) -> (i32, i32) {
    %c0_i32 = arith.constant 0 : i32
    %c0_i32_0 = arith.constant 0 : i32
    %c0_i32_1 = arith.constant 0 : i32
    return %c0_i32, %c0_i32_0 : i32, i32
  }
  func.func @transform_6(%arg0: i32) -> (i32, i32) {
    %c0_i32 = arith.constant 0 : i32
    %c0_i32_0 = arith.constant 0 : i32
    %c0_i32_1 = arith.constant 0 : i32
    return %c0_i32, %c0_i32_0 : i32, i32
  }
  func.func @transform_7(%arg0: i32) -> (i32, i32) {
    %c0_i32 = arith.constant 0 : i32
    %c0_i32_0 = arith.constant 0 : i32
    %c0_i32_1 = arith.constant 0 : i32
    return %c0_i32, %c0_i32_0 : i32, i32
  }
  func.func @transform_8(%arg0: i32) -> (i32, i32) {
    %c0_i32 = arith.constant 0 : i32
    %c0_i32_0 = arith.constant 0 : i32
    %c0_i32_1 = arith.constant 0 : i32
    return %c0_i32, %c0_i32_0 : i32, i32
  }
  func.func @transform_9(%arg0: i32) -> (i32, i32) {
    %c0_i32 = arith.constant 0 : i32
    %c0_i32_0 = arith.constant 0 : i32
    %c0_i32_1 = arith.constant 0 : i32
    return %c0_i32, %c0_i32_0 : i32, i32
  }
  func.func @transform_10(%arg0: i32) -> (i32, i32) {
    %c0_i32 = arith.constant 0 : i32
    %c0_i32_0 = arith.constant 0 : i32
    %c0_i32_1 = arith.constant 0 : i32
    return %c0_i32, %c0_i32_0 : i32, i32
  }
  func.func @transform_11(%arg0: i32) -> (i32, i32) {
    %c0_i32 = arith.constant 0 : i32
    %c0_i32_0 = arith.constant 0 : i32
    %c0_i32_1 = arith.constant 0 : i32
    return %c0_i32, %c0_i32_0 : i32, i32
  }
  func.func @transform_12(%arg0: i32) -> (i32, i32) {
    %c0_i32 = arith.constant 0 : i32
    %c0_i32_0 = arith.constant 0 : i32
    %c0_i32_1 = arith.constant 0 : i32
    return %c0_i32, %c0_i32_0 : i32, i32
  }
  func.func @transform_13(%arg0: i32) -> (i32, i32) {
    %c0_i32 = arith.constant 0 : i32
    %c0_i32_0 = arith.constant 0 : i32
    %c0_i32_1 = arith.constant 0 : i32
    return %c0_i32, %c0_i32_0 : i32, i32
  }
  func.func @transform_14(%arg0: i32) -> (i32, i32) {
    %c0_i32 = arith.constant 0 : i32
    %c0_i32_0 = arith.constant 0 : i32
    %c0_i32_1 = arith.constant 0 : i32
    return %c0_i32, %c0_i32_0 : i32, i32
  }
  func.func @transform_15(%arg0: i32) -> (i32, i32) {
    %c0_i32 = arith.constant 0 : i32
    %c0_i32_0 = arith.constant 0 : i32
    %c0_i32_1 = arith.constant 0 : i32
    return %c0_i32, %c0_i32_0 : i32, i32
  }
}

</mosaic_0001>

<sc_bundles>
// kernel: kernel.10.cloned.1.call-start
scs
__scs_entry_jumppad:
0x0: {  	(pc) =	sbr.rel $0x88, $3  }
0x1: {  	(tag) =	ssettag $0x0;
	lr =	simm.s32 $0x1  }
0x2: {  	[smem:$0x3F8F] =	sst lr;
	_ =	strace $0xD0000000  }
0x3: {  	_ = 	snop  }
0x4: {  	_ = 	snop  }
0x5: {  	_ = 	snop  }
0x6: {  	_ = 	snop  }
0x7: {  	_ = 	snop  }
__scs_overlays_trampoline_lowered:
0x8: {  	[smem:$0x3F9E] =	sst s0  }
0x9: {  	[smem:$0x3F9F] =	sst s1  }
0xa: {  	[smem:$0x3FA0] =	sst s2  }
0xb: {  	[smem:$0x3FA1] =	sst s3  }
0xc: {  	[smem:$0x3FA2] =	sst s4  }
0xd: {  	[smem:$0x3FA3] =	sst s5  }
0xe: {  	[smem:$0x3FA4] =	sst s6  }
0xf: {  	[smem:$0x3FA5] =	sst s7  }
0x10: {  	[smem:$0x3FA6] =	sst s8  }
0x11: {  	[smem:$0x3FA7] =	sst s9;
	s0 =	simm.s32 @!p0 $0x0  }
0x12: {  	s1 =	sld [smem:$0x3F8D];
	s0 =	simm.s32 @p0 $0x1  }
0x13: {  	[smem:$0x3FA8] =	sst s0;
	s0 =	simm.s32 @!p1 $0x0  }
0x14: {  	s2 =	sld [smem:$0x3F8C];
	s0 =	simm.s32 @p1 $0x1  }
0x15: {  	[smem:$0x3FA9] =	sst s0;
	s0 =	simm.s32 @!p2 $0x0  }
0x16: {  	s3 =	sld [smem:$0x3FDB];
	s0 =	simm.s32 @p2 $0x1  }
0x17: {  	s4 =	simm.s32 $0x1BF5;
	[smem:$0x3FAB] =	sst s0  }
0x18: {  	s0 =	sld [smem:$0x3F8E];
	_ =	swait.ge [sflag:s4], $0x0  }
0x19: {  	s7 =	sld [smem:$0x3F8F]  }
0x1a: {  	s8 =	sadd.s32 $0xFFFFE003, lr  }
0x1b: {  	s9 =	sadd.s32 $0xFFFFFEF7, lr;
	s5 =	simm.s32 $0xFFFFFFFF;
	p2 =	slt.u32 s8, $0xFFFFF086  }
0x1c: {  	p1 =	slt.u32 s9, $0xF7A;
	s5 =	simm.s32 @!p2 $0x0  }
0x1d: {  	s5 =	simm.s32 @p1 $0x1;
	p0 =	seq.s32 s7, s2  }
0x1e: {  	s7 =	smul.u32 @!p0 $0xF7A, s2;
	p2 =	seq.s32 @!p0 s5, $0x0  }
0x1f: {  	s9 =	smul.u32 $0xF7A, s1;
	s8 =	simm.s32 @!p0 $0x1BF5;
	p2 =	por !p2, p0  }
0x20: {  	[sflag:s8] =	ssyncset.s32 @!p0 $0xFFFFF086;
	s6 =	sadd.s32 @!p0 s3, s7;
	s7 =	simm.s32 @!p0 $0x108  }
0x21: {  	s3 =	sadd.s32 s3, s9;
	s6 =	sadd.s32 @!p0 $0x88, s6;
	s7 =	simm.s32 @p2 $0x1082  }
0x22: {  	[simem:s7], [sflag:s8] =	dma.local @!p0 [hbm:s6], $0xF7A  }
0x23: {  	s9 =	sor.u32 $0xD0000000, s2;
	s6 =	simm.s32 $0x108;
	_ =	swait.ge @!p0 [sflag:s8], $0x0  }
0x24: {  	s3 =	sadd.s32 $0x88, s3;
	s6 =	simm.s32 @!p1 $0x1082;
	[sflag:s4] =	ssyncset.s32 $0xFFFFF086  }
0x25: {  	[simem:s6], [sflag:s4] =	dma.local [hbm:s3], $0xF7A  }
0x26: {  	[smem:$0x3F8F] =	sst s1;
	(tag) =	ssettag s2;
	_ =	strace s9  }
0x27: {  	s1 =	sld [smem:$0x3F9F]  }
0x28: {  	s2 =	sld [smem:$0x3FA0]  }
0x29: {  	s4 =	sld [smem:$0x3FA2]  }
0x2a: {  	p0 =	seq.s32 s5, $0x0;
	s5 =	sld [smem:$0x3FA3]  }
0x2b: {  	s6 =	sld [smem:$0x3FA4]  }
0x2c: {  	s7 =	sld [smem:$0x3FA5]  }
0x2d: {  	s3 =	simm.s32 $0x108;
	s8 =	sld [smem:$0x3FA6]  }
0x2e: {  	s3 =	simm.s32 @!p0 $0x1082;
	s9 =	sld [smem:$0x3FA7]  }
0x2f: {  	lr =	sadd.s32 s0, s3;
	s0 =	sld [smem:$0x3F9E]  }
0x30: {  	s3 =	sld [smem:$0x3FA1]  }
0x31: {  	[smem:$0x3FAA] =	sst s10  }
0x32: {  	s10 =	sld [smem:$0x3FA8];
	_ =	sdelay $0x3  }
0x33: {  	p0 =	seq.s32 s10, $0x1;
	s10 =	sld [smem:$0x3FAA];
	_ =	sdelay $0x3  }
0x34: {  	[smem:$0x3FAA] =	sst s10  }
0x35: {  	s10 =	sld [smem:$0x3FA9];
	_ =	sdelay $0x3  }
0x36: {  	p1 =	seq.s32 s10, $0x1;
	s10 =	sld [smem:$0x3FAA];
	_ =	sdelay $0x3  }
0x37: {  	[smem:$0x3FAA] =	sst s10  }
0x38: {  	s10 =	sld [smem:$0x3FAB]  }
0x39: {  	_ = 	snop;
	(pc) =	sbr.ind lr, $3  }
0x3a: {  	_ = 	snop  }
0x3b: {  	_ = 	snop  }
0x3c: {  	p2 =	seq.s32 s10, $0x1;
	s10 =	sld [smem:$0x3FAA]  }
0x3d: {  	_ =	shalt  }
0x3e: {  	_ =	shalt  }
0x3f: {  	_ =	shalt  }
0x40: {  	_ =	shalt  }
0x41: {  	_ =	shalt  }
0x42: {  	_ =	shalt  }
0x43: {  	_ =	shalt  }
0x44: {  	_ =	shalt  }
0x45: {  	_ =	shalt  }
0x46: {  	_ =	shalt  }
0x47: {  	_ =	shalt  }
0x48: {  	_ =	shalt  }
0x49: {  	_ =	shalt  }
0x4a: {  	_ =	shalt  }
0x4b: {  	_ =	shalt  }
0x4c: {  	_ =	shalt  }
0x4d: {  	_ =	shalt  }
0x4e: {  	_ =	shalt  }
0x4f: {  	_ =	shalt  }
0x50: {  	_ =	shalt  }
0x51: {  	_ =	shalt  }
0x52: {  	_ =	shalt  }
0x53: {  	_ =	shalt  }
0x54: {  	_ =	shalt  }
0x55: {  	_ =	shalt  }
0x56: {  	_ =	shalt  }
0x57: {  	_ =	shalt  }
0x58: {  	_ =	shalt  }
0x59: {  	_ =	shalt  }
0x5a: {  	_ =	shalt  }
0x5b: {  	_ =	shalt  }
0x5c: {  	_ =	shalt  }
0x5d: {  	_ =	shalt  }
0x5e: {  	_ =	shalt  }
0x5f: {  	_ =	shalt  }
0x60: {  	_ =	shalt  }
0x61: {  	_ =	shalt  }
0x62: {  	_ =	shalt  }
0x63: {  	_ =	shalt  }
0x64: {  	_ =	shalt  }
0x65: {  	_ =	shalt  }
0x66: {  	_ =	shalt  }
0x67: {  	_ =	shalt  }
0x68: {  	_ =	shalt  }
0x69: {  	_ =	shalt  }
0x6a: {  	_ =	shalt  }
0x6b: {  	_ =	shalt  }
0x6c: {  	_ =	shalt  }
0x6d: {  	_ =	shalt  }
0x6e: {  	_ =	shalt  }
0x6f: {  	_ =	shalt  }
0x70: {  	_ =	shalt  }
0x71: {  	_ =	shalt  }
0x72: {  	_ =	shalt  }
0x73: {  	_ =	shalt  }
0x74: {  	_ =	shalt  }
0x75: {  	_ =	shalt  }
0x76: {  	_ =	shalt  }
0x77: {  	_ =	shalt  }
0x78: {  	_ =	shalt  }
0x79: {  	_ =	shalt  }
0x7a: {  	_ =	shalt  }
0x7b: {  	_ =	shalt  }
0x7c: {  	_ =	shalt  }
0x7d: {  	_ =	shalt  }
0x7e: {  	_ =	shalt  }
0x7f: {  	_ =	shalt  }
0x80: {  	_ =	shalt  }
0x81: {  	_ =	shalt  }
0x82: {  	_ =	shalt  }
0x83: {  	_ =	shalt  }
0x84: {  	_ =	shalt  }
0x85: {  	_ =	shalt  }
0x86: {  	_ =	shalt  }
0x87: {  	_ =	shalt  }
.Lfunc_end0:
.L_simem_size_0:
called_computation.1_lowered:
.L_overlay_start_0:
0x88: {  	s2 =	sld [smem:$0x3FD9]  }
0x89: {  	s3 =	sld [smem:$0x3FFE];
	_ =	sdelay $0x1  }
0x8a: {  	s1 =	srdreg.scid  }
0x8b: {  	s0 =	sand.u32 $0x1, s1  }
0x8c: {  	s16 =	sshll.u32 s0, $0xA;
	s2 =	sadd.s32 s3, s2  }
0x8d: {  	s2 =	sadd.s32 s2, s16  }
0x8e: {  	[smem:$0x3FB6] =	sst s2  }
0x8f: {  	_ = 	snop  }
0x90: {  	(tm) =	ssettm $0x1  }
0x91: {  	s17 =	sld [smem:$0x3FFB];
	_ =	sdelay $0x3  }
0x92: {  	_ =	strace s17  }
0x93: {  	s2 =	sld [smem:$0x3FFC];
	_ =	sdelay $0x3  }
0x94: {  	_ =	strace s2  }
0x95: {  	s2 =	sld [smem:$0x3FFD];
	_ =	sdelay $0x3  }
0x96: {  	_ =	strace s2  }
0x97: {  	_ =	strace $0x8FFFFFFF  }
0x98: {  	s18 =	sld [smem:$0x3FDB];
	_ =	sdelay $0x1  }
0x99: {  	s19 =	simm.s32 $_scs_section_size  }
0x9a: {  	s4 =	simm.s32 $_size__tile_overlayer_lowered;
	s5 =	simm.s32 $_tile_overlayer_lowered  }
0x9b: {  	s22 =	simm.s32 $0x1BFF;
	s21 =	sshll.u32 s5, $0x1;
	s2 =	sadd.s32 s19, s18  }
0x9c: {  	s6 =	simm.s32 $0x0;
	s20 =	sshll.u32 s4, $0x1;
	s4 =	sadd.s32 s21, s2  }
0x9d: {  	[timem:s6], [sflag:s22] =	dma.local [hbm:s4], s20  }
0x9e: {  	_ =	swait.ge [sflag:s22], s20  }
0x9f: {  	s3 =	ssub.s32 $0x0, s20;
	[sflag:s22] =	ssyncset.done $0x0  }
0xa0: {  	[sflag:s22] =	ssyncadd.s32 s3;
	_ =	sdelay $0x1  }
0xa1: {  	s23 =	simm.s32 $0x1B8B  }
0xa2: {  	_ =	swait.ge [sflag:s23], $0x1  }
0xa3: {  	[sflag:s23] =	ssyncset.done $0x0  }
0xa4: {  	s25 =	simm.s32 $0x1B8E;
	s24 =	sld [smem:$0x3FFE];
	[sflag:s23] =	ssyncadd.s32 $0xFFFFFFFF  }
0xa5: {  	s26 =	simm.s32 $execute0_lowered;
	[smem:$0x3FD2] =	sst s25  }
0xa6: {  	s4 =	sshll.u32 s26, $0x1;
	_ =	strace $0x80000049;
	[dreg:$0x1] =	wrdreg $0xFFFFFFFF  }
0xa7: {  	s28 =	simm.s32 $_size_execute0_lowered;
	s2 =	sadd.s32 s2, s4;
	[dreg:$0x0] =	wrdreg $0x0  }
0xa8: {  	s4 =	sshll.u32 s28, $0x1;
	[dreg:$0x2] =	wrdreg s2  }
0xa9: {  	[dreg:$0x3] =	wrdreg s4  }
0xaa: {  	[dreg:$0x4] =	wrdreg $0xC0  }
0xab: {  	_ =	task [dreg:s6], $0x5FFFF  }
0xac: {  	[dreg:$0x1] =	wrdreg $0xFFFFFFFF  }
0xad: {  	[dreg:$0x0] =	wrdreg $0x60  }
0xae: {  	[dreg:$0x2] =	wrdreg s24  }
0xaf: {  	[dreg:$0x3] =	wrdreg $0xA3200  }
0xb0: {  	[dreg:$0x4] =	wrdreg $0x9  }
0xb1: {  	_ =	task.clear_ibuf [dreg:s6], $0x5FFFF;
	_ =	strace $0x90000049  }
0xb2: {  	s29 =	simm.s32 $0x9;
	_ =	strace $0x8000004B  }
0xb3: {  	_ =	swait.ge [sflag:s29], $0x1  }
0xb4: {  	[sflag:s29] =	ssyncadd.s32 $0xFFFFFFFF  }
0xb5: {  	_ =	strace $0x9000004B  }
0xb6: {  	_ =	sfence  }
0xb7: {  	s30 =	sld [smem:$0x0];
	_ =	sdelay $0x2  }
0xb8: {  	s31 =	sshll.u32 s1, $0xD;
	s1 =	sshrl.u32 s1, $0x2  }
0xb9: {  	s3 =	sand.u32 $0x4000, s31;
	s1 =	sadd.s32 s1, s30  }
0xba: {  	s0 =	sor.u32 s3, s0;
	s1 =	sshll.u32 s1, $0x11  }
0xbb: {  	s0 =	sor.u32 s1, s0  }
0xbc: {  	s0 =	sadd.s32 $0x8F2B, s0  }
0xbd: {  	[sflag:s0] =	ssyncadd.remote.s32 $0x1  }
0xbe: {  	_ =	sfence.sel $0xFFFF  }
0xbf: {  	[dreg:$0x0] =	wrdreg $0xFFFFFFFF;
	(pc) =	sbr.abs _section_cstart, $3  }
0xc0: {  	[dreg:$0x1] =	wrdreg $0xFFFFFFFF  }
0xc1: {  	_ =	task.clear_ibuf [dreg:s6], $0x2FFFF;
	_ =	strace $0x9FFFFFFF  }
0xc2: {  	(tm) =	ssettm $0x7FFFFFFF  }
0xc3: {  	_ =	shalt  }
tec
execute0_lowered:
.L_overlay_start_1:
0x0: {  	(tag) =	ssettag $0x1  }
0x1: {  	s0 =	srdreg.scid;
	s9 =	stileid.u32  }
0x2: {  	s0 =	sand.u32 $0x1, s0;
	s6 =	smul.u32 $0xFA0, s9  }
0x3: {  	s8 =	smul.u32 $0x1F400, s9;
	s1 =	sshll.u32 s0, $0x4  }
0x4: {  	s5 =	rddreg [dreg:$0x0];
	s7 =	smul.u32 $0x9C40, s0;
	s1 =	sor.u32 s9, s1  }
0x5: {  	s2 =	rddreg [dreg:$0x1];
	s3 =	simm.s32 $0x0;
	s1 =	smul.u32 $0x4E2, s1  }
0x6: {  	s4 =	sadd.s32 $0x15C00, s5;
	s8 =	sshrl.u32 s8, $0x2;
	s6 =	sadd.s32 s6, s7  }
0x7: {  	s6 =	sadd.s32 s6, s5;
	s1 =	sadd.s32 s1, s5;
	s5 =	sadd.s32 s8, s2  }
0x8: {  	[smem:$0x7FF] =	sst s3;
	s19 =	sadd.s32 $0x500, s5  }
0x9: {  	_ =	strace $0x8000004A;
	s20 =	sadd.s32 $0xA00, s5;
	[dreg:$0x3] =	wrdreg s19  }
0xa: {  	s21 =	sadd.s32 $0xF00, s5;
	[dreg:$0x4] =	wrdreg s20  }
0xb: {  	s22 =	sadd.s32 $0x1400, s5;
	[dreg:$0x5] =	wrdreg s21  }
0xc: {  	s23 =	sadd.s32 $0x1900, s5;
	[dreg:$0x6] =	wrdreg s22  }
0xd: {  	s24 =	sadd.s32 $0x1E00, s5;
	[dreg:$0x7] =	wrdreg s23  }
0xe: {  	s25 =	sadd.s32 $0x2300, s5;
	[dreg:$0x8] =	wrdreg s24  }
0xf: {  	s29 =	simm.s32 $0x9420;
	s26 =	sadd.s32 $0x2800, s5;
	[dreg:$0x9] =	wrdreg s25  }
0x10: {  	s30 =	simm.s32 $0x2;
	s28 =	sadd.s32 $0x2D00, s5;
	[dreg:$0xa] =	wrdreg s26  }
0x11: {  	s31 =	simm.s32 $0x3;
	s8 =	sadd.s32 $0x3200, s5;
	[dreg:$0xb] =	wrdreg s28  }
0x12: {  	p0 =	sgt.u32 s9, $0x9;
	s10 =	sadd.s32 $0x3700, s5;
	[dreg:$0xc] =	wrdreg s8  }
0x13: {  	s0 =	ssub.s32 $0x2, s0;
	s11 =	sadd.s32 $0x3C00, s5;
	[dreg:$0xd] =	wrdreg s10  }
0x14: {  	s18 =	sshrl.u32 s0, $0x1;
	s12 =	sadd.s32 $0x4100, s5;
	[dreg:$0xe] =	wrdreg s11  }
0x15: {  	s9 =	simm.s32 $0x1;
	s13 =	sadd.s32 $0x4600, s5;
	[dreg:$0xf] =	wrdreg s12  }
0x16: {  	s0 =	ssub.s32 s0, s18;
	s14 =	sadd.s32 $0x4B00, s5;
	[dreg:$0x10] =	wrdreg s13  }
0x17: {  	s7 =	simm.s32 $0x9;
	s15 =	sadd.s32 $0x5000, s5;
	[dreg:$0x11] =	wrdreg s14  }
0x18: {  	s16 =	sadd.s32 $0xBE00, s1;
	s17 =	sadd.s32 $0x5500, s5;
	[dreg:$0x12] =	wrdreg s15  }
0x19: {  	s18 =	sadd.s32 $0x5A00, s5;
	[dreg:$0x13] =	wrdreg s16;
	s23 =	sadd.s32 $0x2000, s1  }
0x1a: {  	s24 =	sadd.s32 $0x1FA00, s6;
	s25 =	smax.u32 s0, $0x1;
	[dreg:$0x14] =	wrdreg s17  }
0x1b: {  	[dreg:$0x15] =	wrdreg s18;
	s19 =	sadd.s32 $0x5F00, s5;
	s20 =	sadd.s32 $0x6400, s5  }
0x1c: {  	s21 =	sadd.s32 $0x6900, s5;
	s22 =	sadd.s32 $0x6E00, s5;
	s26 =	sadd.s32 $0x7300, s5  }
0x1d: {  	s28 =	sadd.s32 $0x7800, s5;
	s8 =	simm.s32 $0x9E20;
	s10 =	simm.s32 $0xA  }
0x1e: {  	s12 =	simm.s32 $0x50;
	s13 =	simm.s32 $0x4E20;
	[dreg:$0x16] =	wrdreg s19  }
.Ltmp0:
0x1f: {  	s14 =	simm.s32 $0x5820;
	[dreg:$0x17] =	wrdreg s20;
	(pc) =	sbr.rel .LBB2_1-.Ltmp0, $4  }
0x20: {  	s16 =	simm.s32 $0x6220;
	s18 =	simm.s32 $0x6C20;
	[dreg:$0x18] =	wrdreg s21  }
0x21: {  	s0 =	simm.s32 $0x8020;
	s15 =	simm.s32 $0x4;
	[dreg:$0x19] =	wrdreg s22  }
0x22: {  	s1 =	simm.s32 $0x5;
	s6 =	simm.s32 $0x6;
	[dreg:$0x1a] =	wrdreg s26  }
0x23: {  	v0 =	vimm.f32 $0.0e+00;
	s17 =	simm.s32 $0x7;
	[dreg:$0x1b] =	wrdreg s28;
	s20 =	simm.s32 $0x7620  }
.LBB2_8:
0x24: {  	_ =	swait.ge [sflag:s30], $0xA00  }
0x25: {  	[sflag:s30] =	ssyncset.done $0x0  }
0x26: {  	s11 =	simm.s32 $0x4C90;
	[sflag:s30] =	ssyncadd.s32 $0xFFFFF600  }
0x27: {  	[spmem:s2] =	stream.indirect.scatter.add.f32 [tilespmem:s13], [sflag:$0xA], $0x20, s11, s12, $0xb8;
	[tilespmem:$0xF150] =	vst v63  }
0x28: {  	_ =	swait.ge [sflag:s10], $0xA00  }
0x29: {  	[sflag:s10] =	ssyncset.done $0x0  }
0x2a: {  	[sflag:s10] =	ssyncadd.s32 $0xFFFFF600  }
0x2b: {  	_ =	swait.ge [sflag:s31], $0xA00  }
0x2c: {  	[sflag:s31] =	ssyncset.done $0x0  }
0x2d: {  	s21 =	simm.s32 $0x4CE0;
	[sflag:s31] =	ssyncadd.s32 $0xFFFFF600  }
0x2e: {  	[spmem:s2] =	stream.indirect.scatter.add.f32 [tilespmem:s14], [sflag:$0xA], $0x20, s21, s12, $0xb8;
	[tilespmem:$0xF150] =	vst v63  }
0x2f: {  	_ =	swait.ge [sflag:s10], $0xA00  }
0x30: {  	[sflag:s10] =	ssyncset.done $0x0  }
0x31: {  	[sflag:s10] =	ssyncadd.s32 $0xFFFFF600  }
0x32: {  	_ =	swait.ge [sflag:s15], $0xA00  }
0x33: {  	[sflag:s15] =	ssyncset.done $0x0  }
0x34: {  	s22 =	simm.s32 $0x4D30;
	[sflag:s15] =	ssyncadd.s32 $0xFFFFF600  }
0x35: {  	[spmem:s2] =	stream.indirect.scatter.add.f32 [tilespmem:s16], [sflag:$0xA], $0x20, s22, s12, $0xb8;
	[tilespmem:$0xF150] =	vst v63  }
0x36: {  	_ =	swait.ge [sflag:s10], $0xA00  }
0x37: {  	[sflag:s10] =	ssyncset.done $0x0  }
0x38: {  	[sflag:s10] =	ssyncadd.s32 $0xFFFFF600  }
0x39: {  	_ =	swait.ge [sflag:s1], $0xA00  }
0x3a: {  	[sflag:s1] =	ssyncset.done $0x0  }
0x3b: {  	s26 =	simm.s32 $0x4D80;
	[sflag:s1] =	ssyncadd.s32 $0xFFFFF600  }
0x3c: {  	[spmem:s2] =	stream.indirect.scatter.add.f32 [tilespmem:s18], [sflag:$0xA], $0x20, s26, s12, $0xb8;
	[tilespmem:$0xF150] =	vst v63  }
0x3d: {  	_ =	swait.ge [sflag:s10], $0xA00  }
0x3e: {  	[sflag:s10] =	ssyncset.done $0x0  }
0x3f: {  	[sflag:s10] =	ssyncadd.s32 $0xFFFFF600  }
0x40: {  	_ =	swait.ge [sflag:s6], $0xA00  }
0x41: {  	[sflag:s6] =	ssyncset.done $0x0  }
0x42: {  	s28 =	simm.s32 $0x4DD0;
	[sflag:s6] =	ssyncadd.s32 $0xFFFFF600  }
0x43: {  	[spmem:s2] =	stream.indirect.scatter.add.f32 [tilespmem:s20], [sflag:$0xA], $0x20, s28, s12, $0xb8;
	[tilespmem:$0xF150] =	vst v63  }
0x44: {  	_ =	swait.ge [sflag:s10], $0xA00  }
0x45: {  	s19 =	sshrl.u32 @!p0 s5, $0x3;
	s11 =	stileid.u32;
	[sflag:s10] =	ssyncset.done $0x0  }
0x46: {  	s3 =	sadd.s32 $0x1, s3;
	s11 =	sshll.u32 @!p0 s11, $0x6;
	[sflag:s10] =	ssyncadd.s32 $0xFFFFF600  }
0x47: {  	p1 =	sne.s32 s3, s25;
	s11 =	sor.u32 @!p0 $0x1C0A, s11;
	[bflag:$0x0] =	sbarrier.arrive $0xFFFF  }
0x48: {  	[hbm:s24], [sflag:s11] =	dma.local @!p0 [spmem:s19], $0xFA0  }
.Ltmp1:
0x49: {  	_ = 	snop;
	(pc) =	sbr.rel @!p1 .LBB2_9-.Ltmp1, $4  }
0x4a: {  	s11 =	simm.s32 @!p0 $0xA  }
0x4b: {  	_ =	swait.ge @!p0 [sflag:s11], $0xFA0  }
0x4c: {  	[sflag:s11] =	ssyncset.done @!p0 $0x0  }
0x4d: {  	[sflag:s11] =	ssyncadd.s32 @!p0 $0xFFFFF060  }
.LBB2_1:
.Ltmp2:
0x4e: {  	(pc) =	sbr.rel @p0 .LBB2_5-.Ltmp2, $1  }
0x4f: {  	_ =	sdelay $0x3  }
0x50: {  	s19 =	simm.s32 $0x80;
	s21 =	simm.s32 $0x0  }
.LBB2_3:
0x51: {  	p1 =	sne.s32 s19, $0x1380;
	[tilespmem:s21+$0x9E20] =	vst v0;
	s26 =	smov.u32 s19;
	s19 =	sadd.s32 $0x80, s19  }
.Ltmp3:
0x52: {  	[tilespmem:s21+$0x9E30] =	vst v0;
	(pc) =	sbr.rel @p1 .LBB2_3-.Ltmp3, $2  }
0x53: {  	_ =	sdelay $0x2  }
0x54: {  	s21 =	sshra.s32 s26, $0x2  }
0x55: {  	[tilespmem:s21+$0x9E20] =	vst v0  }
0x56: {  	[tilespmem:s21+$0x9E30] =	vst v0  }
0x57: {  	[spmem:s5] =	stream.linear.scatter [tilespmem:s8], [sflag:$0x1], $0x500, $0x38;
	[tilespmem:$0xF150] =	vst v63  }
0x58: {  	s11 =	rddreg [dreg:$0x3]  }
0x59: {  	[spmem:s11] =	stream.linear.scatter [tilespmem:s8], [sflag:$0x1], $0x500, $0x38;
	[tilespmem:$0xF150] =	vst v63  }
0x5a: {  	s22 =	rddreg [dreg:$0x4]  }
0x5b: {  	[spmem:s22] =	stream.linear.scatter [tilespmem:s8], [sflag:$0x1], $0x500, $0x38;
	[tilespmem:$0xF150] =	vst v63  }
0x5c: {  	s26 =	rddreg [dreg:$0x5]  }
0x5d: {  	[spmem:s26] =	stream.linear.scatter [tilespmem:s8], [sflag:$0x1], $0x500, $0x38;
	[tilespmem:$0xF150] =	vst v63  }
0x5e: {  	s28 =	rddreg [dreg:$0x6]  }
0x5f: {  	[spmem:s28] =	stream.linear.scatter [tilespmem:s8], [sflag:$0x1], $0x500, $0x38;
	[tilespmem:$0xF150] =	vst v63  }
0x60: {  	s19 =	rddreg [dreg:$0x7]  }
0x61: {  	[spmem:s19] =	stream.linear.scatter [tilespmem:s8], [sflag:$0x1], $0x500, $0x38;
	[tilespmem:$0xF150] =	vst v63  }
0x62: {  	s21 =	rddreg [dreg:$0x8]  }
0x63: {  	[spmem:s21] =	stream.linear.scatter [tilespmem:s8], [sflag:$0x1], $0x500, $0x38;
	[tilespmem:$0xF150] =	vst v63  }
0x64: {  	s22 =	rddreg [dreg:$0x9]  }
0x65: {  	[spmem:s22] =	stream.linear.scatter [tilespmem:s8], [sflag:$0x1], $0x500, $0x38;
	[tilespmem:$0xF150] =	vst v63  }
0x66: {  	s26 =	rddreg [dreg:$0xa]  }
0x67: {  	[spmem:s26] =	stream.linear.scatter [tilespmem:s8], [sflag:$0x1], $0x500, $0x38;
	[tilespmem:$0xF150] =	vst v63  }
0x68: {  	s28 =	rddreg [dreg:$0xb]  }
0x69: {  	[spmem:s28] =	stream.linear.scatter [tilespmem:s8], [sflag:$0x1], $0x500, $0x38;
	[tilespmem:$0xF150] =	vst v63  }
0x6a: {  	s19 =	rddreg [dreg:$0xc]  }
0x6b: {  	[spmem:s19] =	stream.linear.scatter [tilespmem:s8], [sflag:$0x1], $0x500, $0x38;
	[tilespmem:$0xF150] =	vst v63  }
0x6c: {  	s21 =	rddreg [dreg:$0xd]  }
0x6d: {  	[spmem:s21] =	stream.linear.scatter [tilespmem:s8], [sflag:$0x1], $0x500, $0x38;
	[tilespmem:$0xF150] =	vst v63  }
0x6e: {  	s22 =	rddreg [dreg:$0xe]  }
0x6f: {  	[spmem:s22] =	stream.linear.scatter [tilespmem:s8], [sflag:$0x1], $0x500, $0x38;
	[tilespmem:$0xF150] =	vst v63  }
0x70: {  	s26 =	rddreg [dreg:$0xf]  }
0x71: {  	[spmem:s26] =	stream.linear.scatter [tilespmem:s8], [sflag:$0x1], $0x500, $0x38;
	[tilespmem:$0xF150] =	vst v63  }
0x72: {  	s28 =	rddreg [dreg:$0x10]  }
0x73: {  	[spmem:s28] =	stream.linear.scatter [tilespmem:s8], [sflag:$0x1], $0x500, $0x38;
	[tilespmem:$0xF150] =	vst v63  }
0x74: {  	s19 =	rddreg [dreg:$0x11]  }
0x75: {  	[spmem:s19] =	stream.linear.scatter [tilespmem:s8], [sflag:$0x1], $0x500, $0x38;
	[tilespmem:$0xF150] =	vst v63  }
0x76: {  	s21 =	rddreg [dreg:$0x12]  }
0x77: {  	[spmem:s21] =	stream.linear.scatter [tilespmem:s8], [sflag:$0x1], $0x500, $0x38;
	[tilespmem:$0xF150] =	vst v63  }
0x78: {  	s22 =	rddreg [dreg:$0x14]  }
0x79: {  	[spmem:s22] =	stream.linear.scatter [tilespmem:s8], [sflag:$0x1], $0x500, $0x38;
	[tilespmem:$0xF150] =	vst v63  }
0x7a: {  	s26 =	rddreg [dreg:$0x15]  }
0x7b: {  	[spmem:s26] =	stream.linear.scatter [tilespmem:s8], [sflag:$0x1], $0x500, $0x38;
	[tilespmem:$0xF150] =	vst v63  }
0x7c: {  	s28 =	rddreg [dreg:$0x16]  }
0x7d: {  	[spmem:s28] =	stream.linear.scatter [tilespmem:s8], [sflag:$0x1], $0x500, $0x38;
	[tilespmem:$0xF150] =	vst v63  }
0x7e: {  	s19 =	rddreg [dreg:$0x17]  }
0x7f: {  	[spmem:s19] =	stream.linear.scatter [tilespmem:s8], [sflag:$0x1], $0x500, $0x38;
	[tilespmem:$0xF150] =	vst v63  }
0x80: {  	s21 =	rddreg [dreg:$0x18]  }
0x81: {  	[spmem:s21] =	stream.linear.scatter [tilespmem:s8], [sflag:$0x1], $0x500, $0x38;
	[tilespmem:$0xF150] =	vst v63  }
0x82: {  	s22 =	rddreg [dreg:$0x19]  }
0x83: {  	[spmem:s22] =	stream.linear.scatter [tilespmem:s8], [sflag:$0x1], $0x500, $0x38;
	[tilespmem:$0xF150] =	vst v63  }
0x84: {  	s26 =	rddreg [dreg:$0x1a]  }
0x85: {  	[spmem:s26] =	stream.linear.scatter [tilespmem:s8], [sflag:$0x1], $0x500, $0x38;
	[tilespmem:$0xF150] =	vst v63  }
0x86: {  	s28 =	rddreg [dreg:$0x1b]  }
0x87: {  	[spmem:s28] =	stream.linear.scatter [tilespmem:s8], [sflag:$0x1], $0x500, $0x38;
	[tilespmem:$0xF150] =	vst v63  }
0x88: {  	_ =	swait.ge [sflag:s9], $0x500  }
0x89: {  	[sflag:s9] =	ssyncset.done $0x0  }
0x8a: {  	[sflag:s9] =	ssyncadd.s32 $0xFFFFFB00  }
0x8b: {  	_ =	swait.ge [sflag:s9], $0x500  }
0x8c: {  	[sflag:s9] =	ssyncset.done $0x0  }
0x8d: {  	[sflag:s9] =	ssyncadd.s32 $0xFFFFFB00  }
0x8e: {  	_ =	swait.ge [sflag:s9], $0x500  }
0x8f: {  	[sflag:s9] =	ssyncset.done $0x0  }
0x90: {  	[sflag:s9] =	ssyncadd.s32 $0xFFFFFB00  }
0x91: {  	_ =	swait.ge [sflag:s9], $0x500  }
0x92: {  	[sflag:s9] =	ssyncset.done $0x0  }
0x93: {  	[sflag:s9] =	ssyncadd.s32 $0xFFFFFB00  }
0x94: {  	_ =	swait.ge [sflag:s9], $0x500  }
0x95: {  	[sflag:s9] =	ssyncset.done $0x0  }
0x96: {  	[sflag:s9] =	ssyncadd.s32 $0xFFFFFB00  }
0x97: {  	_ =	swait.ge [sflag:s9], $0x500  }
0x98: {  	[sflag:s9] =	ssyncset.done $0x0  }
0x99: {  	[sflag:s9] =	ssyncadd.s32 $0xFFFFFB00  }
0x9a: {  	_ =	swait.ge [sflag:s9], $0x500  }
0x9b: {  	[sflag:s9] =	ssyncset.done $0x0  }
0x9c: {  	[sflag:s9] =	ssyncadd.s32 $0xFFFFFB00  }
0x9d: {  	_ =	swait.ge [sflag:s9], $0x500  }
0x9e: {  	[sflag:s9] =	ssyncset.done $0x0  }
0x9f: {  	[sflag:s9] =	ssyncadd.s32 $0xFFFFFB00  }
0xa0: {  	_ =	swait.ge [sflag:s9], $0x500  }
0xa1: {  	[sflag:s9] =	ssyncset.done $0x0  }
0xa2: {  	[sflag:s9] =	ssyncadd.s32 $0xFFFFFB00  }
0xa3: {  	_ =	swait.ge [sflag:s9], $0x500  }
0xa4: {  	[sflag:s9] =	ssyncset.done $0x0  }
0xa5: {  	[sflag:s9] =	ssyncadd.s32 $0xFFFFFB00  }
0xa6: {  	_ =	swait.ge [sflag:s9], $0x500  }
0xa7: {  	[sflag:s9] =	ssyncset.done $0x0  }
0xa8: {  	[sflag:s9] =	ssyncadd.s32 $0xFFFFFB00  }
0xa9: {  	_ =	swait.ge [sflag:s9], $0x500  }
0xaa: {  	[sflag:s9] =	ssyncset.done $0x0  }
0xab: {  	[sflag:s9] =	ssyncadd.s32 $0xFFFFFB00  }
0xac: {  	_ =	swait.ge [sflag:s9], $0x500  }
0xad: {  	[sflag:s9] =	ssyncset.done $0x0  }
0xae: {  	[sflag:s9] =	ssyncadd.s32 $0xFFFFFB00  }
0xaf: {  	_ =	swait.ge [sflag:s9], $0x500  }
0xb0: {  	[sflag:s9] =	ssyncset.done $0x0  }
0xb1: {  	[sflag:s9] =	ssyncadd.s32 $0xFFFFFB00  }
0xb2: {  	_ =	swait.ge [sflag:s9], $0x500  }
0xb3: {  	[sflag:s9] =	ssyncset.done $0x0  }
0xb4: {  	[sflag:s9] =	ssyncadd.s32 $0xFFFFFB00  }
0xb5: {  	_ =	swait.ge [sflag:s9], $0x500  }
0xb6: {  	[sflag:s9] =	ssyncset.done $0x0  }
0xb7: {  	[sflag:s9] =	ssyncadd.s32 $0xFFFFFB00  }
0xb8: {  	_ =	swait.ge [sflag:s9], $0x500  }
0xb9: {  	[sflag:s9] =	ssyncset.done $0x0  }
0xba: {  	[sflag:s9] =	ssyncadd.s32 $0xFFFFFB00  }
0xbb: {  	_ =	swait.ge [sflag:s9], $0x500  }
0xbc: {  	[sflag:s9] =	ssyncset.done $0x0  }
0xbd: {  	[sflag:s9] =	ssyncadd.s32 $0xFFFFFB00  }
0xbe: {  	_ =	swait.ge [sflag:s9], $0x500  }
0xbf: {  	[sflag:s9] =	ssyncset.done $0x0  }
0xc0: {  	[sflag:s9] =	ssyncadd.s32 $0xFFFFFB00  }
0xc1: {  	_ =	swait.ge [sflag:s9], $0x500  }
0xc2: {  	[sflag:s9] =	ssyncset.done $0x0  }
0xc3: {  	[sflag:s9] =	ssyncadd.s32 $0xFFFFFB00  }
0xc4: {  	_ =	swait.ge [sflag:s9], $0x500  }
0xc5: {  	[sflag:s9] =	ssyncset.done $0x0  }
0xc6: {  	[sflag:s9] =	ssyncadd.s32 $0xFFFFFB00  }
0xc7: {  	_ =	swait.ge [sflag:s9], $0x500  }
0xc8: {  	[sflag:s9] =	ssyncset.done $0x0  }
0xc9: {  	[sflag:s9] =	ssyncadd.s32 $0xFFFFFB00  }
0xca: {  	_ =	swait.ge [sflag:s9], $0x500  }
0xcb: {  	[sflag:s9] =	ssyncset.done $0x0  }
0xcc: {  	[sflag:s9] =	ssyncadd.s32 $0xFFFFFB00  }
0xcd: {  	_ =	swait.ge [sflag:s9], $0x500  }
0xce: {  	[sflag:s9] =	ssyncset.done $0x0  }
0xcf: {  	[sflag:s9] =	ssyncadd.s32 $0xFFFFFB00  }
0xd0: {  	_ =	swait.ge [sflag:s9], $0x500  }
0xd1: {  	[sflag:s9] =	ssyncset.done $0x0  }
0xd2: {  	[sflag:s9] =	ssyncadd.s32 $0xFFFFFB00  }
.LBB2_5:
0xd3: {  	s19 =	simm.s32 $0x0;
	s11 =	rddreg [dreg:$0x13]  }
0xd4: {  	[tilespmem:s19], [sflag:$0xA] =	stream.linear.gather [hbm4b:s11+s19], $0x2710, $0x38;
	[tilespmem:$0xF150] =	vst v63  }
0xd5: {  	_ =	swait.ge [sflag:s10], $0x2710  }
0xd6: {  	[sflag:s10] =	ssyncset.done $0x0  }
0xd7: {  	s22 =	simm.s32 $0x2710;
	[sflag:s10] =	ssyncadd.s32 $0xFFFFD8F0  }
0xd8: {  	[tilespmem:s22], [sflag:$0xA] =	stream.linear.gather [hbm4b:s23+s19], $0x2710, $0x38;
	[tilespmem:$0xF150] =	vst v63  }
0xd9: {  	_ =	swait.ge [sflag:s10], $0x2710  }
0xda: {  	[sflag:s10] =	ssyncset.done $0x0  }
0xdb: {  	[sflag:s10] =	ssyncadd.s32 $0xFFFFD8F0  }
0xdc: {  	[bflag:$0x0] =	sbarrier.arrive $0xFFFF  }
0xdd: {  	[tilespmem:s13], [sflag:$0x2] =	stream.indirect.gather [hbm4b:s4+s12], $0x20, s19, s12, $0xb8;
	[tilespmem:$0xF150] =	vst v63  }
0xde: {  	_ = 	snop  }
0xdf: {  	[tilespmem:s14], [sflag:$0x3] =	stream.indirect.gather [hbm4b:s4+s12], $0x20, s12, s12, $0xb8;
	[tilespmem:$0xF150] =	vst v63  }
0xe0: {  	s26 =	simm.s32 $0xA0  }
0xe1: {  	[tilespmem:s16], [sflag:$0x4] =	stream.indirect.gather [hbm4b:s4+s12], $0x20, s26, s12, $0xb8;
	[tilespmem:$0xF150] =	vst v63  }
0xe2: {  	s28 =	simm.s32 $0xF0  }
0xe3: {  	[tilespmem:s18], [sflag:$0x5] =	stream.indirect.gather [hbm4b:s4+s12], $0x20, s28, s12, $0xb8;
	[tilespmem:$0xF150] =	vst v63  }
0xe4: {  	s21 =	simm.s32 $0x140  }
0xe5: {  	[tilespmem:s20], [sflag:$0x6] =	stream.indirect.gather [hbm4b:s4+s12], $0x20, s21, s12, $0xb8;
	[tilespmem:$0xF150] =	vst v63  }
0xe6: {  	s22 =	simm.s32 $0x190  }
0xe7: {  	[tilespmem:s0], [sflag:$0x7] =	stream.indirect.gather [hbm4b:s4+s12], $0x20, s22, s12, $0xb8;
	[tilespmem:$0xF150] =	vst v63  }
0xe8: {  	s26 =	simm.s32 $0x1E0;
	s21 =	simm.s32 $0x8A20  }
0xe9: {  	[tilespmem:s21], [sflag:$0x8] =	stream.indirect.gather [hbm4b:s4+s12], $0x20, s26, s12, $0xb8;
	[tilespmem:$0xF150] =	vst v63  }
0xea: {  	s28 =	simm.s32 $0x230  }
0xeb: {  	[tilespmem:s29], [sflag:$0x9] =	stream.indirect.gather [hbm4b:s4+s12], $0x20, s28, s12, $0xb8;
	[tilespmem:$0xF150] =	vst v63  }
.LBB2_6:
0xec: {  	_ =	swait.ge [sflag:s30], $0xA00  }
0xed: {  	s21 =	sshra.s32 s19, $0x2;
	[sflag:s30] =	ssyncset.done $0x0  }
0xee: {  	s26 =	sadd.s32 $0x2710, s21;
	[sflag:s30] =	ssyncadd.s32 $0xFFFFF600  }
0xef: {  	[spmem:s2] =	stream.indirect.scatter.add.f32 [tilespmem:s13], [sflag:$0xA], $0x20, s26, s12, $0xb8;
	[tilespmem:$0xF150] =	vst v63  }
0xf0: {  	_ =	swait.ge [sflag:s10], $0xA00  }
0xf1: {  	[sflag:s10] =	ssyncset.done $0x0  }
0xf2: {  	s22 =	sadd.s32 $0x280, s21;
	[sflag:s10] =	ssyncadd.s32 $0xFFFFF600  }
0xf3: {  	[tilespmem:s13], [sflag:$0x2] =	stream.indirect.gather [hbm4b:s4+s12], $0x20, s22, s12, $0xb8;
	[tilespmem:$0xF150] =	vst v63  }
0xf4: {  	_ =	swait.ge [sflag:s31], $0xA00  }
0xf5: {  	[sflag:s31] =	ssyncset.done $0x0  }
0xf6: {  	s28 =	sadd.s32 $0x2760, s21;
	[sflag:s31] =	ssyncadd.s32 $0xFFFFF600  }
0xf7: {  	[spmem:s2] =	stream.indirect.scatter.add.f32 [tilespmem:s14], [sflag:$0xA], $0x20, s28, s12, $0xb8;
	[tilespmem:$0xF150] =	vst v63  }
0xf8: {  	_ =	swait.ge [sflag:s10], $0xA00  }
0xf9: {  	[sflag:s10] =	ssyncset.done $0x0  }
0xfa: {  	s11 =	sadd.s32 $0x2D0, s21;
	[sflag:s10] =	ssyncadd.s32 $0xFFFFF600  }
0xfb: {  	[tilespmem:s14], [sflag:$0x3] =	stream.indirect.gather [hbm4b:s4+s12], $0x20, s11, s12, $0xb8;
	[tilespmem:$0xF150] =	vst v63  }
0xfc: {  	_ =	swait.ge [sflag:s15], $0xA00  }
0xfd: {  	[sflag:s15] =	ssyncset.done $0x0  }
0xfe: {  	s22 =	sadd.s32 $0x27B0, s21;
	[sflag:s15] =	ssyncadd.s32 $0xFFFFF600  }
0xff: {  	[spmem:s2] =	stream.indirect.scatter.add.f32 [tilespmem:s16], [sflag:$0xA], $0x20, s22, s12, $0xb8;
	[tilespmem:$0xF150] =	vst v63  }
0x100: {  	_ =	swait.ge [sflag:s10], $0xA00  }
0x101: {  	[sflag:s10] =	ssyncset.done $0x0  }
0x102: {  	s28 =	sadd.s32 $0x320, s21;
	[sflag:s10] =	ssyncadd.s32 $0xFFFFF600  }
0x103: {  	[tilespmem:s16], [sflag:$0x4] =	stream.indirect.gather [hbm4b:s4+s12], $0x20, s28, s12, $0xb8;
	[tilespmem:$0xF150] =	vst v63  }
0x104: {  	_ =	swait.ge [sflag:s1], $0xA00  }
0x105: {  	[sflag:s1] =	ssyncset.done $0x0  }
0x106: {  	s11 =	sadd.s32 $0x2800, s21;
	[sflag:s1] =	ssyncadd.s32 $0xFFFFF600  }
0x107: {  	[spmem:s2] =	stream.indirect.scatter.add.f32 [tilespmem:s18], [sflag:$0xA], $0x20, s11, s12, $0xb8;
	[tilespmem:$0xF150] =	vst v63  }
0x108: {  	_ =	swait.ge [sflag:s10], $0xA00  }
0x109: {  	[sflag:s10] =	ssyncset.done $0x0  }
0x10a: {  	s22 =	sadd.s32 $0x370, s21;
	[sflag:s10] =	ssyncadd.s32 $0xFFFFF600  }
0x10b: {  	[tilespmem:s18], [sflag:$0x5] =	stream.indirect.gather [hbm4b:s4+s12], $0x20, s22, s12, $0xb8;
	[tilespmem:$0xF150] =	vst v63  }
0x10c: {  	_ =	swait.ge [sflag:s6], $0xA00  }
0x10d: {  	[sflag:s6] =	ssyncset.done $0x0  }
0x10e: {  	s28 =	sadd.s32 $0x2850, s21;
	[sflag:s6] =	ssyncadd.s32 $0xFFFFF600  }
0x10f: {  	[spmem:s2] =	stream.indirect.scatter.add.f32 [tilespmem:s20], [sflag:$0xA], $0x20, s28, s12, $0xb8;
	[tilespmem:$0xF150] =	vst v63  }
0x110: {  	_ =	swait.ge [sflag:s10], $0xA00  }
0x111: {  	[sflag:s10] =	ssyncset.done $0x0  }
0x112: {  	s11 =	sadd.s32 $0x3C0, s21;
	[sflag:s10] =	ssyncadd.s32 $0xFFFFF600  }
0x113: {  	[tilespmem:s20], [sflag:$0x6] =	stream.indirect.gather [hbm4b:s4+s12], $0x20, s11, s12, $0xb8;
	[tilespmem:$0xF150] =	vst v63  }
0x114: {  	_ =	swait.ge [sflag:s17], $0xA00  }
0x115: {  	[sflag:s17] =	ssyncset.done $0x0  }
0x116: {  	s22 =	sadd.s32 $0x28A0, s21;
	[sflag:s17] =	ssyncadd.s32 $0xFFFFF600  }
0x117: {  	[spmem:s2] =	stream.indirect.scatter.add.f32 [tilespmem:s0], [sflag:$0xA], $0x20, s22, s12, $0xb8;
	[tilespmem:$0xF150] =	vst v63  }
0x118: {  	_ =	swait.ge [sflag:s10], $0xA00  }
0x119: {  	p1 =	seq.s32 s19, $0x8C00;
	[sflag:s10] =	ssyncset.done $0x0  }
0x11a: {  	s26 =	simm.s32 @p1 $0x8;
	[sflag:s10] =	ssyncadd.s32 $0xFFFFF600  }
0x11b: {  	_ =	swait.ge @p1 [sflag:s26], $0xA00  }
0x11c: {  	[sflag:s26] =	ssyncset.done @p1 $0x0  }
0x11d: {  	[sflag:s26] =	ssyncadd.s32 @p1 $0xFFFFF600;
	s26 =	sshra.s32 @p1 s19, $0x2  }
0x11e: {  	s28 =	simm.s32 @p1 $0x8A20;
	s11 =	simm.s32 @p1 $0x50;
	s26 =	sadd.s32 @p1 $0x28F0, s26  }
0x11f: {  	[spmem:s2] =	stream.indirect.scatter.add.f32 @p1 [tilespmem:s28], [sflag:$0xA], $0x20, s26, s11, $0xb8;
	[tilespmem:$0xF150] =	vst v63  }
0x120: {  	s11 =	simm.s32 @p1 $0xA  }
0x121: {  	_ =	swait.ge @p1 [sflag:s11], $0xA00  }
0x122: {  	[sflag:s11] =	ssyncset.done @p1 $0x0  }
0x123: {  	[sflag:s11] =	ssyncadd.s32 @p1 $0xFFFFF600;
	s11 =	sshra.s32 @!p1 s19, $0x2  }
0x124: {  	s22 =	simm.s32 @!p1 $0x8020;
	s28 =	simm.s32 @!p1 $0x50;
	s26 =	sadd.s32 @!p1 $0x410, s11  }
0x125: {  	[tilespmem:s22], [sflag:$0x7] =	stream.indirect.gather @!p1 [hbm4b:s4+s28], $0x20, s26, s28, $0xb8;
	[tilespmem:$0xF150] =	vst v63  }
0x126: {  	s22 =	simm.s32 @!p1 $0x8  }
0x127: {  	_ =	swait.ge @!p1 [sflag:s22], $0xA00  }
0x128: {  	[sflag:s22] =	ssyncset.done @!p1 $0x0  }
0x129: {  	s26 =	simm.s32 @!p1 $0x8A20;
	[sflag:s22] =	ssyncadd.s32 @!p1 $0xFFFFF600;
	s22 =	sadd.s32 @!p1 $0x28F0, s11  }
0x12a: {  	[spmem:s2] =	stream.indirect.scatter.add.f32 @!p1 [tilespmem:s26], [sflag:$0xA], $0x20, s22, s28, $0xb8;
	[tilespmem:$0xF150] =	vst v63  }
0x12b: {  	s22 =	simm.s32 @!p1 $0xA  }
0x12c: {  	_ =	swait.ge @!p1 [sflag:s22], $0xA00  }
0x12d: {  	[sflag:s22] =	ssyncset.done @!p1 $0x0  }
0x12e: {  	s11 =	sadd.s32 @!p1 $0x460, s11;
	[sflag:s22] =	ssyncadd.s32 @!p1 $0xFFFFF600  }
0x12f: {  	[tilespmem:s26], [sflag:$0x8] =	stream.indirect.gather @!p1 [hbm4b:s4+s28], $0x20, s11, s28, $0xb8;
	[tilespmem:$0xF150] =	vst v63  }
0x130: {  	_ =	swait.ge [sflag:s7], $0xA00  }
0x131: {  	[sflag:s7] =	ssyncset.done $0x0  }
.Ltmp4:
0x132: {  	s28 =	sadd.s32 $0x2940, s21;
	[sflag:s7] =	ssyncadd.s32 $0xFFFFF600;
	(pc) =	sbr.rel @p1 .LBB2_8-.Ltmp4, $4  }
0x133: {  	[spmem:s2] =	stream.indirect.scatter.add.f32 [tilespmem:s29], [sflag:$0xA], $0x20, s28, s12, $0xb8;
	[tilespmem:$0xF150] =	vst v63  }
0x134: {  	_ =	swait.ge [sflag:s10], $0xA00  }
0x135: {  	[sflag:s10] =	ssyncset.done $0x0  }
0x136: {  	[sflag:s10] =	ssyncadd.s32 $0xFFFFF600  }
.Ltmp5:
0x137: {  	(pc) =	sbr.rel .LBB2_6-.Ltmp5, $3  }
0x138: {  	_ =	sdelay $0x1  }
0x139: {  	s11 =	sadd.s32 $0x4B0, s21;
	s19 =	sadd.s32 $0xA00, s19  }
0x13a: {  	[tilespmem:s29], [sflag:$0x9] =	stream.indirect.gather [hbm4b:s4+s12], $0x20, s11, s12, $0xb8;
	[tilespmem:$0xF150] =	vst v63  }
.LBB2_9:
0x13b: {  	_ =	sfence.sel $0x180000  }
0x13c: {  	[bflag:$0x0] =	sbarrier.arrive $0xFFFF  }
0x13d: {  	_ =	strace $0x9000004A  }
0x13e: {  	s0 =	stileid.u32;
	[bflag:$0x2] =	sbarrier.arrive $0xFFFF  }
0x13f: {  	p0 =	sne.s32 s0, $0x0;
	s0 =	rddreg [dreg:$0x2]  }
0x140: {  	s0 =	sadd.s32 @!p0 $0x100000, s0  }
0x141: {  	[sflag:s0] =	ssyncadd.tile.s32 @!p0 $0x1;
	_ =	shalt  }
.Lfunc_end2:
_tile_overlayer_lowered:
.L_overlay_start_2:
0x142: {  	(tag) =	ssettag $0x2  }
0x143: {  	s0 =	rddreg [dreg:$0x0];
	s2 =	stileid.u32  }
0x144: {  	s1 =	rddreg [dreg:$0x1];
	p0 =	sne.s32 s2, $0x0  }
0x145: {  	s3 =	rddreg [dreg:$0x2];
	[bflag:$0x3] =	sbarrier.arrive $0xFFFF;
	s2 =	simm.s32 @!p0 $0x1C0A  }
0x146: {  	[timem:s3], [sflag:s2] =	dma.local @!p0 [hbm:s0], s1  }
0x147: {  	s0 =	simm.s32 @!p0 $0xA  }
0x148: {  	_ =	swait.ge @!p0 [sflag:s0], s1  }
0x149: {  	s1 =	ssub.s32 @!p0 $0x0, s1;
	[sflag:s0] =	ssyncset.done @!p0 $0x0  }
0x14a: {  	[sflag:s0] =	ssyncadd.s32 @!p0 s1  }
0x14b: {  	[bflag:$0x3] =	sbarrier.arrive $0xFFFF  }
0x14c: {  	_ =	shalt  }

// kernel: kernel.7.cloned.1.call-start
scs
__scs_entry_jumppad:
0x0: {  	(pc) =	sbr.rel $0x88, $3  }
0x1: {  	(tag) =	ssettag $0x0;
	lr =	simm.s32 $0x1  }
0x2: {  	[smem:$0x3F8F] =	sst lr;
	_ =	strace $0xD0000000  }
0x3: {  	_ = 	snop  }
0x4: {  	_ = 	snop  }
0x5: {  	_ = 	snop  }
0x6: {  	_ = 	snop  }
0x7: {  	_ = 	snop  }
__scs_overlays_trampoline_lowered:
0x8: {  	[smem:$0x3F9E] =	sst s0  }
0x9: {  	[smem:$0x3F9F] =	sst s1  }
0xa: {  	[smem:$0x3FA0] =	sst s2  }
0xb: {  	[smem:$0x3FA1] =	sst s3  }
0xc: {  	[smem:$0x3FA2] =	sst s4  }
0xd: {  	[smem:$0x3FA3] =	sst s5  }
0xe: {  	[smem:$0x3FA4] =	sst s6  }
0xf: {  	[smem:$0x3FA5] =	sst s7  }
0x10: {  	[smem:$0x3FA6] =	sst s8  }
0x11: {  	[smem:$0x3FA7] =	sst s9;
	s0 =	simm.s32 @!p0 $0x0  }
0x12: {  	s1 =	sld [smem:$0x3F8D];
	s0 =	simm.s32 @p0 $0x1  }
0x13: {  	[smem:$0x3FA8] =	sst s0;
	s0 =	simm.s32 @!p1 $0x0  }
0x14: {  	s2 =	sld [smem:$0x3F8C];
	s0 =	simm.s32 @p1 $0x1  }
0x15: {  	[smem:$0x3FA9] =	sst s0;
	s0 =	simm.s32 @!p2 $0x0  }
0x16: {  	s3 =	sld [smem:$0x3FDB];
	s0 =	simm.s32 @p2 $0x1  }
0x17: {  	s4 =	simm.s32 $0x1BF5;
	[smem:$0x3FAB] =	sst s0  }
0x18: {  	s0 =	sld [smem:$0x3F8E];
	_ =	swait.ge [sflag:s4], $0x0  }
0x19: {  	s7 =	sld [smem:$0x3F8F]  }
0x1a: {  	s8 =	sadd.s32 $0xFFFFE003, lr  }
0x1b: {  	s9 =	sadd.s32 $0xFFFFFEF7, lr;
	s5 =	simm.s32 $0xFFFFFFFF;
	p2 =	slt.u32 s8, $0xFFFFF086  }
0x1c: {  	p1 =	slt.u32 s9, $0xF7A;
	s5 =	simm.s32 @!p2 $0x0  }
0x1d: {  	s5 =	simm.s32 @p1 $0x1;
	p0 =	seq.s32 s7, s2  }
0x1e: {  	s7 =	smul.u32 @!p0 $0xF7A, s2;
	p2 =	seq.s32 @!p0 s5, $0x0  }
0x1f: {  	s9 =	smul.u32 $0xF7A, s1;
	s8 =	simm.s32 @!p0 $0x1BF5;
	p2 =	por !p2, p0  }
0x20: {  	[sflag:s8] =	ssyncset.s32 @!p0 $0xFFFFF086;
	s6 =	sadd.s32 @!p0 s3, s7;
	s7 =	simm.s32 @!p0 $0x108  }
0x21: {  	s3 =	sadd.s32 s3, s9;
	s6 =	sadd.s32 @!p0 $0x88, s6;
	s7 =	simm.s32 @p2 $0x1082  }
0x22: {  	[simem:s7], [sflag:s8] =	dma.local @!p0 [hbm:s6], $0xF7A  }
0x23: {  	s9 =	sor.u32 $0xD0000000, s2;
	s6 =	simm.s32 $0x108;
	_ =	swait.ge @!p0 [sflag:s8], $0x0  }
0x24: {  	s3 =	sadd.s32 $0x88, s3;
	s6 =	simm.s32 @!p1 $0x1082;
	[sflag:s4] =	ssyncset.s32 $0xFFFFF086  }
0x25: {  	[simem:s6], [sflag:s4] =	dma.local [hbm:s3], $0xF7A  }
0x26: {  	[smem:$0x3F8F] =	sst s1;
	(tag) =	ssettag s2;
	_ =	strace s9  }
0x27: {  	s1 =	sld [smem:$0x3F9F]  }
0x28: {  	s2 =	sld [smem:$0x3FA0]  }
0x29: {  	s4 =	sld [smem:$0x3FA2]  }
0x2a: {  	p0 =	seq.s32 s5, $0x0;
	s5 =	sld [smem:$0x3FA3]  }
0x2b: {  	s6 =	sld [smem:$0x3FA4]  }
0x2c: {  	s7 =	sld [smem:$0x3FA5]  }
0x2d: {  	s3 =	simm.s32 $0x108;
	s8 =	sld [smem:$0x3FA6]  }
0x2e: {  	s3 =	simm.s32 @!p0 $0x1082;
	s9 =	sld [smem:$0x3FA7]  }
0x2f: {  	lr =	sadd.s32 s0, s3;
	s0 =	sld [smem:$0x3F9E]  }
0x30: {  	s3 =	sld [smem:$0x3FA1]  }
0x31: {  	[smem:$0x3FAA] =	sst s10  }
0x32: {  	s10 =	sld [smem:$0x3FA8];
	_ =	sdelay $0x3  }
0x33: {  	p0 =	seq.s32 s10, $0x1;
	s10 =	sld [smem:$0x3FAA];
	_ =	sdelay $0x3  }
0x34: {  	[smem:$0x3FAA] =	sst s10  }
0x35: {  	s10 =	sld [smem:$0x3FA9];
	_ =	sdelay $0x3  }
0x36: {  	p1 =	seq.s32 s10, $0x1;
	s10 =	sld [smem:$0x3FAA];
	_ =	sdelay $0x3  }
0x37: {  	[smem:$0x3FAA] =	sst s10  }
0x38: {  	s10 =	sld [smem:$0x3FAB]  }
0x39: {  	_ = 	snop;
	(pc) =	sbr.ind lr, $3  }
0x3a: {  	_ = 	snop  }
0x3b: {  	_ = 	snop  }
0x3c: {  	p2 =	seq.s32 s10, $0x1;
	s10 =	sld [smem:$0x3FAA]  }
0x3d: {  	_ =	shalt  }
0x3e: {  	_ =	shalt  }
0x3f: {  	_ =	shalt  }
0x40: {  	_ =	shalt  }
0x41: {  	_ =	shalt  }
0x42: {  	_ =	shalt  }
0x43: {  	_ =	shalt  }
0x44: {  	_ =	shalt  }
0x45: {  	_ =	shalt  }
0x46: {  	_ =	shalt  }
0x47: {  	_ =	shalt  }
0x48: {  	_ =	shalt  }
0x49: {  	_ =	shalt  }
0x4a: {  	_ =	shalt  }
0x4b: {  	_ =	shalt  }
0x4c: {  	_ =	shalt  }
0x4d: {  	_ =	shalt  }
0x4e: {  	_ =	shalt  }
0x4f: {  	_ =	shalt  }
0x50: {  	_ =	shalt  }
0x51: {  	_ =	shalt  }
0x52: {  	_ =	shalt  }
0x53: {  	_ =	shalt  }
0x54: {  	_ =	shalt  }
0x55: {  	_ =	shalt  }
0x56: {  	_ =	shalt  }
0x57: {  	_ =	shalt  }
0x58: {  	_ =	shalt  }
0x59: {  	_ =	shalt  }
0x5a: {  	_ =	shalt  }
0x5b: {  	_ =	shalt  }
0x5c: {  	_ =	shalt  }
0x5d: {  	_ =	shalt  }
0x5e: {  	_ =	shalt  }
0x5f: {  	_ =	shalt  }
0x60: {  	_ =	shalt  }
0x61: {  	_ =	shalt  }
0x62: {  	_ =	shalt  }
0x63: {  	_ =	shalt  }
0x64: {  	_ =	shalt  }
0x65: {  	_ =	shalt  }
0x66: {  	_ =	shalt  }
0x67: {  	_ =	shalt  }
0x68: {  	_ =	shalt  }
0x69: {  	_ =	shalt  }
0x6a: {  	_ =	shalt  }
0x6b: {  	_ =	shalt  }
0x6c: {  	_ =	shalt  }
0x6d: {  	_ =	shalt  }
0x6e: {  	_ =	shalt  }
0x6f: {  	_ =	shalt  }
0x70: {  	_ =	shalt  }
0x71: {  	_ =	shalt  }
0x72: {  	_ =	shalt  }
0x73: {  	_ =	shalt  }
0x74: {  	_ =	shalt  }
0x75: {  	_ =	shalt  }
0x76: {  	_ =	shalt  }
0x77: {  	_ =	shalt  }
0x78: {  	_ =	shalt  }
0x79: {  	_ =	shalt  }
0x7a: {  	_ =	shalt  }
0x7b: {  	_ =	shalt  }
0x7c: {  	_ =	shalt  }
0x7d: {  	_ =	shalt  }
0x7e: {  	_ =	shalt  }
0x7f: {  	_ =	shalt  }
0x80: {  	_ =	shalt  }
0x81: {  	_ =	shalt  }
0x82: {  	_ =	shalt  }
0x83: {  	_ =	shalt  }
0x84: {  	_ =	shalt  }
0x85: {  	_ =	shalt  }
0x86: {  	_ =	shalt  }
0x87: {  	_ =	shalt  }
.Lfunc_end0:
.L_simem_size_0:
called_computation_lowered:
.L_overlay_start_0:
0x88: {  	s2 =	sld [smem:$0x3FD9]  }
0x89: {  	s3 =	sld [smem:$0x3FFE];
	_ =	sdelay $0x1  }
0x8a: {  	s1 =	srdreg.scid  }
0x8b: {  	s0 =	sand.u32 $0x1, s1  }
0x8c: {  	s16 =	sshll.u32 s0, $0xA;
	s2 =	sadd.s32 s3, s2  }
0x8d: {  	s2 =	sadd.s32 s2, s16  }
0x8e: {  	[smem:$0x3FB6] =	sst s2  }
0x8f: {  	_ = 	snop  }
0x90: {  	(tm) =	ssettm $0x1  }
0x91: {  	s17 =	sld [smem:$0x3FFB];
	_ =	sdelay $0x3  }
0x92: {  	_ =	strace s17  }
0x93: {  	s2 =	sld [smem:$0x3FFC];
	_ =	sdelay $0x3  }
0x94: {  	_ =	strace s2  }
0x95: {  	s2 =	sld [smem:$0x3FFD];
	_ =	sdelay $0x3  }
0x96: {  	_ =	strace s2  }
0x97: {  	_ =	strace $0x8FFFFFFF  }
0x98: {  	s18 =	sld [smem:$0x3FDB];
	_ =	sdelay $0x1  }
0x99: {  	s19 =	simm.s32 $_scs_section_size  }
0x9a: {  	s4 =	simm.s32 $_size__tile_overlayer_lowered;
	s5 =	simm.s32 $_tile_overlayer_lowered  }
0x9b: {  	s22 =	simm.s32 $0x1BFF;
	s21 =	sshll.u32 s5, $0x1;
	s2 =	sadd.s32 s19, s18  }
0x9c: {  	s6 =	simm.s32 $0x0;
	s20 =	sshll.u32 s4, $0x1;
	s4 =	sadd.s32 s21, s2  }
0x9d: {  	[timem:s6], [sflag:s22] =	dma.local [hbm:s4], s20  }
0x9e: {  	_ =	swait.ge [sflag:s22], s20  }
0x9f: {  	s3 =	ssub.s32 $0x0, s20;
	[sflag:s22] =	ssyncset.done $0x0  }
0xa0: {  	[sflag:s22] =	ssyncadd.s32 s3;
	_ =	sdelay $0x1  }
0xa1: {  	s23 =	simm.s32 $0x1B8B  }
0xa2: {  	_ =	swait.ge [sflag:s23], $0x1  }
0xa3: {  	[sflag:s23] =	ssyncset.done $0x0  }
0xa4: {  	s25 =	simm.s32 $0x1B8E;
	s24 =	sld [smem:$0x3FFE];
	[sflag:s23] =	ssyncadd.s32 $0xFFFFFFFF  }
0xa5: {  	s26 =	simm.s32 $execute0_lowered;
	[smem:$0x3FD2] =	sst s25  }
0xa6: {  	s4 =	sshll.u32 s26, $0x1;
	_ =	strace $0x80000046;
	[dreg:$0x1] =	wrdreg $0xFFFFFFFF  }
0xa7: {  	s28 =	simm.s32 $_size_execute0_lowered;
	s2 =	sadd.s32 s2, s4;
	[dreg:$0x0] =	wrdreg $0x0  }
0xa8: {  	s4 =	sshll.u32 s28, $0x1;
	[dreg:$0x2] =	wrdreg s2  }
0xa9: {  	[dreg:$0x3] =	wrdreg s4  }
0xaa: {  	[dreg:$0x4] =	wrdreg $0xC0  }
0xab: {  	_ =	task [dreg:s6], $0x5FFFF  }
0xac: {  	[dreg:$0x1] =	wrdreg $0xFFFFFFFF  }
0xad: {  	[dreg:$0x0] =	wrdreg $0x60  }
0xae: {  	[dreg:$0x2] =	wrdreg s24  }
0xaf: {  	[dreg:$0x3] =	wrdreg $0xEBA00  }
0xb0: {  	[dreg:$0x4] =	wrdreg $0x9  }
0xb1: {  	_ =	task.clear_ibuf [dreg:s6], $0x5FFFF;
	_ =	strace $0x90000046  }
0xb2: {  	s29 =	simm.s32 $0x9;
	_ =	strace $0x80000048  }
0xb3: {  	_ =	swait.ge [sflag:s29], $0x1  }
0xb4: {  	[sflag:s29] =	ssyncadd.s32 $0xFFFFFFFF  }
0xb5: {  	_ =	strace $0x90000048  }
0xb6: {  	_ =	sfence  }
0xb7: {  	s30 =	sld [smem:$0x0];
	_ =	sdelay $0x2  }
0xb8: {  	s31 =	sshll.u32 s1, $0xD;
	s1 =	sshrl.u32 s1, $0x2  }
0xb9: {  	s3 =	sand.u32 $0x4000, s31;
	s1 =	sadd.s32 s1, s30  }
0xba: {  	s0 =	sor.u32 s3, s0;
	s1 =	sshll.u32 s1, $0x11  }
0xbb: {  	s0 =	sor.u32 s1, s0  }
0xbc: {  	s0 =	sadd.s32 $0x8F2B, s0  }
0xbd: {  	[sflag:s0] =	ssyncadd.remote.s32 $0x1  }
0xbe: {  	_ =	sfence.sel $0xFFFF  }
0xbf: {  	[dreg:$0x0] =	wrdreg $0xFFFFFFFF;
	(pc) =	sbr.abs _section_cstart, $3  }
0xc0: {  	[dreg:$0x1] =	wrdreg $0xFFFFFFFF  }
0xc1: {  	_ =	task.clear_ibuf [dreg:s6], $0x2FFFF;
	_ =	strace $0x9FFFFFFF  }
0xc2: {  	(tm) =	ssettm $0x7FFFFFFF  }
0xc3: {  	_ =	shalt  }
tec
execute0_lowered:
.L_overlay_start_1:
0x0: {  	(tag) =	ssettag $0x1  }
0x1: {  	s0 =	srdreg.scid;
	s8 =	stileid.u32  }
0x2: {  	s3 =	rddreg [dreg:$0x0];
	s0 =	sand.u32 $0x1, s0;
	s5 =	smul.u32 $0x36B0, s8  }
0x3: {  	s2 =	rddreg [dreg:$0x1];
	s7 =	smul.u32 $0x6D600, s8;
	s1 =	sshll.u32 s0, $0x4  }
0x4: {  	s4 =	simm.s32 $0x0;
	s6 =	smul.u32 $0x222E0, s0;
	s1 =	sor.u32 s8, s1  }
0x5: {  	[smem:$0x7FF] =	sst s4;
	s1 =	smul.u32 $0x4E2, s1  }
0x6: {  	s4 =	sadd.s32 $0x15C00, s3;
	s7 =	sshrl.u32 s7, $0x2;
	s5 =	sadd.s32 s5, s6  }
0x7: {  	s1 =	sadd.s32 s1, s3;
	s3 =	sadd.s32 s5, s3;
	s5 =	sadd.s32 s7, s2  }
0x8: {  	s19 =	sadd.s32 $0x1180, s5  }
0x9: {  	_ =	strace $0x80000047;
	s20 =	sadd.s32 $0x2300, s5;
	[dreg:$0x3] =	wrdreg s19  }
0xa: {  	s21 =	sadd.s32 $0x3480, s5;
	[dreg:$0x4] =	wrdreg s20  }
0xb: {  	s22 =	sadd.s32 $0x4600, s5;
	[dreg:$0x5] =	wrdreg s21  }
0xc: {  	s23 =	sadd.s32 $0x5780, s5;
	[dreg:$0x6] =	wrdreg s22  }
0xd: {  	s28 =	simm.s32 $0x4D30;
	s24 =	sadd.s32 $0x6900, s5;
	[dreg:$0x7] =	wrdreg s23  }
0xe: {  	s29 =	simm.s32 $0x4D80;
	s25 =	sadd.s32 $0x7A80, s5;
	[dreg:$0x8] =	wrdreg s24  }
0xf: {  	s30 =	simm.s32 $0x4DD0;
	s26 =	sadd.s32 $0x8C00, s5;
	[dreg:$0x9] =	wrdreg s25  }
0x10: {  	s31 =	simm.s32 $0x0;
	s7 =	sadd.s32 $0x9D80, s5;
	[dreg:$0xa] =	wrdreg s26  }
0x11: {  	p0 =	sgt.u32 s8, $0x9;
	s9 =	sadd.s32 $0xAF00, s5;
	[dreg:$0xb] =	wrdreg s7  }
0x12: {  	s0 =	ssub.s32 $0x2, s0;
	s10 =	sadd.s32 $0xC080, s5;
	[dreg:$0xc] =	wrdreg s9  }
0x13: {  	s18 =	sshrl.u32 s0, $0x1;
	s11 =	sadd.s32 $0xD200, s5;
	[dreg:$0xd] =	wrdreg s10  }
0x14: {  	s8 =	simm.s32 $0x1;
	s12 =	sadd.s32 $0xE380, s5;
	[dreg:$0xe] =	wrdreg s11  }
0x15: {  	s0 =	ssub.s32 s0, s18;
	s13 =	sadd.s32 $0xF500, s5;
	[dreg:$0xf] =	wrdreg s12  }
0x16: {  	s14 =	sadd.s32 $0x10680, s5;
	s15 =	sadd.s32 $0x11800, s5;
	[dreg:$0x10] =	wrdreg s13  }
0x17: {  	s16 =	sadd.s32 $0x12980, s5;
	s17 =	sadd.s32 $0x13B00, s5;
	[dreg:$0x11] =	wrdreg s14  }
0x18: {  	s18 =	sadd.s32 $0x14C80, s5;
	s6 =	sadd.s32 $0x1A400, s5;
	[dreg:$0x12] =	wrdreg s15  }
0x19: {  	s22 =	sadd.s32 $0xBE00, s1;
	s23 =	sadd.s32 $0x2000, s1;
	[dreg:$0x13] =	wrdreg s16  }
0x1a: {  	s24 =	sadd.s32 $0x38000, s3;
	s25 =	smax.u32 s0, $0x1;
	[dreg:$0x14] =	wrdreg s17  }
0x1b: {  	[dreg:$0x15] =	wrdreg s18;
	s19 =	sadd.s32 $0x15E00, s5;
	s20 =	sadd.s32 $0x16F80, s5  }
0x1c: {  	s21 =	sadd.s32 $0x18100, s5;
	s26 =	sadd.s32 $0x19280, s5;
	s7 =	simm.s32 $0xDA20  }
0x1d: {  	s9 =	simm.s32 $0x6;
	s11 =	simm.s32 $0x50;
	s12 =	simm.s32 $0x4E20  }
0x1e: {  	s13 =	simm.s32 $0x7120;
	s15 =	simm.s32 $0x9420;
	[dreg:$0x16] =	wrdreg s19  }
0x1f: {  	s16 =	simm.s32 $0xF0;
	s17 =	simm.s32 $0xB720;
	[dreg:$0x17] =	wrdreg s20  }
0x20: {  	s18 =	simm.s32 $0x2;
	s0 =	simm.s32 $0x4C90;
	[dreg:$0x18] =	wrdreg s21  }
0x21: {  	s10 =	simm.s32 $0x26C0;
	[dreg:$0x19] =	wrdreg s26;
	s19 =	simm.s32 $0x3  }
0x22: {  	v0 =	vimm.f32 $0.0e+00;
	s20 =	simm.s32 $0x4;
	s21 =	simm.s32 $0x5;
	s26 =	simm.s32 $0x4CE0  }
.LBB2_1:
.Ltmp0:
0x23: {  	(pc) =	sbr.rel @p0 .LBB2_5-.Ltmp0, $1  }
0x24: {  	_ =	sdelay $0x3  }
0x25: {  	s3 =	simm.s32 $0x0  }
0x26: {  	s1 =	sshra.s32 s3, $0x2;
	s14 =	sadd.s32 $0x1C0, s3  }
.LBB2_3:
0x27: {  	p1 =	sne.s32 s14, $0x4440;
	[tilespmem:s1+$0xDA80] =	vst v0  }
0x28: {  	[tilespmem:s1+$0xDA20] =	vst v0  }
.Ltmp1:
0x29: {  	[tilespmem:s1+$0xDA30] =	vst v0;
	(pc) =	sbr.rel @p1 .LBB2_3-.Ltmp1, $4  }
0x2a: {  	[tilespmem:s1+$0xDA40] =	vst v0  }
0x2b: {  	[tilespmem:s1+$0xDA50] =	vst v0  }
0x2c: {  	[tilespmem:s1+$0xDA60] =	vst v0  }
0x2d: {  	[tilespmem:s1+$0xDA70] =	vst v0;
	s1 =	sshra.s32 s14, $0x2;
	s14 =	sadd.s32 $0x1C0, s14  }
0x2e: {  	[tilespmem:s1+$0xDA80] =	vst v0  }
0x2f: {  	[tilespmem:s1+$0xDA20] =	vst v0  }
0x30: {  	[tilespmem:s1+$0xDA30] =	vst v0  }
0x31: {  	[tilespmem:s1+$0xDA40] =	vst v0  }
0x32: {  	[tilespmem:s1+$0xDA50] =	vst v0  }
0x33: {  	[tilespmem:s1+$0xDA60] =	vst v0  }
0x34: {  	[tilespmem:s1+$0xDA70] =	vst v0  }
0x35: {  	[spmem:s5] =	stream.linear.scatter [tilespmem:s7], [sflag:$0x1], $0x1180, $0x38;
	[tilespmem:$0x1FD48] =	vst v63  }
0x36: {  	s14 =	rddreg [dreg:$0x3]  }
0x37: {  	[spmem:s14] =	stream.linear.scatter [tilespmem:s7], [sflag:$0x1], $0x1180, $0x38;
	[tilespmem:$0x1FD48] =	vst v63  }
0x38: {  	s3 =	rddreg [dreg:$0x4]  }
0x39: {  	[spmem:s3] =	stream.linear.scatter [tilespmem:s7], [sflag:$0x1], $0x1180, $0x38;
	[tilespmem:$0x1FD48] =	vst v63  }
0x3a: {  	s14 =	rddreg [dreg:$0x5]  }
0x3b: {  	[spmem:s14] =	stream.linear.scatter [tilespmem:s7], [sflag:$0x1], $0x1180, $0x38;
	[tilespmem:$0x1FD48] =	vst v63  }
0x3c: {  	s3 =	rddreg [dreg:$0x6]  }
0x3d: {  	[spmem:s3] =	stream.linear.scatter [tilespmem:s7], [sflag:$0x1], $0x1180, $0x38;
	[tilespmem:$0x1FD48] =	vst v63  }
0x3e: {  	s14 =	rddreg [dreg:$0x7]  }
0x3f: {  	[spmem:s14] =	stream.linear.scatter [tilespmem:s7], [sflag:$0x1], $0x1180, $0x38;
	[tilespmem:$0x1FD48] =	vst v63  }
0x40: {  	s3 =	rddreg [dreg:$0x8]  }
0x41: {  	[spmem:s3] =	stream.linear.scatter [tilespmem:s7], [sflag:$0x1], $0x1180, $0x38;
	[tilespmem:$0x1FD48] =	vst v63  }
0x42: {  	s14 =	rddreg [dreg:$0x9]  }
0x43: {  	[spmem:s14] =	stream.linear.scatter [tilespmem:s7], [sflag:$0x1], $0x1180, $0x38;
	[tilespmem:$0x1FD48] =	vst v63  }
0x44: {  	s3 =	rddreg [dreg:$0xa]  }
0x45: {  	[spmem:s3] =	stream.linear.scatter [tilespmem:s7], [sflag:$0x1], $0x1180, $0x38;
	[tilespmem:$0x1FD48] =	vst v63  }
0x46: {  	s14 =	rddreg [dreg:$0xb]  }
0x47: {  	[spmem:s14] =	stream.linear.scatter [tilespmem:s7], [sflag:$0x1], $0x1180, $0x38;
	[tilespmem:$0x1FD48] =	vst v63  }
0x48: {  	s3 =	rddreg [dreg:$0xc]  }
0x49: {  	[spmem:s3] =	stream.linear.scatter [tilespmem:s7], [sflag:$0x1], $0x1180, $0x38;
	[tilespmem:$0x1FD48] =	vst v63  }
0x4a: {  	s14 =	rddreg [dreg:$0xd]  }
0x4b: {  	[spmem:s14] =	stream.linear.scatter [tilespmem:s7], [sflag:$0x1], $0x1180, $0x38;
	[tilespmem:$0x1FD48] =	vst v63  }
0x4c: {  	s3 =	rddreg [dreg:$0xe]  }
0x4d: {  	[spmem:s3] =	stream.linear.scatter [tilespmem:s7], [sflag:$0x1], $0x1180, $0x38;
	[tilespmem:$0x1FD48] =	vst v63  }
0x4e: {  	s14 =	rddreg [dreg:$0xf]  }
0x4f: {  	[spmem:s14] =	stream.linear.scatter [tilespmem:s7], [sflag:$0x1], $0x1180, $0x38;
	[tilespmem:$0x1FD48] =	vst v63  }
0x50: {  	s3 =	rddreg [dreg:$0x10]  }
0x51: {  	[spmem:s3] =	stream.linear.scatter [tilespmem:s7], [sflag:$0x1], $0x1180, $0x38;
	[tilespmem:$0x1FD48] =	vst v63  }
0x52: {  	s14 =	rddreg [dreg:$0x11]  }
0x53: {  	[spmem:s14] =	stream.linear.scatter [tilespmem:s7], [sflag:$0x1], $0x1180, $0x38;
	[tilespmem:$0x1FD48] =	vst v63  }
0x54: {  	s3 =	rddreg [dreg:$0x12]  }
0x55: {  	[spmem:s3] =	stream.linear.scatter [tilespmem:s7], [sflag:$0x1], $0x1180, $0x38;
	[tilespmem:$0x1FD48] =	vst v63  }
0x56: {  	s14 =	rddreg [dreg:$0x13]  }
0x57: {  	[spmem:s14] =	stream.linear.scatter [tilespmem:s7], [sflag:$0x1], $0x1180, $0x38;
	[tilespmem:$0x1FD48] =	vst v63  }
0x58: {  	s3 =	rddreg [dreg:$0x14]  }
0x59: {  	[spmem:s3] =	stream.linear.scatter [tilespmem:s7], [sflag:$0x1], $0x1180, $0x38;
	[tilespmem:$0x1FD48] =	vst v63  }
0x5a: {  	s14 =	rddreg [dreg:$0x15]  }
0x5b: {  	[spmem:s14] =	stream.linear.scatter [tilespmem:s7], [sflag:$0x1], $0x1180, $0x38;
	[tilespmem:$0x1FD48] =	vst v63  }
0x5c: {  	s3 =	rddreg [dreg:$0x16]  }
0x5d: {  	[spmem:s3] =	stream.linear.scatter [tilespmem:s7], [sflag:$0x1], $0x1180, $0x38;
	[tilespmem:$0x1FD48] =	vst v63  }
0x5e: {  	s14 =	rddreg [dreg:$0x17]  }
0x5f: {  	[spmem:s14] =	stream.linear.scatter [tilespmem:s7], [sflag:$0x1], $0x1180, $0x38;
	[tilespmem:$0x1FD48] =	vst v63  }
0x60: {  	s3 =	rddreg [dreg:$0x18]  }
0x61: {  	[spmem:s3] =	stream.linear.scatter [tilespmem:s7], [sflag:$0x1], $0x1180, $0x38;
	[tilespmem:$0x1FD48] =	vst v63  }
0x62: {  	s14 =	rddreg [dreg:$0x19]  }
0x63: {  	[spmem:s14] =	stream.linear.scatter [tilespmem:s7], [sflag:$0x1], $0x1180, $0x38;
	[tilespmem:$0x1FD48] =	vst v63  }
0x64: {  	_ = 	snop  }
0x65: {  	[spmem:s6] =	stream.linear.scatter [tilespmem:s7], [sflag:$0x1], $0x1180, $0x38;
	[tilespmem:$0x1FD48] =	vst v63  }
0x66: {  	_ =	swait.ge [sflag:s8], $0x1180  }
0x67: {  	[sflag:s8] =	ssyncset.done $0x0  }
0x68: {  	[sflag:s8] =	ssyncadd.s32 $0xFFFFEE80  }
0x69: {  	_ =	swait.ge [sflag:s8], $0x1180  }
0x6a: {  	[sflag:s8] =	ssyncset.done $0x0  }
0x6b: {  	[sflag:s8] =	ssyncadd.s32 $0xFFFFEE80  }
0x6c: {  	_ =	swait.ge [sflag:s8], $0x1180  }
0x6d: {  	[sflag:s8] =	ssyncset.done $0x0  }
0x6e: {  	[sflag:s8] =	ssyncadd.s32 $0xFFFFEE80  }
0x6f: {  	_ =	swait.ge [sflag:s8], $0x1180  }
0x70: {  	[sflag:s8] =	ssyncset.done $0x0  }
0x71: {  	[sflag:s8] =	ssyncadd.s32 $0xFFFFEE80  }
0x72: {  	_ =	swait.ge [sflag:s8], $0x1180  }
0x73: {  	[sflag:s8] =	ssyncset.done $0x0  }
0x74: {  	[sflag:s8] =	ssyncadd.s32 $0xFFFFEE80  }
0x75: {  	_ =	swait.ge [sflag:s8], $0x1180  }
0x76: {  	[sflag:s8] =	ssyncset.done $0x0  }
0x77: {  	[sflag:s8] =	ssyncadd.s32 $0xFFFFEE80  }
0x78: {  	_ =	swait.ge [sflag:s8], $0x1180  }
0x79: {  	[sflag:s8] =	ssyncset.done $0x0  }
0x7a: {  	[sflag:s8] =	ssyncadd.s32 $0xFFFFEE80  }
0x7b: {  	_ =	swait.ge [sflag:s8], $0x1180  }
0x7c: {  	[sflag:s8] =	ssyncset.done $0x0  }
0x7d: {  	[sflag:s8] =	ssyncadd.s32 $0xFFFFEE80  }
0x7e: {  	_ =	swait.ge [sflag:s8], $0x1180  }
0x7f: {  	[sflag:s8] =	ssyncset.done $0x0  }
0x80: {  	[sflag:s8] =	ssyncadd.s32 $0xFFFFEE80  }
0x81: {  	_ =	swait.ge [sflag:s8], $0x1180  }
0x82: {  	[sflag:s8] =	ssyncset.done $0x0  }
0x83: {  	[sflag:s8] =	ssyncadd.s32 $0xFFFFEE80  }
0x84: {  	_ =	swait.ge [sflag:s8], $0x1180  }
0x85: {  	[sflag:s8] =	ssyncset.done $0x0  }
0x86: {  	[sflag:s8] =	ssyncadd.s32 $0xFFFFEE80  }
0x87: {  	_ =	swait.ge [sflag:s8], $0x1180  }
0x88: {  	[sflag:s8] =	ssyncset.done $0x0  }
0x89: {  	[sflag:s8] =	ssyncadd.s32 $0xFFFFEE80  }
0x8a: {  	_ =	swait.ge [sflag:s8], $0x1180  }
0x8b: {  	[sflag:s8] =	ssyncset.done $0x0  }
0x8c: {  	[sflag:s8] =	ssyncadd.s32 $0xFFFFEE80  }
0x8d: {  	_ =	swait.ge [sflag:s8], $0x1180  }
0x8e: {  	[sflag:s8] =	ssyncset.done $0x0  }
0x8f: {  	[sflag:s8] =	ssyncadd.s32 $0xFFFFEE80  }
0x90: {  	_ =	swait.ge [sflag:s8], $0x1180  }
0x91: {  	[sflag:s8] =	ssyncset.done $0x0  }
0x92: {  	[sflag:s8] =	ssyncadd.s32 $0xFFFFEE80  }
0x93: {  	_ =	swait.ge [sflag:s8], $0x1180  }
0x94: {  	[sflag:s8] =	ssyncset.done $0x0  }
0x95: {  	[sflag:s8] =	ssyncadd.s32 $0xFFFFEE80  }
0x96: {  	_ =	swait.ge [sflag:s8], $0x1180  }
0x97: {  	[sflag:s8] =	ssyncset.done $0x0  }
0x98: {  	[sflag:s8] =	ssyncadd.s32 $0xFFFFEE80  }
0x99: {  	_ =	swait.ge [sflag:s8], $0x1180  }
0x9a: {  	[sflag:s8] =	ssyncset.done $0x0  }
0x9b: {  	[sflag:s8] =	ssyncadd.s32 $0xFFFFEE80  }
0x9c: {  	_ =	swait.ge [sflag:s8], $0x1180  }
0x9d: {  	[sflag:s8] =	ssyncset.done $0x0  }
0x9e: {  	[sflag:s8] =	ssyncadd.s32 $0xFFFFEE80  }
0x9f: {  	_ =	swait.ge [sflag:s8], $0x1180  }
0xa0: {  	[sflag:s8] =	ssyncset.done $0x0  }
0xa1: {  	[sflag:s8] =	ssyncadd.s32 $0xFFFFEE80  }
0xa2: {  	_ =	swait.ge [sflag:s8], $0x1180  }
0xa3: {  	[sflag:s8] =	ssyncset.done $0x0  }
0xa4: {  	[sflag:s8] =	ssyncadd.s32 $0xFFFFEE80  }
0xa5: {  	_ =	swait.ge [sflag:s8], $0x1180  }
0xa6: {  	[sflag:s8] =	ssyncset.done $0x0  }
0xa7: {  	[sflag:s8] =	ssyncadd.s32 $0xFFFFEE80  }
0xa8: {  	_ =	swait.ge [sflag:s8], $0x1180  }
0xa9: {  	[sflag:s8] =	ssyncset.done $0x0  }
0xaa: {  	[sflag:s8] =	ssyncadd.s32 $0xFFFFEE80  }
0xab: {  	_ =	swait.ge [sflag:s8], $0x1180  }
0xac: {  	[sflag:s8] =	ssyncset.done $0x0  }
0xad: {  	[sflag:s8] =	ssyncadd.s32 $0xFFFFEE80  }
0xae: {  	_ =	swait.ge [sflag:s8], $0x1180  }
0xaf: {  	[sflag:s8] =	ssyncset.done $0x0  }
0xb0: {  	[sflag:s8] =	ssyncadd.s32 $0xFFFFEE80  }
.LBB2_5:
0xb1: {  	s1 =	simm.s32 $0x0  }
0xb2: {  	[tilespmem:s1], [sflag:$0x6] =	stream.linear.gather [hbm4b:s22+s1], $0x2710, $0x38;
	[tilespmem:$0x1FD48] =	vst v63  }
0xb3: {  	_ =	swait.ge [sflag:s9], $0x2710  }
0xb4: {  	[sflag:s9] =	ssyncset.done $0x0  }
0xb5: {  	s3 =	simm.s32 $0x2710;
	[sflag:s9] =	ssyncadd.s32 $0xFFFFD8F0  }
0xb6: {  	[tilespmem:s3], [sflag:$0x6] =	stream.linear.gather [hbm4b:s23+s1], $0x2710, $0x38;
	[tilespmem:$0x1FD48] =	vst v63  }
0xb7: {  	_ =	swait.ge [sflag:s9], $0x2710  }
0xb8: {  	[sflag:s9] =	ssyncset.done $0x0  }
0xb9: {  	[sflag:s9] =	ssyncadd.s32 $0xFFFFD8F0  }
0xba: {  	[bflag:$0x0] =	sbarrier.arrive $0xFFFF  }
0xbb: {  	[tilespmem:s12], [sflag:$0x2] =	stream.indirect.gather [hbm4b:s4+s11], $0x70, s1, s11, $0xb8;
	[tilespmem:$0x1FD48] =	vst v63  }
0xbc: {  	_ = 	snop  }
0xbd: {  	[tilespmem:s13], [sflag:$0x3] =	stream.indirect.gather [hbm4b:s4+s11], $0x70, s11, s11, $0xb8;
	[tilespmem:$0x1FD48] =	vst v63  }
0xbe: {  	s3 =	simm.s32 $0xA0  }
0xbf: {  	[tilespmem:s15], [sflag:$0x4] =	stream.indirect.gather [hbm4b:s4+s11], $0x70, s3, s11, $0xb8;
	[tilespmem:$0x1FD48] =	vst v63  }
0xc0: {  	_ = 	snop  }
0xc1: {  	[tilespmem:s17], [sflag:$0x5] =	stream.indirect.gather [hbm4b:s4+s11], $0x70, s16, s11, $0xb8;
	[tilespmem:$0x1FD48] =	vst v63  }
0xc2: {  	_ =	swait.ge [sflag:s18], $0x2300  }
0xc3: {  	[sflag:s18] =	ssyncset.done $0x0  }
0xc4: {  	s14 =	simm.s32 $0x2710;
	[sflag:s18] =	ssyncadd.s32 $0xFFFFDD00  }
0xc5: {  	[spmem:s2] =	stream.indirect.scatter.add.f32 [tilespmem:s12], [sflag:$0x6], $0x70, s14, s11, $0xb8;
	[tilespmem:$0x1FD48] =	vst v63  }
0xc6: {  	_ =	swait.ge [sflag:s9], $0x2300  }
0xc7: {  	[sflag:s9] =	ssyncset.done $0x0  }
0xc8: {  	s3 =	simm.s32 $0x140;
	[sflag:s9] =	ssyncadd.s32 $0xFFFFDD00  }
0xc9: {  	[tilespmem:s12], [sflag:$0x2] =	stream.indirect.gather [hbm4b:s4+s11], $0x70, s3, s11, $0xb8;
	[tilespmem:$0x1FD48] =	vst v63  }
0xca: {  	_ =	swait.ge [sflag:s19], $0x2300  }
0xcb: {  	[sflag:s19] =	ssyncset.done $0x0  }
0xcc: {  	s14 =	simm.s32 $0x2760;
	[sflag:s19] =	ssyncadd.s32 $0xFFFFDD00  }
0xcd: {  	[spmem:s2] =	stream.indirect.scatter.add.f32 [tilespmem:s13], [sflag:$0x6], $0x70, s14, s11, $0xb8;
	[tilespmem:$0x1FD48] =	vst v63  }
0xce: {  	_ =	swait.ge [sflag:s9], $0x2300  }
0xcf: {  	[sflag:s9] =	ssyncset.done $0x0  }
0xd0: {  	s3 =	simm.s32 $0x190;
	[sflag:s9] =	ssyncadd.s32 $0xFFFFDD00  }
0xd1: {  	[tilespmem:s13], [sflag:$0x3] =	stream.indirect.gather [hbm4b:s4+s11], $0x70, s3, s11, $0xb8;
	[tilespmem:$0x1FD48] =	vst v63  }
0xd2: {  	_ =	swait.ge [sflag:s20], $0x2300  }
0xd3: {  	[sflag:s20] =	ssyncset.done $0x0  }
0xd4: {  	s14 =	simm.s32 $0x27B0;
	[sflag:s20] =	ssyncadd.s32 $0xFFFFDD00  }
0xd5: {  	[spmem:s2] =	stream.indirect.scatter.add.f32 [tilespmem:s15], [sflag:$0x6], $0x70, s14, s11, $0xb8;
	[tilespmem:$0x1FD48] =	vst v63  }
0xd6: {  	_ =	swait.ge [sflag:s9], $0x2300  }
0xd7: {  	[sflag:s9] =	ssyncset.done $0x0  }
0xd8: {  	s3 =	simm.s32 $0x1E0;
	[sflag:s9] =	ssyncadd.s32 $0xFFFFDD00  }
0xd9: {  	[tilespmem:s15], [sflag:$0x4] =	stream.indirect.gather [hbm4b:s4+s11], $0x70, s3, s11, $0xb8;
	[tilespmem:$0x1FD48] =	vst v63  }
0xda: {  	_ =	swait.ge [sflag:s21], $0x2300  }
0xdb: {  	[sflag:s21] =	ssyncset.done $0x0  }
0xdc: {  	s14 =	simm.s32 $0x2800;
	[sflag:s21] =	ssyncadd.s32 $0xFFFFDD00  }
0xdd: {  	[spmem:s2] =	stream.indirect.scatter.add.f32 [tilespmem:s17], [sflag:$0x6], $0x70, s14, s11, $0xb8;
	[tilespmem:$0x1FD48] =	vst v63  }
0xde: {  	_ =	swait.ge [sflag:s9], $0x2300  }
0xdf: {  	[sflag:s9] =	ssyncset.done $0x0  }
0xe0: {  	s1 =	simm.s32 $0x230;
	s14 =	simm.s32 $0x500;
	[sflag:s9] =	ssyncadd.s32 $0xFFFFDD00  }
.LBB2_6:
0xe1: {  	[tilespmem:s17], [sflag:$0x5] =	stream.indirect.gather [hbm4b:s4+s11], $0x70, s1, s11, $0xb8;
	[tilespmem:$0x1FD48] =	vst v63  }
0xe2: {  	s1 =	smov.u32 s14  }
0xe3: {  	p1 =	sne.s32 s14, $0x9100;
	s14 =	sadd.s32 $0x500, s14;
	_ =	swait.ge [sflag:s18], $0x2300  }
0xe4: {  	s1 =	sshra.s32 s1, $0x2;
	[sflag:s18] =	ssyncset.done $0x0  }
0xe5: {  	s3 =	sadd.s32 $0x2710, s1;
	[sflag:s18] =	ssyncadd.s32 $0xFFFFDD00  }
0xe6: {  	[spmem:s2] =	stream.indirect.scatter.add.f32 [tilespmem:s12], [sflag:$0x6], $0x70, s3, s11, $0xb8;
	[tilespmem:$0x1FD48] =	vst v63  }
0xe7: {  	_ =	swait.ge [sflag:s9], $0x2300  }
0xe8: {  	[sflag:s9] =	ssyncset.done $0x0  }
0xe9: {  	s3 =	sadd.s32 $0x140, s1;
	[sflag:s9] =	ssyncadd.s32 $0xFFFFDD00  }
0xea: {  	[tilespmem:s12], [sflag:$0x2] =	stream.indirect.gather [hbm4b:s4+s11], $0x70, s3, s11, $0xb8;
	[tilespmem:$0x1FD48] =	vst v63  }
0xeb: {  	_ =	swait.ge [sflag:s19], $0x2300  }
0xec: {  	[sflag:s19] =	ssyncset.done $0x0  }
0xed: {  	s3 =	sadd.s32 $0x2760, s1;
	[sflag:s19] =	ssyncadd.s32 $0xFFFFDD00  }
0xee: {  	[spmem:s2] =	stream.indirect.scatter.add.f32 [tilespmem:s13], [sflag:$0x6], $0x70, s3, s11, $0xb8;
	[tilespmem:$0x1FD48] =	vst v63  }
0xef: {  	_ =	swait.ge [sflag:s9], $0x2300  }
0xf0: {  	[sflag:s9] =	ssyncset.done $0x0  }
0xf1: {  	s3 =	sadd.s32 $0x190, s1;
	[sflag:s9] =	ssyncadd.s32 $0xFFFFDD00  }
0xf2: {  	[tilespmem:s13], [sflag:$0x3] =	stream.indirect.gather [hbm4b:s4+s11], $0x70, s3, s11, $0xb8;
	[tilespmem:$0x1FD48] =	vst v63  }
0xf3: {  	_ =	swait.ge [sflag:s20], $0x2300  }
0xf4: {  	[sflag:s20] =	ssyncset.done $0x0  }
0xf5: {  	s3 =	sadd.s32 $0x27B0, s1;
	[sflag:s20] =	ssyncadd.s32 $0xFFFFDD00  }
0xf6: {  	[spmem:s2] =	stream.indirect.scatter.add.f32 [tilespmem:s15], [sflag:$0x6], $0x70, s3, s11, $0xb8;
	[tilespmem:$0x1FD48] =	vst v63  }
0xf7: {  	_ =	swait.ge [sflag:s9], $0x2300  }
0xf8: {  	[sflag:s9] =	ssyncset.done $0x0  }
0xf9: {  	s3 =	sadd.s32 $0x1E0, s1;
	[sflag:s9] =	ssyncadd.s32 $0xFFFFDD00  }
0xfa: {  	[tilespmem:s15], [sflag:$0x4] =	stream.indirect.gather [hbm4b:s4+s11], $0x70, s3, s11, $0xb8;
	[tilespmem:$0x1FD48] =	vst v63  }
0xfb: {  	_ =	swait.ge [sflag:s21], $0x2300  }
0xfc: {  	[sflag:s21] =	ssyncset.done $0x0  }
.Ltmp2:
0xfd: {  	s3 =	sadd.s32 $0x2800, s1;
	[sflag:s21] =	ssyncadd.s32 $0xFFFFDD00;
	(pc) =	sbr.rel @p1 .LBB2_6-.Ltmp2, $4  }
0xfe: {  	[spmem:s2] =	stream.indirect.scatter.add.f32 [tilespmem:s17], [sflag:$0x6], $0x70, s3, s11, $0xb8;
	[tilespmem:$0x1FD48] =	vst v63  }
0xff: {  	_ =	swait.ge [sflag:s9], $0x2300  }
0x100: {  	[sflag:s9] =	ssyncset.done $0x0  }
0x101: {  	s1 =	sadd.s32 $0x230, s1;
	[sflag:s9] =	ssyncadd.s32 $0xFFFFDD00  }
0x102: {  	[tilespmem:s17], [sflag:$0x5] =	stream.indirect.gather [hbm4b:s4+s11], $0x70, s1, s11, $0xb8;
	[tilespmem:$0x1FD48] =	vst v63  }
0x103: {  	_ =	swait.ge [sflag:s18], $0x2300  }
0x104: {  	[sflag:s18] =	ssyncset.done $0x0  }
0x105: {  	[sflag:s18] =	ssyncadd.s32 $0xFFFFDD00  }
0x106: {  	[spmem:s2] =	stream.indirect.scatter.add.f32 [tilespmem:s12], [sflag:$0x6], $0x70, s0, s11, $0xb8;
	[tilespmem:$0x1FD48] =	vst v63  }
0x107: {  	_ =	swait.ge [sflag:s9], $0x2300  }
0x108: {  	[sflag:s9] =	ssyncset.done $0x0  }
0x109: {  	[sflag:s9] =	ssyncadd.s32 $0xFFFFDD00  }
0x10a: {  	[tilespmem:s12], [sflag:$0x2] =	stream.indirect.gather [hbm4b:s4+s11], $0x70, s10, s11, $0xb8;
	[tilespmem:$0x1FD48] =	vst v63  }
0x10b: {  	_ =	swait.ge [sflag:s19], $0x2300  }
0x10c: {  	[sflag:s19] =	ssyncset.done $0x0  }
0x10d: {  	[sflag:s19] =	ssyncadd.s32 $0xFFFFDD00  }
0x10e: {  	[spmem:s2] =	stream.indirect.scatter.add.f32 [tilespmem:s13], [sflag:$0x6], $0x70, s26, s11, $0xb8;
	[tilespmem:$0x1FD48] =	vst v63  }
0x10f: {  	_ =	swait.ge [sflag:s9], $0x2300  }
0x110: {  	[sflag:s9] =	ssyncset.done $0x0  }
0x111: {  	[sflag:s9] =	ssyncadd.s32 $0xFFFFDD00  }
0x112: {  	_ =	swait.ge [sflag:s20], $0x2300  }
0x113: {  	[sflag:s20] =	ssyncset.done $0x0  }
0x114: {  	[sflag:s20] =	ssyncadd.s32 $0xFFFFDD00  }
0x115: {  	[spmem:s2] =	stream.indirect.scatter.add.f32 [tilespmem:s15], [sflag:$0x6], $0x70, s28, s11, $0xb8;
	[tilespmem:$0x1FD48] =	vst v63  }
0x116: {  	_ =	swait.ge [sflag:s9], $0x2300  }
0x117: {  	[sflag:s9] =	ssyncset.done $0x0  }
0x118: {  	[sflag:s9] =	ssyncadd.s32 $0xFFFFDD00  }
0x119: {  	_ =	swait.ge [sflag:s21], $0x2300  }
0x11a: {  	[sflag:s21] =	ssyncset.done $0x0  }
0x11b: {  	[sflag:s21] =	ssyncadd.s32 $0xFFFFDD00  }
0x11c: {  	[spmem:s2] =	stream.indirect.scatter.add.f32 [tilespmem:s17], [sflag:$0x6], $0x70, s29, s11, $0xb8;
	[tilespmem:$0x1FD48] =	vst v63  }
0x11d: {  	_ =	swait.ge [sflag:s9], $0x2300  }
0x11e: {  	[sflag:s9] =	ssyncset.done $0x0  }
0x11f: {  	[sflag:s9] =	ssyncadd.s32 $0xFFFFDD00  }
0x120: {  	_ =	swait.ge [sflag:s18], $0x2300  }
0x121: {  	[sflag:s18] =	ssyncset.done $0x0  }
0x122: {  	[sflag:s18] =	ssyncadd.s32 $0xFFFFDD00  }
0x123: {  	[spmem:s2] =	stream.indirect.scatter.add.f32 [tilespmem:s12], [sflag:$0x6], $0x70, s30, s11, $0xb8;
	[tilespmem:$0x1FD48] =	vst v63  }
0x124: {  	_ =	swait.ge [sflag:s9], $0x2300  }
0x125: {  	s1 =	stileid.u32;
	s3 =	sshrl.u32 @!p0 s5, $0x3;
	[sflag:s9] =	ssyncset.done $0x0  }
0x126: {  	s31 =	sadd.s32 $0x1, s31;
	s1 =	sshll.u32 @!p0 s1, $0x6;
	[sflag:s9] =	ssyncadd.s32 $0xFFFFDD00  }
0x127: {  	p1 =	sne.s32 s31, s25;
	s1 =	sor.u32 @!p0 $0x1C06, s1;
	[bflag:$0x0] =	sbarrier.arrive $0xFFFF  }
0x128: {  	[hbm:s24], [sflag:s1] =	dma.local @!p0 [spmem:s3], $0x36B0  }
.Ltmp3:
0x129: {  	_ = 	snop;
	(pc) =	sbr.rel @p1 .LBB2_1-.Ltmp3, $4  }
0x12a: {  	s1 =	simm.s32 @!p0 $0x6  }
0x12b: {  	_ =	swait.ge @!p0 [sflag:s1], $0x36B0  }
0x12c: {  	[sflag:s1] =	ssyncset.done @!p0 $0x0  }
0x12d: {  	[sflag:s1] =	ssyncadd.s32 @!p0 $0xFFFFC950  }
0x12e: {  	_ =	sfence.sel $0x180000  }
0x12f: {  	[bflag:$0x0] =	sbarrier.arrive $0xFFFF  }
0x130: {  	_ =	strace $0x90000047  }
0x131: {  	s0 =	stileid.u32;
	[bflag:$0x2] =	sbarrier.arrive $0xFFFF  }
0x132: {  	p0 =	sne.s32 s0, $0x0;
	s0 =	rddreg [dreg:$0x2]  }
0x133: {  	s0 =	sadd.s32 @!p0 $0x100000, s0  }
0x134: {  	[sflag:s0] =	ssyncadd.tile.s32 @!p0 $0x1;
	_ =	shalt  }
.Lfunc_end2:
_tile_overlayer_lowered:
.L_overlay_start_2:
0x135: {  	(tag) =	ssettag $0x2  }
0x136: {  	s0 =	rddreg [dreg:$0x0];
	s2 =	stileid.u32  }
0x137: {  	s1 =	rddreg [dreg:$0x1];
	p0 =	sne.s32 s2, $0x0  }
0x138: {  	s3 =	rddreg [dreg:$0x2];
	[bflag:$0x3] =	sbarrier.arrive $0xFFFF;
	s2 =	simm.s32 @!p0 $0x1C06  }
0x139: {  	[timem:s3], [sflag:s2] =	dma.local @!p0 [hbm:s0], s1  }
0x13a: {  	s0 =	simm.s32 @!p0 $0x6  }
0x13b: {  	_ =	swait.ge @!p0 [sflag:s0], s1  }
0x13c: {  	s1 =	ssub.s32 @!p0 $0x0, s1;
	[sflag:s0] =	ssyncset.done @!p0 $0x0  }
0x13d: {  	[sflag:s0] =	ssyncadd.s32 @!p0 s1  }
0x13e: {  	[bflag:$0x3] =	sbarrier.arrive $0xFFFF  }
0x13f: {  	_ =	shalt  }

</sc_bundles>
